<compile_context>
chip_gen: v7x
topology: tpu7x:2x2x1
jax: 0.10.2.dev20260603
libtpu: 0.0.44.dev20260713+nightly
codegen_flags: <defaults>
</compile_context>

<pallas_src>
import functools

import jax
import jax.numpy as jnp
from jax import lax
from jax.experimental import pallas as pl
from jax.experimental.pallas import tpu as pltpu
from jax.experimental.pallas import tpu_sc as plsc

N = 10000
NP = 10240
D = 128
H = 128
E = 320000
LANES = 128
NW = 32
CH = -(-E // (NW * LANES))
EP = NW * CH * LANES
STRIPE = NP // 16
BR = 640

_mesh = plsc.VectorSubcoreMesh(core_axis_name="c", subcore_axis_name="s")


@functools.partial(
    pl.kernel,
    out_type=jax.ShapeDtypeStruct((2, NP), jnp.float32),
    mesh=_mesh,
    scratch_types=[
        pltpu.VMEM((CH, LANES), jnp.int32),
        pltpu.VMEM((CH, LANES), jnp.float32),
        pltpu.VMEM_SHARED((NP,), jnp.float32),
    ],
)
def _deg_kernel(colp, ewp, zeros_n, out, col_v, ew_v, deg):
    c = lax.axis_index("c")
    s = lax.axis_index("s")
    wid = s * 2 + c
    rows = pl.ds(s * STRIPE, STRIPE)
    pltpu.sync_copy(zeros_n.at[rows], deg.at[rows])
    pltpu.sync_copy(colp.at[wid], col_v)
    pltpu.sync_copy(ewp.at[wid], ew_v)
    plsc.subcore_barrier()

    def body(j, carry):
        pltpu.sync_copy(ew_v.at[j], deg.at[col_v.at[j]], add=True)
        return carry

    lax.fori_loop(0, CH, body, 0)
    plsc.subcore_barrier()
    pltpu.sync_copy(deg.at[rows], out.at[c, rows])


@functools.partial(
    pl.kernel,
    out_type=jax.ShapeDtypeStruct((2, NP, H), jnp.float32),
    mesh=_mesh,
    scratch_types=[
        pltpu.VMEM((CH, LANES), jnp.int32),
        pltpu.VMEM((CH, LANES), jnp.int32),
        pltpu.VMEM((CH, LANES), jnp.float32),
        pltpu.VMEM((LANES, H), jnp.float32),
        pltpu.VMEM_SHARED((NP, H), jnp.float32),
        pltpu.SemaphoreType.DMA,
    ],
)
def _edge_kernel(hp, rowp, colp, ewp, zeros_nh, out, row_v, col_v, ew_v,
                 rows_v, acc, sem):
    c = lax.axis_index("c")
    s = lax.axis_index("s")
    wid = s * 2 + c
    rows = pl.ds(s * STRIPE, STRIPE)

    @pl.when(c == 0)
    def _():
        pltpu.sync_copy(hp.at[rows], acc.at[rows])

    @pl.when(c == 1)
    def _():
        pltpu.sync_copy(zeros_nh.at[rows], acc.at[rows])

    pltpu.sync_copy(rowp.at[wid], row_v)
    pltpu.sync_copy(colp.at[wid], col_v)
    pltpu.sync_copy(ewp.at[wid], ew_v)
    plsc.subcore_barrier()

    def chunk(j, carry):
        pltpu.async_copy(hp.at[row_v.at[j]], rows_v, sem).wait()

        def scale16(g, carry2):
            wv = ew_v[j, pl.ds(g * 16, 16)]
            base = g * 16
            for l in range(16):
                w = wv[l]
                i = base + l
                for k in range(H // 16):
                    sl = pl.ds(k * 16, 16)
                    rows_v[i, sl] = rows_v[i, sl] * w
            return carry2

        lax.fori_loop(0, LANES // 16, scale16, 0)
        pltpu.sync_copy(rows_v, acc.at[col_v.at[j]], add=True)
        return carry

    lax.fori_loop(0, CH, chunk, 0)
    plsc.subcore_barrier()
    pltpu.sync_copy(acc.at[rows], out.at[c, rows])


def _hp1_body(x_ref, w_ref, d0_ref, d1_ref, dis_ref, hp_ref):
    dis = lax.rsqrt(1.0 + d0_ref[...] + d1_ref[...])
    dis_ref[...] = dis
    hp_ref[...] = dis * jnp.dot(x_ref[...], w_ref[...],
                                preferred_element_type=jnp.float32)


def _tc_hp1(xp, W1, d0, d1):
    return pl.pallas_call(
        _hp1_body,
        grid=(NP // BR,),
        in_specs=[
            pl.BlockSpec((BR, D), lambda i: (i, 0)),
            pl.BlockSpec((D, H), lambda i: (0, 0)),
            pl.BlockSpec((BR, 1), lambda i: (i, 0)),
            pl.BlockSpec((BR, 1), lambda i: (i, 0)),
        ],
        out_specs=[
            pl.BlockSpec((BR, 1), lambda i: (i, 0)),
            pl.BlockSpec((BR, H), lambda i: (i, 0)),
        ],
        out_shape=[
            jax.ShapeDtypeStruct((NP, 1), jnp.float32),
            jax.ShapeDtypeStruct((NP, H), jnp.float32),
        ],
    )(xp, W1, d0, d1)


def _mid_body(s0_ref, s1_ref, dis_ref, b_ref, w_ref, hp2_ref):
    z = jnp.maximum(dis_ref[...] * (s0_ref[...] + s1_ref[...]) + b_ref[...],
                    0.0)
    hp2_ref[...] = dis_ref[...] * jnp.dot(z, w_ref[...],
                                          preferred_element_type=jnp.float32)


def _tc_mid(s0, s1, dis, b1, W2):
    return pl.pallas_call(
        _mid_body,
        grid=(NP // BR,),
        in_specs=[
            pl.BlockSpec((BR, H), lambda i: (i, 0)),
            pl.BlockSpec((BR, H), lambda i: (i, 0)),
            pl.BlockSpec((BR, 1), lambda i: (i, 0)),
            pl.BlockSpec((1, H), lambda i: (0, 0)),
            pl.BlockSpec((H, H), lambda i: (0, 0)),
        ],
        out_specs=pl.BlockSpec((BR, H), lambda i: (i, 0)),
        out_shape=jax.ShapeDtypeStruct((NP, H), jnp.float32),
    )(s0, s1, dis, b1, W2)


def _fin_body(s0_ref, s1_ref, dis_ref, b_ref, out_ref):
    out_ref[...] = jnp.maximum(
        dis_ref[...] * (s0_ref[...] + s1_ref[...]) + b_ref[...], 0.0)


def _tc_fin(s0, s1, dis, b2):
    return pl.pallas_call(
        _fin_body,
        grid=(NP // BR,),
        in_specs=[
            pl.BlockSpec((BR, H), lambda i: (i, 0)),
            pl.BlockSpec((BR, H), lambda i: (i, 0)),
            pl.BlockSpec((BR, 1), lambda i: (i, 0)),
            pl.BlockSpec((1, H), lambda i: (0, 0)),
        ],
        out_specs=pl.BlockSpec((BR, H), lambda i: (i, 0)),
        out_shape=jax.ShapeDtypeStruct((NP, H), jnp.float32),
    )(s0, s1, dis, b2)


def kernel(x, edge_index, edge_weight, W1, b1, W2, b2):
    row = edge_index[0]
    col = edge_index[1]
    pe = EP - E
    pad_col = jnp.arange(pe, dtype=col.dtype) % NP
    rowp = jnp.pad(row, (0, pe)).reshape(NW, CH, LANES)
    colp = jnp.concatenate([col, pad_col]).reshape(NW, CH, LANES)
    ewp = jnp.pad(edge_weight, (0, pe)).reshape(NW, CH, LANES)
    xp = jnp.pad(x, ((0, NP - N), (0, 0)))
    zn = jnp.zeros((NP,), jnp.float32)
    znh = jnp.zeros((NP, H), jnp.float32)

    degs = _deg_kernel(colp, ewp, zn)
    d0 = degs[0].reshape(NP, 1)
    d1 = degs[1].reshape(NP, 1)
    dis, hp1 = _tc_hp1(xp, W1, d0, d1)

    S = _edge_kernel(hp1, rowp, colp, ewp, znh)
    hp2 = _tc_mid(S[0], S[1], dis, b1.reshape(1, H), W2)

    S2 = _edge_kernel(hp2, rowp, colp, ewp, znh)
    out = _tc_fin(S2[0], S2[1], dis, b2.reshape(1, H))
    return out[:N]

# --- scband reference (transcript-rebuilt; emitter-appended) ---
"""Pipeline reference for scband-hlclconv-72559177498822 (READ-ONLY COPY).

The authoritative reference and input builder live on the scoring server;
editing this copy changes nothing except your own understanding.
"""

import jax, jax.numpy as jnp
import numpy as np

N = 10000
E = 320000
D = 128
H = 128


def setup_inputs(seed: int = 0) -> dict:
    key = jax.random.key(seed)
    k1, k2, k3, k4, k5, k6, k7 = jax.random.split(key, 7)
    x = jax.random.normal(k1, (N, D), dtype=jnp.float32)
    edge_index = jax.random.randint(k2, (2, E), 0, N, dtype=jnp.int32)
    edge_weight = jax.random.uniform(k3, (E,), dtype=jnp.float32)
    # Mix_Pass layer 1: lin (no bias) weight [D, H] + bias param [H]
    W1 = jax.random.normal(k4, (D, H), dtype=jnp.float32) * (1.0 / np.sqrt(D))
    b1 = jnp.zeros((H,), dtype=jnp.float32)
    # Mix_Pass layer 2
    W2 = jax.random.normal(k5, (H, H), dtype=jnp.float32) * (1.0 / np.sqrt(H))
    b2 = jnp.zeros((H,), dtype=jnp.float32)
    return {"x": x, "edge_index": edge_index, "edge_weight": edge_weight,
            "W1": W1, "b1": b1, "W2": W2, "b2": b2}


def _add_self_loops(edge_index, edge_weight, num_nodes):
    loop = jnp.arange(num_nodes, dtype=edge_index.dtype)
    ei = jnp.concatenate([edge_index, jnp.stack([loop, loop], axis=0)], axis=1)
    ew = jnp.concatenate([edge_weight, jnp.ones((num_nodes,), dtype=edge_weight.dtype)], axis=0)
    return ei, ew


def _gcn_norm(edge_index, edge_weight, num_nodes):
    row, col = edge_index[0], edge_index[1]
    deg = jax.ops.segment_sum(edge_weight, col, num_segments=num_nodes)
    deg_inv_sqrt = jnp.where(deg > 0, jax.lax.rsqrt(jnp.where(deg > 0, deg, 1.0)), 0.0)
    norm = deg_inv_sqrt[row] * edge_weight * deg_inv_sqrt[col]
    return norm


def _mix_pass(z, edge_index, edge_weight, W, b, num_nodes):
    # low-pass branch (high_pass=False): add self loops, gcn_norm, lin, propagate(add), +bias
    ei, ew = _add_self_loops(edge_index, edge_weight, num_nodes)
    norm = _gcn_norm(ei, ew, num_nodes)
    h = z @ W
    row, col = ei[0], ei[1]
    msg = norm[:, None] * h[row]  # message: edge_weight.view(-1,1) * x_j
    out = jax.ops.segment_sum(msg, col, num_segments=num_nodes)
    return out + b


def reference(x, edge_index, edge_weight, W1, b1, W2, b2):
    num_nodes = x.shape[0]
    z = x  # dropout p=0.0 -> identity
    z = _mix_pass(z, edge_index, edge_weight, W1, b1, num_nodes)
    z = jax.nn.relu(z)
    z = _mix_pass(z, edge_index, edge_weight, W2, b2, num_nodes)
    z = jax.nn.relu(z)
    return z

if __name__ == "__main__":
    import jax
    _d = setup_inputs()
    print(jax.jit(kernel)(*tuple(_d.values())))

</pallas_src>

<mosaic_0001>
#map = affine_map<(d0, d1) -> (0, 0, 0)>
#map1 = affine_map<(d0, d1) -> (0)>
#map2 = affine_map<(d0, d1) -> (0, 0)>
module attributes {stable_mosaic.version = 14 : i64} {
  func.func @_deg_kernel(%arg0: i32, %arg1: i32, %arg2: memref<32x79x128xi32, #tpu.memory_space<hbm>>, %arg3: memref<32x79x128xf32, #tpu.memory_space<hbm>>, %arg4: memref<10240xf32, #tpu.memory_space<hbm>>, %arg5: memref<2x10240xf32, #tpu.memory_space<hbm>>, %arg6: memref<79x128xi32, #tpu.memory_space<vmem>>, %arg7: memref<79x128xf32, #tpu.memory_space<vmem>>, %arg8: memref<10240xf32, #tpu.memory_space<vmem_shared>>) attributes {dimension_semantics = [#tpu.dimension_semantics<core_parallel>, #tpu.dimension_semantics<subcore_parallel>], iteration_bounds = array<i64: 2, 16>, scalar_prefetch = 0 : i64, scratch_operands = 3 : i64, tpu.core_type = #tpu.core_type<sc_vector_subcore>, window_params = [{transform_indices = #map}, {transform_indices = #map}, {transform_indices = #map1}, {transform_indices = #map2}]} {
    %mul3A = arith.constant 2 : i32
    %mul3A_0 = arith.muli %arg1, %mul3A : i32
    %add3A = arith.addi %mul3A_0, %arg0 : i32
    %mul3A_1 = arith.constant 640 : i32
    %mul3A_2 = arith.muli %arg1, %mul3A_1 : i32
    "tpu.region"() ({
      %run_scoped3A = tpu.sem_alloc : memref<!tpu.dma_semaphore, #tpu.memory_space<semaphore_mem>>
      %dma_start3A = tpu.memref_slice %arg8[%mul3A_2] : memref<10240xf32, #tpu.memory_space<vmem_shared>> -> memref<640xf32, #tpu.memory_space<vmem_shared>>
      %dma_start3A_9 = tpu.memref_slice %arg4[%mul3A_2] : memref<10240xf32, #tpu.memory_space<hbm>> -> memref<640xf32, #tpu.memory_space<hbm>>
      tpu.enqueue_dma source(%dma_start3A_9 : memref<640xf32, #tpu.memory_space<hbm>>) target(%dma_start3A : memref<640xf32, #tpu.memory_space<vmem_shared>>) target_semaphore(%run_scoped3A : memref<!tpu.dma_semaphore, #tpu.memory_space<semaphore_mem>>)
      %dma_wait3A = tpu.memref_slice %arg8[%mul3A_2] : memref<10240xf32, #tpu.memory_space<vmem_shared>> -> memref<640xf32, #tpu.memory_space<vmem_shared>>
      %dma_wait3A_10 = tpu.memref_slice %arg4[%mul3A_2] : memref<10240xf32, #tpu.memory_space<hbm>> -> memref<640xf32, #tpu.memory_space<hbm>>
      tpu.wait_dma2 semaphore(%run_scoped3A : memref<!tpu.dma_semaphore, #tpu.memory_space<semaphore_mem>>) src(%dma_wait3A_10 : memref<640xf32, #tpu.memory_space<hbm>>) dst(%dma_wait3A : memref<640xf32, #tpu.memory_space<vmem_shared>>)
      tpu.yield
    }) : () -> ()
    "tpu.region"() ({
      %run_scoped3A = tpu.sem_alloc : memref<!tpu.dma_semaphore, #tpu.memory_space<semaphore_mem>>
      %dma_start3A = arith.constant 0 : i32
      %dma_start3A_9 = arith.constant 0 : i32
      %dma_start3A_10 = tpu.memref_slice %arg2[%add3A, %dma_start3A, %dma_start3A_9] : memref<32x79x128xi32, #tpu.memory_space<hbm>> -> memref<1x79x128xi32, #tpu.memory_space<hbm>>
      %dma_start3A_11 = tpu.memref_squeeze %dma_start3A_10 : memref<1x79x128xi32, #tpu.memory_space<hbm>> -> memref<79x128xi32, #tpu.memory_space<hbm>>
      %dma_start3A_12 = arith.constant 0 : i32
      %dma_start3A_13 = arith.constant 0 : i32
      %dma_start3A_14 = tpu.memref_slice %arg2[%add3A, %dma_start3A_12, %dma_start3A_13] : memref<32x79x128xi32, #tpu.memory_space<hbm>> -> memref<1x79x128xi32, #tpu.memory_space<hbm>>
      %dma_start3A_15 = tpu.memref_squeeze %dma_start3A_14 : memref<1x79x128xi32, #tpu.memory_space<hbm>> -> memref<79x128xi32, #tpu.memory_space<hbm>>
      tpu.enqueue_dma source(%dma_start3A_15 : memref<79x128xi32, #tpu.memory_space<hbm>>) target(%arg6 : memref<79x128xi32, #tpu.memory_space<vmem>>) target_semaphore(%run_scoped3A : memref<!tpu.dma_semaphore, #tpu.memory_space<semaphore_mem>>)
      %dma_wait3A = arith.constant 0 : i32
      %dma_wait3A_16 = arith.constant 0 : i32
      %dma_wait3A_17 = tpu.memref_slice %arg2[%add3A, %dma_wait3A, %dma_wait3A_16] : memref<32x79x128xi32, #tpu.memory_space<hbm>> -> memref<1x79x128xi32, #tpu.memory_space<hbm>>
      %dma_wait3A_18 = tpu.memref_squeeze %dma_wait3A_17 : memref<1x79x128xi32, #tpu.memory_space<hbm>> -> memref<79x128xi32, #tpu.memory_space<hbm>>
      %dma_wait3A_19 = arith.constant 0 : i32
      %dma_wait3A_20 = arith.constant 0 : i32
      %dma_wait3A_21 = tpu.memref_slice %arg2[%add3A, %dma_wait3A_19, %dma_wait3A_20] : memref<32x79x128xi32, #tpu.memory_space<hbm>> -> memref<1x79x128xi32, #tpu.memory_space<hbm>>
      %dma_wait3A_22 = tpu.memref_squeeze %dma_wait3A_21 : memref<1x79x128xi32, #tpu.memory_space<hbm>> -> memref<79x128xi32, #tpu.memory_space<hbm>>
      tpu.wait_dma2 semaphore(%run_scoped3A : memref<!tpu.dma_semaphore, #tpu.memory_space<semaphore_mem>>) src(%dma_wait3A_22 : memref<79x128xi32, #tpu.memory_space<hbm>>) dst(%arg6 : memref<79x128xi32, #tpu.memory_space<vmem>>)
      tpu.yield
    }) : () -> ()
    "tpu.region"() ({
      %run_scoped3A = tpu.sem_alloc : memref<!tpu.dma_semaphore, #tpu.memory_space<semaphore_mem>>
      %dma_start3A = arith.constant 0 : i32
      %dma_start3A_9 = arith.constant 0 : i32
      %dma_start3A_10 = tpu.memref_slice %arg3[%add3A, %dma_start3A, %dma_start3A_9] : memref<32x79x128xf32, #tpu.memory_space<hbm>> -> memref<1x79x128xf32, #tpu.memory_space<hbm>>
      %dma_start3A_11 = tpu.memref_squeeze %dma_start3A_10 : memref<1x79x128xf32, #tpu.memory_space<hbm>> -> memref<79x128xf32, #tpu.memory_space<hbm>>
      %dma_start3A_12 = arith.constant 0 : i32
      %dma_start3A_13 = arith.constant 0 : i32
      %dma_start3A_14 = tpu.memref_slice %arg3[%add3A, %dma_start3A_12, %dma_start3A_13] : memref<32x79x128xf32, #tpu.memory_space<hbm>> -> memref<1x79x128xf32, #tpu.memory_space<hbm>>
      %dma_start3A_15 = tpu.memref_squeeze %dma_start3A_14 : memref<1x79x128xf32, #tpu.memory_space<hbm>> -> memref<79x128xf32, #tpu.memory_space<hbm>>
      tpu.enqueue_dma source(%dma_start3A_15 : memref<79x128xf32, #tpu.memory_space<hbm>>) target(%arg7 : memref<79x128xf32, #tpu.memory_space<vmem>>) target_semaphore(%run_scoped3A : memref<!tpu.dma_semaphore, #tpu.memory_space<semaphore_mem>>)
      %dma_wait3A = arith.constant 0 : i32
      %dma_wait3A_16 = arith.constant 0 : i32
      %dma_wait3A_17 = tpu.memref_slice %arg3[%add3A, %dma_wait3A, %dma_wait3A_16] : memref<32x79x128xf32, #tpu.memory_space<hbm>> -> memref<1x79x128xf32, #tpu.memory_space<hbm>>
      %dma_wait3A_18 = tpu.memref_squeeze %dma_wait3A_17 : memref<1x79x128xf32, #tpu.memory_space<hbm>> -> memref<79x128xf32, #tpu.memory_space<hbm>>
      %dma_wait3A_19 = arith.constant 0 : i32
      %dma_wait3A_20 = arith.constant 0 : i32
      %dma_wait3A_21 = tpu.memref_slice %arg3[%add3A, %dma_wait3A_19, %dma_wait3A_20] : memref<32x79x128xf32, #tpu.memory_space<hbm>> -> memref<1x79x128xf32, #tpu.memory_space<hbm>>
      %dma_wait3A_22 = tpu.memref_squeeze %dma_wait3A_21 : memref<1x79x128xf32, #tpu.memory_space<hbm>> -> memref<79x128xf32, #tpu.memory_space<hbm>>
      tpu.wait_dma2 semaphore(%run_scoped3A : memref<!tpu.dma_semaphore, #tpu.memory_space<semaphore_mem>>) src(%dma_wait3A_22 : memref<79x128xf32, #tpu.memory_space<hbm>>) dst(%arg7 : memref<79x128xf32, #tpu.memory_space<vmem>>)
      tpu.yield
    }) : () -> ()
    %barrier3A = arith.constant 0 : index
    tpu.barrier barrier_id(%barrier3A)
    %scan3A = arith.constant 0 : i32
    %scan3A_3 = arith.constant 0 : i32
    %scan3A_4 = arith.constant 79 : i32
    %scan3A_5 = arith.addi %scan3A_3, %scan3A_4 : i32
    %scan3A_6 = arith.constant 1 : i32
    scf.for %scan3A_9 = %scan3A_3 to %scan3A_5 step %scan3A_6  : i32 {
      "tpu.region"() ({
        %run_scoped3A = tpu.sem_alloc : memref<!tpu.dma_semaphore, #tpu.memory_space<semaphore_mem>>
        %dma_start3A = arith.constant 0 : i32
        %dma_start3A_10 = tpu.memref_slice %arg7[%scan3A_9, %dma_start3A] : memref<79x128xf32, #tpu.memory_space<vmem>> -> memref<1x128xf32, #tpu.memory_space<vmem>>
        %dma_start3A_11 = tpu.memref_squeeze %dma_start3A_10 : memref<1x128xf32, #tpu.memory_space<vmem>> -> memref<128xf32, #tpu.memory_space<vmem>>
        %dma_start3A_12 = arith.constant 0 : i32
        %dma_start3A_13 = tpu.memref_slice %arg6[%scan3A_9, %dma_start3A_12] : memref<79x128xi32, #tpu.memory_space<vmem>> -> memref<1x128xi32, #tpu.memory_space<vmem>>
        %dma_start3A_14 = tpu.memref_squeeze %dma_start3A_13 : memref<1x128xi32, #tpu.memory_space<vmem>> -> memref<128xi32, #tpu.memory_space<vmem>>
        %dma_start3A_15 = arith.constant 0 : i32
        %dma_start3A_16 = tpu.memref_slice %arg8[%dma_start3A_15] : memref<10240xf32, #tpu.memory_space<vmem_shared>> -> memref<10240xf32, #tpu.memory_space<vmem_shared>>
        tpu.enqueue_indirect_dma source(%dma_start3A_11 : memref<128xf32, #tpu.memory_space<vmem>>) target(%dma_start3A_16 : memref<10240xf32, #tpu.memory_space<vmem_shared>>) offsets(%dma_start3A_14 : memref<128xi32, #tpu.memory_space<vmem>>) semaphore(%run_scoped3A : memref<!tpu.dma_semaphore, #tpu.memory_space<semaphore_mem>>) {add = true}
        %dma_wait3A = arith.constant 0 : i32
        %dma_wait3A_17 = tpu.memref_slice %arg7[%scan3A_9, %dma_wait3A] : memref<79x128xf32, #tpu.memory_space<vmem>> -> memref<1x128xf32, #tpu.memory_space<vmem>>
        %dma_wait3A_18 = tpu.memref_squeeze %dma_wait3A_17 : memref<1x128xf32, #tpu.memory_space<vmem>> -> memref<128xf32, #tpu.memory_space<vmem>>
        %dma_wait3A_19 = arith.constant 0 : i32
        %dma_wait3A_20 = tpu.memref_slice %arg6[%scan3A_9, %dma_wait3A_19] : memref<79x128xi32, #tpu.memory_space<vmem>> -> memref<1x128xi32, #tpu.memory_space<vmem>>
        %dma_wait3A_21 = tpu.memref_squeeze %dma_wait3A_20 : memref<1x128xi32, #tpu.memory_space<vmem>> -> memref<128xi32, #tpu.memory_space<vmem>>
        %dma_wait3A_22 = arith.constant 0 : i32
        %dma_wait3A_23 = tpu.memref_slice %arg8[%dma_wait3A_22] : memref<10240xf32, #tpu.memory_space<vmem_shared>> -> memref<10240xf32, #tpu.memory_space<vmem_shared>>
        tpu.wait_indirect_dma semaphore(%run_scoped3A : memref<!tpu.dma_semaphore, #tpu.memory_space<semaphore_mem>>) src(%dma_wait3A_18 : memref<128xf32, #tpu.memory_space<vmem>>) dst(%dma_wait3A_23 : memref<10240xf32, #tpu.memory_space<vmem_shared>>)
        tpu.yield
      }) : () -> ()
    }
    %scan3A_7 = arith.constant 79 : i32
    %barrier3A_8 = arith.constant 0 : index
    tpu.barrier barrier_id(%barrier3A_8)
    "tpu.region"() ({
      %run_scoped3A = tpu.sem_alloc : memref<!tpu.dma_semaphore, #tpu.memory_space<semaphore_mem>>
      %dma_start3A = tpu.memref_slice %arg5[%arg0, %mul3A_2] : memref<2x10240xf32, #tpu.memory_space<hbm>> -> memref<1x640xf32, #tpu.memory_space<hbm>>
      %dma_start3A_9 = tpu.memref_squeeze %dma_start3A : memref<1x640xf32, #tpu.memory_space<hbm>> -> memref<640xf32, #tpu.memory_space<hbm>>
      %dma_start3A_10 = tpu.memref_slice %arg8[%mul3A_2] : memref<10240xf32, #tpu.memory_space<vmem_shared>> -> memref<640xf32, #tpu.memory_space<vmem_shared>>
      tpu.enqueue_dma source(%dma_start3A_10 : memref<640xf32, #tpu.memory_space<vmem_shared>>) target(%dma_start3A_9 : memref<640xf32, #tpu.memory_space<hbm>>) target_semaphore(%run_scoped3A : memref<!tpu.dma_semaphore, #tpu.memory_space<semaphore_mem>>)
      %dma_wait3A = tpu.memref_slice %arg5[%arg0, %mul3A_2] : memref<2x10240xf32, #tpu.memory_space<hbm>> -> memref<1x640xf32, #tpu.memory_space<hbm>>
      %dma_wait3A_11 = tpu.memref_squeeze %dma_wait3A : memref<1x640xf32, #tpu.memory_space<hbm>> -> memref<640xf32, #tpu.memory_space<hbm>>
      %dma_wait3A_12 = tpu.memref_slice %arg8[%mul3A_2] : memref<10240xf32, #tpu.memory_space<vmem_shared>> -> memref<640xf32, #tpu.memory_space<vmem_shared>>
      tpu.wait_dma2 semaphore(%run_scoped3A : memref<!tpu.dma_semaphore, #tpu.memory_space<semaphore_mem>>) src(%dma_wait3A_12 : memref<640xf32, #tpu.memory_space<vmem_shared>>) dst(%dma_wait3A_11 : memref<640xf32, #tpu.memory_space<hbm>>)
      tpu.yield
    }) : () -> ()
    return
  }
}

#map = affine_map<(d0, d1) -> (0, 0)>
#map1 = affine_map<(d0, d1) -> (0, 0, 0)>
module attributes {stable_mosaic.version = 14 : i64} {
  func.func @_edge_kernel(%arg0: i32, %arg1: i32, %arg2: memref<10240x128xf32, #tpu.memory_space<hbm>>, %arg3: memref<32x79x128xi32, #tpu.memory_space<hbm>>, %arg4: memref<32x79x128xi32, #tpu.memory_space<hbm>>, %arg5: memref<32x79x128xf32, #tpu.memory_space<hbm>>, %arg6: memref<10240x128xf32, #tpu.memory_space<hbm>>, %arg7: memref<2x10240x128xf32, #tpu.memory_space<hbm>>, %arg8: memref<79x128xi32, #tpu.memory_space<vmem>>, %arg9: memref<79x128xi32, #tpu.memory_space<vmem>>, %arg10: memref<79x128xf32, #tpu.memory_space<vmem>>, %arg11: memref<128x128xf32, #tpu.memory_space<vmem>>, %arg12: memref<10240x128xf32, #tpu.memory_space<vmem_shared>>, %arg13: memref<!tpu.dma_semaphore, #tpu.memory_space<semaphore_mem>>) attributes {dimension_semantics = [#tpu.dimension_semantics<core_parallel>, #tpu.dimension_semantics<subcore_parallel>], iteration_bounds = array<i64: 2, 16>, scalar_prefetch = 0 : i64, scratch_operands = 6 : i64, tpu.core_type = #tpu.core_type<sc_vector_subcore>, window_params = [{transform_indices = #map}, {transform_indices = #map1}, {transform_indices = #map1}, {transform_indices = #map1}, {transform_indices = #map}, {transform_indices = #map1}]} {
    %mul3A = arith.constant 2 : i32
    %mul3A_0 = arith.muli %arg1, %mul3A : i32
    %add3A = arith.addi %mul3A_0, %arg0 : i32
    %mul3A_1 = arith.constant 640 : i32
    %mul3A_2 = arith.muli %arg1, %mul3A_1 : i32
    %eq3A = arith.constant 0 : i32
    %eq3A_3 = arith.cmpi eq, %arg0, %eq3A : i32
    %convert_element_type3A = arith.extui %eq3A_3 : i1 to i32
    %cond3A = arith.constant 0 : i32
    %cond3A_4 = arith.cmpi ne, %convert_element_type3A, %cond3A : i32
    scf.if %cond3A_4 {
      "tpu.region"() ({
        %run_scoped3A = tpu.sem_alloc : memref<!tpu.dma_semaphore, #tpu.memory_space<semaphore_mem>>
        %dma_start3A = arith.constant 0 : i32
        %dma_start3A_16 = tpu.memref_slice %arg12[%mul3A_2, %dma_start3A] : memref<10240x128xf32, #tpu.memory_space<vmem_shared>> -> memref<640x128xf32, #tpu.memory_space<vmem_shared>>
        %dma_start3A_17 = arith.constant 0 : i32
        %dma_start3A_18 = tpu.memref_slice %arg2[%mul3A_2, %dma_start3A_17] : memref<10240x128xf32, #tpu.memory_space<hbm>> -> memref<640x128xf32, #tpu.memory_space<hbm>>
        tpu.enqueue_dma source(%dma_start3A_18 : memref<640x128xf32, #tpu.memory_space<hbm>>) target(%dma_start3A_16 : memref<640x128xf32, #tpu.memory_space<vmem_shared>>) target_semaphore(%run_scoped3A : memref<!tpu.dma_semaphore, #tpu.memory_space<semaphore_mem>>)
        %dma_wait3A = arith.constant 0 : i32
        %dma_wait3A_19 = tpu.memref_slice %arg12[%mul3A_2, %dma_wait3A] : memref<10240x128xf32, #tpu.memory_space<vmem_shared>> -> memref<640x128xf32, #tpu.memory_space<vmem_shared>>
        %dma_wait3A_20 = arith.constant 0 : i32
        %dma_wait3A_21 = tpu.memref_slice %arg2[%mul3A_2, %dma_wait3A_20] : memref<10240x128xf32, #tpu.memory_space<hbm>> -> memref<640x128xf32, #tpu.memory_space<hbm>>
        tpu.wait_dma2 semaphore(%run_scoped3A : memref<!tpu.dma_semaphore, #tpu.memory_space<semaphore_mem>>) src(%dma_wait3A_21 : memref<640x128xf32, #tpu.memory_space<hbm>>) dst(%dma_wait3A_19 : memref<640x128xf32, #tpu.memory_space<vmem_shared>>)
        tpu.yield
      }) : () -> ()
    } else {
    }
    %eq3A_5 = arith.constant 1 : i32
    %eq3A_6 = arith.cmpi eq, %arg0, %eq3A_5 : i32
    %convert_element_type3A_7 = arith.extui %eq3A_6 : i1 to i32
    %cond3A_8 = arith.constant 0 : i32
    %cond3A_9 = arith.cmpi ne, %convert_element_type3A_7, %cond3A_8 : i32
    scf.if %cond3A_9 {
      "tpu.region"() ({
        %run_scoped3A = tpu.sem_alloc : memref<!tpu.dma_semaphore, #tpu.memory_space<semaphore_mem>>
        %dma_start3A = arith.constant 0 : i32
        %dma_start3A_16 = tpu.memref_slice %arg12[%mul3A_2, %dma_start3A] : memref<10240x128xf32, #tpu.memory_space<vmem_shared>> -> memref<640x128xf32, #tpu.memory_space<vmem_shared>>
        %dma_start3A_17 = arith.constant 0 : i32
        %dma_start3A_18 = tpu.memref_slice %arg6[%mul3A_2, %dma_start3A_17] : memref<10240x128xf32, #tpu.memory_space<hbm>> -> memref<640x128xf32, #tpu.memory_space<hbm>>
        tpu.enqueue_dma source(%dma_start3A_18 : memref<640x128xf32, #tpu.memory_space<hbm>>) target(%dma_start3A_16 : memref<640x128xf32, #tpu.memory_space<vmem_shared>>) target_semaphore(%run_scoped3A : memref<!tpu.dma_semaphore, #tpu.memory_space<semaphore_mem>>)
        %dma_wait3A = arith.constant 0 : i32
        %dma_wait3A_19 = tpu.memref_slice %arg12[%mul3A_2, %dma_wait3A] : memref<10240x128xf32, #tpu.memory_space<vmem_shared>> -> memref<640x128xf32, #tpu.memory_space<vmem_shared>>
        %dma_wait3A_20 = arith.constant 0 : i32
        %dma_wait3A_21 = tpu.memref_slice %arg6[%mul3A_2, %dma_wait3A_20] : memref<10240x128xf32, #tpu.memory_space<hbm>> -> memref<640x128xf32, #tpu.memory_space<hbm>>
        tpu.wait_dma2 semaphore(%run_scoped3A : memref<!tpu.dma_semaphore, #tpu.memory_space<semaphore_mem>>) src(%dma_wait3A_21 : memref<640x128xf32, #tpu.memory_space<hbm>>) dst(%dma_wait3A_19 : memref<640x128xf32, #tpu.memory_space<vmem_shared>>)
        tpu.yield
      }) : () -> ()
    } else {
    }
    "tpu.region"() ({
      %run_scoped3A = tpu.sem_alloc : memref<!tpu.dma_semaphore, #tpu.memory_space<semaphore_mem>>
      %dma_start3A = arith.constant 0 : i32
      %dma_start3A_16 = arith.constant 0 : i32
      %dma_start3A_17 = tpu.memref_slice %arg3[%add3A, %dma_start3A, %dma_start3A_16] : memref<32x79x128xi32, #tpu.memory_space<hbm>> -> memref<1x79x128xi32, #tpu.memory_space<hbm>>
      %dma_start3A_18 = tpu.memref_squeeze %dma_start3A_17 : memref<1x79x128xi32, #tpu.memory_space<hbm>> -> memref<79x128xi32, #tpu.memory_space<hbm>>
      %dma_start3A_19 = arith.constant 0 : i32
      %dma_start3A_20 = arith.constant 0 : i32
      %dma_start3A_21 = tpu.memref_slice %arg3[%add3A, %dma_start3A_19, %dma_start3A_20] : memref<32x79x128xi32, #tpu.memory_space<hbm>> -> memref<1x79x128xi32, #tpu.memory_space<hbm>>
      %dma_start3A_22 = tpu.memref_squeeze %dma_start3A_21 : memref<1x79x128xi32, #tpu.memory_space<hbm>> -> memref<79x128xi32, #tpu.memory_space<hbm>>
      tpu.enqueue_dma source(%dma_start3A_22 : memref<79x128xi32, #tpu.memory_space<hbm>>) target(%arg8 : memref<79x128xi32, #tpu.memory_space<vmem>>) target_semaphore(%run_scoped3A : memref<!tpu.dma_semaphore, #tpu.memory_space<semaphore_mem>>)
      %dma_wait3A = arith.constant 0 : i32
      %dma_wait3A_23 = arith.constant 0 : i32
      %dma_wait3A_24 = tpu.memref_slice %arg3[%add3A, %dma_wait3A, %dma_wait3A_23] : memref<32x79x128xi32, #tpu.memory_space<hbm>> -> memref<1x79x128xi32, #tpu.memory_space<hbm>>
      %dma_wait3A_25 = tpu.memref_squeeze %dma_wait3A_24 : memref<1x79x128xi32, #tpu.memory_space<hbm>> -> memref<79x128xi32, #tpu.memory_space<hbm>>
      %dma_wait3A_26 = arith.constant 0 : i32
      %dma_wait3A_27 = arith.constant 0 : i32
      %dma_wait3A_28 = tpu.memref_slice %arg3[%add3A, %dma_wait3A_26, %dma_wait3A_27] : memref<32x79x128xi32, #tpu.memory_space<hbm>> -> memref<1x79x128xi32, #tpu.memory_space<hbm>>
      %dma_wait3A_29 = tpu.memref_squeeze %dma_wait3A_28 : memref<1x79x128xi32, #tpu.memory_space<hbm>> -> memref<79x128xi32, #tpu.memory_space<hbm>>
      tpu.wait_dma2 semaphore(%run_scoped3A : memref<!tpu.dma_semaphore, #tpu.memory_space<semaphore_mem>>) src(%dma_wait3A_29 : memref<79x128xi32, #tpu.memory_space<hbm>>) dst(%arg8 : memref<79x128xi32, #tpu.memory_space<vmem>>)
      tpu.yield
    }) : () -> ()
    "tpu.region"() ({
      %run_scoped3A = tpu.sem_alloc : memref<!tpu.dma_semaphore, #tpu.memory_space<semaphore_mem>>
      %dma_start3A = arith.constant 0 : i32
      %dma_start3A_16 = arith.constant 0 : i32
      %dma_start3A_17 = tpu.memref_slice %arg4[%add3A, %dma_start3A, %dma_start3A_16] : memref<32x79x128xi32, #tpu.memory_space<hbm>> -> memref<1x79x128xi32, #tpu.memory_space<hbm>>
      %dma_start3A_18 = tpu.memref_squeeze %dma_start3A_17 : memref<1x79x128xi32, #tpu.memory_space<hbm>> -> memref<79x128xi32, #tpu.memory_space<hbm>>
      %dma_start3A_19 = arith.constant 0 : i32
      %dma_start3A_20 = arith.constant 0 : i32
      %dma_start3A_21 = tpu.memref_slice %arg4[%add3A, %dma_start3A_19, %dma_start3A_20] : memref<32x79x128xi32, #tpu.memory_space<hbm>> -> memref<1x79x128xi32, #tpu.memory_space<hbm>>
      %dma_start3A_22 = tpu.memref_squeeze %dma_start3A_21 : memref<1x79x128xi32, #tpu.memory_space<hbm>> -> memref<79x128xi32, #tpu.memory_space<hbm>>
      tpu.enqueue_dma source(%dma_start3A_22 : memref<79x128xi32, #tpu.memory_space<hbm>>) target(%arg9 : memref<79x128xi32, #tpu.memory_space<vmem>>) target_semaphore(%run_scoped3A : memref<!tpu.dma_semaphore, #tpu.memory_space<semaphore_mem>>)
      %dma_wait3A = arith.constant 0 : i32
      %dma_wait3A_23 = arith.constant 0 : i32
      %dma_wait3A_24 = tpu.memref_slice %arg4[%add3A, %dma_wait3A, %dma_wait3A_23] : memref<32x79x128xi32, #tpu.memory_space<hbm>> -> memref<1x79x128xi32, #tpu.memory_space<hbm>>
      %dma_wait3A_25 = tpu.memref_squeeze %dma_wait3A_24 : memref<1x79x128xi32, #tpu.memory_space<hbm>> -> memref<79x128xi32, #tpu.memory_space<hbm>>
      %dma_wait3A_26 = arith.constant 0 : i32
      %dma_wait3A_27 = arith.constant 0 : i32
      %dma_wait3A_28 = tpu.memref_slice %arg4[%add3A, %dma_wait3A_26, %dma_wait3A_27] : memref<32x79x128xi32, #tpu.memory_space<hbm>> -> memref<1x79x128xi32, #tpu.memory_space<hbm>>
      %dma_wait3A_29 = tpu.memref_squeeze %dma_wait3A_28 : memref<1x79x128xi32, #tpu.memory_space<hbm>> -> memref<79x128xi32, #tpu.memory_space<hbm>>
      tpu.wait_dma2 semaphore(%run_scoped3A : memref<!tpu.dma_semaphore, #tpu.memory_space<semaphore_mem>>) src(%dma_wait3A_29 : memref<79x128xi32, #tpu.memory_space<hbm>>) dst(%arg9 : memref<79x128xi32, #tpu.memory_space<vmem>>)
      tpu.yield
    }) : () -> ()
    "tpu.region"() ({
      %run_scoped3A = tpu.sem_alloc : memref<!tpu.dma_semaphore, #tpu.memory_space<semaphore_mem>>
      %dma_start3A = arith.constant 0 : i32
      %dma_start3A_16 = arith.constant 0 : i32
      %dma_start3A_17 = tpu.memref_slice %arg5[%add3A, %dma_start3A, %dma_start3A_16] : memref<32x79x128xf32, #tpu.memory_space<hbm>> -> memref<1x79x128xf32, #tpu.memory_space<hbm>>
      %dma_start3A_18 = tpu.memref_squeeze %dma_start3A_17 : memref<1x79x128xf32, #tpu.memory_space<hbm>> -> memref<79x128xf32, #tpu.memory_space<hbm>>
      %dma_start3A_19 = arith.constant 0 : i32
      %dma_start3A_20 = arith.constant 0 : i32
      %dma_start3A_21 = tpu.memref_slice %arg5[%add3A, %dma_start3A_19, %dma_start3A_20] : memref<32x79x128xf32, #tpu.memory_space<hbm>> -> memref<1x79x128xf32, #tpu.memory_space<hbm>>
      %dma_start3A_22 = tpu.memref_squeeze %dma_start3A_21 : memref<1x79x128xf32, #tpu.memory_space<hbm>> -> memref<79x128xf32, #tpu.memory_space<hbm>>
      tpu.enqueue_dma source(%dma_start3A_22 : memref<79x128xf32, #tpu.memory_space<hbm>>) target(%arg10 : memref<79x128xf32, #tpu.memory_space<vmem>>) target_semaphore(%run_scoped3A : memref<!tpu.dma_semaphore, #tpu.memory_space<semaphore_mem>>)
      %dma_wait3A = arith.constant 0 : i32
      %dma_wait3A_23 = arith.constant 0 : i32
      %dma_wait3A_24 = tpu.memref_slice %arg5[%add3A, %dma_wait3A, %dma_wait3A_23] : memref<32x79x128xf32, #tpu.memory_space<hbm>> -> memref<1x79x128xf32, #tpu.memory_space<hbm>>
      %dma_wait3A_25 = tpu.memref_squeeze %dma_wait3A_24 : memref<1x79x128xf32, #tpu.memory_space<hbm>> -> memref<79x128xf32, #tpu.memory_space<hbm>>
      %dma_wait3A_26 = arith.constant 0 : i32
      %dma_wait3A_27 = arith.constant 0 : i32
      %dma_wait3A_28 = tpu.memref_slice %arg5[%add3A, %dma_wait3A_26, %dma_wait3A_27] : memref<32x79x128xf32, #tpu.memory_space<hbm>> -> memref<1x79x128xf32, #tpu.memory_space<hbm>>
      %dma_wait3A_29 = tpu.memref_squeeze %dma_wait3A_28 : memref<1x79x128xf32, #tpu.memory_space<hbm>> -> memref<79x128xf32, #tpu.memory_space<hbm>>
      tpu.wait_dma2 semaphore(%run_scoped3A : memref<!tpu.dma_semaphore, #tpu.memory_space<semaphore_mem>>) src(%dma_wait3A_29 : memref<79x128xf32, #tpu.memory_space<hbm>>) dst(%arg10 : memref<79x128xf32, #tpu.memory_space<vmem>>)
      tpu.yield
    }) : () -> ()
    %barrier3A = arith.constant 0 : index
    tpu.barrier barrier_id(%barrier3A)
    %scan3A = arith.constant 0 : i32
    %scan3A_10 = arith.constant 0 : i32
    %scan3A_11 = arith.constant 79 : i32
    %scan3A_12 = arith.addi %scan3A_10, %scan3A_11 : i32
    %scan3A_13 = arith.constant 1 : i32
    scf.for %scan3A_16 = %scan3A_10 to %scan3A_12 step %scan3A_13  : i32 {
      %dma_start3A = arith.constant 0 : i32
      %dma_start3A_17 = tpu.memref_slice %arg8[%scan3A_16, %dma_start3A] : memref<79x128xi32, #tpu.memory_space<vmem>> -> memref<1x128xi32, #tpu.memory_space<vmem>>
      %dma_start3A_18 = tpu.memref_squeeze %dma_start3A_17 : memref<1x128xi32, #tpu.memory_space<vmem>> -> memref<128xi32, #tpu.memory_space<vmem>>
      %dma_start3A_19 = arith.constant 0 : i32
      %dma_start3A_20 = arith.constant 0 : i32
      %dma_start3A_21 = tpu.memref_slice %arg2[%dma_start3A_19, %dma_start3A_20] : memref<10240x128xf32, #tpu.memory_space<hbm>> -> memref<10240x128xf32, #tpu.memory_space<hbm>>
      tpu.enqueue_indirect_dma source(%dma_start3A_21 : memref<10240x128xf32, #tpu.memory_space<hbm>>) target(%arg11 : memref<128x128xf32, #tpu.memory_space<vmem>>) offsets(%dma_start3A_18 : memref<128xi32, #tpu.memory_space<vmem>>) semaphore(%arg13 : memref<!tpu.dma_semaphore, #tpu.memory_space<semaphore_mem>>)
      %dma_wait3A = arith.constant 0 : i32
      %dma_wait3A_22 = tpu.memref_slice %arg8[%scan3A_16, %dma_wait3A] : memref<79x128xi32, #tpu.memory_space<vmem>> -> memref<1x128xi32, #tpu.memory_space<vmem>>
      %dma_wait3A_23 = tpu.memref_squeeze %dma_wait3A_22 : memref<1x128xi32, #tpu.memory_space<vmem>> -> memref<128xi32, #tpu.memory_space<vmem>>
      %dma_wait3A_24 = arith.constant 0 : i32
      %dma_wait3A_25 = arith.constant 0 : i32
      %dma_wait3A_26 = tpu.memref_slice %arg2[%dma_wait3A_24, %dma_wait3A_25] : memref<10240x128xf32, #tpu.memory_space<hbm>> -> memref<10240x128xf32, #tpu.memory_space<hbm>>
      tpu.wait_indirect_dma semaphore(%arg13 : memref<!tpu.dma_semaphore, #tpu.memory_space<semaphore_mem>>) src(%dma_wait3A_26 : memref<10240x128xf32, #tpu.memory_space<hbm>>) dst(%arg11 : memref<128x128xf32, #tpu.memory_space<vmem>>)
      %scan3A_27 = arith.constant 0 : i32
      %scan3A_28 = arith.constant 0 : i32
      %scan3A_29 = arith.constant 8 : i32
      %scan3A_30 = arith.addi %scan3A_28, %scan3A_29 : i32
      %scan3A_31 = arith.constant 1 : i32
      scf.for %scan3A_33 = %scan3A_28 to %scan3A_30 step %scan3A_31  : i32 {
        %mul3A_34 = arith.constant 16 : i32
        %mul3A_35 = arith.muli %scan3A_33, %mul3A_34 : i32
        %get3A = arith.index_cast %scan3A_16 : i32 to index
        %get3A_36 = arith.index_cast %mul3A_35 : i32 to index
        %get3A_37 = tpu.vector_load %arg10[%get3A, %get3A_36] {strides = array<i32>} : memref<79x128xf32, #tpu.memory_space<vmem>>, vector<1x16xf32>,
        %get3A_38 = vector.shape_cast %get3A_37 : vector<1x16xf32> to vector<16xf32>
        %mul3A_39 = arith.constant 16 : i32
        %mul3A_40 = arith.muli %scan3A_33, %mul3A_39 : i32
        %slice3A = vector.extract_strided_slice %get3A_38 {offsets = [0], sizes = [1], strides = [1]} : vector<16xf32> to vector<1xf32>
        %squeeze3A = vector.extract %slice3A[0] : f32 from vector<1xf32>
        %add3A_41 = arith.constant 0 : i32
        %add3A_42 = arith.addi %mul3A_40, %add3A_41 : i32
        %get3A_43 = arith.index_cast %add3A_42 : i32 to index
        %get3A_44 = arith.constant 0 : index
        %get3A_45 = tpu.vector_load %arg11[%get3A_43, %get3A_44] {strides = array<i32>} : memref<128x128xf32, #tpu.memory_space<vmem>>, vector<1x16xf32>,
        %get3A_46 = vector.shape_cast %get3A_45 : vector<1x16xf32> to vector<16xf32>
        %mul3A_47 = vector.broadcast %squeeze3A : f32 to vector<16xf32>
        %mul3A_48 = arith.mulf %get3A_46, %mul3A_47 : vector<16xf32>
        %swap3A = arith.index_cast %add3A_42 : i32 to index
        %swap3A_49 = arith.constant 0 : index
        %swap3A_50 = tpu.vector_load %arg11[%swap3A, %swap3A_49] {strides = array<i32>} : memref<128x128xf32, #tpu.memory_space<vmem>>, vector<1x16xf32>,
        %swap3A_51 = vector.shape_cast %swap3A_50 : vector<1x16xf32> to vector<16xf32>
        %swap3A_52 = vector.shape_cast %mul3A_48 : vector<16xf32> to vector<1x16xf32>
        tpu.vector_store %arg11[%swap3A, %swap3A_49], %swap3A_52 {strides = array<i32>} : memref<128x128xf32, #tpu.memory_space<vmem>>, vector<1x16xf32>,
        %get3A_53 = arith.index_cast %add3A_42 : i32 to index
        %get3A_54 = arith.constant 16 : index
        %get3A_55 = tpu.vector_load %arg11[%get3A_53, %get3A_54] {strides = array<i32>} : memref<128x128xf32, #tpu.memory_space<vmem>>, vector<1x16xf32>,
        %get3A_56 = vector.shape_cast %get3A_55 : vector<1x16xf32> to vector<16xf32>
        %mul3A_57 = vector.broadcast %squeeze3A : f32 to vector<16xf32>
        %mul3A_58 = arith.mulf %get3A_56, %mul3A_57 : vector<16xf32>
        %swap3A_59 = arith.index_cast %add3A_42 : i32 to index
        %swap3A_60 = arith.constant 16 : index
        %swap3A_61 = tpu.vector_load %arg11[%swap3A_59, %swap3A_60] {strides = array<i32>} : memref<128x128xf32, #tpu.memory_space<vmem>>, vector<1x16xf32>,
        %swap3A_62 = vector.shape_cast %swap3A_61 : vector<1x16xf32> to vector<16xf32>
        %swap3A_63 = vector.shape_cast %mul3A_58 : vector<16xf32> to vector<1x16xf32>
        tpu.vector_store %arg11[%swap3A_59, %swap3A_60], %swap3A_63 {strides = array<i32>} : memref<128x128xf32, #tpu.memory_space<vmem>>, vector<1x16xf32>,
        %get3A_64 = arith.index_cast %add3A_42 : i32 to index
        %get3A_65 = arith.constant 32 : index
        %get3A_66 = tpu.vector_load %arg11[%get3A_64, %get3A_65] {strides = array<i32>} : memref<128x128xf32, #tpu.memory_space<vmem>>, vector<1x16xf32>,
        %get3A_67 = vector.shape_cast %get3A_66 : vector<1x16xf32> to vector<16xf32>
        %mul3A_68 = vector.broadcast %squeeze3A : f32 to vector<16xf32>
        %mul3A_69 = arith.mulf %get3A_67, %mul3A_68 : vector<16xf32>
        %swap3A_70 = arith.index_cast %add3A_42 : i32 to index
        %swap3A_71 = arith.constant 32 : index
        %swap3A_72 = tpu.vector_load %arg11[%swap3A_70, %swap3A_71] {strides = array<i32>} : memref<128x128xf32, #tpu.memory_space<vmem>>, vector<1x16xf32>,
        %swap3A_73 = vector.shape_cast %swap3A_72 : vector<1x16xf32> to vector<16xf32>
        %swap3A_74 = vector.shape_cast %mul3A_69 : vector<16xf32> to vector<1x16xf32>
        tpu.vector_store %arg11[%swap3A_70, %swap3A_71], %swap3A_74 {strides = array<i32>} : memref<128x128xf32, #tpu.memory_space<vmem>>, vector<1x16xf32>,
        %get3A_75 = arith.index_cast %add3A_42 : i32 to index
        %get3A_76 = arith.constant 48 : index
        %get3A_77 = tpu.vector_load %arg11[%get3A_75, %get3A_76] {strides = array<i32>} : memref<128x128xf32, #tpu.memory_space<vmem>>, vector<1x16xf32>,
        %get3A_78 = vector.shape_cast %get3A_77 : vector<1x16xf32> to vector<16xf32>
        %mul3A_79 = vector.broadcast %squeeze3A : f32 to vector<16xf32>
        %mul3A_80 = arith.mulf %get3A_78, %mul3A_79 : vector<16xf32>
        %swap3A_81 = arith.index_cast %add3A_42 : i32 to index
        %swap3A_82 = arith.constant 48 : index
        %swap3A_83 = tpu.vector_load %arg11[%swap3A_81, %swap3A_82] {strides = array<i32>} : memref<128x128xf32, #tpu.memory_space<vmem>>, vector<1x16xf32>,
        %swap3A_84 = vector.shape_cast %swap3A_83 : vector<1x16xf32> to vector<16xf32>
        %swap3A_85 = vector.shape_cast %mul3A_80 : vector<16xf32> to vector<1x16xf32>
        tpu.vector_store %arg11[%swap3A_81, %swap3A_82], %swap3A_85 {strides = array<i32>} : memref<128x128xf32, #tpu.memory_space<vmem>>, vector<1x16xf32>,
        %get3A_86 = arith.index_cast %add3A_42 : i32 to index
        %get3A_87 = arith.constant 64 : index
        %get3A_88 = tpu.vector_load %arg11[%get3A_86, %get3A_87] {strides = array<i32>} : memref<128x128xf32, #tpu.memory_space<vmem>>, vector<1x16xf32>,
        %get3A_89 = vector.shape_cast %get3A_88 : vector<1x16xf32> to vector<16xf32>
        %mul3A_90 = vector.broadcast %squeeze3A : f32 to vector<16xf32>
        %mul3A_91 = arith.mulf %get3A_89, %mul3A_90 : vector<16xf32>
        %swap3A_92 = arith.index_cast %add3A_42 : i32 to index
        %swap3A_93 = arith.constant 64 : index
        %swap3A_94 = tpu.vector_load %arg11[%swap3A_92, %swap3A_93] {strides = array<i32>} : memref<128x128xf32, #tpu.memory_space<vmem>>, vector<1x16xf32>,
        %swap3A_95 = vector.shape_cast %swap3A_94 : vector<1x16xf32> to vector<16xf32>
        %swap3A_96 = vector.shape_cast %mul3A_91 : vector<16xf32> to vector<1x16xf32>
        tpu.vector_store %arg11[%swap3A_92, %swap3A_93], %swap3A_96 {strides = array<i32>} : memref<128x128xf32, #tpu.memory_space<vmem>>, vector<1x16xf32>,
        %get3A_97 = arith.index_cast %add3A_42 : i32 to index
        %get3A_98 = arith.constant 80 : index
        %get3A_99 = tpu.vector_load %arg11[%get3A_97, %get3A_98] {strides = array<i32>} : memref<128x128xf32, #tpu.memory_space<vmem>>, vector<1x16xf32>,
        %get3A_100 = vector.shape_cast %get3A_99 : vector<1x16xf32> to vector<16xf32>
        %mul3A_101 = vector.broadcast %squeeze3A : f32 to vector<16xf32>
        %mul3A_102 = arith.mulf %get3A_100, %mul3A_101 : vector<16xf32>
        %swap3A_103 = arith.index_cast %add3A_42 : i32 to index
        %swap3A_104 = arith.constant 80 : index
        %swap3A_105 = tpu.vector_load %arg11[%swap3A_103, %swap3A_104] {strides = array<i32>} : memref<128x128xf32, #tpu.memory_space<vmem>>, vector<1x16xf32>,
        %swap3A_106 = vector.shape_cast %swap3A_105 : vector<1x16xf32> to vector<16xf32>
        %swap3A_107 = vector.shape_cast %mul3A_102 : vector<16xf32> to vector<1x16xf32>
        tpu.vector_store %arg11[%swap3A_103, %swap3A_104], %swap3A_107 {strides = array<i32>} : memref<128x128xf32, #tpu.memory_space<vmem>>, vector<1x16xf32>,
        %get3A_108 = arith.index_cast %add3A_42 : i32 to index
        %get3A_109 = arith.constant 96 : index
        %get3A_110 = tpu.vector_load %arg11[%get3A_108, %get3A_109] {strides = array<i32>} : memref<128x128xf32, #tpu.memory_space<vmem>>, vector<1x16xf32>,
        %get3A_111 = vector.shape_cast %get3A_110 : vector<1x16xf32> to vector<16xf32>
        %mul3A_112 = vector.broadcast %squeeze3A : f32 to vector<16xf32>
        %mul3A_113 = arith.mulf %get3A_111, %mul3A_112 : vector<16xf32>
        %swap3A_114 = arith.index_cast %add3A_42 : i32 to index
        %swap3A_115 = arith.constant 96 : index
        %swap3A_116 = tpu.vector_load %arg11[%swap3A_114, %swap3A_115] {strides = array<i32>} : memref<128x128xf32, #tpu.memory_space<vmem>>, vector<1x16xf32>,
        %swap3A_117 = vector.shape_cast %swap3A_116 : vector<1x16xf32> to vector<16xf32>
        %swap3A_118 = vector.shape_cast %mul3A_113 : vector<16xf32> to vector<1x16xf32>
        tpu.vector_store %arg11[%swap3A_114, %swap3A_115], %swap3A_118 {strides = array<i32>} : memref<128x128xf32, #tpu.memory_space<vmem>>, vector<1x16xf32>,
        %get3A_119 = arith.index_cast %add3A_42 : i32 to index
        %get3A_120 = arith.constant 112 : index
        %get3A_121 = tpu.vector_load %arg11[%get3A_119, %get3A_120] {strides = array<i32>} : memref<128x128xf32, #tpu.memory_space<vmem>>, vector<1x16xf32>,
        %get3A_122 = vector.shape_cast %get3A_121 : vector<1x16xf32> to vector<16xf32>
        %mul3A_123 = vector.broadcast %squeeze3A : f32 to vector<16xf32>
        %mul3A_124 = arith.mulf %get3A_122, %mul3A_123 : vector<16xf32>
        %swap3A_125 = arith.index_cast %add3A_42 : i32 to index
        %swap3A_126 = arith.constant 112 : index
        %swap3A_127 = tpu.vector_load %arg11[%swap3A_125, %swap3A_126] {strides = array<i32>} : memref<128x128xf32, #tpu.memory_space<vmem>>, vector<1x16xf32>,
        %swap3A_128 = vector.shape_cast %swap3A_127 : vector<1x16xf32> to vector<16xf32>
        %swap3A_129 = vector.shape_cast %mul3A_124 : vector<16xf32> to vector<1x16xf32>
        tpu.vector_store %arg11[%swap3A_125, %swap3A_126], %swap3A_129 {strides = array<i32>} : memref<128x128xf32, #tpu.memory_space<vmem>>, vector<1x16xf32>,
        %slice3A_130 = vector.extract_strided_slice %get3A_38 {offsets = [1], sizes = [1], strides = [1]} : vector<16xf32> to vector<1xf32>
        %squeeze3A_131 = vector.extract %slice3A_130[0] : f32 from vector<1xf32>
        %add3A_132 = arith.constant 1 : i32
        %add3A_133 = arith.addi %mul3A_40, %add3A_132 : i32
        %get3A_134 = arith.index_cast %add3A_133 : i32 to index
        %get3A_135 = arith.constant 0 : index
        %get3A_136 = tpu.vector_load %arg11[%get3A_134, %get3A_135] {strides = array<i32>} : memref<128x128xf32, #tpu.memory_space<vmem>>, vector<1x16xf32>,
        %get3A_137 = vector.shape_cast %get3A_136 : vector<1x16xf32> to vector<16xf32>
        %mul3A_138 = vector.broadcast %squeeze3A_131 : f32 to vector<16xf32>
        %mul3A_139 = arith.mulf %get3A_137, %mul3A_138 : vector<16xf32>
        %swap3A_140 = arith.index_cast %add3A_133 : i32 to index
        %swap3A_141 = arith.constant 0 : index
        %swap3A_142 = tpu.vector_load %arg11[%swap3A_140, %swap3A_141] {strides = array<i32>} : memref<128x128xf32, #tpu.memory_space<vmem>>, vector<1x16xf32>,
        %swap3A_143 = vector.shape_cast %swap3A_142 : vector<1x16xf32> to vector<16xf32>
        %swap3A_144 = vector.shape_cast %mul3A_139 : vector<16xf32> to vector<1x16xf32>
        tpu.vector_store %arg11[%swap3A_140, %swap3A_141], %swap3A_144 {strides = array<i32>} : memref<128x128xf32, #tpu.memory_space<vmem>>, vector<1x16xf32>,
        %get3A_145 = arith.index_cast %add3A_133 : i32 to index
        %get3A_146 = arith.constant 16 : index
        %get3A_147 = tpu.vector_load %arg11[%get3A_145, %get3A_146] {strides = array<i32>} : memref<128x128xf32, #tpu.memory_space<vmem>>, vector<1x16xf32>,
        %get3A_148 = vector.shape_cast %get3A_147 : vector<1x16xf32> to vector<16xf32>
        %mul3A_149 = vector.broadcast %squeeze3A_131 : f32 to vector<16xf32>
        %mul3A_150 = arith.mulf %get3A_148, %mul3A_149 : vector<16xf32>
        %swap3A_151 = arith.index_cast %add3A_133 : i32 to index
        %swap3A_152 = arith.constant 16 : index
        %swap3A_153 = tpu.vector_load %arg11[%swap3A_151, %swap3A_152] {strides = array<i32>} : memref<128x128xf32, #tpu.memory_space<vmem>>, vector<1x16xf32>,
        %swap3A_154 = vector.shape_cast %swap3A_153 : vector<1x16xf32> to vector<16xf32>
        %swap3A_155 = vector.shape_cast %mul3A_150 : vector<16xf32> to vector<1x16xf32>
        tpu.vector_store %arg11[%swap3A_151, %swap3A_152], %swap3A_155 {strides = array<i32>} : memref<128x128xf32, #tpu.memory_space<vmem>>, vector<1x16xf32>,
        %get3A_156 = arith.index_cast %add3A_133 : i32 to index
        %get3A_157 = arith.constant 32 : index
        %get3A_158 = tpu.vector_load %arg11[%get3A_156, %get3A_157] {strides = array<i32>} : memref<128x128xf32, #tpu.memory_space<vmem>>, vector<1x16xf32>,
        %get3A_159 = vector.shape_cast %get3A_158 : vector<1x16xf32> to vector<16xf32>
        %mul3A_160 = vector.broadcast %squeeze3A_131 : f32 to vector<16xf32>
        %mul3A_161 = arith.mulf %get3A_159, %mul3A_160 : vector<16xf32>
        %swap3A_162 = arith.index_cast %add3A_133 : i32 to index
        %swap3A_163 = arith.constant 32 : index
        %swap3A_164 = tpu.vector_load %arg11[%swap3A_162, %swap3A_163] {strides = array<i32>} : memref<128x128xf32, #tpu.memory_space<vmem>>, vector<1x16xf32>,
        %swap3A_165 = vector.shape_cast %swap3A_164 : vector<1x16xf32> to vector<16xf32>
        %swap3A_166 = vector.shape_cast %mul3A_161 : vector<16xf32> to vector<1x16xf32>
        tpu.vector_store %arg11[%swap3A_162, %swap3A_163], %swap3A_166 {strides = array<i32>} : memref<128x128xf32, #tpu.memory_space<vmem>>, vector<1x16xf32>,
        %get3A_167 = arith.index_cast %add3A_133 : i32 to index
        %get3A_168 = arith.constant 48 : index
        %get3A_169 = tpu.vector_load %arg11[%get3A_167, %get3A_168] {strides = array<i32>} : memref<128x128xf32, #tpu.memory_space<vmem>>, vector<1x16xf32>,
        %get3A_170 = vector.shape_cast %get3A_169 : vector<1x16xf32> to vector<16xf32>
        %mul3A_171 = vector.broadcast %squeeze3A_131 : f32 to vector<16xf32>
        %mul3A_172 = arith.mulf %get3A_170, %mul3A_171 : vector<16xf32>
        %swap3A_173 = arith.index_cast %add3A_133 : i32 to index
        %swap3A_174 = arith.constant 48 : index
        %swap3A_175 = tpu.vector_load %arg11[%swap3A_173, %swap3A_174] {strides = array<i32>} : memref<128x128xf32, #tpu.memory_space<vmem>>, vector<1x16xf32>,
        %swap3A_176 = vector.shape_cast %swap3A_175 : vector<1x16xf32> to vector<16xf32>
        %swap3A_177 = vector.shape_cast %mul3A_172 : vector<16xf32> to vector<1x16xf32>
        tpu.vector_store %arg11[%swap3A_173, %swap3A_174], %swap3A_177 {strides = array<i32>} : memref<128x128xf32, #tpu.memory_space<vmem>>, vector<1x16xf32>,
        %get3A_178 = arith.index_cast %add3A_133 : i32 to index
        %get3A_179 = arith.constant 64 : index
        %get3A_180 = tpu.vector_load %arg11[%get3A_178, %get3A_179] {strides = array<i32>} : memref<128x128xf32, #tpu.memory_space<vmem>>, vector<1x16xf32>,
        %get3A_181 = vector.shape_cast %get3A_180 : vector<1x16xf32> to vector<16xf32>
        %mul3A_182 = vector.broadcast %squeeze3A_131 : f32 to vector<16xf32>
        %mul3A_183 = arith.mulf %get3A_181, %mul3A_182 : vector<16xf32>
        %swap3A_184 = arith.index_cast %add3A_133 : i32 to index
        %swap3A_185 = arith.constant 64 : index
        %swap3A_186 = tpu.vector_load %arg11[%swap3A_184, %swap3A_185] {strides = array<i32>} : memref<128x128xf32, #tpu.memory_space<vmem>>, vector<1x16xf32>,
        %swap3A_187 = vector.shape_cast %swap3A_186 : vector<1x16xf32> to vector<16xf32>
        %swap3A_188 = vector.shape_cast %mul3A_183 : vector<16xf32> to vector<1x16xf32>
        tpu.vector_store %arg11[%swap3A_184, %swap3A_185], %swap3A_188 {strides = array<i32>} : memref<128x128xf32, #tpu.memory_space<vmem>>, vector<1x16xf32>,
        %get3A_189 = arith.index_cast %add3A_133 : i32 to index
        %get3A_190 = arith.constant 80 : index
        %get3A_191 = tpu.vector_load %arg11[%get3A_189, %get3A_190] {strides = array<i32>} : memref<128x128xf32, #tpu.memory_space<vmem>>, vector<1x16xf32>,
        %get3A_192 = vector.shape_cast %get3A_191 : vector<1x16xf32> to vector<16xf32>
        %mul3A_193 = vector.broadcast %squeeze3A_131 : f32 to vector<16xf32>
        %mul3A_194 = arith.mulf %get3A_192, %mul3A_193 : vector<16xf32>
        %swap3A_195 = arith.index_cast %add3A_133 : i32 to index
        %swap3A_196 = arith.constant 80 : index
        %swap3A_197 = tpu.vector_load %arg11[%swap3A_195, %swap3A_196] {strides = array<i32>} : memref<128x128xf32, #tpu.memory_space<vmem>>, vector<1x16xf32>,
        %swap3A_198 = vector.shape_cast %swap3A_197 : vector<1x16xf32> to vector<16xf32>
        %swap3A_199 = vector.shape_cast %mul3A_194 : vector<16xf32> to vector<1x16xf32>
        tpu.vector_store %arg11[%swap3A_195, %swap3A_196], %swap3A_199 {strides = array<i32>} : memref<128x128xf32, #tpu.memory_space<vmem>>, vector<1x16xf32>,
        %get3A_200 = arith.index_cast %add3A_133 : i32 to index
        %get3A_201 = arith.constant 96 : index
        %get3A_202 = tpu.vector_load %arg11[%get3A_200, %get3A_201] {strides = array<i32>} : memref<128x128xf32, #tpu.memory_space<vmem>>, vector<1x16xf32>,
        %get3A_203 = vector.shape_cast %get3A_202 : vector<1x16xf32> to vector<16xf32>
        %mul3A_204 = vector.broadcast %squeeze3A_131 : f32 to vector<16xf32>
        %mul3A_205 = arith.mulf %get3A_203, %mul3A_204 : vector<16xf32>
        %swap3A_206 = arith.index_cast %add3A_133 : i32 to index
        %swap3A_207 = arith.constant 96 : index
        %swap3A_208 = tpu.vector_load %arg11[%swap3A_206, %swap3A_207] {strides = array<i32>} : memref<128x128xf32, #tpu.memory_space<vmem>>, vector<1x16xf32>,
        %swap3A_209 = vector.shape_cast %swap3A_208 : vector<1x16xf32> to vector<16xf32>
        %swap3A_210 = vector.shape_cast %mul3A_205 : vector<16xf32> to vector<1x16xf32>
        tpu.vector_store %arg11[%swap3A_206, %swap3A_207], %swap3A_210 {strides = array<i32>} : memref<128x128xf32, #tpu.memory_space<vmem>>, vector<1x16xf32>,
        %get3A_211 = arith.index_cast %add3A_133 : i32 to index
        %get3A_212 = arith.constant 112 : index
        %get3A_213 = tpu.vector_load %arg11[%get3A_211, %get3A_212] {strides = array<i32>} : memref<128x128xf32, #tpu.memory_space<vmem>>, vector<1x16xf32>,
        %get3A_214 = vector.shape_cast %get3A_213 : vector<1x16xf32> to vector<16xf32>
        %mul3A_215 = vector.broadcast %squeeze3A_131 : f32 to vector<16xf32>
        %mul3A_216 = arith.mulf %get3A_214, %mul3A_215 : vector<16xf32>
        %swap3A_217 = arith.index_cast %add3A_133 : i32 to index
        %swap3A_218 = arith.constant 112 : index
        %swap3A_219 = tpu.vector_load %arg11[%swap3A_217, %swap3A_218] {strides = array<i32>} : memref<128x128xf32, #tpu.memory_space<vmem>>, vector<1x16xf32>,
        %swap3A_220 = vector.shape_cast %swap3A_219 : vector<1x16xf32> to vector<16xf32>
        %swap3A_221 = vector.shape_cast %mul3A_216 : vector<16xf32> to vector<1x16xf32>
        tpu.vector_store %arg11[%swap3A_217, %swap3A_218], %swap3A_221 {strides = array<i32>} : memref<128x128xf32, #tpu.memory_space<vmem>>, vector<1x16xf32>,
        %slice3A_222 = vector.extract_strided_slice %get3A_38 {offsets = [2], sizes = [1], strides = [1]} : vector<16xf32> to vector<1xf32>
        %squeeze3A_223 = vector.extract %slice3A_222[0] : f32 from vector<1xf32>
        %add3A_224 = arith.constant 2 : i32
        %add3A_225 = arith.addi %mul3A_40, %add3A_224 : i32
        %get3A_226 = arith.index_cast %add3A_225 : i32 to index
        %get3A_227 = arith.constant 0 : index
        %get3A_228 = tpu.vector_load %arg11[%get3A_226, %get3A_227] {strides = array<i32>} : memref<128x128xf32, #tpu.memory_space<vmem>>, vector<1x16xf32>,
        %get3A_229 = vector.shape_cast %get3A_228 : vector<1x16xf32> to vector<16xf32>
        %mul3A_230 = vector.broadcast %squeeze3A_223 : f32 to vector<16xf32>
        %mul3A_231 = arith.mulf %get3A_229, %mul3A_230 : vector<16xf32>
        %swap3A_232 = arith.index_cast %add3A_225 : i32 to index
        %swap3A_233 = arith.constant 0 : index
        %swap3A_234 = tpu.vector_load %arg11[%swap3A_232, %swap3A_233] {strides = array<i32>} : memref<128x128xf32, #tpu.memory_space<vmem>>, vector<1x16xf32>,
        %swap3A_235 = vector.shape_cast %swap3A_234 : vector<1x16xf32> to vector<16xf32>
        %swap3A_236 = vector.shape_cast %mul3A_231 : vector<16xf32> to vector<1x16xf32>
        tpu.vector_store %arg11[%swap3A_232, %swap3A_233], %swap3A_236 {strides = array<i32>} : memref<128x128xf32, #tpu.memory_space<vmem>>, vector<1x16xf32>,
        %get3A_237 = arith.index_cast %add3A_225 : i32 to index
        %get3A_238 = arith.constant 16 : index
        %get3A_239 = tpu.vector_load %arg11[%get3A_237, %get3A_238] {strides = array<i32>} : memref<128x128xf32, #tpu.memory_space<vmem>>, vector<1x16xf32>,
        %get3A_240 = vector.shape_cast %get3A_239 : vector<1x16xf32> to vector<16xf32>
        %mul3A_241 = vector.broadcast %squeeze3A_223 : f32 to vector<16xf32>
        %mul3A_242 = arith.mulf %get3A_240, %mul3A_241 : vector<16xf32>
        %swap3A_243 = arith.index_cast %add3A_225 : i32 to index
        %swap3A_244 = arith.constant 16 : index
        %swap3A_245 = tpu.vector_load %arg11[%swap3A_243, %swap3A_244] {strides = array<i32>} : memref<128x128xf32, #tpu.memory_space<vmem>>, vector<1x16xf32>,
        %swap3A_246 = vector.shape_cast %swap3A_245 : vector<1x16xf32> to vector<16xf32>
        %swap3A_247 = vector.shape_cast %mul3A_242 : vector<16xf32> to vector<1x16xf32>
        tpu.vector_store %arg11[%swap3A_243, %swap3A_244], %swap3A_247 {strides = array<i32>} : memref<128x128xf32, #tpu.memory_space<vmem>>, vector<1x16xf32>,
        %get3A_248 = arith.index_cast %add3A_225 : i32 to index
        %get3A_249 = arith.constant 32 : index
        %get3A_250 = tpu.vector_load %arg11[%get3A_248, %get3A_249] {strides = array<i32>} : memref<128x128xf32, #tpu.memory_space<vmem>>, vector<1x16xf32>,
        %get3A_251 = vector.shape_cast %get3A_250 : vector<1x16xf32> to vector<16xf32>
        %mul3A_252 = vector.broadcast %squeeze3A_223 : f32 to vector<16xf32>
        %mul3A_253 = arith.mulf %get3A_251, %mul3A_252 : vector<16xf32>
        %swap3A_254 = arith.index_cast %add3A_225 : i32 to index
        %swap3A_255 = arith.constant 32 : index
        %swap3A_256 = tpu.vector_load %arg11[%swap3A_254, %swap3A_255] {strides = array<i32>} : memref<128x128xf32, #tpu.memory_space<vmem>>, vector<1x16xf32>,
        %swap3A_257 = vector.shape_cast %swap3A_256 : vector<1x16xf32> to vector<16xf32>
        %swap3A_258 = vector.shape_cast %mul3A_253 : vector<16xf32> to vector<1x16xf32>
        tpu.vector_store %arg11[%swap3A_254, %swap3A_255], %swap3A_258 {strides = array<i32>} : memref<128x128xf32, #tpu.memory_space<vmem>>, vector<1x16xf32>,
        %get3A_259 = arith.index_cast %add3A_225 : i32 to index
        %get3A_260 = arith.constant 48 : index
        %get3A_261 = tpu.vector_load %arg11[%get3A_259, %get3A_260] {strides = array<i32>} : memref<128x128xf32, #tpu.memory_space<vmem>>, vector<1x16xf32>,
        %get3A_262 = vector.shape_cast %get3A_261 : vector<1x16xf32> to vector<16xf32>
        %mul3A_263 = vector.broadcast %squeeze3A_223 : f32 to vector<16xf32>
        %mul3A_264 = arith.mulf %get3A_262, %mul3A_263 : vector<16xf32>
        %swap3A_265 = arith.index_cast %add3A_225 : i32 to index
        %swap3A_266 = arith.constant 48 : index
        %swap3A_267 = tpu.vector_load %arg11[%swap3A_265, %swap3A_266] {strides = array<i32>} : memref<128x128xf32, #tpu.memory_space<vmem>>, vector<1x16xf32>,
        %swap3A_268 = vector.shape_cast %swap3A_267 : vector<1x16xf32> to vector<16xf32>
        %swap3A_269 = vector.shape_cast %mul3A_264 : vector<16xf32> to vector<1x16xf32>
        tpu.vector_store %arg11[%swap3A_265, %swap3A_266], %swap3A_269 {strides = array<i32>} : memref<128x128xf32, #tpu.memory_space<vmem>>, vector<1x16xf32>,
        %get3A_270 = arith.index_cast %add3A_225 : i32 to index
        %get3A_271 = arith.constant 64 : index
        %get3A_272 = tpu.vector_load %arg11[%get3A_270, %get3A_271] {strides = array<i32>} : memref<128x128xf32, #tpu.memory_space<vmem>>, vector<1x16xf32>,
        %get3A_273 = vector.shape_cast %get3A_272 : vector<1x16xf32> to vector<16xf32>
        %mul3A_274 = vector.broadcast %squeeze3A_223 : f32 to vector<16xf32>
        %mul3A_275 = arith.mulf %get3A_273, %mul3A_274 : vector<16xf32>
        %swap3A_276 = arith.index_cast %add3A_225 : i32 to index
        %swap3A_277 = arith.constant 64 : index
        %swap3A_278 = tpu.vector_load %arg11[%swap3A_276, %swap3A_277] {strides = array<i32>} : memref<128x128xf32, #tpu.memory_space<vmem>>, vector<1x16xf32>,
        %swap3A_279 = vector.shape_cast %swap3A_278 : vector<1x16xf32> to vector<16xf32>
        %swap3A_280 = vector.shape_cast %mul3A_275 : vector<16xf32> to vector<1x16xf32>
        tpu.vector_store %arg11[%swap3A_276, %swap3A_277], %swap3A_280 {strides = array<i32>} : memref<128x128xf32, #tpu.memory_space<vmem>>, vector<1x16xf32>,
        %get3A_281 = arith.index_cast %add3A_225 : i32 to index
        %get3A_282 = arith.constant 80 : index
        %get3A_283 = tpu.vector_load %arg11[%get3A_281, %get3A_282] {strides = array<i32>} : memref<128x128xf32, #tpu.memory_space<vmem>>, vector<1x16xf32>,
        %get3A_284 = vector.shape_cast %get3A_283 : vector<1x16xf32> to vector<16xf32>
        %mul3A_285 = vector.broadcast %squeeze3A_223 : f32 to vector<16xf32>
        %mul3A_286 = arith.mulf %get3A_284, %mul3A_285 : vector<16xf32>
        %swap3A_287 = arith.index_cast %add3A_225 : i32 to index
        %swap3A_288 = arith.constant 80 : index
        %swap3A_289 = tpu.vector_load %arg11[%swap3A_287, %swap3A_288] {strides = array<i32>} : memref<128x128xf32, #tpu.memory_space<vmem>>, vector<1x16xf32>,
        %swap3A_290 = vector.shape_cast %swap3A_289 : vector<1x16xf32> to vector<16xf32>
        %swap3A_291 = vector.shape_cast %mul3A_286 : vector<16xf32> to vector<1x16xf32>
        tpu.vector_store %arg11[%swap3A_287, %swap3A_288], %swap3A_291 {strides = array<i32>} : memref<128x128xf32, #tpu.memory_space<vmem>>, vector<1x16xf32>,
        %get3A_292 = arith.index_cast %add3A_225 : i32 to index
        %get3A_293 = arith.constant 96 : index
        %get3A_294 = tpu.vector_load %arg11[%get3A_292, %get3A_293] {strides = array<i32>} : memref<128x128xf32, #tpu.memory_space<vmem>>, vector<1x16xf32>,
        %get3A_295 = vector.shape_cast %get3A_294 : vector<1x16xf32> to vector<16xf32>
        %mul3A_296 = vector.broadcast %squeeze3A_223 : f32 to vector<16xf32>
        %mul3A_297 = arith.mulf %get3A_295, %mul3A_296 : vector<16xf32>
        %swap3A_298 = arith.index_cast %add3A_225 : i32 to index
        %swap3A_299 = arith.constant 96 : index
        %swap3A_300 = tpu.vector_load %arg11[%swap3A_298, %swap3A_299] {strides = array<i32>} : memref<128x128xf32, #tpu.memory_space<vmem>>, vector<1x16xf32>,
        %swap3A_301 = vector.shape_cast %swap3A_300 : vector<1x16xf32> to vector<16xf32>
        %swap3A_302 = vector.shape_cast %mul3A_297 : vector<16xf32> to vector<1x16xf32>
        tpu.vector_store %arg11[%swap3A_298, %swap3A_299], %swap3A_302 {strides = array<i32>} : memref<128x128xf32, #tpu.memory_space<vmem>>, vector<1x16xf32>,
        %get3A_303 = arith.index_cast %add3A_225 : i32 to index
        %get3A_304 = arith.constant 112 : index
        %get3A_305 = tpu.vector_load %arg11[%get3A_303, %get3A_304] {strides = array<i32>} : memref<128x128xf32, #tpu.memory_space<vmem>>, vector<1x16xf32>,
        %get3A_306 = vector.shape_cast %get3A_305 : vector<1x16xf32> to vector<16xf32>
        %mul3A_307 = vector.broadcast %squeeze3A_223 : f32 to vector<16xf32>
        %mul3A_308 = arith.mulf %get3A_306, %mul3A_307 : vector<16xf32>
        %swap3A_309 = arith.index_cast %add3A_225 : i32 to index
        %swap3A_310 = arith.constant 112 : index
        %swap3A_311 = tpu.vector_load %arg11[%swap3A_309, %swap3A_310] {strides = array<i32>} : memref<128x128xf32, #tpu.memory_space<vmem>>, vector<1x16xf32>,
        %swap3A_312 = vector.shape_cast %swap3A_311 : vector<1x16xf32> to vector<16xf32>
        %swap3A_313 = vector.shape_cast %mul3A_308 : vector<16xf32> to vector<1x16xf32>
        tpu.vector_store %arg11[%swap3A_309, %swap3A_310], %swap3A_313 {strides = array<i32>} : memref<128x128xf32, #tpu.memory_space<vmem>>, vector<1x16xf32>,
        %slice3A_314 = vector.extract_strided_slice %get3A_38 {offsets = [3], sizes = [1], strides = [1]} : vector<16xf32> to vector<1xf32>
        %squeeze3A_315 = vector.extract %slice3A_314[0] : f32 from vector<1xf32>
        %add3A_316 = arith.constant 3 : i32
        %add3A_317 = arith.addi %mul3A_40, %add3A_316 : i32
        %get3A_318 = arith.index_cast %add3A_317 : i32 to index
        %get3A_319 = arith.constant 0 : index
        %get3A_320 = tpu.vector_load %arg11[%get3A_318, %get3A_319] {strides = array<i32>} : memref<128x128xf32, #tpu.memory_space<vmem>>, vector<1x16xf32>,
        %get3A_321 = vector.shape_cast %get3A_320 : vector<1x16xf32> to vector<16xf32>
        %mul3A_322 = vector.broadcast %squeeze3A_315 : f32 to vector<16xf32>
        %mul3A_323 = arith.mulf %get3A_321, %mul3A_322 : vector<16xf32>
        %swap3A_324 = arith.index_cast %add3A_317 : i32 to index
        %swap3A_325 = arith.constant 0 : index
        %swap3A_326 = tpu.vector_load %arg11[%swap3A_324, %swap3A_325] {strides = array<i32>} : memref<128x128xf32, #tpu.memory_space<vmem>>, vector<1x16xf32>,
        %swap3A_327 = vector.shape_cast %swap3A_326 : vector<1x16xf32> to vector<16xf32>
        %swap3A_328 = vector.shape_cast %mul3A_323 : vector<16xf32> to vector<1x16xf32>
        tpu.vector_store %arg11[%swap3A_324, %swap3A_325], %swap3A_328 {strides = array<i32>} : memref<128x128xf32, #tpu.memory_space<vmem>>, vector<1x16xf32>,
        %get3A_329 = arith.index_cast %add3A_317 : i32 to index
        %get3A_330 = arith.constant 16 : index
        %get3A_331 = tpu.vector_load %arg11[%get3A_329, %get3A_330] {strides = array<i32>} : memref<128x128xf32, #tpu.memory_space<vmem>>, vector<1x16xf32>,
        %get3A_332 = vector.shape_cast %get3A_331 : vector<1x16xf32> to vector<16xf32>
        %mul3A_333 = vector.broadcast %squeeze3A_315 : f32 to vector<16xf32>
        %mul3A_334 = arith.mulf %get3A_332, %mul3A_333 : vector<16xf32>
        %swap3A_335 = arith.index_cast %add3A_317 : i32 to index
        %swap3A_336 = arith.constant 16 : index
        %swap3A_337 = tpu.vector_load %arg11[%swap3A_335, %swap3A_336] {strides = array<i32>} : memref<128x128xf32, #tpu.memory_space<vmem>>, vector<1x16xf32>,
        %swap3A_338 = vector.shape_cast %swap3A_337 : vector<1x16xf32> to vector<16xf32>
        %swap3A_339 = vector.shape_cast %mul3A_334 : vector<16xf32> to vector<1x16xf32>
        tpu.vector_store %arg11[%swap3A_335, %swap3A_336], %swap3A_339 {strides = array<i32>} : memref<128x128xf32, #tpu.memory_space<vmem>>, vector<1x16xf32>,
        %get3A_340 = arith.index_cast %add3A_317 : i32 to index
        %get3A_341 = arith.constant 32 : index
        %get3A_342 = tpu.vector_load %arg11[%get3A_340, %get3A_341] {strides = array<i32>} : memref<128x128xf32, #tpu.memory_space<vmem>>, vector<1x16xf32>,
        %get3A_343 = vector.shape_cast %get3A_342 : vector<1x16xf32> to vector<16xf32>
        %mul3A_344 = vector.broadcast %squeeze3A_315 : f32 to vector<16xf32>
        %mul3A_345 = arith.mulf %get3A_343, %mul3A_344 : vector<16xf32>
        %swap3A_346 = arith.index_cast %add3A_317 : i32 to index
        %swap3A_347 = arith.constant 32 : index
        %swap3A_348 = tpu.vector_load %arg11[%swap3A_346, %swap3A_347] {strides = array<i32>} : memref<128x128xf32, #tpu.memory_space<vmem>>, vector<1x16xf32>,
        %swap3A_349 = vector.shape_cast %swap3A_348 : vector<1x16xf32> to vector<16xf32>
        %swap3A_350 = vector.shape_cast %mul3A_345 : vector<16xf32> to vector<1x16xf32>
        tpu.vector_store %arg11[%swap3A_346, %swap3A_347], %swap3A_350 {strides = array<i32>} : memref<128x128xf32, #tpu.memory_space<vmem>>, vector<1x16xf32>,
        %get3A_351 = arith.index_cast %add3A_317 : i32 to index
        %get3A_352 = arith.constant 48 : index
        %get3A_353 = tpu.vector_load %arg11[%get3A_351, %get3A_352] {strides = array<i32>} : memref<128x128xf32, #tpu.memory_space<vmem>>, vector<1x16xf32>,
        %get3A_354 = vector.shape_cast %get3A_353 : vector<1x16xf32> to vector<16xf32>
        %mul3A_355 = vector.broadcast %squeeze3A_315 : f32 to vector<16xf32>
        %mul3A_356 = arith.mulf %get3A_354, %mul3A_355 : vector<16xf32>
        %swap3A_357 = arith.index_cast %add3A_317 : i32 to index
        %swap3A_358 = arith.constant 48 : index
        %swap3A_359 = tpu.vector_load %arg11[%swap3A_357, %swap3A_358] {strides = array<i32>} : memref<128x128xf32, #tpu.memory_space<vmem>>, vector<1x16xf32>,
        %swap3A_360 = vector.shape_cast %swap3A_359 : vector<1x16xf32> to vector<16xf32>
        %swap3A_361 = vector.shape_cast %mul3A_356 : vector<16xf32> to vector<1x16xf32>
        tpu.vector_store %arg11[%swap3A_357, %swap3A_358], %swap3A_361 {strides = array<i32>} : memref<128x128xf32, #tpu.memory_space<vmem>>, vector<1x16xf32>,
        %get3A_362 = arith.index_cast %add3A_317 : i32 to index
        %get3A_363 = arith.constant 64 : index
        %get3A_364 = tpu.vector_load %arg11[%get3A_362, %get3A_363] {strides = array<i32>} : memref<128x128xf32, #tpu.memory_space<vmem>>, vector<1x16xf32>,
        %get3A_365 = vector.shape_cast %get3A_364 : vector<1x16xf32> to vector<16xf32>
        %mul3A_366 = vector.broadcast %squeeze3A_315 : f32 to vector<16xf32>
        %mul3A_367 = arith.mulf %get3A_365, %mul3A_366 : vector<16xf32>
        %swap3A_368 = arith.index_cast %add3A_317 : i32 to index
        %swap3A_369 = arith.constant 64 : index
        %swap3A_370 = tpu.vector_load %arg11[%swap3A_368, %swap3A_369] {strides = array<i32>} : memref<128x128xf32, #tpu.memory_space<vmem>>, vector<1x16xf32>,
        %swap3A_371 = vector.shape_cast %swap3A_370 : vector<1x16xf32> to vector<16xf32>
        %swap3A_372 = vector.shape_cast %mul3A_367 : vector<16xf32> to vector<1x16xf32>
        tpu.vector_store %arg11[%swap3A_368, %swap3A_369], %swap3A_372 {strides = array<i32>} : memref<128x128xf32, #tpu.memory_space<vmem>>, vector<1x16xf32>,
        %get3A_373 = arith.index_cast %add3A_317 : i32 to index
        %get3A_374 = arith.constant 80 : index
        %get3A_375 = tpu.vector_load %arg11[%get3A_373, %get3A_374] {strides = array<i32>} : memref<128x128xf32, #tpu.memory_space<vmem>>, vector<1x16xf32>,
        %get3A_376 = vector.shape_cast %get3A_375 : vector<1x16xf32> to vector<16xf32>
        %mul3A_377 = vector.broadcast %squeeze3A_315 : f32 to vector<16xf32>
        %mul3A_378 = arith.mulf %get3A_376, %mul3A_377 : vector<16xf32>
        %swap3A_379 = arith.index_cast %add3A_317 : i32 to index
        %swap3A_380 = arith.constant 80 : index
        %swap3A_381 = tpu.vector_load %arg11[%swap3A_379, %swap3A_380] {strides = array<i32>} : memref<128x128xf32, #tpu.memory_space<vmem>>, vector<1x16xf32>,
        %swap3A_382 = vector.shape_cast %swap3A_381 : vector<1x16xf32> to vector<16xf32>
        %swap3A_383 = vector.shape_cast %mul3A_378 : vector<16xf32> to vector<1x16xf32>
        tpu.vector_store %arg11[%swap3A_379, %swap3A_380], %swap3A_383 {strides = array<i32>} : memref<128x128xf32, #tpu.memory_space<vmem>>, vector<1x16xf32>,
        %get3A_384 = arith.index_cast %add3A_317 : i32 to index
        %get3A_385 = arith.constant 96 : index
        %get3A_386 = tpu.vector_load %arg11[%get3A_384, %get3A_385] {strides = array<i32>} : memref<128x128xf32, #tpu.memory_space<vmem>>, vector<1x16xf32>,
        %get3A_387 = vector.shape_cast %get3A_386 : vector<1x16xf32> to vector<16xf32>
        %mul3A_388 = vector.broadcast %squeeze3A_315 : f32 to vector<16xf32>
        %mul3A_389 = arith.mulf %get3A_387, %mul3A_388 : vector<16xf32>
        %swap3A_390 = arith.index_cast %add3A_317 : i32 to index
        %swap3A_391 = arith.constant 96 : index
        %swap3A_392 = tpu.vector_load %arg11[%swap3A_390, %swap3A_391] {strides = array<i32>} : memref<128x128xf32, #tpu.memory_space<vmem>>, vector<1x16xf32>,
        %swap3A_393 = vector.shape_cast %swap3A_392 : vector<1x16xf32> to vector<16xf32>
        %swap3A_394 = vector.shape_cast %mul3A_389 : vector<16xf32> to vector<1x16xf32>
        tpu.vector_store %arg11[%swap3A_390, %swap3A_391], %swap3A_394 {strides = array<i32>} : memref<128x128xf32, #tpu.memory_space<vmem>>, vector<1x16xf32>,
        %get3A_395 = arith.index_cast %add3A_317 : i32 to index
        %get3A_396 = arith.constant 112 : index
        %get3A_397 = tpu.vector_load %arg11[%get3A_395, %get3A_396] {strides = array<i32>} : memref<128x128xf32, #tpu.memory_space<vmem>>, vector<1x16xf32>,
        %get3A_398 = vector.shape_cast %get3A_397 : vector<1x16xf32> to vector<16xf32>
        %mul3A_399 = vector.broadcast %squeeze3A_315 : f32 to vector<16xf32>
        %mul3A_400 = arith.mulf %get3A_398, %mul3A_399 : vector<16xf32>
        %swap3A_401 = arith.index_cast %add3A_317 : i32 to index
        %swap3A_402 = arith.constant 112 : index
        %swap3A_403 = tpu.vector_load %arg11[%swap3A_401, %swap3A_402] {strides = array<i32>} : memref<128x128xf32, #tpu.memory_space<vmem>>, vector<1x16xf32>,
        %swap3A_404 = vector.shape_cast %swap3A_403 : vector<1x16xf32> to vector<16xf32>
        %swap3A_405 = vector.shape_cast %mul3A_400 : vector<16xf32> to vector<1x16xf32>
        tpu.vector_store %arg11[%swap3A_401, %swap3A_402], %swap3A_405 {strides = array<i32>} : memref<128x128xf32, #tpu.memory_space<vmem>>, vector<1x16xf32>,
        %slice3A_406 = vector.extract_strided_slice %get3A_38 {offsets = [4], sizes = [1], strides = [1]} : vector<16xf32> to vector<1xf32>
        %squeeze3A_407 = vector.extract %slice3A_406[0] : f32 from vector<1xf32>
        %add3A_408 = arith.constant 4 : i32
        %add3A_409 = arith.addi %mul3A_40, %add3A_408 : i32
        %get3A_410 = arith.index_cast %add3A_409 : i32 to index
        %get3A_411 = arith.constant 0 : index
        %get3A_412 = tpu.vector_load %arg11[%get3A_410, %get3A_411] {strides = array<i32>} : memref<128x128xf32, #tpu.memory_space<vmem>>, vector<1x16xf32>,
        %get3A_413 = vector.shape_cast %get3A_412 : vector<1x16xf32> to vector<16xf32>
        %mul3A_414 = vector.broadcast %squeeze3A_407 : f32 to vector<16xf32>
        %mul3A_415 = arith.mulf %get3A_413, %mul3A_414 : vector<16xf32>
        %swap3A_416 = arith.index_cast %add3A_409 : i32 to index
        %swap3A_417 = arith.constant 0 : index
        %swap3A_418 = tpu.vector_load %arg11[%swap3A_416, %swap3A_417] {strides = array<i32>} : memref<128x128xf32, #tpu.memory_space<vmem>>, vector<1x16xf32>,
        %swap3A_419 = vector.shape_cast %swap3A_418 : vector<1x16xf32> to vector<16xf32>
        %swap3A_420 = vector.shape_cast %mul3A_415 : vector<16xf32> to vector<1x16xf32>
        tpu.vector_store %arg11[%swap3A_416, %swap3A_417], %swap3A_420 {strides = array<i32>} : memref<128x128xf32, #tpu.memory_space<vmem>>, vector<1x16xf32>,
        %get3A_421 = arith.index_cast %add3A_409 : i32 to index
        %get3A_422 = arith.constant 16 : index
        %get3A_423 = tpu.vector_load %arg11[%get3A_421, %get3A_422] {strides = array<i32>} : memref<128x128xf32, #tpu.memory_space<vmem>>, vector<1x16xf32>,
        %get3A_424 = vector.shape_cast %get3A_423 : vector<1x16xf32> to vector<16xf32>
        %mul3A_425 = vector.broadcast %squeeze3A_407 : f32 to vector<16xf32>
        %mul3A_426 = arith.mulf %get3A_424, %mul3A_425 : vector<16xf32>
        %swap3A_427 = arith.index_cast %add3A_409 : i32 to index
        %swap3A_428 = arith.constant 16 : index
        %swap3A_429 = tpu.vector_load %arg11[%swap3A_427, %swap3A_428] {strides = array<i32>} : memref<128x128xf32, #tpu.memory_space<vmem>>, vector<1x16xf32>,
        %swap3A_430 = vector.shape_cast %swap3A_429 : vector<1x16xf32> to vector<16xf32>
        %swap3A_431 = vector.shape_cast %mul3A_426 : vector<16xf32> to vector<1x16xf32>
        tpu.vector_store %arg11[%swap3A_427, %swap3A_428], %swap3A_431 {strides = array<i32>} : memref<128x128xf32, #tpu.memory_space<vmem>>, vector<1x16xf32>,
        %get3A_432 = arith.index_cast %add3A_409 : i32 to index
        %get3A_433 = arith.constant 32 : index
        %get3A_434 = tpu.vector_load %arg11[%get3A_432, %get3A_433] {strides = array<i32>} : memref<128x128xf32, #tpu.memory_space<vmem>>, vector<1x16xf32>,
        %get3A_435 = vector.shape_cast %get3A_434 : vector<1x16xf32> to vector<16xf32>
        %mul3A_436 = vector.broadcast %squeeze3A_407 : f32 to vector<16xf32>
        %mul3A_437 = arith.mulf %get3A_435, %mul3A_436 : vector<16xf32>
        %swap3A_438 = arith.index_cast %add3A_409 : i32 to index
        %swap3A_439 = arith.constant 32 : index
        %swap3A_440 = tpu.vector_load %arg11[%swap3A_438, %swap3A_439] {strides = array<i32>} : memref<128x128xf32, #tpu.memory_space<vmem>>, vector<1x16xf32>,
        %swap3A_441 = vector.shape_cast %swap3A_440 : vector<1x16xf32> to vector<16xf32>
        %swap3A_442 = vector.shape_cast %mul3A_437 : vector<16xf32> to vector<1x16xf32>
        tpu.vector_store %arg11[%swap3A_438, %swap3A_439], %swap3A_442 {strides = array<i32>} : memref<128x128xf32, #tpu.memory_space<vmem>>, vector<1x16xf32>,
        %get3A_443 = arith.index_cast %add3A_409 : i32 to index
        %get3A_444 = arith.constant 48 : index
        %get3A_445 = tpu.vector_load %arg11[%get3A_443, %get3A_444] {strides = array<i32>} : memref<128x128xf32, #tpu.memory_space<vmem>>, vector<1x16xf32>,
        %get3A_446 = vector.shape_cast %get3A_445 : vector<1x16xf32> to vector<16xf32>
        %mul3A_447 = vector.broadcast %squeeze3A_407 : f32 to vector<16xf32>
        %mul3A_448 = arith.mulf %get3A_446, %mul3A_447 : vector<16xf32>
        %swap3A_449 = arith.index_cast %add3A_409 : i32 to index
        %swap3A_450 = arith.constant 48 : index
        %swap3A_451 = tpu.vector_load %arg11[%swap3A_449, %swap3A_450] {strides = array<i32>} : memref<128x128xf32, #tpu.memory_space<vmem>>, vector<1x16xf32>,
        %swap3A_452 = vector.shape_cast %swap3A_451 : vector<1x16xf32> to vector<16xf32>
        %swap3A_453 = vector.shape_cast %mul3A_448 : vector<16xf32> to vector<1x16xf32>
        tpu.vector_store %arg11[%swap3A_449, %swap3A_450], %swap3A_453 {strides = array<i32>} : memref<128x128xf32, #tpu.memory_space<vmem>>, vector<1x16xf32>,
        %get3A_454 = arith.index_cast %add3A_409 : i32 to index
        %get3A_455 = arith.constant 64 : index
        %get3A_456 = tpu.vector_load %arg11[%get3A_454, %get3A_455] {strides = array<i32>} : memref<128x128xf32, #tpu.memory_space<vmem>>, vector<1x16xf32>,
        %get3A_457 = vector.shape_cast %get3A_456 : vector<1x16xf32> to vector<16xf32>
        %mul3A_458 = vector.broadcast %squeeze3A_407 : f32 to vector<16xf32>
        %mul3A_459 = arith.mulf %get3A_457, %mul3A_458 : vector<16xf32>
        %swap3A_460 = arith.index_cast %add3A_409 : i32 to index
        %swap3A_461 = arith.constant 64 : index
        %swap3A_462 = tpu.vector_load %arg11[%swap3A_460, %swap3A_461] {strides = array<i32>} : memref<128x128xf32, #tpu.memory_space<vmem>>, vector<1x16xf32>,
        %swap3A_463 = vector.shape_cast %swap3A_462 : vector<1x16xf32> to vector<16xf32>
        %swap3A_464 = vector.shape_cast %mul3A_459 : vector<16xf32> to vector<1x16xf32>
        tpu.vector_store %arg11[%swap3A_460, %swap3A_461], %swap3A_464 {strides = array<i32>} : memref<128x128xf32, #tpu.memory_space<vmem>>, vector<1x16xf32>,
        %get3A_465 = arith.index_cast %add3A_409 : i32 to index
        %get3A_466 = arith.constant 80 : index
        %get3A_467 = tpu.vector_load %arg11[%get3A_465, %get3A_466] {strides = array<i32>} : memref<128x128xf32, #tpu.memory_space<vmem>>, vector<1x16xf32>,
        %get3A_468 = vector.shape_cast %get3A_467 : vector<1x16xf32> to vector<16xf32>
        %mul3A_469 = vector.broadcast %squeeze3A_407 : f32 to vector<16xf32>
        %mul3A_470 = arith.mulf %get3A_468, %mul3A_469 : vector<16xf32>
        %swap3A_471 = arith.index_cast %add3A_409 : i32 to index
        %swap3A_472 = arith.constant 80 : index
        %swap3A_473 = tpu.vector_load %arg11[%swap3A_471, %swap3A_472] {strides = array<i32>} : memref<128x128xf32, #tpu.memory_space<vmem>>, vector<1x16xf32>,
        %swap3A_474 = vector.shape_cast %swap3A_473 : vector<1x16xf32> to vector<16xf32>
        %swap3A_475 = vector.shape_cast %mul3A_470 : vector<16xf32> to vector<1x16xf32>
        tpu.vector_store %arg11[%swap3A_471, %swap3A_472], %swap3A_475 {strides = array<i32>} : memref<128x128xf32, #tpu.memory_space<vmem>>, vector<1x16xf32>,
        %get3A_476 = arith.index_cast %add3A_409 : i32 to index
        %get3A_477 = arith.constant 96 : index
        %get3A_478 = tpu.vector_load %arg11[%get3A_476, %get3A_477] {strides = array<i32>} : memref<128x128xf32, #tpu.memory_space<vmem>>, vector<1x16xf32>,
        %get3A_479 = vector.shape_cast %get3A_478 : vector<1x16xf32> to vector<16xf32>
        %mul3A_480 = vector.broadcast %squeeze3A_407 : f32 to vector<16xf32>
        %mul3A_481 = arith.mulf %get3A_479, %mul3A_480 : vector<16xf32>
        %swap3A_482 = arith.index_cast %add3A_409 : i32 to index
        %swap3A_483 = arith.constant 96 : index
        %swap3A_484 = tpu.vector_load %arg11[%swap3A_482, %swap3A_483] {strides = array<i32>} : memref<128x128xf32, #tpu.memory_space<vmem>>, vector<1x16xf32>,
        %swap3A_485 = vector.shape_cast %swap3A_484 : vector<1x16xf32> to vector<16xf32>
        %swap3A_486 = vector.shape_cast %mul3A_481 : vector<16xf32> to vector<1x16xf32>
        tpu.vector_store %arg11[%swap3A_482, %swap3A_483], %swap3A_486 {strides = array<i32>} : memref<128x128xf32, #tpu.memory_space<vmem>>, vector<1x16xf32>,
        %get3A_487 = arith.index_cast %add3A_409 : i32 to index
        %get3A_488 = arith.constant 112 : index
        %get3A_489 = tpu.vector_load %arg11[%get3A_487, %get3A_488] {strides = array<i32>} : memref<128x128xf32, #tpu.memory_space<vmem>>, vector<1x16xf32>,
        %get3A_490 = vector.shape_cast %get3A_489 : vector<1x16xf32> to vector<16xf32>
        %mul3A_491 = vector.broadcast %squeeze3A_407 : f32 to vector<16xf32>
        %mul3A_492 = arith.mulf %get3A_490, %mul3A_491 : vector<16xf32>
        %swap3A_493 = arith.index_cast %add3A_409 : i32 to index
        %swap3A_494 = arith.constant 112 : index
        %swap3A_495 = tpu.vector_load %arg11[%swap3A_493, %swap3A_494] {strides = array<i32>} : memref<128x128xf32, #tpu.memory_space<vmem>>, vector<1x16xf32>,
        %swap3A_496 = vector.shape_cast %swap3A_495 : vector<1x16xf32> to vector<16xf32>
        %swap3A_497 = vector.shape_cast %mul3A_492 : vector<16xf32> to vector<1x16xf32>
        tpu.vector_store %arg11[%swap3A_493, %swap3A_494], %swap3A_497 {strides = array<i32>} : memref<128x128xf32, #tpu.memory_space<vmem>>, vector<1x16xf32>,
        %slice3A_498 = vector.extract_strided_slice %get3A_38 {offsets = [5], sizes = [1], strides = [1]} : vector<16xf32> to vector<1xf32>
        %squeeze3A_499 = vector.extract %slice3A_498[0] : f32 from vector<1xf32>
        %add3A_500 = arith.constant 5 : i32
        %add3A_501 = arith.addi %mul3A_40, %add3A_500 : i32
        %get3A_502 = arith.index_cast %add3A_501 : i32 to index
        %get3A_503 = arith.constant 0 : index
        %get3A_504 = tpu.vector_load %arg11[%get3A_502, %get3A_503] {strides = array<i32>} : memref<128x128xf32, #tpu.memory_space<vmem>>, vector<1x16xf32>,
        %get3A_505 = vector.shape_cast %get3A_504 : vector<1x16xf32> to vector<16xf32>
        %mul3A_506 = vector.broadcast %squeeze3A_499 : f32 to vector<16xf32>
        %mul3A_507 = arith.mulf %get3A_505, %mul3A_506 : vector<16xf32>
        %swap3A_508 = arith.index_cast %add3A_501 : i32 to index
        %swap3A_509 = arith.constant 0 : index
        %swap3A_510 = tpu.vector_load %arg11[%swap3A_508, %swap3A_509] {strides = array<i32>} : memref<128x128xf32, #tpu.memory_space<vmem>>, vector<1x16xf32>,
        %swap3A_511 = vector.shape_cast %swap3A_510 : vector<1x16xf32> to vector<16xf32>
        %swap3A_512 = vector.shape_cast %mul3A_507 : vector<16xf32> to vector<1x16xf32>
        tpu.vector_store %arg11[%swap3A_508, %swap3A_509], %swap3A_512 {strides = array<i32>} : memref<128x128xf32, #tpu.memory_space<vmem>>, vector<1x16xf32>,
        %get3A_513 = arith.index_cast %add3A_501 : i32 to index
        %get3A_514 = arith.constant 16 : index
        %get3A_515 = tpu.vector_load %arg11[%get3A_513, %get3A_514] {strides = array<i32>} : memref<128x128xf32, #tpu.memory_space<vmem>>, vector<1x16xf32>,
        %get3A_516 = vector.shape_cast %get3A_515 : vector<1x16xf32> to vector<16xf32>
        %mul3A_517 = vector.broadcast %squeeze3A_499 : f32 to vector<16xf32>
        %mul3A_518 = arith.mulf %get3A_516, %mul3A_517 : vector<16xf32>
        %swap3A_519 = arith.index_cast %add3A_501 : i32 to index
        %swap3A_520 = arith.constant 16 : index
        %swap3A_521 = tpu.vector_load %arg11[%swap3A_519, %swap3A_520] {strides = array<i32>} : memref<128x128xf32, #tpu.memory_space<vmem>>, vector<1x16xf32>,
        %swap3A_522 = vector.shape_cast %swap3A_521 : vector<1x16xf32> to vector<16xf32>
        %swap3A_523 = vector.shape_cast %mul3A_518 : vector<16xf32> to vector<1x16xf32>
        tpu.vector_store %arg11[%swap3A_519, %swap3A_520], %swap3A_523 {strides = array<i32>} : memref<128x128xf32, #tpu.memory_space<vmem>>, vector<1x16xf32>,
        %get3A_524 = arith.index_cast %add3A_501 : i32 to index
        %get3A_525 = arith.constant 32 : index
        %get3A_526 = tpu.vector_load %arg11[%get3A_524, %get3A_525] {strides = array<i32>} : memref<128x128xf32, #tpu.memory_space<vmem>>, vector<1x16xf32>,
        %get3A_527 = vector.shape_cast %get3A_526 : vector<1x16xf32> to vector<16xf32>
        %mul3A_528 = vector.broadcast %squeeze3A_499 : f32 to vector<16xf32>
        %mul3A_529 = arith.mulf %get3A_527, %mul3A_528 : vector<16xf32>
        %swap3A_530 = arith.index_cast %add3A_501 : i32 to index
        %swap3A_531 = arith.constant 32 : index
        %swap3A_532 = tpu.vector_load %arg11[%swap3A_530, %swap3A_531] {strides = array<i32>} : memref<128x128xf32, #tpu.memory_space<vmem>>, vector<1x16xf32>,
        %swap3A_533 = vector.shape_cast %swap3A_532 : vector<1x16xf32> to vector<16xf32>
        %swap3A_534 = vector.shape_cast %mul3A_529 : vector<16xf32> to vector<1x16xf32>
        tpu.vector_store %arg11[%swap3A_530, %swap3A_531], %swap3A_534 {strides = array<i32>} : memref<128x128xf32, #tpu.memory_space<vmem>>, vector<1x16xf32>,
        %get3A_535 = arith.index_cast %add3A_501 : i32 to index
        %get3A_536 = arith.constant 48 : index
        %get3A_537 = tpu.vector_load %arg11[%get3A_535, %get3A_536] {strides = array<i32>} : memref<128x128xf32, #tpu.memory_space<vmem>>, vector<1x16xf32>,
        %get3A_538 = vector.shape_cast %get3A_537 : vector<1x16xf32> to vector<16xf32>
        %mul3A_539 = vector.broadcast %squeeze3A_499 : f32 to vector<16xf32>
        %mul3A_540 = arith.mulf %get3A_538, %mul3A_539 : vector<16xf32>
        %swap3A_541 = arith.index_cast %add3A_501 : i32 to index
        %swap3A_542 = arith.constant 48 : index
        %swap3A_543 = tpu.vector_load %arg11[%swap3A_541, %swap3A_542] {strides = array<i32>} : memref<128x128xf32, #tpu.memory_space<vmem>>, vector<1x16xf32>,
        %swap3A_544 = vector.shape_cast %swap3A_543 : vector<1x16xf32> to vector<16xf32>
        %swap3A_545 = vector.shape_cast %mul3A_540 : vector<16xf32> to vector<1x16xf32>
        tpu.vector_store %arg11[%swap3A_541, %swap3A_542], %swap3A_545 {strides = array<i32>} : memref<128x128xf32, #tpu.memory_space<vmem>>, vector<1x16xf32>,
        %get3A_546 = arith.index_cast %add3A_501 : i32 to index
        %get3A_547 = arith.constant 64 : index
        %get3A_548 = tpu.vector_load %arg11[%get3A_546, %get3A_547] {strides = array<i32>} : memref<128x128xf32, #tpu.memory_space<vmem>>, vector<1x16xf32>,
        %get3A_549 = vector.shape_cast %get3A_548 : vector<1x16xf32> to vector<16xf32>
        %mul3A_550 = vector.broadcast %squeeze3A_499 : f32 to vector<16xf32>
        %mul3A_551 = arith.mulf %get3A_549, %mul3A_550 : vector<16xf32>
        %swap3A_552 = arith.index_cast %add3A_501 : i32 to index
        %swap3A_553 = arith.constant 64 : index
        %swap3A_554 = tpu.vector_load %arg11[%swap3A_552, %swap3A_553] {strides = array<i32>} : memref<128x128xf32, #tpu.memory_space<vmem>>, vector<1x16xf32>,
        %swap3A_555 = vector.shape_cast %swap3A_554 : vector<1x16xf32> to vector<16xf32>
        %swap3A_556 = vector.shape_cast %mul3A_551 : vector<16xf32> to vector<1x16xf32>
        tpu.vector_store %arg11[%swap3A_552, %swap3A_553], %swap3A_556 {strides = array<i32>} : memref<128x128xf32, #tpu.memory_space<vmem>>, vector<1x16xf32>,
        %get3A_557 = arith.index_cast %add3A_501 : i32 to index
        %get3A_558 = arith.constant 80 : index
        %get3A_559 = tpu.vector_load %arg11[%get3A_557, %get3A_558] {strides = array<i32>} : memref<128x128xf32, #tpu.memory_space<vmem>>, vector<1x16xf32>,
        %get3A_560 = vector.shape_cast %get3A_559 : vector<1x16xf32> to vector<16xf32>
        %mul3A_561 = vector.broadcast %squeeze3A_499 : f32 to vector<16xf32>
        %mul3A_562 = arith.mulf %get3A_560, %mul3A_561 : vector<16xf32>
        %swap3A_563 = arith.index_cast %add3A_501 : i32 to index
        %swap3A_564 = arith.constant 80 : index
        %swap3A_565 = tpu.vector_load %arg11[%swap3A_563, %swap3A_564] {strides = array<i32>} : memref<128x128xf32, #tpu.memory_space<vmem>>, vector<1x16xf32>,
        %swap3A_566 = vector.shape_cast %swap3A_565 : vector<1x16xf32> to vector<16xf32>
        %swap3A_567 = vector.shape_cast %mul3A_562 : vector<16xf32> to vector<1x16xf32>
        tpu.vector_store %arg11[%swap3A_563, %swap3A_564], %swap3A_567 {strides = array<i32>} : memref<128x128xf32, #tpu.memory_space<vmem>>, vector<1x16xf32>,
        %get3A_568 = arith.index_cast %add3A_501 : i32 to index
        %get3A_569 = arith.constant 96 : index
        %get3A_570 = tpu.vector_load %arg11[%get3A_568, %get3A_569] {strides = array<i32>} : memref<128x128xf32, #tpu.memory_space<vmem>>, vector<1x16xf32>,
        %get3A_571 = vector.shape_cast %get3A_570 : vector<1x16xf32> to vector<16xf32>
        %mul3A_572 = vector.broadcast %squeeze3A_499 : f32 to vector<16xf32>
        %mul3A_573 = arith.mulf %get3A_571, %mul3A_572 : vector<16xf32>
        %swap3A_574 = arith.index_cast %add3A_501 : i32 to index
        %swap3A_575 = arith.constant 96 : index
        %swap3A_576 = tpu.vector_load %arg11[%swap3A_574, %swap3A_575] {strides = array<i32>} : memref<128x128xf32, #tpu.memory_space<vmem>>, vector<1x16xf32>,
        %swap3A_577 = vector.shape_cast %swap3A_576 : vector<1x16xf32> to vector<16xf32>
        %swap3A_578 = vector.shape_cast %mul3A_573 : vector<16xf32> to vector<1x16xf32>
        tpu.vector_store %arg11[%swap3A_574, %swap3A_575], %swap3A_578 {strides = array<i32>} : memref<128x128xf32, #tpu.memory_space<vmem>>, vector<1x16xf32>,
        %get3A_579 = arith.index_cast %add3A_501 : i32 to index
        %get3A_580 = arith.constant 112 : index
        %get3A_581 = tpu.vector_load %arg11[%get3A_579, %get3A_580] {strides = array<i32>} : memref<128x128xf32, #tpu.memory_space<vmem>>, vector<1x16xf32>,
        %get3A_582 = vector.shape_cast %get3A_581 : vector<1x16xf32> to vector<16xf32>
        %mul3A_583 = vector.broadcast %squeeze3A_499 : f32 to vector<16xf32>
        %mul3A_584 = arith.mulf %get3A_582, %mul3A_583 : vector<16xf32>
        %swap3A_585 = arith.index_cast %add3A_501 : i32 to index
        %swap3A_586 = arith.constant 112 : index
        %swap3A_587 = tpu.vector_load %arg11[%swap3A_585, %swap3A_586] {strides = array<i32>} : memref<128x128xf32, #tpu.memory_space<vmem>>, vector<1x16xf32>,
        %swap3A_588 = vector.shape_cast %swap3A_587 : vector<1x16xf32> to vector<16xf32>
        %swap3A_589 = vector.shape_cast %mul3A_584 : vector<16xf32> to vector<1x16xf32>
        tpu.vector_store %arg11[%swap3A_585, %swap3A_586], %swap3A_589 {strides = array<i32>} : memref<128x128xf32, #tpu.memory_space<vmem>>, vector<1x16xf32>,
        %slice3A_590 = vector.extract_strided_slice %get3A_38 {offsets = [6], sizes = [1], strides = [1]} : vector<16xf32> to vector<1xf32>
        %squeeze3A_591 = vector.extract %slice3A_590[0] : f32 from vector<1xf32>
        %add3A_592 = arith.constant 6 : i32
        %add3A_593 = arith.addi %mul3A_40, %add3A_592 : i32
        %get3A_594 = arith.index_cast %add3A_593 : i32 to index
        %get3A_595 = arith.constant 0 : index
        %get3A_596 = tpu.vector_load %arg11[%get3A_594, %get3A_595] {strides = array<i32>} : memref<128x128xf32, #tpu.memory_space<vmem>>, vector<1x16xf32>,
        %get3A_597 = vector.shape_cast %get3A_596 : vector<1x16xf32> to vector<16xf32>
        %mul3A_598 = vector.broadcast %squeeze3A_591 : f32 to vector<16xf32>
        %mul3A_599 = arith.mulf %get3A_597, %mul3A_598 : vector<16xf32>
        %swap3A_600 = arith.index_cast %add3A_593 : i32 to index
        %swap3A_601 = arith.constant 0 : index
        %swap3A_602 = tpu.vector_load %arg11[%swap3A_600, %swap3A_601] {strides = array<i32>} : memref<128x128xf32, #tpu.memory_space<vmem>>, vector<1x16xf32>,
        %swap3A_603 = vector.shape_cast %swap3A_602 : vector<1x16xf32> to vector<16xf32>
        %swap3A_604 = vector.shape_cast %mul3A_599 : vector<16xf32> to vector<1x16xf32>
        tpu.vector_store %arg11[%swap3A_600, %swap3A_601], %swap3A_604 {strides = array<i32>} : memref<128x128xf32, #tpu.memory_space<vmem>>, vector<1x16xf32>,
        %get3A_605 = arith.index_cast %add3A_593 : i32 to index
        %get3A_606 = arith.constant 16 : index
        %get3A_607 = tpu.vector_load %arg11[%get3A_605, %get3A_606] {strides = array<i32>} : memref<128x128xf32, #tpu.memory_space<vmem>>, vector<1x16xf32>,
        %get3A_608 = vector.shape_cast %get3A_607 : vector<1x16xf32> to vector<16xf32>
        %mul3A_609 = vector.broadcast %squeeze3A_591 : f32 to vector<16xf32>
        %mul3A_610 = arith.mulf %get3A_608, %mul3A_609 : vector<16xf32>
        %swap3A_611 = arith.index_cast %add3A_593 : i32 to index
        %swap3A_612 = arith.constant 16 : index
        %swap3A_613 = tpu.vector_load %arg11[%swap3A_611, %swap3A_612] {strides = array<i32>} : memref<128x128xf32, #tpu.memory_space<vmem>>, vector<1x16xf32>,
        %swap3A_614 = vector.shape_cast %swap3A_613 : vector<1x16xf32> to vector<16xf32>
        %swap3A_615 = vector.shape_cast %mul3A_610 : vector<16xf32> to vector<1x16xf32>
        tpu.vector_store %arg11[%swap3A_611, %swap3A_612], %swap3A_615 {strides = array<i32>} : memref<128x128xf32, #tpu.memory_space<vmem>>, vector<1x16xf32>,
        %get3A_616 = arith.index_cast %add3A_593 : i32 to index
        %get3A_617 = arith.constant 32 : index
        %get3A_618 = tpu.vector_load %arg11[%get3A_616, %get3A_617] {strides = array<i32>} : memref<128x128xf32, #tpu.memory_space<vmem>>, vector<1x16xf32>,
        %get3A_619 = vector.shape_cast %get3A_618 : vector<1x16xf32> to vector<16xf32>
        %mul3A_620 = vector.broadcast %squeeze3A_591 : f32 to vector<16xf32>
        %mul3A_621 = arith.mulf %get3A_619, %mul3A_620 : vector<16xf32>
        %swap3A_622 = arith.index_cast %add3A_593 : i32 to index
        %swap3A_623 = arith.constant 32 : index
        %swap3A_624 = tpu.vector_load %arg11[%swap3A_622, %swap3A_623] {strides = array<i32>} : memref<128x128xf32, #tpu.memory_space<vmem>>, vector<1x16xf32>,
        %swap3A_625 = vector.shape_cast %swap3A_624 : vector<1x16xf32> to vector<16xf32>
        %swap3A_626 = vector.shape_cast %mul3A_621 : vector<16xf32> to vector<1x16xf32>
        tpu.vector_store %arg11[%swap3A_622, %swap3A_623], %swap3A_626 {strides = array<i32>} : memref<128x128xf32, #tpu.memory_space<vmem>>, vector<1x16xf32>,
        %get3A_627 = arith.index_cast %add3A_593 : i32 to index
        %get3A_628 = arith.constant 48 : index
        %get3A_629 = tpu.vector_load %arg11[%get3A_627, %get3A_628] {strides = array<i32>} : memref<128x128xf32, #tpu.memory_space<vmem>>, vector<1x16xf32>,
        %get3A_630 = vector.shape_cast %get3A_629 : vector<1x16xf32> to vector<16xf32>
        %mul3A_631 = vector.broadcast %squeeze3A_591 : f32 to vector<16xf32>
        %mul3A_632 = arith.mulf %get3A_630, %mul3A_631 : vector<16xf32>
        %swap3A_633 = arith.index_cast %add3A_593 : i32 to index
        %swap3A_634 = arith.constant 48 : index
        %swap3A_635 = tpu.vector_load %arg11[%swap3A_633, %swap3A_634] {strides = array<i32>} : memref<128x128xf32, #tpu.memory_space<vmem>>, vector<1x16xf32>,
        %swap3A_636 = vector.shape_cast %swap3A_635 : vector<1x16xf32> to vector<16xf32>
        %swap3A_637 = vector.shape_cast %mul3A_632 : vector<16xf32> to vector<1x16xf32>
        tpu.vector_store %arg11[%swap3A_633, %swap3A_634], %swap3A_637 {strides = array<i32>} : memref<128x128xf32, #tpu.memory_space<vmem>>, vector<1x16xf32>,
        %get3A_638 = arith.index_cast %add3A_593 : i32 to index
        %get3A_639 = arith.constant 64 : index
        %get3A_640 = tpu.vector_load %arg11[%get3A_638, %get3A_639] {strides = array<i32>} : memref<128x128xf32, #tpu.memory_space<vmem>>, vector<1x16xf32>,
        %get3A_641 = vector.shape_cast %get3A_640 : vector<1x16xf32> to vector<16xf32>
        %mul3A_642 = vector.broadcast %squeeze3A_591 : f32 to vector<16xf32>
        %mul3A_643 = arith.mulf %get3A_641, %mul3A_642 : vector<16xf32>
        %swap3A_644 = arith.index_cast %add3A_593 : i32 to index
        %swap3A_645 = arith.constant 64 : index
        %swap3A_646 = tpu.vector_load %arg11[%swap3A_644, %swap3A_645] {strides = array<i32>} : memref<128x128xf32, #tpu.memory_space<vmem>>, vector<1x16xf32>,
        %swap3A_647 = vector.shape_cast %swap3A_646 : vector<1x16xf32> to vector<16xf32>
        %swap3A_648 = vector.shape_cast %mul3A_643 : vector<16xf32> to vector<1x16xf32>
        tpu.vector_store %arg11[%swap3A_644, %swap3A_645], %swap3A_648 {strides = array<i32>} : memref<128x128xf32, #tpu.memory_space<vmem>>, vector<1x16xf32>,
        %get3A_649 = arith.index_cast %add3A_593 : i32 to index
        %get3A_650 = arith.constant 80 : index
        %get3A_651 = tpu.vector_load %arg11[%get3A_649, %get3A_650] {strides = array<i32>} : memref<128x128xf32, #tpu.memory_space<vmem>>, vector<1x16xf32>,
        %get3A_652 = vector.shape_cast %get3A_651 : vector<1x16xf32> to vector<16xf32>
        %mul3A_653 = vector.broadcast %squeeze3A_591 : f32 to vector<16xf32>
        %mul3A_654 = arith.mulf %get3A_652, %mul3A_653 : vector<16xf32>
        %swap3A_655 = arith.index_cast %add3A_593 : i32 to index
        %swap3A_656 = arith.constant 80 : index
        %swap3A_657 = tpu.vector_load %arg11[%swap3A_655, %swap3A_656] {strides = array<i32>} : memref<128x128xf32, #tpu.memory_space<vmem>>, vector<1x16xf32>,
        %swap3A_658 = vector.shape_cast %swap3A_657 : vector<1x16xf32> to vector<16xf32>
        %swap3A_659 = vector.shape_cast %mul3A_654 : vector<16xf32> to vector<1x16xf32>
        tpu.vector_store %arg11[%swap3A_655, %swap3A_656], %swap3A_659 {strides = array<i32>} : memref<128x128xf32, #tpu.memory_space<vmem>>, vector<1x16xf32>,
        %get3A_660 = arith.index_cast %add3A_593 : i32 to index
        %get3A_661 = arith.constant 96 : index
        %get3A_662 = tpu.vector_load %arg11[%get3A_660, %get3A_661] {strides = array<i32>} : memref<128x128xf32, #tpu.memory_space<vmem>>, vector<1x16xf32>,
        %get3A_663 = vector.shape_cast %get3A_662 : vector<1x16xf32> to vector<16xf32>
        %mul3A_664 = vector.broadcast %squeeze3A_591 : f32 to vector<16xf32>
        %mul3A_665 = arith.mulf %get3A_663, %mul3A_664 : vector<16xf32>
        %swap3A_666 = arith.index_cast %add3A_593 : i32 to index
        %swap3A_667 = arith.constant 96 : index
        %swap3A_668 = tpu.vector_load %arg11[%swap3A_666, %swap3A_667] {strides = array<i32>} : memref<128x128xf32, #tpu.memory_space<vmem>>, vector<1x16xf32>,
        %swap3A_669 = vector.shape_cast %swap3A_668 : vector<1x16xf32> to vector<16xf32>
        %swap3A_670 = vector.shape_cast %mul3A_665 : vector<16xf32> to vector<1x16xf32>
        tpu.vector_store %arg11[%swap3A_666, %swap3A_667], %swap3A_670 {strides = array<i32>} : memref<128x128xf32, #tpu.memory_space<vmem>>, vector<1x16xf32>,
        %get3A_671 = arith.index_cast %add3A_593 : i32 to index
        %get3A_672 = arith.constant 112 : index
        %get3A_673 = tpu.vector_load %arg11[%get3A_671, %get3A_672] {strides = array<i32>} : memref<128x128xf32, #tpu.memory_space<vmem>>, vector<1x16xf32>,
        %get3A_674 = vector.shape_cast %get3A_673 : vector<1x16xf32> to vector<16xf32>
        %mul3A_675 = vector.broadcast %squeeze3A_591 : f32 to vector<16xf32>
        %mul3A_676 = arith.mulf %get3A_674, %mul3A_675 : vector<16xf32>
        %swap3A_677 = arith.index_cast %add3A_593 : i32 to index
        %swap3A_678 = arith.constant 112 : index
        %swap3A_679 = tpu.vector_load %arg11[%swap3A_677, %swap3A_678] {strides = array<i32>} : memref<128x128xf32, #tpu.memory_space<vmem>>, vector<1x16xf32>,
        %swap3A_680 = vector.shape_cast %swap3A_679 : vector<1x16xf32> to vector<16xf32>
        %swap3A_681 = vector.shape_cast %mul3A_676 : vector<16xf32> to vector<1x16xf32>
        tpu.vector_store %arg11[%swap3A_677, %swap3A_678], %swap3A_681 {strides = array<i32>} : memref<128x128xf32, #tpu.memory_space<vmem>>, vector<1x16xf32>,
        %slice3A_682 = vector.extract_strided_slice %get3A_38 {offsets = [7], sizes = [1], strides = [1]} : vector<16xf32> to vector<1xf32>
        %squeeze3A_683 = vector.extract %slice3A_682[0] : f32 from vector<1xf32>
        %add3A_684 = arith.constant 7 : i32
        %add3A_685 = arith.addi %mul3A_40, %add3A_684 : i32
        %get3A_686 = arith.index_cast %add3A_685 : i32 to index
        %get3A_687 = arith.constant 0 : index
        %get3A_688 = tpu.vector_load %arg11[%get3A_686, %get3A_687] {strides = array<i32>} : memref<128x128xf32, #tpu.memory_space<vmem>>, vector<1x16xf32>,
        %get3A_689 = vector.shape_cast %get3A_688 : vector<1x16xf32> to vector<16xf32>
        %mul3A_690 = vector.broadcast %squeeze3A_683 : f32 to vector<16xf32>
        %mul3A_691 = arith.mulf %get3A_689, %mul3A_690 : vector<16xf32>
        %swap3A_692 = arith.index_cast %add3A_685 : i32 to index
        %swap3A_693 = arith.constant 0 : index
        %swap3A_694 = tpu.vector_load %arg11[%swap3A_692, %swap3A_693] {strides = array<i32>} : memref<128x128xf32, #tpu.memory_space<vmem>>, vector<1x16xf32>,
        %swap3A_695 = vector.shape_cast %swap3A_694 : vector<1x16xf32> to vector<16xf32>
        %swap3A_696 = vector.shape_cast %mul3A_691 : vector<16xf32> to vector<1x16xf32>
        tpu.vector_store %arg11[%swap3A_692, %swap3A_693], %swap3A_696 {strides = array<i32>} : memref<128x128xf32, #tpu.memory_space<vmem>>, vector<1x16xf32>,
        %get3A_697 = arith.index_cast %add3A_685 : i32 to index
        %get3A_698 = arith.constant 16 : index
        %get3A_699 = tpu.vector_load %arg11[%get3A_697, %get3A_698] {strides = array<i32>} : memref<128x128xf32, #tpu.memory_space<vmem>>, vector<1x16xf32>,
        %get3A_700 = vector.shape_cast %get3A_699 : vector<1x16xf32> to vector<16xf32>
        %mul3A_701 = vector.broadcast %squeeze3A_683 : f32 to vector<16xf32>
        %mul3A_702 = arith.mulf %get3A_700, %mul3A_701 : vector<16xf32>
        %swap3A_703 = arith.index_cast %add3A_685 : i32 to index
        %swap3A_704 = arith.constant 16 : index
        %swap3A_705 = tpu.vector_load %arg11[%swap3A_703, %swap3A_704] {strides = array<i32>} : memref<128x128xf32, #tpu.memory_space<vmem>>, vector<1x16xf32>,
        %swap3A_706 = vector.shape_cast %swap3A_705 : vector<1x16xf32> to vector<16xf32>
        %swap3A_707 = vector.shape_cast %mul3A_702 : vector<16xf32> to vector<1x16xf32>
        tpu.vector_store %arg11[%swap3A_703, %swap3A_704], %swap3A_707 {strides = array<i32>} : memref<128x128xf32, #tpu.memory_space<vmem>>, vector<1x16xf32>,
        %get3A_708 = arith.index_cast %add3A_685 : i32 to index
        %get3A_709 = arith.constant 32 : index
        %get3A_710 = tpu.vector_load %arg11[%get3A_708, %get3A_709] {strides = array<i32>} : memref<128x128xf32, #tpu.memory_space<vmem>>, vector<1x16xf32>,
        %get3A_711 = vector.shape_cast %get3A_710 : vector<1x16xf32> to vector<16xf32>
        %mul3A_712 = vector.broadcast %squeeze3A_683 : f32 to vector<16xf32>
        %mul3A_713 = arith.mulf %get3A_711, %mul3A_712 : vector<16xf32>
        %swap3A_714 = arith.index_cast %add3A_685 : i32 to index
        %swap3A_715 = arith.constant 32 : index
        %swap3A_716 = tpu.vector_load %arg11[%swap3A_714, %swap3A_715] {strides = array<i32>} : memref<128x128xf32, #tpu.memory_space<vmem>>, vector<1x16xf32>,
        %swap3A_717 = vector.shape_cast %swap3A_716 : vector<1x16xf32> to vector<16xf32>
        %swap3A_718 = vector.shape_cast %mul3A_713 : vector<16xf32> to vector<1x16xf32>
        tpu.vector_store %arg11[%swap3A_714, %swap3A_715], %swap3A_718 {strides = array<i32>} : memref<128x128xf32, #tpu.memory_space<vmem>>, vector<1x16xf32>,
        %get3A_719 = arith.index_cast %add3A_685 : i32 to index
        %get3A_720 = arith.constant 48 : index
        %get3A_721 = tpu.vector_load %arg11[%get3A_719, %get3A_720] {strides = array<i32>} : memref<128x128xf32, #tpu.memory_space<vmem>>, vector<1x16xf32>,
        %get3A_722 = vector.shape_cast %get3A_721 : vector<1x16xf32> to vector<16xf32>
        %mul3A_723 = vector.broadcast %squeeze3A_683 : f32 to vector<16xf32>
        %mul3A_724 = arith.mulf %get3A_722, %mul3A_723 : vector<16xf32>
        %swap3A_725 = arith.index_cast %add3A_685 : i32 to index
        %swap3A_726 = arith.constant 48 : index
        %swap3A_727 = tpu.vector_load %arg11[%swap3A_725, %swap3A_726] {strides = array<i32>} : memref<128x128xf32, #tpu.memory_space<vmem>>, vector<1x16xf32>,
        %swap3A_728 = vector.shape_cast %swap3A_727 : vector<1x16xf32> to vector<16xf32>
        %swap3A_729 = vector.shape_cast %mul3A_724 : vector<16xf32> to vector<1x16xf32>
        tpu.vector_store %arg11[%swap3A_725, %swap3A_726], %swap3A_729 {strides = array<i32>} : memref<128x128xf32, #tpu.memory_space<vmem>>, vector<1x16xf32>,
        %get3A_730 = arith.index_cast %add3A_685 : i32 to index
        %get3A_731 = arith.constant 64 : index
        %get3A_732 = tpu.vector_load %arg11[%get3A_730, %get3A_731] {strides = array<i32>} : memref<128x128xf32, #tpu.memory_space<vmem>>, vector<1x16xf32>,
        %get3A_733 = vector.shape_cast %get3A_732 : vector<1x16xf32> to vector<16xf32>
        %mul3A_734 = vector.broadcast %squeeze3A_683 : f32 to vector<16xf32>
        %mul3A_735 = arith.mulf %get3A_733, %mul3A_734 : vector<16xf32>
        %swap3A_736 = arith.index_cast %add3A_685 : i32 to index
        %swap3A_737 = arith.constant 64 : index
        %swap3A_738 = tpu.vector_load %arg11[%swap3A_736, %swap3A_737] {strides = array<i32>} : memref<128x128xf32, #tpu.memory_space<vmem>>, vector<1x16xf32>,
        %swap3A_739 = vector.shape_cast %swap3A_738 : vector<1x16xf32> to vector<16xf32>
        %swap3A_740 = vector.shape_cast %mul3A_735 : vector<16xf32> to vector<1x16xf32>
        tpu.vector_store %arg11[%swap3A_736, %swap3A_737], %swap3A_740 {strides = array<i32>} : memref<128x128xf32, #tpu.memory_space<vmem>>, vector<1x16xf32>,
        %get3A_741 = arith.index_cast %add3A_685 : i32 to index
        %get3A_742 = arith.constant 80 : index
        %get3A_743 = tpu.vector_load %arg11[%get3A_741, %get3A_742] {strides = array<i32>} : memref<128x128xf32, #tpu.memory_space<vmem>>, vector<1x16xf32>,
        %get3A_744 = vector.shape_cast %get3A_743 : vector<1x16xf32> to vector<16xf32>
        %mul3A_745 = vector.broadcast %squeeze3A_683 : f32 to vector<16xf32>
        %mul3A_746 = arith.mulf %get3A_744, %mul3A_745 : vector<16xf32>
        %swap3A_747 = arith.index_cast %add3A_685 : i32 to index
        %swap3A_748 = arith.constant 80 : index
        %swap3A_749 = tpu.vector_load %arg11[%swap3A_747, %swap3A_748] {strides = array<i32>} : memref<128x128xf32, #tpu.memory_space<vmem>>, vector<1x16xf32>,
        %swap3A_750 = vector.shape_cast %swap3A_749 : vector<1x16xf32> to vector<16xf32>
        %swap3A_751 = vector.shape_cast %mul3A_746 : vector<16xf32> to vector<1x16xf32>
        tpu.vector_store %arg11[%swap3A_747, %swap3A_748], %swap3A_751 {strides = array<i32>} : memref<128x128xf32, #tpu.memory_space<vmem>>, vector<1x16xf32>,
        %get3A_752 = arith.index_cast %add3A_685 : i32 to index
        %get3A_753 = arith.constant 96 : index
        %get3A_754 = tpu.vector_load %arg11[%get3A_752, %get3A_753] {strides = array<i32>} : memref<128x128xf32, #tpu.memory_space<vmem>>, vector<1x16xf32>,
        %get3A_755 = vector.shape_cast %get3A_754 : vector<1x16xf32> to vector<16xf32>
        %mul3A_756 = vector.broadcast %squeeze3A_683 : f32 to vector<16xf32>
        %mul3A_757 = arith.mulf %get3A_755, %mul3A_756 : vector<16xf32>
        %swap3A_758 = arith.index_cast %add3A_685 : i32 to index
        %swap3A_759 = arith.constant 96 : index
        %swap3A_760 = tpu.vector_load %arg11[%swap3A_758, %swap3A_759] {strides = array<i32>} : memref<128x128xf32, #tpu.memory_space<vmem>>, vector<1x16xf32>,
        %swap3A_761 = vector.shape_cast %swap3A_760 : vector<1x16xf32> to vector<16xf32>
        %swap3A_762 = vector.shape_cast %mul3A_757 : vector<16xf32> to vector<1x16xf32>
        tpu.vector_store %arg11[%swap3A_758, %swap3A_759], %swap3A_762 {strides = array<i32>} : memref<128x128xf32, #tpu.memory_space<vmem>>, vector<1x16xf32>,
        %get3A_763 = arith.index_cast %add3A_685 : i32 to index
        %get3A_764 = arith.constant 112 : index
        %get3A_765 = tpu.vector_load %arg11[%get3A_763, %get3A_764] {strides = array<i32>} : memref<128x128xf32, #tpu.memory_space<vmem>>, vector<1x16xf32>,
        %get3A_766 = vector.shape_cast %get3A_765 : vector<1x16xf32> to vector<16xf32>
        %mul3A_767 = vector.broadcast %squeeze3A_683 : f32 to vector<16xf32>
        %mul3A_768 = arith.mulf %get3A_766, %mul3A_767 : vector<16xf32>
        %swap3A_769 = arith.index_cast %add3A_685 : i32 to index
        %swap3A_770 = arith.constant 112 : index
        %swap3A_771 = tpu.vector_load %arg11[%swap3A_769, %swap3A_770] {strides = array<i32>} : memref<128x128xf32, #tpu.memory_space<vmem>>, vector<1x16xf32>,
        %swap3A_772 = vector.shape_cast %swap3A_771 : vector<1x16xf32> to vector<16xf32>
        %swap3A_773 = vector.shape_cast %mul3A_768 : vector<16xf32> to vector<1x16xf32>
        tpu.vector_store %arg11[%swap3A_769, %swap3A_770], %swap3A_773 {strides = array<i32>} : memref<128x128xf32, #tpu.memory_space<vmem>>, vector<1x16xf32>,
        %slice3A_774 = vector.extract_strided_slice %get3A_38 {offsets = [8], sizes = [1], strides = [1]} : vector<16xf32> to vector<1xf32>
        %squeeze3A_775 = vector.extract %slice3A_774[0] : f32 from vector<1xf32>
        %add3A_776 = arith.constant 8 : i32
        %add3A_777 = arith.addi %mul3A_40, %add3A_776 : i32
        %get3A_778 = arith.index_cast %add3A_777 : i32 to index
        %get3A_779 = arith.constant 0 : index
        %get3A_780 = tpu.vector_load %arg11[%get3A_778, %get3A_779] {strides = array<i32>} : memref<128x128xf32, #tpu.memory_space<vmem>>, vector<1x16xf32>,
        %get3A_781 = vector.shape_cast %get3A_780 : vector<1x16xf32> to vector<16xf32>
        %mul3A_782 = vector.broadcast %squeeze3A_775 : f32 to vector<16xf32>
        %mul3A_783 = arith.mulf %get3A_781, %mul3A_782 : vector<16xf32>
        %swap3A_784 = arith.index_cast %add3A_777 : i32 to index
        %swap3A_785 = arith.constant 0 : index
        %swap3A_786 = tpu.vector_load %arg11[%swap3A_784, %swap3A_785] {strides = array<i32>} : memref<128x128xf32, #tpu.memory_space<vmem>>, vector<1x16xf32>,
        %swap3A_787 = vector.shape_cast %swap3A_786 : vector<1x16xf32> to vector<16xf32>
        %swap3A_788 = vector.shape_cast %mul3A_783 : vector<16xf32> to vector<1x16xf32>
        tpu.vector_store %arg11[%swap3A_784, %swap3A_785], %swap3A_788 {strides = array<i32>} : memref<128x128xf32, #tpu.memory_space<vmem>>, vector<1x16xf32>,
        %get3A_789 = arith.index_cast %add3A_777 : i32 to index
        %get3A_790 = arith.constant 16 : index
        %get3A_791 = tpu.vector_load %arg11[%get3A_789, %get3A_790] {strides = array<i32>} : memref<128x128xf32, #tpu.memory_space<vmem>>, vector<1x16xf32>,
        %get3A_792 = vector.shape_cast %get3A_791 : vector<1x16xf32> to vector<16xf32>
        %mul3A_793 = vector.broadcast %squeeze3A_775 : f32 to vector<16xf32>
        %mul3A_794 = arith.mulf %get3A_792, %mul3A_793 : vector<16xf32>
        %swap3A_795 = arith.index_cast %add3A_777 : i32 to index
        %swap3A_796 = arith.constant 16 : index
        %swap3A_797 = tpu.vector_load %arg11[%swap3A_795, %swap3A_796] {strides = array<i32>} : memref<128x128xf32, #tpu.memory_space<vmem>>, vector<1x16xf32>,
        %swap3A_798 = vector.shape_cast %swap3A_797 : vector<1x16xf32> to vector<16xf32>
        %swap3A_799 = vector.shape_cast %mul3A_794 : vector<16xf32> to vector<1x16xf32>
        tpu.vector_store %arg11[%swap3A_795, %swap3A_796], %swap3A_799 {strides = array<i32>} : memref<128x128xf32, #tpu.memory_space<vmem>>, vector<1x16xf32>,
        %get3A_800 = arith.index_cast %add3A_777 : i32 to index
        %get3A_801 = arith.constant 32 : index
        %get3A_802 = tpu.vector_load %arg11[%get3A_800, %get3A_801] {strides = array<i32>} : memref<128x128xf32, #tpu.memory_space<vmem>>, vector<1x16xf32>,
        %get3A_803 = vector.shape_cast %get3A_802 : vector<1x16xf32> to vector<16xf32>
        %mul3A_804 = vector.broadcast %squeeze3A_775 : f32 to vector<16xf32>
        %mul3A_805 = arith.mulf %get3A_803, %mul3A_804 : vector<16xf32>
        %swap3A_806 = arith.index_cast %add3A_777 : i32 to index
        %swap3A_807 = arith.constant 32 : index
        %swap3A_808 = tpu.vector_load %arg11[%swap3A_806, %swap3A_807] {strides = array<i32>} : memref<128x128xf32, #tpu.memory_space<vmem>>, vector<1x16xf32>,
        %swap3A_809 = vector.shape_cast %swap3A_808 : vector<1x16xf32> to vector<16xf32>
        %swap3A_810 = vector.shape_cast %mul3A_805 : vector<16xf32> to vector<1x16xf32>
        tpu.vector_store %arg11[%swap3A_806, %swap3A_807], %swap3A_810 {strides = array<i32>} : memref<128x128xf32, #tpu.memory_space<vmem>>, vector<1x16xf32>,
        %get3A_811 = arith.index_cast %add3A_777 : i32 to index
        %get3A_812 = arith.constant 48 : index
        %get3A_813 = tpu.vector_load %arg11[%get3A_811, %get3A_812] {strides = array<i32>} : memref<128x128xf32, #tpu.memory_space<vmem>>, vector<1x16xf32>,
        %get3A_814 = vector.shape_cast %get3A_813 : vector<1x16xf32> to vector<16xf32>
        %mul3A_815 = vector.broadcast %squeeze3A_775 : f32 to vector<16xf32>
        %mul3A_816 = arith.mulf %get3A_814, %mul3A_815 : vector<16xf32>
        %swap3A_817 = arith.index_cast %add3A_777 : i32 to index
        %swap3A_818 = arith.constant 48 : index
        %swap3A_819 = tpu.vector_load %arg11[%swap3A_817, %swap3A_818] {strides = array<i32>} : memref<128x128xf32, #tpu.memory_space<vmem>>, vector<1x16xf32>,
        %swap3A_820 = vector.shape_cast %swap3A_819 : vector<1x16xf32> to vector<16xf32>
        %swap3A_821 = vector.shape_cast %mul3A_816 : vector<16xf32> to vector<1x16xf32>
        tpu.vector_store %arg11[%swap3A_817, %swap3A_818], %swap3A_821 {strides = array<i32>} : memref<128x128xf32, #tpu.memory_space<vmem>>, vector<1x16xf32>,
        %get3A_822 = arith.index_cast %add3A_777 : i32 to index
        %get3A_823 = arith.constant 64 : index
        %get3A_824 = tpu.vector_load %arg11[%get3A_822, %get3A_823] {strides = array<i32>} : memref<128x128xf32, #tpu.memory_space<vmem>>, vector<1x16xf32>,
        %get3A_825 = vector.shape_cast %get3A_824 : vector<1x16xf32> to vector<16xf32>
        %mul3A_826 = vector.broadcast %squeeze3A_775 : f32 to vector<16xf32>
        %mul3A_827 = arith.mulf %get3A_825, %mul3A_826 : vector<16xf32>
        %swap3A_828 = arith.index_cast %add3A_777 : i32 to index
        %swap3A_829 = arith.constant 64 : index
        %swap3A_830 = tpu.vector_load %arg11[%swap3A_828, %swap3A_829] {strides = array<i32>} : memref<128x128xf32, #tpu.memory_space<vmem>>, vector<1x16xf32>,
        %swap3A_831 = vector.shape_cast %swap3A_830 : vector<1x16xf32> to vector<16xf32>
        %swap3A_832 = vector.shape_cast %mul3A_827 : vector<16xf32> to vector<1x16xf32>
        tpu.vector_store %arg11[%swap3A_828, %swap3A_829], %swap3A_832 {strides = array<i32>} : memref<128x128xf32, #tpu.memory_space<vmem>>, vector<1x16xf32>,
        %get3A_833 = arith.index_cast %add3A_777 : i32 to index
        %get3A_834 = arith.constant 80 : index
        %get3A_835 = tpu.vector_load %arg11[%get3A_833, %get3A_834] {strides = array<i32>} : memref<128x128xf32, #tpu.memory_space<vmem>>, vector<1x16xf32>,
        %get3A_836 = vector.shape_cast %get3A_835 : vector<1x16xf32> to vector<16xf32>
        %mul3A_837 = vector.broadcast %squeeze3A_775 : f32 to vector<16xf32>
        %mul3A_838 = arith.mulf %get3A_836, %mul3A_837 : vector<16xf32>
        %swap3A_839 = arith.index_cast %add3A_777 : i32 to index
        %swap3A_840 = arith.constant 80 : index
        %swap3A_841 = tpu.vector_load %arg11[%swap3A_839, %swap3A_840] {strides = array<i32>} : memref<128x128xf32, #tpu.memory_space<vmem>>, vector<1x16xf32>,
        %swap3A_842 = vector.shape_cast %swap3A_841 : vector<1x16xf32> to vector<16xf32>
        %swap3A_843 = vector.shape_cast %mul3A_838 : vector<16xf32> to vector<1x16xf32>
        tpu.vector_store %arg11[%swap3A_839, %swap3A_840], %swap3A_843 {strides = array<i32>} : memref<128x128xf32, #tpu.memory_space<vmem>>, vector<1x16xf32>,
        %get3A_844 = arith.index_cast %add3A_777 : i32 to index
        %get3A_845 = arith.constant 96 : index
        %get3A_846 = tpu.vector_load %arg11[%get3A_844, %get3A_845] {strides = array<i32>} : memref<128x128xf32, #tpu.memory_space<vmem>>, vector<1x16xf32>,
        %get3A_847 = vector.shape_cast %get3A_846 : vector<1x16xf32> to vector<16xf32>
        %mul3A_848 = vector.broadcast %squeeze3A_775 : f32 to vector<16xf32>
        %mul3A_849 = arith.mulf %get3A_847, %mul3A_848 : vector<16xf32>
        %swap3A_850 = arith.index_cast %add3A_777 : i32 to index
        %swap3A_851 = arith.constant 96 : index
        %swap3A_852 = tpu.vector_load %arg11[%swap3A_850, %swap3A_851] {strides = array<i32>} : memref<128x128xf32, #tpu.memory_space<vmem>>, vector<1x16xf32>,
        %swap3A_853 = vector.shape_cast %swap3A_852 : vector<1x16xf32> to vector<16xf32>
        %swap3A_854 = vector.shape_cast %mul3A_849 : vector<16xf32> to vector<1x16xf32>
        tpu.vector_store %arg11[%swap3A_850, %swap3A_851], %swap3A_854 {strides = array<i32>} : memref<128x128xf32, #tpu.memory_space<vmem>>, vector<1x16xf32>,
        %get3A_855 = arith.index_cast %add3A_777 : i32 to index
        %get3A_856 = arith.constant 112 : index
        %get3A_857 = tpu.vector_load %arg11[%get3A_855, %get3A_856] {strides = array<i32>} : memref<128x128xf32, #tpu.memory_space<vmem>>, vector<1x16xf32>,
        %get3A_858 = vector.shape_cast %get3A_857 : vector<1x16xf32> to vector<16xf32>
        %mul3A_859 = vector.broadcast %squeeze3A_775 : f32 to vector<16xf32>
        %mul3A_860 = arith.mulf %get3A_858, %mul3A_859 : vector<16xf32>
        %swap3A_861 = arith.index_cast %add3A_777 : i32 to index
        %swap3A_862 = arith.constant 112 : index
        %swap3A_863 = tpu.vector_load %arg11[%swap3A_861, %swap3A_862] {strides = array<i32>} : memref<128x128xf32, #tpu.memory_space<vmem>>, vector<1x16xf32>,
        %swap3A_864 = vector.shape_cast %swap3A_863 : vector<1x16xf32> to vector<16xf32>
        %swap3A_865 = vector.shape_cast %mul3A_860 : vector<16xf32> to vector<1x16xf32>
        tpu.vector_store %arg11[%swap3A_861, %swap3A_862], %swap3A_865 {strides = array<i32>} : memref<128x128xf32, #tpu.memory_space<vmem>>, vector<1x16xf32>,
        %slice3A_866 = vector.extract_strided_slice %get3A_38 {offsets = [9], sizes = [1], strides = [1]} : vector<16xf32> to vector<1xf32>
        %squeeze3A_867 = vector.extract %slice3A_866[0] : f32 from vector<1xf32>
        %add3A_868 = arith.constant 9 : i32
        %add3A_869 = arith.addi %mul3A_40, %add3A_868 : i32
        %get3A_870 = arith.index_cast %add3A_869 : i32 to index
        %get3A_871 = arith.constant 0 : index
        %get3A_872 = tpu.vector_load %arg11[%get3A_870, %get3A_871] {strides = array<i32>} : memref<128x128xf32, #tpu.memory_space<vmem>>, vector<1x16xf32>,
        %get3A_873 = vector.shape_cast %get3A_872 : vector<1x16xf32> to vector<16xf32>
        %mul3A_874 = vector.broadcast %squeeze3A_867 : f32 to vector<16xf32>
        %mul3A_875 = arith.mulf %get3A_873, %mul3A_874 : vector<16xf32>
        %swap3A_876 = arith.index_cast %add3A_869 : i32 to index
        %swap3A_877 = arith.constant 0 : index
        %swap3A_878 = tpu.vector_load %arg11[%swap3A_876, %swap3A_877] {strides = array<i32>} : memref<128x128xf32, #tpu.memory_space<vmem>>, vector<1x16xf32>,
        %swap3A_879 = vector.shape_cast %swap3A_878 : vector<1x16xf32> to vector<16xf32>
        %swap3A_880 = vector.shape_cast %mul3A_875 : vector<16xf32> to vector<1x16xf32>
        tpu.vector_store %arg11[%swap3A_876, %swap3A_877], %swap3A_880 {strides = array<i32>} : memref<128x128xf32, #tpu.memory_space<vmem>>, vector<1x16xf32>,
        %get3A_881 = arith.index_cast %add3A_869 : i32 to index
        %get3A_882 = arith.constant 16 : index
        %get3A_883 = tpu.vector_load %arg11[%get3A_881, %get3A_882] {strides = array<i32>} : memref<128x128xf32, #tpu.memory_space<vmem>>, vector<1x16xf32>,
        %get3A_884 = vector.shape_cast %get3A_883 : vector<1x16xf32> to vector<16xf32>
        %mul3A_885 = vector.broadcast %squeeze3A_867 : f32 to vector<16xf32>
        %mul3A_886 = arith.mulf %get3A_884, %mul3A_885 : vector<16xf32>
        %swap3A_887 = arith.index_cast %add3A_869 : i32 to index
        %swap3A_888 = arith.constant 16 : index
        %swap3A_889 = tpu.vector_load %arg11[%swap3A_887, %swap3A_888] {strides = array<i32>} : memref<128x128xf32, #tpu.memory_space<vmem>>, vector<1x16xf32>,
        %swap3A_890 = vector.shape_cast %swap3A_889 : vector<1x16xf32> to vector<16xf32>
        %swap3A_891 = vector.shape_cast %mul3A_886 : vector<16xf32> to vector<1x16xf32>
        tpu.vector_store %arg11[%swap3A_887, %swap3A_888], %swap3A_891 {strides = array<i32>} : memref<128x128xf32, #tpu.memory_space<vmem>>, vector<1x16xf32>,
        %get3A_892 = arith.index_cast %add3A_869 : i32 to index
        %get3A_893 = arith.constant 32 : index
        %get3A_894 = tpu.vector_load %arg11[%get3A_892, %get3A_893] {strides = array<i32>} : memref<128x128xf32, #tpu.memory_space<vmem>>, vector<1x16xf32>,
        %get3A_895 = vector.shape_cast %get3A_894 : vector<1x16xf32> to vector<16xf32>
        %mul3A_896 = vector.broadcast %squeeze3A_867 : f32 to vector<16xf32>
        %mul3A_897 = arith.mulf %get3A_895, %mul3A_896 : vector<16xf32>
        %swap3A_898 = arith.index_cast %add3A_869 : i32 to index
        %swap3A_899 = arith.constant 32 : index
        %swap3A_900 = tpu.vector_load %arg11[%swap3A_898, %swap3A_899] {strides = array<i32>} : memref<128x128xf32, #tpu.memory_space<vmem>>, vector<1x16xf32>,
        %swap3A_901 = vector.shape_cast %swap3A_900 : vector<1x16xf32> to vector<16xf32>
        %swap3A_902 = vector.shape_cast %mul3A_897 : vector<16xf32> to vector<1x16xf32>
        tpu.vector_store %arg11[%swap3A_898, %swap3A_899], %swap3A_902 {strides = array<i32>} : memref<128x128xf32, #tpu.memory_space<vmem>>, vector<1x16xf32>,
        %get3A_903 = arith.index_cast %add3A_869 : i32 to index
        %get3A_904 = arith.constant 48 : index
        %get3A_905 = tpu.vector_load %arg11[%get3A_903, %get3A_904] {strides = array<i32>} : memref<128x128xf32, #tpu.memory_space<vmem>>, vector<1x16xf32>,
        %get3A_906 = vector.shape_cast %get3A_905 : vector<1x16xf32> to vector<16xf32>
        %mul3A_907 = vector.broadcast %squeeze3A_867 : f32 to vector<16xf32>
        %mul3A_908 = arith.mulf %get3A_906, %mul3A_907 : vector<16xf32>
        %swap3A_909 = arith.index_cast %add3A_869 : i32 to index
        %swap3A_910 = arith.constant 48 : index
        %swap3A_911 = tpu.vector_load %arg11[%swap3A_909, %swap3A_910] {strides = array<i32>} : memref<128x128xf32, #tpu.memory_space<vmem>>, vector<1x16xf32>,
        %swap3A_912 = vector.shape_cast %swap3A_911 : vector<1x16xf32> to vector<16xf32>
        %swap3A_913 = vector.shape_cast %mul3A_908 : vector<16xf32> to vector<1x16xf32>
        tpu.vector_store %arg11[%swap3A_909, %swap3A_910], %swap3A_913 {strides = array<i32>} : memref<128x128xf32, #tpu.memory_space<vmem>>, vector<1x16xf32>,
        %get3A_914 = arith.index_cast %add3A_869 : i32 to index
        %get3A_915 = arith.constant 64 : index
        %get3A_916 = tpu.vector_load %arg11[%get3A_914, %get3A_915] {strides = array<i32>} : memref<128x128xf32, #tpu.memory_space<vmem>>, vector<1x16xf32>,
        %get3A_917 = vector.shape_cast %get3A_916 : vector<1x16xf32> to vector<16xf32>
        %mul3A_918 = vector.broadcast %squeeze3A_867 : f32 to vector<16xf32>
        %mul3A_919 = arith.mulf %get3A_917, %mul3A_918 : vector<16xf32>
        %swap3A_920 = arith.index_cast %add3A_869 : i32 to index
        %swap3A_921 = arith.constant 64 : index
        %swap3A_922 = tpu.vector_load %arg11[%swap3A_920, %swap3A_921] {strides = array<i32>} : memref<128x128xf32, #tpu.memory_space<vmem>>, vector<1x16xf32>,
        %swap3A_923 = vector.shape_cast %swap3A_922 : vector<1x16xf32> to vector<16xf32>
        %swap3A_924 = vector.shape_cast %mul3A_919 : vector<16xf32> to vector<1x16xf32>
        tpu.vector_store %arg11[%swap3A_920, %swap3A_921], %swap3A_924 {strides = array<i32>} : memref<128x128xf32, #tpu.memory_space<vmem>>, vector<1x16xf32>,
        %get3A_925 = arith.index_cast %add3A_869 : i32 to index
        %get3A_926 = arith.constant 80 : index
        %get3A_927 = tpu.vector_load %arg11[%get3A_925, %get3A_926] {strides = array<i32>} : memref<128x128xf32, #tpu.memory_space<vmem>>, vector<1x16xf32>,
        %get3A_928 = vector.shape_cast %get3A_927 : vector<1x16xf32> to vector<16xf32>
        %mul3A_929 = vector.broadcast %squeeze3A_867 : f32 to vector<16xf32>
        %mul3A_930 = arith.mulf %get3A_928, %mul3A_929 : vector<16xf32>
        %swap3A_931 = arith.index_cast %add3A_869 : i32 to index
        %swap3A_932 = arith.constant 80 : index
        %swap3A_933 = tpu.vector_load %arg11[%swap3A_931, %swap3A_932] {strides = array<i32>} : memref<128x128xf32, #tpu.memory_space<vmem>>, vector<1x16xf32>,
        %swap3A_934 = vector.shape_cast %swap3A_933 : vector<1x16xf32> to vector<16xf32>
        %swap3A_935 = vector.shape_cast %mul3A_930 : vector<16xf32> to vector<1x16xf32>
        tpu.vector_store %arg11[%swap3A_931, %swap3A_932], %swap3A_935 {strides = array<i32>} : memref<128x128xf32, #tpu.memory_space<vmem>>, vector<1x16xf32>,
        %get3A_936 = arith.index_cast %add3A_869 : i32 to index
        %get3A_937 = arith.constant 96 : index
        %get3A_938 = tpu.vector_load %arg11[%get3A_936, %get3A_937] {strides = array<i32>} : memref<128x128xf32, #tpu.memory_space<vmem>>, vector<1x16xf32>,
        %get3A_939 = vector.shape_cast %get3A_938 : vector<1x16xf32> to vector<16xf32>
        %mul3A_940 = vector.broadcast %squeeze3A_867 : f32 to vector<16xf32>
        %mul3A_941 = arith.mulf %get3A_939, %mul3A_940 : vector<16xf32>
        %swap3A_942 = arith.index_cast %add3A_869 : i32 to index
        %swap3A_943 = arith.constant 96 : index
        %swap3A_944 = tpu.vector_load %arg11[%swap3A_942, %swap3A_943] {strides = array<i32>} : memref<128x128xf32, #tpu.memory_space<vmem>>, vector<1x16xf32>,
        %swap3A_945 = vector.shape_cast %swap3A_944 : vector<1x16xf32> to vector<16xf32>
        %swap3A_946 = vector.shape_cast %mul3A_941 : vector<16xf32> to vector<1x16xf32>
        tpu.vector_store %arg11[%swap3A_942, %swap3A_943], %swap3A_946 {strides = array<i32>} : memref<128x128xf32, #tpu.memory_space<vmem>>, vector<1x16xf32>,
        %get3A_947 = arith.index_cast %add3A_869 : i32 to index
        %get3A_948 = arith.constant 112 : index
        %get3A_949 = tpu.vector_load %arg11[%get3A_947, %get3A_948] {strides = array<i32>} : memref<128x128xf32, #tpu.memory_space<vmem>>, vector<1x16xf32>,
        %get3A_950 = vector.shape_cast %get3A_949 : vector<1x16xf32> to vector<16xf32>
        %mul3A_951 = vector.broadcast %squeeze3A_867 : f32 to vector<16xf32>
        %mul3A_952 = arith.mulf %get3A_950, %mul3A_951 : vector<16xf32>
        %swap3A_953 = arith.index_cast %add3A_869 : i32 to index
        %swap3A_954 = arith.constant 112 : index
        %swap3A_955 = tpu.vector_load %arg11[%swap3A_953, %swap3A_954] {strides = array<i32>} : memref<128x128xf32, #tpu.memory_space<vmem>>, vector<1x16xf32>,
        %swap3A_956 = vector.shape_cast %swap3A_955 : vector<1x16xf32> to vector<16xf32>
        %swap3A_957 = vector.shape_cast %mul3A_952 : vector<16xf32> to vector<1x16xf32>
        tpu.vector_store %arg11[%swap3A_953, %swap3A_954], %swap3A_957 {strides = array<i32>} : memref<128x128xf32, #tpu.memory_space<vmem>>, vector<1x16xf32>,
        %slice3A_958 = vector.extract_strided_slice %get3A_38 {offsets = [10], sizes = [1], strides = [1]} : vector<16xf32> to vector<1xf32>
        %squeeze3A_959 = vector.extract %slice3A_958[0] : f32 from vector<1xf32>
        %add3A_960 = arith.constant 10 : i32
        %add3A_961 = arith.addi %mul3A_40, %add3A_960 : i32
        %get3A_962 = arith.index_cast %add3A_961 : i32 to index
        %get3A_963 = arith.constant 0 : index
        %get3A_964 = tpu.vector_load %arg11[%get3A_962, %get3A_963] {strides = array<i32>} : memref<128x128xf32, #tpu.memory_space<vmem>>, vector<1x16xf32>,
        %get3A_965 = vector.shape_cast %get3A_964 : vector<1x16xf32> to vector<16xf32>
        %mul3A_966 = vector.broadcast %squeeze3A_959 : f32 to vector<16xf32>
        %mul3A_967 = arith.mulf %get3A_965, %mul3A_966 : vector<16xf32>
        %swap3A_968 = arith.index_cast %add3A_961 : i32 to index
        %swap3A_969 = arith.constant 0 : index
        %swap3A_970 = tpu.vector_load %arg11[%swap3A_968, %swap3A_969] {strides = array<i32>} : memref<128x128xf32, #tpu.memory_space<vmem>>, vector<1x16xf32>,
        %swap3A_971 = vector.shape_cast %swap3A_970 : vector<1x16xf32> to vector<16xf32>
        %swap3A_972 = vector.shape_cast %mul3A_967 : vector<16xf32> to vector<1x16xf32>
        tpu.vector_store %arg11[%swap3A_968, %swap3A_969], %swap3A_972 {strides = array<i32>} : memref<128x128xf32, #tpu.memory_space<vmem>>, vector<1x16xf32>,
        %get3A_973 = arith.index_cast %add3A_961 : i32 to index
        %get3A_974 = arith.constant 16 : index
        %get3A_975 = tpu.vector_load %arg11[%get3A_973, %get3A_974] {strides = array<i32>} : memref<128x128xf32, #tpu.memory_space<vmem>>, vector<1x16xf32>,
        %get3A_976 = vector.shape_cast %get3A_975 : vector<1x16xf32> to vector<16xf32>
        %mul3A_977 = vector.broadcast %squeeze3A_959 : f32 to vector<16xf32>
        %mul3A_978 = arith.mulf %get3A_976, %mul3A_977 : vector<16xf32>
        %swap3A_979 = arith.index_cast %add3A_961 : i32 to index
        %swap3A_980 = arith.constant 16 : index
        %swap3A_981 = tpu.vector_load %arg11[%swap3A_979, %swap3A_980] {strides = array<i32>} : memref<128x128xf32, #tpu.memory_space<vmem>>, vector<1x16xf32>,
        %swap3A_982 = vector.shape_cast %swap3A_981 : vector<1x16xf32> to vector<16xf32>
        %swap3A_983 = vector.shape_cast %mul3A_978 : vector<16xf32> to vector<1x16xf32>
        tpu.vector_store %arg11[%swap3A_979, %swap3A_980], %swap3A_983 {strides = array<i32>} : memref<128x128xf32, #tpu.memory_space<vmem>>, vector<1x16xf32>,
        %get3A_984 = arith.index_cast %add3A_961 : i32 to index
        %get3A_985 = arith.constant 32 : index
        %get3A_986 = tpu.vector_load %arg11[%get3A_984, %get3A_985] {strides = array<i32>} : memref<128x128xf32, #tpu.memory_space<vmem>>, vector<1x16xf32>,
        %get3A_987 = vector.shape_cast %get3A_986 : vector<1x16xf32> to vector<16xf32>
        %mul3A_988 = vector.broadcast %squeeze3A_959 : f32 to vector<16xf32>
        %mul3A_989 = arith.mulf %get3A_987, %mul3A_988 : vector<16xf32>
        %swap3A_990 = arith.index_cast %add3A_961 : i32 to index
        %swap3A_991 = arith.constant 32 : index
        %swap3A_992 = tpu.vector_load %arg11[%swap3A_990, %swap3A_991] {strides = array<i32>} : memref<128x128xf32, #tpu.memory_space<vmem>>, vector<1x16xf32>,
        %swap3A_993 = vector.shape_cast %swap3A_992 : vector<1x16xf32> to vector<16xf32>
        %swap3A_994 = vector.shape_cast %mul3A_989 : vector<16xf32> to vector<1x16xf32>
        tpu.vector_store %arg11[%swap3A_990, %swap3A_991], %swap3A_994 {strides = array<i32>} : memref<128x128xf32, #tpu.memory_space<vmem>>, vector<1x16xf32>,
        %get3A_995 = arith.index_cast %add3A_961 : i32 to index
        %get3A_996 = arith.constant 48 : index
        %get3A_997 = tpu.vector_load %arg11[%get3A_995, %get3A_996] {strides = array<i32>} : memref<128x128xf32, #tpu.memory_space<vmem>>, vector<1x16xf32>,
        %get3A_998 = vector.shape_cast %get3A_997 : vector<1x16xf32> to vector<16xf32>
        %mul3A_999 = vector.broadcast %squeeze3A_959 : f32 to vector<16xf32>
        %mul3A_1000 = arith.mulf %get3A_998, %mul3A_999 : vector<16xf32>
        %swap3A_1001 = arith.index_cast %add3A_961 : i32 to index
        %swap3A_1002 = arith.constant 48 : index
        %swap3A_1003 = tpu.vector_load %arg11[%swap3A_1001, %swap3A_1002] {strides = array<i32>} : memref<128x128xf32, #tpu.memory_space<vmem>>, vector<1x16xf32>,
        %swap3A_1004 = vector.shape_cast %swap3A_1003 : vector<1x16xf32> to vector<16xf32>
        %swap3A_1005 = vector.shape_cast %mul3A_1000 : vector<16xf32> to vector<1x16xf32>
        tpu.vector_store %arg11[%swap3A_1001, %swap3A_1002], %swap3A_1005 {strides = array<i32>} : memref<128x128xf32, #tpu.memory_space<vmem>>, vector<1x16xf32>,
        %get3A_1006 = arith.index_cast %add3A_961 : i32 to index
        %get3A_1007 = arith.constant 64 : index
        %get3A_1008 = tpu.vector_load %arg11[%get3A_1006, %get3A_1007] {strides = array<i32>} : memref<128x128xf32, #tpu.memory_space<vmem>>, vector<1x16xf32>,
        %get3A_1009 = vector.shape_cast %get3A_1008 : vector<1x16xf32> to vector<16xf32>
        %mul3A_1010 = vector.broadcast %squeeze3A_959 : f32 to vector<16xf32>
        %mul3A_1011 = arith.mulf %get3A_1009, %mul3A_1010 : vector<16xf32>
        %swap3A_1012 = arith.index_cast %add3A_961 : i32 to index
        %swap3A_1013 = arith.constant 64 : index
        %swap3A_1014 = tpu.vector_load %arg11[%swap3A_1012, %swap3A_1013] {strides = array<i32>} : memref<128x128xf32, #tpu.memory_space<vmem>>, vector<1x16xf32>,
        %swap3A_1015 = vector.shape_cast %swap3A_1014 : vector<1x16xf32> to vector<16xf32>
        %swap3A_1016 = vector.shape_cast %mul3A_1011 : vector<16xf32> to vector<1x16xf32>
        tpu.vector_store %arg11[%swap3A_1012, %swap3A_1013], %swap3A_1016 {strides = array<i32>} : memref<128x128xf32, #tpu.memory_space<vmem>>, vector<1x16xf32>,
        %get3A_1017 = arith.index_cast %add3A_961 : i32 to index
        %get3A_1018 = arith.constant 80 : index
        %get3A_1019 = tpu.vector_load %arg11[%get3A_1017, %get3A_1018] {strides = array<i32>} : memref<128x128xf32, #tpu.memory_space<vmem>>, vector<1x16xf32>,
        %get3A_1020 = vector.shape_cast %get3A_1019 : vector<1x16xf32> to vector<16xf32>
        %mul3A_1021 = vector.broadcast %squeeze3A_959 : f32 to vector<16xf32>
        %mul3A_1022 = arith.mulf %get3A_1020, %mul3A_1021 : vector<16xf32>
        %swap3A_1023 = arith.index_cast %add3A_961 : i32 to index
        %swap3A_1024 = arith.constant 80 : index
        %swap3A_1025 = tpu.vector_load %arg11[%swap3A_1023, %swap3A_1024] {strides = array<i32>} : memref<128x128xf32, #tpu.memory_space<vmem>>, vector<1x16xf32>,
        %swap3A_1026 = vector.shape_cast %swap3A_1025 : vector<1x16xf32> to vector<16xf32>
        %swap3A_1027 = vector.shape_cast %mul3A_1022 : vector<16xf32> to vector<1x16xf32>
        tpu.vector_store %arg11[%swap3A_1023, %swap3A_1024], %swap3A_1027 {strides = array<i32>} : memref<128x128xf32, #tpu.memory_space<vmem>>, vector<1x16xf32>,
        %get3A_1028 = arith.index_cast %add3A_961 : i32 to index
        %get3A_1029 = arith.constant 96 : index
        %get3A_1030 = tpu.vector_load %arg11[%get3A_1028, %get3A_1029] {strides = array<i32>} : memref<128x128xf32, #tpu.memory_space<vmem>>, vector<1x16xf32>,
        %get3A_1031 = vector.shape_cast %get3A_1030 : vector<1x16xf32> to vector<16xf32>
        %mul3A_1032 = vector.broadcast %squeeze3A_959 : f32 to vector<16xf32>
        %mul3A_1033 = arith.mulf %get3A_1031, %mul3A_1032 : vector<16xf32>
        %swap3A_1034 = arith.index_cast %add3A_961 : i32 to index
        %swap3A_1035 = arith.constant 96 : index
        %swap3A_1036 = tpu.vector_load %arg11[%swap3A_1034, %swap3A_1035] {strides = array<i32>} : memref<128x128xf32, #tpu.memory_space<vmem>>, vector<1x16xf32>,
        %swap3A_1037 = vector.shape_cast %swap3A_1036 : vector<1x16xf32> to vector<16xf32>
        %swap3A_1038 = vector.shape_cast %mul3A_1033 : vector<16xf32> to vector<1x16xf32>
        tpu.vector_store %arg11[%swap3A_1034, %swap3A_1035], %swap3A_1038 {strides = array<i32>} : memref<128x128xf32, #tpu.memory_space<vmem>>, vector<1x16xf32>,
        %get3A_1039 = arith.index_cast %add3A_961 : i32 to index
        %get3A_1040 = arith.constant 112 : index
        %get3A_1041 = tpu.vector_load %arg11[%get3A_1039, %get3A_1040] {strides = array<i32>} : memref<128x128xf32, #tpu.memory_space<vmem>>, vector<1x16xf32>,
        %get3A_1042 = vector.shape_cast %get3A_1041 : vector<1x16xf32> to vector<16xf32>
        %mul3A_1043 = vector.broadcast %squeeze3A_959 : f32 to vector<16xf32>
        %mul3A_1044 = arith.mulf %get3A_1042, %mul3A_1043 : vector<16xf32>
        %swap3A_1045 = arith.index_cast %add3A_961 : i32 to index
        %swap3A_1046 = arith.constant 112 : index
        %swap3A_1047 = tpu.vector_load %arg11[%swap3A_1045, %swap3A_1046] {strides = array<i32>} : memref<128x128xf32, #tpu.memory_space<vmem>>, vector<1x16xf32>,
        %swap3A_1048 = vector.shape_cast %swap3A_1047 : vector<1x16xf32> to vector<16xf32>
        %swap3A_1049 = vector.shape_cast %mul3A_1044 : vector<16xf32> to vector<1x16xf32>
        tpu.vector_store %arg11[%swap3A_1045, %swap3A_1046], %swap3A_1049 {strides = array<i32>} : memref<128x128xf32, #tpu.memory_space<vmem>>, vector<1x16xf32>,
        %slice3A_1050 = vector.extract_strided_slice %get3A_38 {offsets = [11], sizes = [1], strides = [1]} : vector<16xf32> to vector<1xf32>
        %squeeze3A_1051 = vector.extract %slice3A_1050[0] : f32 from vector<1xf32>
        %add3A_1052 = arith.constant 11 : i32
        %add3A_1053 = arith.addi %mul3A_40, %add3A_1052 : i32
        %get3A_1054 = arith.index_cast %add3A_1053 : i32 to index
        %get3A_1055 = arith.constant 0 : index
        %get3A_1056 = tpu.vector_load %arg11[%get3A_1054, %get3A_1055] {strides = array<i32>} : memref<128x128xf32, #tpu.memory_space<vmem>>, vector<1x16xf32>,
        %get3A_1057 = vector.shape_cast %get3A_1056 : vector<1x16xf32> to vector<16xf32>
        %mul3A_1058 = vector.broadcast %squeeze3A_1051 : f32 to vector<16xf32>
        %mul3A_1059 = arith.mulf %get3A_1057, %mul3A_1058 : vector<16xf32>
        %swap3A_1060 = arith.index_cast %add3A_1053 : i32 to index
        %swap3A_1061 = arith.constant 0 : index
        %swap3A_1062 = tpu.vector_load %arg11[%swap3A_1060, %swap3A_1061] {strides = array<i32>} : memref<128x128xf32, #tpu.memory_space<vmem>>, vector<1x16xf32>,
        %swap3A_1063 = vector.shape_cast %swap3A_1062 : vector<1x16xf32> to vector<16xf32>
        %swap3A_1064 = vector.shape_cast %mul3A_1059 : vector<16xf32> to vector<1x16xf32>
        tpu.vector_store %arg11[%swap3A_1060, %swap3A_1061], %swap3A_1064 {strides = array<i32>} : memref<128x128xf32, #tpu.memory_space<vmem>>, vector<1x16xf32>,
        %get3A_1065 = arith.index_cast %add3A_1053 : i32 to index
        %get3A_1066 = arith.constant 16 : index
        %get3A_1067 = tpu.vector_load %arg11[%get3A_1065, %get3A_1066] {strides = array<i32>} : memref<128x128xf32, #tpu.memory_space<vmem>>, vector<1x16xf32>,
        %get3A_1068 = vector.shape_cast %get3A_1067 : vector<1x16xf32> to vector<16xf32>
        %mul3A_1069 = vector.broadcast %squeeze3A_1051 : f32 to vector<16xf32>
        %mul3A_1070 = arith.mulf %get3A_1068, %mul3A_1069 : vector<16xf32>
        %swap3A_1071 = arith.index_cast %add3A_1053 : i32 to index
        %swap3A_1072 = arith.constant 16 : index
        %swap3A_1073 = tpu.vector_load %arg11[%swap3A_1071, %swap3A_1072] {strides = array<i32>} : memref<128x128xf32, #tpu.memory_space<vmem>>, vector<1x16xf32>,
        %swap3A_1074 = vector.shape_cast %swap3A_1073 : vector<1x16xf32> to vector<16xf32>
        %swap3A_1075 = vector.shape_cast %mul3A_1070 : vector<16xf32> to vector<1x16xf32>
        tpu.vector_store %arg11[%swap3A_1071, %swap3A_1072], %swap3A_1075 {strides = array<i32>} : memref<128x128xf32, #tpu.memory_space<vmem>>, vector<1x16xf32>,
        %get3A_1076 = arith.index_cast %add3A_1053 : i32 to index
        %get3A_1077 = arith.constant 32 : index
        %get3A_1078 = tpu.vector_load %arg11[%get3A_1076, %get3A_1077] {strides = array<i32>} : memref<128x128xf32, #tpu.memory_space<vmem>>, vector<1x16xf32>,
        %get3A_1079 = vector.shape_cast %get3A_1078 : vector<1x16xf32> to vector<16xf32>
        %mul3A_1080 = vector.broadcast %squeeze3A_1051 : f32 to vector<16xf32>
        %mul3A_1081 = arith.mulf %get3A_1079, %mul3A_1080 : vector<16xf32>
        %swap3A_1082 = arith.index_cast %add3A_1053 : i32 to index
        %swap3A_1083 = arith.constant 32 : index
        %swap3A_1084 = tpu.vector_load %arg11[%swap3A_1082, %swap3A_1083] {strides = array<i32>} : memref<128x128xf32, #tpu.memory_space<vmem>>, vector<1x16xf32>,
        %swap3A_1085 = vector.shape_cast %swap3A_1084 : vector<1x16xf32> to vector<16xf32>
        %swap3A_1086 = vector.shape_cast %mul3A_1081 : vector<16xf32> to vector<1x16xf32>
        tpu.vector_store %arg11[%swap3A_1082, %swap3A_1083], %swap3A_1086 {strides = array<i32>} : memref<128x128xf32, #tpu.memory_space<vmem>>, vector<1x16xf32>,
        %get3A_1087 = arith.index_cast %add3A_1053 : i32 to index
        %get3A_1088 = arith.constant 48 : index
        %get3A_1089 = tpu.vector_load %arg11[%get3A_1087, %get3A_1088] {strides = array<i32>} : memref<128x128xf32, #tpu.memory_space<vmem>>, vector<1x16xf32>,
        %get3A_1090 = vector.shape_cast %get3A_1089 : vector<1x16xf32> to vector<16xf32>
        %mul3A_1091 = vector.broadcast %squeeze3A_1051 : f32 to vector<16xf32>
        %mul3A_1092 = arith.mulf %get3A_1090, %mul3A_1091 : vector<16xf32>
        %swap3A_1093 = arith.index_cast %add3A_1053 : i32 to index
        %swap3A_1094 = arith.constant 48 : index
        %swap3A_1095 = tpu.vector_load %arg11[%swap3A_1093, %swap3A_1094] {strides = array<i32>} : memref<128x128xf32, #tpu.memory_space<vmem>>, vector<1x16xf32>,
        %swap3A_1096 = vector.shape_cast %swap3A_1095 : vector<1x16xf32> to vector<16xf32>
        %swap3A_1097 = vector.shape_cast %mul3A_1092 : vector<16xf32> to vector<1x16xf32>
        tpu.vector_store %arg11[%swap3A_1093, %swap3A_1094], %swap3A_1097 {strides = array<i32>} : memref<128x128xf32, #tpu.memory_space<vmem>>, vector<1x16xf32>,
        %get3A_1098 = arith.index_cast %add3A_1053 : i32 to index
        %get3A_1099 = arith.constant 64 : index
        %get3A_1100 = tpu.vector_load %arg11[%get3A_1098, %get3A_1099] {strides = array<i32>} : memref<128x128xf32, #tpu.memory_space<vmem>>, vector<1x16xf32>,
        %get3A_1101 = vector.shape_cast %get3A_1100 : vector<1x16xf32> to vector<16xf32>
        %mul3A_1102 = vector.broadcast %squeeze3A_1051 : f32 to vector<16xf32>
        %mul3A_1103 = arith.mulf %get3A_1101, %mul3A_1102 : vector<16xf32>
        %swap3A_1104 = arith.index_cast %add3A_1053 : i32 to index
        %swap3A_1105 = arith.constant 64 : index
        %swap3A_1106 = tpu.vector_load %arg11[%swap3A_1104, %swap3A_1105] {strides = array<i32>} : memref<128x128xf32, #tpu.memory_space<vmem>>, vector<1x16xf32>,
        %swap3A_1107 = vector.shape_cast %swap3A_1106 : vector<1x16xf32> to vector<16xf32>
        %swap3A_1108 = vector.shape_cast %mul3A_1103 : vector<16xf32> to vector<1x16xf32>
        tpu.vector_store %arg11[%swap3A_1104, %swap3A_1105], %swap3A_1108 {strides = array<i32>} : memref<128x128xf32, #tpu.memory_space<vmem>>, vector<1x16xf32>,
        %get3A_1109 = arith.index_cast %add3A_1053 : i32 to index
        %get3A_1110 = arith.constant 80 : index
        %get3A_1111 = tpu.vector_load %arg11[%get3A_1109, %get3A_1110] {strides = array<i32>} : memref<128x128xf32, #tpu.memory_space<vmem>>, vector<1x16xf32>,
        %get3A_1112 = vector.shape_cast %get3A_1111 : vector<1x16xf32> to vector<16xf32>
        %mul3A_1113 = vector.broadcast %squeeze3A_1051 : f32 to vector<16xf32>
        %mul3A_1114 = arith.mulf %get3A_1112, %mul3A_1113 : vector<16xf32>
        %swap3A_1115 = arith.index_cast %add3A_1053 : i32 to index
        %swap3A_1116 = arith.constant 80 : index
        %swap3A_1117 = tpu.vector_load %arg11[%swap3A_1115, %swap3A_1116] {strides = array<i32>} : memref<128x128xf32, #tpu.memory_space<vmem>>, vector<1x16xf32>,
        %swap3A_1118 = vector.shape_cast %swap3A_1117 : vector<1x16xf32> to vector<16xf32>
        %swap3A_1119 = vector.shape_cast %mul3A_1114 : vector<16xf32> to vector<1x16xf32>
        tpu.vector_store %arg11[%swap3A_1115, %swap3A_1116], %swap3A_1119 {strides = array<i32>} : memref<128x128xf32, #tpu.memory_space<vmem>>, vector<1x16xf32>,
        %get3A_1120 = arith.index_cast %add3A_1053 : i32 to index
        %get3A_1121 = arith.constant 96 : index
        %get3A_1122 = tpu.vector_load %arg11[%get3A_1120, %get3A_1121] {strides = array<i32>} : memref<128x128xf32, #tpu.memory_space<vmem>>, vector<1x16xf32>,
        %get3A_1123 = vector.shape_cast %get3A_1122 : vector<1x16xf32> to vector<16xf32>
        %mul3A_1124 = vector.broadcast %squeeze3A_1051 : f32 to vector<16xf32>
        %mul3A_1125 = arith.mulf %get3A_1123, %mul3A_1124 : vector<16xf32>
        %swap3A_1126 = arith.index_cast %add3A_1053 : i32 to index
        %swap3A_1127 = arith.constant 96 : index
        %swap3A_1128 = tpu.vector_load %arg11[%swap3A_1126, %swap3A_1127] {strides = array<i32>} : memref<128x128xf32, #tpu.memory_space<vmem>>, vector<1x16xf32>,
        %swap3A_1129 = vector.shape_cast %swap3A_1128 : vector<1x16xf32> to vector<16xf32>
        %swap3A_1130 = vector.shape_cast %mul3A_1125 : vector<16xf32> to vector<1x16xf32>
        tpu.vector_store %arg11[%swap3A_1126, %swap3A_1127], %swap3A_1130 {strides = array<i32>} : memref<128x128xf32, #tpu.memory_space<vmem>>, vector<1x16xf32>,
        %get3A_1131 = arith.index_cast %add3A_1053 : i32 to index
        %get3A_1132 = arith.constant 112 : index
        %get3A_1133 = tpu.vector_load %arg11[%get3A_1131, %get3A_1132] {strides = array<i32>} : memref<128x128xf32, #tpu.memory_space<vmem>>, vector<1x16xf32>,
        %get3A_1134 = vector.shape_cast %get3A_1133 : vector<1x16xf32> to vector<16xf32>
        %mul3A_1135 = vector.broadcast %squeeze3A_1051 : f32 to vector<16xf32>
        %mul3A_1136 = arith.mulf %get3A_1134, %mul3A_1135 : vector<16xf32>
        %swap3A_1137 = arith.index_cast %add3A_1053 : i32 to index
        %swap3A_1138 = arith.constant 112 : index
        %swap3A_1139 = tpu.vector_load %arg11[%swap3A_1137, %swap3A_1138] {strides = array<i32>} : memref<128x128xf32, #tpu.memory_space<vmem>>, vector<1x16xf32>,
        %swap3A_1140 = vector.shape_cast %swap3A_1139 : vector<1x16xf32> to vector<16xf32>
        %swap3A_1141 = vector.shape_cast %mul3A_1136 : vector<16xf32> to vector<1x16xf32>
        tpu.vector_store %arg11[%swap3A_1137, %swap3A_1138], %swap3A_1141 {strides = array<i32>} : memref<128x128xf32, #tpu.memory_space<vmem>>, vector<1x16xf32>,
        %slice3A_1142 = vector.extract_strided_slice %get3A_38 {offsets = [12], sizes = [1], strides = [1]} : vector<16xf32> to vector<1xf32>
        %squeeze3A_1143 = vector.extract %slice3A_1142[0] : f32 from vector<1xf32>
        %add3A_1144 = arith.constant 12 : i32
        %add3A_1145 = arith.addi %mul3A_40, %add3A_1144 : i32
        %get3A_1146 = arith.index_cast %add3A_1145 : i32 to index
        %get3A_1147 = arith.constant 0 : index
        %get3A_1148 = tpu.vector_load %arg11[%get3A_1146, %get3A_1147] {strides = array<i32>} : memref<128x128xf32, #tpu.memory_space<vmem>>, vector<1x16xf32>,
        %get3A_1149 = vector.shape_cast %get3A_1148 : vector<1x16xf32> to vector<16xf32>
        %mul3A_1150 = vector.broadcast %squeeze3A_1143 : f32 to vector<16xf32>
        %mul3A_1151 = arith.mulf %get3A_1149, %mul3A_1150 : vector<16xf32>
        %swap3A_1152 = arith.index_cast %add3A_1145 : i32 to index
        %swap3A_1153 = arith.constant 0 : index
        %swap3A_1154 = tpu.vector_load %arg11[%swap3A_1152, %swap3A_1153] {strides = array<i32>} : memref<128x128xf32, #tpu.memory_space<vmem>>, vector<1x16xf32>,
        %swap3A_1155 = vector.shape_cast %swap3A_1154 : vector<1x16xf32> to vector<16xf32>
        %swap3A_1156 = vector.shape_cast %mul3A_1151 : vector<16xf32> to vector<1x16xf32>
        tpu.vector_store %arg11[%swap3A_1152, %swap3A_1153], %swap3A_1156 {strides = array<i32>} : memref<128x128xf32, #tpu.memory_space<vmem>>, vector<1x16xf32>,
        %get3A_1157 = arith.index_cast %add3A_1145 : i32 to index
        %get3A_1158 = arith.constant 16 : index
        %get3A_1159 = tpu.vector_load %arg11[%get3A_1157, %get3A_1158] {strides = array<i32>} : memref<128x128xf32, #tpu.memory_space<vmem>>, vector<1x16xf32>,
        %get3A_1160 = vector.shape_cast %get3A_1159 : vector<1x16xf32> to vector<16xf32>
        %mul3A_1161 = vector.broadcast %squeeze3A_1143 : f32 to vector<16xf32>
        %mul3A_1162 = arith.mulf %get3A_1160, %mul3A_1161 : vector<16xf32>
        %swap3A_1163 = arith.index_cast %add3A_1145 : i32 to index
        %swap3A_1164 = arith.constant 16 : index
        %swap3A_1165 = tpu.vector_load %arg11[%swap3A_1163, %swap3A_1164] {strides = array<i32>} : memref<128x128xf32, #tpu.memory_space<vmem>>, vector<1x16xf32>,
        %swap3A_1166 = vector.shape_cast %swap3A_1165 : vector<1x16xf32> to vector<16xf32>
        %swap3A_1167 = vector.shape_cast %mul3A_1162 : vector<16xf32> to vector<1x16xf32>
        tpu.vector_store %arg11[%swap3A_1163, %swap3A_1164], %swap3A_1167 {strides = array<i32>} : memref<128x128xf32, #tpu.memory_space<vmem>>, vector<1x16xf32>,
        %get3A_1168 = arith.index_cast %add3A_1145 : i32 to index
        %get3A_1169 = arith.constant 32 : index
        %get3A_1170 = tpu.vector_load %arg11[%get3A_1168, %get3A_1169] {strides = array<i32>} : memref<128x128xf32, #tpu.memory_space<vmem>>, vector<1x16xf32>,
        %get3A_1171 = vector.shape_cast %get3A_1170 : vector<1x16xf32> to vector<16xf32>
        %mul3A_1172 = vector.broadcast %squeeze3A_1143 : f32 to vector<16xf32>
        %mul3A_1173 = arith.mulf %get3A_1171, %mul3A_1172 : vector<16xf32>
        %swap3A_1174 = arith.index_cast %add3A_1145 : i32 to index
        %swap3A_1175 = arith.constant 32 : index
        %swap3A_1176 = tpu.vector_load %arg11[%swap3A_1174, %swap3A_1175] {strides = array<i32>} : memref<128x128xf32, #tpu.memory_space<vmem>>, vector<1x16xf32>,
        %swap3A_1177 = vector.shape_cast %swap3A_1176 : vector<1x16xf32> to vector<16xf32>
        %swap3A_1178 = vector.shape_cast %mul3A_1173 : vector<16xf32> to vector<1x16xf32>
        tpu.vector_store %arg11[%swap3A_1174, %swap3A_1175], %swap3A_1178 {strides = array<i32>} : memref<128x128xf32, #tpu.memory_space<vmem>>, vector<1x16xf32>,
        %get3A_1179 = arith.index_cast %add3A_1145 : i32 to index
        %get3A_1180 = arith.constant 48 : index
        %get3A_1181 = tpu.vector_load %arg11[%get3A_1179, %get3A_1180] {strides = array<i32>} : memref<128x128xf32, #tpu.memory_space<vmem>>, vector<1x16xf32>,
        %get3A_1182 = vector.shape_cast %get3A_1181 : vector<1x16xf32> to vector<16xf32>
        %mul3A_1183 = vector.broadcast %squeeze3A_1143 : f32 to vector<16xf32>
        %mul3A_1184 = arith.mulf %get3A_1182, %mul3A_1183 : vector<16xf32>
        %swap3A_1185 = arith.index_cast %add3A_1145 : i32 to index
        %swap3A_1186 = arith.constant 48 : index
        %swap3A_1187 = tpu.vector_load %arg11[%swap3A_1185, %swap3A_1186] {strides = array<i32>} : memref<128x128xf32, #tpu.memory_space<vmem>>, vector<1x16xf32>,
        %swap3A_1188 = vector.shape_cast %swap3A_1187 : vector<1x16xf32> to vector<16xf32>
        %swap3A_1189 = vector.shape_cast %mul3A_1184 : vector<16xf32> to vector<1x16xf32>
        tpu.vector_store %arg11[%swap3A_1185, %swap3A_1186], %swap3A_1189 {strides = array<i32>} : memref<128x128xf32, #tpu.memory_space<vmem>>, vector<1x16xf32>,
        %get3A_1190 = arith.index_cast %add3A_1145 : i32 to index
        %get3A_1191 = arith.constant 64 : index
        %get3A_1192 = tpu.vector_load %arg11[%get3A_1190, %get3A_1191] {strides = array<i32>} : memref<128x128xf32, #tpu.memory_space<vmem>>, vector<1x16xf32>,
        %get3A_1193 = vector.shape_cast %get3A_1192 : vector<1x16xf32> to vector<16xf32>
        %mul3A_1194 = vector.broadcast %squeeze3A_1143 : f32 to vector<16xf32>
        %mul3A_1195 = arith.mulf %get3A_1193, %mul3A_1194 : vector<16xf32>
        %swap3A_1196 = arith.index_cast %add3A_1145 : i32 to index
        %swap3A_1197 = arith.constant 64 : index
        %swap3A_1198 = tpu.vector_load %arg11[%swap3A_1196, %swap3A_1197] {strides = array<i32>} : memref<128x128xf32, #tpu.memory_space<vmem>>, vector<1x16xf32>,
        %swap3A_1199 = vector.shape_cast %swap3A_1198 : vector<1x16xf32> to vector<16xf32>
        %swap3A_1200 = vector.shape_cast %mul3A_1195 : vector<16xf32> to vector<1x16xf32>
        tpu.vector_store %arg11[%swap3A_1196, %swap3A_1197], %swap3A_1200 {strides = array<i32>} : memref<128x128xf32, #tpu.memory_space<vmem>>, vector<1x16xf32>,
        %get3A_1201 = arith.index_cast %add3A_1145 : i32 to index
        %get3A_1202 = arith.constant 80 : index
        %get3A_1203 = tpu.vector_load %arg11[%get3A_1201, %get3A_1202] {strides = array<i32>} : memref<128x128xf32, #tpu.memory_space<vmem>>, vector<1x16xf32>,
        %get3A_1204 = vector.shape_cast %get3A_1203 : vector<1x16xf32> to vector<16xf32>
        %mul3A_1205 = vector.broadcast %squeeze3A_1143 : f32 to vector<16xf32>
        %mul3A_1206 = arith.mulf %get3A_1204, %mul3A_1205 : vector<16xf32>
        %swap3A_1207 = arith.index_cast %add3A_1145 : i32 to index
        %swap3A_1208 = arith.constant 80 : index
        %swap3A_1209 = tpu.vector_load %arg11[%swap3A_1207, %swap3A_1208] {strides = array<i32>} : memref<128x128xf32, #tpu.memory_space<vmem>>, vector<1x16xf32>,
        %swap3A_1210 = vector.shape_cast %swap3A_1209 : vector<1x16xf32> to vector<16xf32>
        %swap3A_1211 = vector.shape_cast %mul3A_1206 : vector<16xf32> to vector<1x16xf32>
        tpu.vector_store %arg11[%swap3A_1207, %swap3A_1208], %swap3A_1211 {strides = array<i32>} : memref<128x128xf32, #tpu.memory_space<vmem>>, vector<1x16xf32>,
        %get3A_1212 = arith.index_cast %add3A_1145 : i32 to index
        %get3A_1213 = arith.constant 96 : index
        %get3A_1214 = tpu.vector_load %arg11[%get3A_1212, %get3A_1213] {strides = array<i32>} : memref<128x128xf32, #tpu.memory_space<vmem>>, vector<1x16xf32>,
        %get3A_1215 = vector.shape_cast %get3A_1214 : vector<1x16xf32> to vector<16xf32>
        %mul3A_1216 = vector.broadcast %squeeze3A_1143 : f32 to vector<16xf32>
        %mul3A_1217 = arith.mulf %get3A_1215, %mul3A_1216 : vector<16xf32>
        %swap3A_1218 = arith.index_cast %add3A_1145 : i32 to index
        %swap3A_1219 = arith.constant 96 : index
        %swap3A_1220 = tpu.vector_load %arg11[%swap3A_1218, %swap3A_1219] {strides = array<i32>} : memref<128x128xf32, #tpu.memory_space<vmem>>, vector<1x16xf32>,
        %swap3A_1221 = vector.shape_cast %swap3A_1220 : vector<1x16xf32> to vector<16xf32>
        %swap3A_1222 = vector.shape_cast %mul3A_1217 : vector<16xf32> to vector<1x16xf32>
        tpu.vector_store %arg11[%swap3A_1218, %swap3A_1219], %swap3A_1222 {strides = array<i32>} : memref<128x128xf32, #tpu.memory_space<vmem>>, vector<1x16xf32>,
        %get3A_1223 = arith.index_cast %add3A_1145 : i32 to index
        %get3A_1224 = arith.constant 112 : index
        %get3A_1225 = tpu.vector_load %arg11[%get3A_1223, %get3A_1224] {strides = array<i32>} : memref<128x128xf32, #tpu.memory_space<vmem>>, vector<1x16xf32>,
        %get3A_1226 = vector.shape_cast %get3A_1225 : vector<1x16xf32> to vector<16xf32>
        %mul3A_1227 = vector.broadcast %squeeze3A_1143 : f32 to vector<16xf32>
        %mul3A_1228 = arith.mulf %get3A_1226, %mul3A_1227 : vector<16xf32>
        %swap3A_1229 = arith.index_cast %add3A_1145 : i32 to index
        %swap3A_1230 = arith.constant 112 : index
        %swap3A_1231 = tpu.vector_load %arg11[%swap3A_1229, %swap3A_1230] {strides = array<i32>} : memref<128x128xf32, #tpu.memory_space<vmem>>, vector<1x16xf32>,
        %swap3A_1232 = vector.shape_cast %swap3A_1231 : vector<1x16xf32> to vector<16xf32>
        %swap3A_1233 = vector.shape_cast %mul3A_1228 : vector<16xf32> to vector<1x16xf32>
        tpu.vector_store %arg11[%swap3A_1229, %swap3A_1230], %swap3A_1233 {strides = array<i32>} : memref<128x128xf32, #tpu.memory_space<vmem>>, vector<1x16xf32>,
        %slice3A_1234 = vector.extract_strided_slice %get3A_38 {offsets = [13], sizes = [1], strides = [1]} : vector<16xf32> to vector<1xf32>
        %squeeze3A_1235 = vector.extract %slice3A_1234[0] : f32 from vector<1xf32>
        %add3A_1236 = arith.constant 13 : i32
        %add3A_1237 = arith.addi %mul3A_40, %add3A_1236 : i32
        %get3A_1238 = arith.index_cast %add3A_1237 : i32 to index
        %get3A_1239 = arith.constant 0 : index
        %get3A_1240 = tpu.vector_load %arg11[%get3A_1238, %get3A_1239] {strides = array<i32>} : memref<128x128xf32, #tpu.memory_space<vmem>>, vector<1x16xf32>,
        %get3A_1241 = vector.shape_cast %get3A_1240 : vector<1x16xf32> to vector<16xf32>
        %mul3A_1242 = vector.broadcast %squeeze3A_1235 : f32 to vector<16xf32>
        %mul3A_1243 = arith.mulf %get3A_1241, %mul3A_1242 : vector<16xf32>
        %swap3A_1244 = arith.index_cast %add3A_1237 : i32 to index
        %swap3A_1245 = arith.constant 0 : index
        %swap3A_1246 = tpu.vector_load %arg11[%swap3A_1244, %swap3A_1245] {strides = array<i32>} : memref<128x128xf32, #tpu.memory_space<vmem>>, vector<1x16xf32>,
        %swap3A_1247 = vector.shape_cast %swap3A_1246 : vector<1x16xf32> to vector<16xf32>
        %swap3A_1248 = vector.shape_cast %mul3A_1243 : vector<16xf32> to vector<1x16xf32>
        tpu.vector_store %arg11[%swap3A_1244, %swap3A_1245], %swap3A_1248 {strides = array<i32>} : memref<128x128xf32, #tpu.memory_space<vmem>>, vector<1x16xf32>,
        %get3A_1249 = arith.index_cast %add3A_1237 : i32 to index
        %get3A_1250 = arith.constant 16 : index
        %get3A_1251 = tpu.vector_load %arg11[%get3A_1249, %get3A_1250] {strides = array<i32>} : memref<128x128xf32, #tpu.memory_space<vmem>>, vector<1x16xf32>,
        %get3A_1252 = vector.shape_cast %get3A_1251 : vector<1x16xf32> to vector<16xf32>
        %mul3A_1253 = vector.broadcast %squeeze3A_1235 : f32 to vector<16xf32>
        %mul3A_1254 = arith.mulf %get3A_1252, %mul3A_1253 : vector<16xf32>
        %swap3A_1255 = arith.index_cast %add3A_1237 : i32 to index
        %swap3A_1256 = arith.constant 16 : index
        %swap3A_1257 = tpu.vector_load %arg11[%swap3A_1255, %swap3A_1256] {strides = array<i32>} : memref<128x128xf32, #tpu.memory_space<vmem>>, vector<1x16xf32>,
        %swap3A_1258 = vector.shape_cast %swap3A_1257 : vector<1x16xf32> to vector<16xf32>
        %swap3A_1259 = vector.shape_cast %mul3A_1254 : vector<16xf32> to vector<1x16xf32>
        tpu.vector_store %arg11[%swap3A_1255, %swap3A_1256], %swap3A_1259 {strides = array<i32>} : memref<128x128xf32, #tpu.memory_space<vmem>>, vector<1x16xf32>,
        %get3A_1260 = arith.index_cast %add3A_1237 : i32 to index
        %get3A_1261 = arith.constant 32 : index
        %get3A_1262 = tpu.vector_load %arg11[%get3A_1260, %get3A_1261] {strides = array<i32>} : memref<128x128xf32, #tpu.memory_space<vmem>>, vector<1x16xf32>,
        %get3A_1263 = vector.shape_cast %get3A_1262 : vector<1x16xf32> to vector<16xf32>
        %mul3A_1264 = vector.broadcast %squeeze3A_1235 : f32 to vector<16xf32>
        %mul3A_1265 = arith.mulf %get3A_1263, %mul3A_1264 : vector<16xf32>
        %swap3A_1266 = arith.index_cast %add3A_1237 : i32 to index
        %swap3A_1267 = arith.constant 32 : index
        %swap3A_1268 = tpu.vector_load %arg11[%swap3A_1266, %swap3A_1267] {strides = array<i32>} : memref<128x128xf32, #tpu.memory_space<vmem>>, vector<1x16xf32>,
        %swap3A_1269 = vector.shape_cast %swap3A_1268 : vector<1x16xf32> to vector<16xf32>
        %swap3A_1270 = vector.shape_cast %mul3A_1265 : vector<16xf32> to vector<1x16xf32>
        tpu.vector_store %arg11[%swap3A_1266, %swap3A_1267], %swap3A_1270 {strides = array<i32>} : memref<128x128xf32, #tpu.memory_space<vmem>>, vector<1x16xf32>,
        %get3A_1271 = arith.index_cast %add3A_1237 : i32 to index
        %get3A_1272 = arith.constant 48 : index
        %get3A_1273 = tpu.vector_load %arg11[%get3A_1271, %get3A_1272] {strides = array<i32>} : memref<128x128xf32, #tpu.memory_space<vmem>>, vector<1x16xf32>,
        %get3A_1274 = vector.shape_cast %get3A_1273 : vector<1x16xf32> to vector<16xf32>
        %mul3A_1275 = vector.broadcast %squeeze3A_1235 : f32 to vector<16xf32>
        %mul3A_1276 = arith.mulf %get3A_1274, %mul3A_1275 : vector<16xf32>
        %swap3A_1277 = arith.index_cast %add3A_1237 : i32 to index
        %swap3A_1278 = arith.constant 48 : index
        %swap3A_1279 = tpu.vector_load %arg11[%swap3A_1277, %swap3A_1278] {strides = array<i32>} : memref<128x128xf32, #tpu.memory_space<vmem>>, vector<1x16xf32>,
        %swap3A_1280 = vector.shape_cast %swap3A_1279 : vector<1x16xf32> to vector<16xf32>
        %swap3A_1281 = vector.shape_cast %mul3A_1276 : vector<16xf32> to vector<1x16xf32>
        tpu.vector_store %arg11[%swap3A_1277, %swap3A_1278], %swap3A_1281 {strides = array<i32>} : memref<128x128xf32, #tpu.memory_space<vmem>>, vector<1x16xf32>,
        %get3A_1282 = arith.index_cast %add3A_1237 : i32 to index
        %get3A_1283 = arith.constant 64 : index
        %get3A_1284 = tpu.vector_load %arg11[%get3A_1282, %get3A_1283] {strides = array<i32>} : memref<128x128xf32, #tpu.memory_space<vmem>>, vector<1x16xf32>,
        %get3A_1285 = vector.shape_cast %get3A_1284 : vector<1x16xf32> to vector<16xf32>
        %mul3A_1286 = vector.broadcast %squeeze3A_1235 : f32 to vector<16xf32>
        %mul3A_1287 = arith.mulf %get3A_1285, %mul3A_1286 : vector<16xf32>
        %swap3A_1288 = arith.index_cast %add3A_1237 : i32 to index
        %swap3A_1289 = arith.constant 64 : index
        %swap3A_1290 = tpu.vector_load %arg11[%swap3A_1288, %swap3A_1289] {strides = array<i32>} : memref<128x128xf32, #tpu.memory_space<vmem>>, vector<1x16xf32>,
        %swap3A_1291 = vector.shape_cast %swap3A_1290 : vector<1x16xf32> to vector<16xf32>
        %swap3A_1292 = vector.shape_cast %mul3A_1287 : vector<16xf32> to vector<1x16xf32>
        tpu.vector_store %arg11[%swap3A_1288, %swap3A_1289], %swap3A_1292 {strides = array<i32>} : memref<128x128xf32, #tpu.memory_space<vmem>>, vector<1x16xf32>,
        %get3A_1293 = arith.index_cast %add3A_1237 : i32 to index
        %get3A_1294 = arith.constant 80 : index
        %get3A_1295 = tpu.vector_load %arg11[%get3A_1293, %get3A_1294] {strides = array<i32>} : memref<128x128xf32, #tpu.memory_space<vmem>>, vector<1x16xf32>,
        %get3A_1296 = vector.shape_cast %get3A_1295 : vector<1x16xf32> to vector<16xf32>
        %mul3A_1297 = vector.broadcast %squeeze3A_1235 : f32 to vector<16xf32>
        %mul3A_1298 = arith.mulf %get3A_1296, %mul3A_1297 : vector<16xf32>
        %swap3A_1299 = arith.index_cast %add3A_1237 : i32 to index
        %swap3A_1300 = arith.constant 80 : index
        %swap3A_1301 = tpu.vector_load %arg11[%swap3A_1299, %swap3A_1300] {strides = array<i32>} : memref<128x128xf32, #tpu.memory_space<vmem>>, vector<1x16xf32>,
        %swap3A_1302 = vector.shape_cast %swap3A_1301 : vector<1x16xf32> to vector<16xf32>
        %swap3A_1303 = vector.shape_cast %mul3A_1298 : vector<16xf32> to vector<1x16xf32>
        tpu.vector_store %arg11[%swap3A_1299, %swap3A_1300], %swap3A_1303 {strides = array<i32>} : memref<128x128xf32, #tpu.memory_space<vmem>>, vector<1x16xf32>,
        %get3A_1304 = arith.index_cast %add3A_1237 : i32 to index
        %get3A_1305 = arith.constant 96 : index
        %get3A_1306 = tpu.vector_load %arg11[%get3A_1304, %get3A_1305] {strides = array<i32>} : memref<128x128xf32, #tpu.memory_space<vmem>>, vector<1x16xf32>,
        %get3A_1307 = vector.shape_cast %get3A_1306 : vector<1x16xf32> to vector<16xf32>
        %mul3A_1308 = vector.broadcast %squeeze3A_1235 : f32 to vector<16xf32>
        %mul3A_1309 = arith.mulf %get3A_1307, %mul3A_1308 : vector<16xf32>
        %swap3A_1310 = arith.index_cast %add3A_1237 : i32 to index
        %swap3A_1311 = arith.constant 96 : index
        %swap3A_1312 = tpu.vector_load %arg11[%swap3A_1310, %swap3A_1311] {strides = array<i32>} : memref<128x128xf32, #tpu.memory_space<vmem>>, vector<1x16xf32>,
        %swap3A_1313 = vector.shape_cast %swap3A_1312 : vector<1x16xf32> to vector<16xf32>
        %swap3A_1314 = vector.shape_cast %mul3A_1309 : vector<16xf32> to vector<1x16xf32>
        tpu.vector_store %arg11[%swap3A_1310, %swap3A_1311], %swap3A_1314 {strides = array<i32>} : memref<128x128xf32, #tpu.memory_space<vmem>>, vector<1x16xf32>,
        %get3A_1315 = arith.index_cast %add3A_1237 : i32 to index
        %get3A_1316 = arith.constant 112 : index
        %get3A_1317 = tpu.vector_load %arg11[%get3A_1315, %get3A_1316] {strides = array<i32>} : memref<128x128xf32, #tpu.memory_space<vmem>>, vector<1x16xf32>,
        %get3A_1318 = vector.shape_cast %get3A_1317 : vector<1x16xf32> to vector<16xf32>
        %mul3A_1319 = vector.broadcast %squeeze3A_1235 : f32 to vector<16xf32>
        %mul3A_1320 = arith.mulf %get3A_1318, %mul3A_1319 : vector<16xf32>
        %swap3A_1321 = arith.index_cast %add3A_1237 : i32 to index
        %swap3A_1322 = arith.constant 112 : index
        %swap3A_1323 = tpu.vector_load %arg11[%swap3A_1321, %swap3A_1322] {strides = array<i32>} : memref<128x128xf32, #tpu.memory_space<vmem>>, vector<1x16xf32>,
        %swap3A_1324 = vector.shape_cast %swap3A_1323 : vector<1x16xf32> to vector<16xf32>
        %swap3A_1325 = vector.shape_cast %mul3A_1320 : vector<16xf32> to vector<1x16xf32>
        tpu.vector_store %arg11[%swap3A_1321, %swap3A_1322], %swap3A_1325 {strides = array<i32>} : memref<128x128xf32, #tpu.memory_space<vmem>>, vector<1x16xf32>,
        %slice3A_1326 = vector.extract_strided_slice %get3A_38 {offsets = [14], sizes = [1], strides = [1]} : vector<16xf32> to vector<1xf32>
        %squeeze3A_1327 = vector.extract %slice3A_1326[0] : f32 from vector<1xf32>
        %add3A_1328 = arith.constant 14 : i32
        %add3A_1329 = arith.addi %mul3A_40, %add3A_1328 : i32
        %get3A_1330 = arith.index_cast %add3A_1329 : i32 to index
        %get3A_1331 = arith.constant 0 : index
        %get3A_1332 = tpu.vector_load %arg11[%get3A_1330, %get3A_1331] {strides = array<i32>} : memref<128x128xf32, #tpu.memory_space<vmem>>, vector<1x16xf32>,
        %get3A_1333 = vector.shape_cast %get3A_1332 : vector<1x16xf32> to vector<16xf32>
        %mul3A_1334 = vector.broadcast %squeeze3A_1327 : f32 to vector<16xf32>
        %mul3A_1335 = arith.mulf %get3A_1333, %mul3A_1334 : vector<16xf32>
        %swap3A_1336 = arith.index_cast %add3A_1329 : i32 to index
        %swap3A_1337 = arith.constant 0 : index
        %swap3A_1338 = tpu.vector_load %arg11[%swap3A_1336, %swap3A_1337] {strides = array<i32>} : memref<128x128xf32, #tpu.memory_space<vmem>>, vector<1x16xf32>,
        %swap3A_1339 = vector.shape_cast %swap3A_1338 : vector<1x16xf32> to vector<16xf32>
        %swap3A_1340 = vector.shape_cast %mul3A_1335 : vector<16xf32> to vector<1x16xf32>
        tpu.vector_store %arg11[%swap3A_1336, %swap3A_1337], %swap3A_1340 {strides = array<i32>} : memref<128x128xf32, #tpu.memory_space<vmem>>, vector<1x16xf32>,
        %get3A_1341 = arith.index_cast %add3A_1329 : i32 to index
        %get3A_1342 = arith.constant 16 : index
        %get3A_1343 = tpu.vector_load %arg11[%get3A_1341, %get3A_1342] {strides = array<i32>} : memref<128x128xf32, #tpu.memory_space<vmem>>, vector<1x16xf32>,
        %get3A_1344 = vector.shape_cast %get3A_1343 : vector<1x16xf32> to vector<16xf32>
        %mul3A_1345 = vector.broadcast %squeeze3A_1327 : f32 to vector<16xf32>
        %mul3A_1346 = arith.mulf %get3A_1344, %mul3A_1345 : vector<16xf32>
        %swap3A_1347 = arith.index_cast %add3A_1329 : i32 to index
        %swap3A_1348 = arith.constant 16 : index
        %swap3A_1349 = tpu.vector_load %arg11[%swap3A_1347, %swap3A_1348] {strides = array<i32>} : memref<128x128xf32, #tpu.memory_space<vmem>>, vector<1x16xf32>,
        %swap3A_1350 = vector.shape_cast %swap3A_1349 : vector<1x16xf32> to vector<16xf32>
        %swap3A_1351 = vector.shape_cast %mul3A_1346 : vector<16xf32> to vector<1x16xf32>
        tpu.vector_store %arg11[%swap3A_1347, %swap3A_1348], %swap3A_1351 {strides = array<i32>} : memref<128x128xf32, #tpu.memory_space<vmem>>, vector<1x16xf32>,
        %get3A_1352 = arith.index_cast %add3A_1329 : i32 to index
        %get3A_1353 = arith.constant 32 : index
        %get3A_1354 = tpu.vector_load %arg11[%get3A_1352, %get3A_1353] {strides = array<i32>} : memref<128x128xf32, #tpu.memory_space<vmem>>, vector<1x16xf32>,
        %get3A_1355 = vector.shape_cast %get3A_1354 : vector<1x16xf32> to vector<16xf32>
        %mul3A_1356 = vector.broadcast %squeeze3A_1327 : f32 to vector<16xf32>
        %mul3A_1357 = arith.mulf %get3A_1355, %mul3A_1356 : vector<16xf32>
        %swap3A_1358 = arith.index_cast %add3A_1329 : i32 to index
        %swap3A_1359 = arith.constant 32 : index
        %swap3A_1360 = tpu.vector_load %arg11[%swap3A_1358, %swap3A_1359] {strides = array<i32>} : memref<128x128xf32, #tpu.memory_space<vmem>>, vector<1x16xf32>,
        %swap3A_1361 = vector.shape_cast %swap3A_1360 : vector<1x16xf32> to vector<16xf32>
        %swap3A_1362 = vector.shape_cast %mul3A_1357 : vector<16xf32> to vector<1x16xf32>
        tpu.vector_store %arg11[%swap3A_1358, %swap3A_1359], %swap3A_1362 {strides = array<i32>} : memref<128x128xf32, #tpu.memory_space<vmem>>, vector<1x16xf32>,
        %get3A_1363 = arith.index_cast %add3A_1329 : i32 to index
        %get3A_1364 = arith.constant 48 : index
        %get3A_1365 = tpu.vector_load %arg11[%get3A_1363, %get3A_1364] {strides = array<i32>} : memref<128x128xf32, #tpu.memory_space<vmem>>, vector<1x16xf32>,
        %get3A_1366 = vector.shape_cast %get3A_1365 : vector<1x16xf32> to vector<16xf32>
        %mul3A_1367 = vector.broadcast %squeeze3A_1327 : f32 to vector<16xf32>
        %mul3A_1368 = arith.mulf %get3A_1366, %mul3A_1367 : vector<16xf32>
        %swap3A_1369 = arith.index_cast %add3A_1329 : i32 to index
        %swap3A_1370 = arith.constant 48 : index
        %swap3A_1371 = tpu.vector_load %arg11[%swap3A_1369, %swap3A_1370] {strides = array<i32>} : memref<128x128xf32, #tpu.memory_space<vmem>>, vector<1x16xf32>,
        %swap3A_1372 = vector.shape_cast %swap3A_1371 : vector<1x16xf32> to vector<16xf32>
        %swap3A_1373 = vector.shape_cast %mul3A_1368 : vector<16xf32> to vector<1x16xf32>
        tpu.vector_store %arg11[%swap3A_1369, %swap3A_1370], %swap3A_1373 {strides = array<i32>} : memref<128x128xf32, #tpu.memory_space<vmem>>, vector<1x16xf32>,
        %get3A_1374 = arith.index_cast %add3A_1329 : i32 to index
        %get3A_1375 = arith.constant 64 : index
        %get3A_1376 = tpu.vector_load %arg11[%get3A_1374, %get3A_1375] {strides = array<i32>} : memref<128x128xf32, #tpu.memory_space<vmem>>, vector<1x16xf32>,
        %get3A_1377 = vector.shape_cast %get3A_1376 : vector<1x16xf32> to vector<16xf32>
        %mul3A_1378 = vector.broadcast %squeeze3A_1327 : f32 to vector<16xf32>
        %mul3A_1379 = arith.mulf %get3A_1377, %mul3A_1378 : vector<16xf32>
        %swap3A_1380 = arith.index_cast %add3A_1329 : i32 to index
        %swap3A_1381 = arith.constant 64 : index
        %swap3A_1382 = tpu.vector_load %arg11[%swap3A_1380, %swap3A_1381] {strides = array<i32>} : memref<128x128xf32, #tpu.memory_space<vmem>>, vector<1x16xf32>,
        %swap3A_1383 = vector.shape_cast %swap3A_1382 : vector<1x16xf32> to vector<16xf32>
        %swap3A_1384 = vector.shape_cast %mul3A_1379 : vector<16xf32> to vector<1x16xf32>
        tpu.vector_store %arg11[%swap3A_1380, %swap3A_1381], %swap3A_1384 {strides = array<i32>} : memref<128x128xf32, #tpu.memory_space<vmem>>, vector<1x16xf32>,
        %get3A_1385 = arith.index_cast %add3A_1329 : i32 to index
        %get3A_1386 = arith.constant 80 : index
        %get3A_1387 = tpu.vector_load %arg11[%get3A_1385, %get3A_1386] {strides = array<i32>} : memref<128x128xf32, #tpu.memory_space<vmem>>, vector<1x16xf32>,
        %get3A_1388 = vector.shape_cast %get3A_1387 : vector<1x16xf32> to vector<16xf32>
        %mul3A_1389 = vector.broadcast %squeeze3A_1327 : f32 to vector<16xf32>
        %mul3A_1390 = arith.mulf %get3A_1388, %mul3A_1389 : vector<16xf32>
        %swap3A_1391 = arith.index_cast %add3A_1329 : i32 to index
        %swap3A_1392 = arith.constant 80 : index
        %swap3A_1393 = tpu.vector_load %arg11[%swap3A_1391, %swap3A_1392] {strides = array<i32>} : memref<128x128xf32, #tpu.memory_space<vmem>>, vector<1x16xf32>,
        %swap3A_1394 = vector.shape_cast %swap3A_1393 : vector<1x16xf32> to vector<16xf32>
        %swap3A_1395 = vector.shape_cast %mul3A_1390 : vector<16xf32> to vector<1x16xf32>
        tpu.vector_store %arg11[%swap3A_1391, %swap3A_1392], %swap3A_1395 {strides = array<i32>} : memref<128x128xf32, #tpu.memory_space<vmem>>, vector<1x16xf32>,
        %get3A_1396 = arith.index_cast %add3A_1329 : i32 to index
        %get3A_1397 = arith.constant 96 : index
        %get3A_1398 = tpu.vector_load %arg11[%get3A_1396, %get3A_1397] {strides = array<i32>} : memref<128x128xf32, #tpu.memory_space<vmem>>, vector<1x16xf32>,
        %get3A_1399 = vector.shape_cast %get3A_1398 : vector<1x16xf32> to vector<16xf32>
        %mul3A_1400 = vector.broadcast %squeeze3A_1327 : f32 to vector<16xf32>
        %mul3A_1401 = arith.mulf %get3A_1399, %mul3A_1400 : vector<16xf32>
        %swap3A_1402 = arith.index_cast %add3A_1329 : i32 to index
        %swap3A_1403 = arith.constant 96 : index
        %swap3A_1404 = tpu.vector_load %arg11[%swap3A_1402, %swap3A_1403] {strides = array<i32>} : memref<128x128xf32, #tpu.memory_space<vmem>>, vector<1x16xf32>,
        %swap3A_1405 = vector.shape_cast %swap3A_1404 : vector<1x16xf32> to vector<16xf32>
        %swap3A_1406 = vector.shape_cast %mul3A_1401 : vector<16xf32> to vector<1x16xf32>
        tpu.vector_store %arg11[%swap3A_1402, %swap3A_1403], %swap3A_1406 {strides = array<i32>} : memref<128x128xf32, #tpu.memory_space<vmem>>, vector<1x16xf32>,
        %get3A_1407 = arith.index_cast %add3A_1329 : i32 to index
        %get3A_1408 = arith.constant 112 : index
        %get3A_1409 = tpu.vector_load %arg11[%get3A_1407, %get3A_1408] {strides = array<i32>} : memref<128x128xf32, #tpu.memory_space<vmem>>, vector<1x16xf32>,
        %get3A_1410 = vector.shape_cast %get3A_1409 : vector<1x16xf32> to vector<16xf32>
        %mul3A_1411 = vector.broadcast %squeeze3A_1327 : f32 to vector<16xf32>
        %mul3A_1412 = arith.mulf %get3A_1410, %mul3A_1411 : vector<16xf32>
        %swap3A_1413 = arith.index_cast %add3A_1329 : i32 to index
        %swap3A_1414 = arith.constant 112 : index
        %swap3A_1415 = tpu.vector_load %arg11[%swap3A_1413, %swap3A_1414] {strides = array<i32>} : memref<128x128xf32, #tpu.memory_space<vmem>>, vector<1x16xf32>,
        %swap3A_1416 = vector.shape_cast %swap3A_1415 : vector<1x16xf32> to vector<16xf32>
        %swap3A_1417 = vector.shape_cast %mul3A_1412 : vector<16xf32> to vector<1x16xf32>
        tpu.vector_store %arg11[%swap3A_1413, %swap3A_1414], %swap3A_1417 {strides = array<i32>} : memref<128x128xf32, #tpu.memory_space<vmem>>, vector<1x16xf32>,
        %slice3A_1418 = vector.extract_strided_slice %get3A_38 {offsets = [15], sizes = [1], strides = [1]} : vector<16xf32> to vector<1xf32>
        %squeeze3A_1419 = vector.extract %slice3A_1418[0] : f32 from vector<1xf32>
        %add3A_1420 = arith.constant 15 : i32
        %add3A_1421 = arith.addi %mul3A_40, %add3A_1420 : i32
        %get3A_1422 = arith.index_cast %add3A_1421 : i32 to index
        %get3A_1423 = arith.constant 0 : index
        %get3A_1424 = tpu.vector_load %arg11[%get3A_1422, %get3A_1423] {strides = array<i32>} : memref<128x128xf32, #tpu.memory_space<vmem>>, vector<1x16xf32>,
        %get3A_1425 = vector.shape_cast %get3A_1424 : vector<1x16xf32> to vector<16xf32>
        %mul3A_1426 = vector.broadcast %squeeze3A_1419 : f32 to vector<16xf32>
        %mul3A_1427 = arith.mulf %get3A_1425, %mul3A_1426 : vector<16xf32>
        %swap3A_1428 = arith.index_cast %add3A_1421 : i32 to index
        %swap3A_1429 = arith.constant 0 : index
        %swap3A_1430 = tpu.vector_load %arg11[%swap3A_1428, %swap3A_1429] {strides = array<i32>} : memref<128x128xf32, #tpu.memory_space<vmem>>, vector<1x16xf32>,
        %swap3A_1431 = vector.shape_cast %swap3A_1430 : vector<1x16xf32> to vector<16xf32>
        %swap3A_1432 = vector.shape_cast %mul3A_1427 : vector<16xf32> to vector<1x16xf32>
        tpu.vector_store %arg11[%swap3A_1428, %swap3A_1429], %swap3A_1432 {strides = array<i32>} : memref<128x128xf32, #tpu.memory_space<vmem>>, vector<1x16xf32>,
        %get3A_1433 = arith.index_cast %add3A_1421 : i32 to index
        %get3A_1434 = arith.constant 16 : index
        %get3A_1435 = tpu.vector_load %arg11[%get3A_1433, %get3A_1434] {strides = array<i32>} : memref<128x128xf32, #tpu.memory_space<vmem>>, vector<1x16xf32>,
        %get3A_1436 = vector.shape_cast %get3A_1435 : vector<1x16xf32> to vector<16xf32>
        %mul3A_1437 = vector.broadcast %squeeze3A_1419 : f32 to vector<16xf32>
        %mul3A_1438 = arith.mulf %get3A_1436, %mul3A_1437 : vector<16xf32>
        %swap3A_1439 = arith.index_cast %add3A_1421 : i32 to index
        %swap3A_1440 = arith.constant 16 : index
        %swap3A_1441 = tpu.vector_load %arg11[%swap3A_1439, %swap3A_1440] {strides = array<i32>} : memref<128x128xf32, #tpu.memory_space<vmem>>, vector<1x16xf32>,
        %swap3A_1442 = vector.shape_cast %swap3A_1441 : vector<1x16xf32> to vector<16xf32>
        %swap3A_1443 = vector.shape_cast %mul3A_1438 : vector<16xf32> to vector<1x16xf32>
        tpu.vector_store %arg11[%swap3A_1439, %swap3A_1440], %swap3A_1443 {strides = array<i32>} : memref<128x128xf32, #tpu.memory_space<vmem>>, vector<1x16xf32>,
        %get3A_1444 = arith.index_cast %add3A_1421 : i32 to index
        %get3A_1445 = arith.constant 32 : index
        %get3A_1446 = tpu.vector_load %arg11[%get3A_1444, %get3A_1445] {strides = array<i32>} : memref<128x128xf32, #tpu.memory_space<vmem>>, vector<1x16xf32>,
        %get3A_1447 = vector.shape_cast %get3A_1446 : vector<1x16xf32> to vector<16xf32>
        %mul3A_1448 = vector.broadcast %squeeze3A_1419 : f32 to vector<16xf32>
        %mul3A_1449 = arith.mulf %get3A_1447, %mul3A_1448 : vector<16xf32>
        %swap3A_1450 = arith.index_cast %add3A_1421 : i32 to index
        %swap3A_1451 = arith.constant 32 : index
        %swap3A_1452 = tpu.vector_load %arg11[%swap3A_1450, %swap3A_1451] {strides = array<i32>} : memref<128x128xf32, #tpu.memory_space<vmem>>, vector<1x16xf32>,
        %swap3A_1453 = vector.shape_cast %swap3A_1452 : vector<1x16xf32> to vector<16xf32>
        %swap3A_1454 = vector.shape_cast %mul3A_1449 : vector<16xf32> to vector<1x16xf32>
        tpu.vector_store %arg11[%swap3A_1450, %swap3A_1451], %swap3A_1454 {strides = array<i32>} : memref<128x128xf32, #tpu.memory_space<vmem>>, vector<1x16xf32>,
        %get3A_1455 = arith.index_cast %add3A_1421 : i32 to index
        %get3A_1456 = arith.constant 48 : index
        %get3A_1457 = tpu.vector_load %arg11[%get3A_1455, %get3A_1456] {strides = array<i32>} : memref<128x128xf32, #tpu.memory_space<vmem>>, vector<1x16xf32>,
        %get3A_1458 = vector.shape_cast %get3A_1457 : vector<1x16xf32> to vector<16xf32>
        %mul3A_1459 = vector.broadcast %squeeze3A_1419 : f32 to vector<16xf32>
        %mul3A_1460 = arith.mulf %get3A_1458, %mul3A_1459 : vector<16xf32>
        %swap3A_1461 = arith.index_cast %add3A_1421 : i32 to index
        %swap3A_1462 = arith.constant 48 : index
        %swap3A_1463 = tpu.vector_load %arg11[%swap3A_1461, %swap3A_1462] {strides = array<i32>} : memref<128x128xf32, #tpu.memory_space<vmem>>, vector<1x16xf32>,
        %swap3A_1464 = vector.shape_cast %swap3A_1463 : vector<1x16xf32> to vector<16xf32>
        %swap3A_1465 = vector.shape_cast %mul3A_1460 : vector<16xf32> to vector<1x16xf32>
        tpu.vector_store %arg11[%swap3A_1461, %swap3A_1462], %swap3A_1465 {strides = array<i32>} : memref<128x128xf32, #tpu.memory_space<vmem>>, vector<1x16xf32>,
        %get3A_1466 = arith.index_cast %add3A_1421 : i32 to index
        %get3A_1467 = arith.constant 64 : index
        %get3A_1468 = tpu.vector_load %arg11[%get3A_1466, %get3A_1467] {strides = array<i32>} : memref<128x128xf32, #tpu.memory_space<vmem>>, vector<1x16xf32>,
        %get3A_1469 = vector.shape_cast %get3A_1468 : vector<1x16xf32> to vector<16xf32>
        %mul3A_1470 = vector.broadcast %squeeze3A_1419 : f32 to vector<16xf32>
        %mul3A_1471 = arith.mulf %get3A_1469, %mul3A_1470 : vector<16xf32>
        %swap3A_1472 = arith.index_cast %add3A_1421 : i32 to index
        %swap3A_1473 = arith.constant 64 : index
        %swap3A_1474 = tpu.vector_load %arg11[%swap3A_1472, %swap3A_1473] {strides = array<i32>} : memref<128x128xf32, #tpu.memory_space<vmem>>, vector<1x16xf32>,
        %swap3A_1475 = vector.shape_cast %swap3A_1474 : vector<1x16xf32> to vector<16xf32>
        %swap3A_1476 = vector.shape_cast %mul3A_1471 : vector<16xf32> to vector<1x16xf32>
        tpu.vector_store %arg11[%swap3A_1472, %swap3A_1473], %swap3A_1476 {strides = array<i32>} : memref<128x128xf32, #tpu.memory_space<vmem>>, vector<1x16xf32>,
        %get3A_1477 = arith.index_cast %add3A_1421 : i32 to index
        %get3A_1478 = arith.constant 80 : index
        %get3A_1479 = tpu.vector_load %arg11[%get3A_1477, %get3A_1478] {strides = array<i32>} : memref<128x128xf32, #tpu.memory_space<vmem>>, vector<1x16xf32>,
        %get3A_1480 = vector.shape_cast %get3A_1479 : vector<1x16xf32> to vector<16xf32>
        %mul3A_1481 = vector.broadcast %squeeze3A_1419 : f32 to vector<16xf32>
        %mul3A_1482 = arith.mulf %get3A_1480, %mul3A_1481 : vector<16xf32>
        %swap3A_1483 = arith.index_cast %add3A_1421 : i32 to index
        %swap3A_1484 = arith.constant 80 : index
        %swap3A_1485 = tpu.vector_load %arg11[%swap3A_1483, %swap3A_1484] {strides = array<i32>} : memref<128x128xf32, #tpu.memory_space<vmem>>, vector<1x16xf32>,
        %swap3A_1486 = vector.shape_cast %swap3A_1485 : vector<1x16xf32> to vector<16xf32>
        %swap3A_1487 = vector.shape_cast %mul3A_1482 : vector<16xf32> to vector<1x16xf32>
        tpu.vector_store %arg11[%swap3A_1483, %swap3A_1484], %swap3A_1487 {strides = array<i32>} : memref<128x128xf32, #tpu.memory_space<vmem>>, vector<1x16xf32>,
        %get3A_1488 = arith.index_cast %add3A_1421 : i32 to index
        %get3A_1489 = arith.constant 96 : index
        %get3A_1490 = tpu.vector_load %arg11[%get3A_1488, %get3A_1489] {strides = array<i32>} : memref<128x128xf32, #tpu.memory_space<vmem>>, vector<1x16xf32>,
        %get3A_1491 = vector.shape_cast %get3A_1490 : vector<1x16xf32> to vector<16xf32>
        %mul3A_1492 = vector.broadcast %squeeze3A_1419 : f32 to vector<16xf32>
        %mul3A_1493 = arith.mulf %get3A_1491, %mul3A_1492 : vector<16xf32>
        %swap3A_1494 = arith.index_cast %add3A_1421 : i32 to index
        %swap3A_1495 = arith.constant 96 : index
        %swap3A_1496 = tpu.vector_load %arg11[%swap3A_1494, %swap3A_1495] {strides = array<i32>} : memref<128x128xf32, #tpu.memory_space<vmem>>, vector<1x16xf32>,
        %swap3A_1497 = vector.shape_cast %swap3A_1496 : vector<1x16xf32> to vector<16xf32>
        %swap3A_1498 = vector.shape_cast %mul3A_1493 : vector<16xf32> to vector<1x16xf32>
        tpu.vector_store %arg11[%swap3A_1494, %swap3A_1495], %swap3A_1498 {strides = array<i32>} : memref<128x128xf32, #tpu.memory_space<vmem>>, vector<1x16xf32>,
        %get3A_1499 = arith.index_cast %add3A_1421 : i32 to index
        %get3A_1500 = arith.constant 112 : index
        %get3A_1501 = tpu.vector_load %arg11[%get3A_1499, %get3A_1500] {strides = array<i32>} : memref<128x128xf32, #tpu.memory_space<vmem>>, vector<1x16xf32>,
        %get3A_1502 = vector.shape_cast %get3A_1501 : vector<1x16xf32> to vector<16xf32>
        %mul3A_1503 = vector.broadcast %squeeze3A_1419 : f32 to vector<16xf32>
        %mul3A_1504 = arith.mulf %get3A_1502, %mul3A_1503 : vector<16xf32>
        %swap3A_1505 = arith.index_cast %add3A_1421 : i32 to index
        %swap3A_1506 = arith.constant 112 : index
        %swap3A_1507 = tpu.vector_load %arg11[%swap3A_1505, %swap3A_1506] {strides = array<i32>} : memref<128x128xf32, #tpu.memory_space<vmem>>, vector<1x16xf32>,
        %swap3A_1508 = vector.shape_cast %swap3A_1507 : vector<1x16xf32> to vector<16xf32>
        %swap3A_1509 = vector.shape_cast %mul3A_1504 : vector<16xf32> to vector<1x16xf32>
        tpu.vector_store %arg11[%swap3A_1505, %swap3A_1506], %swap3A_1509 {strides = array<i32>} : memref<128x128xf32, #tpu.memory_space<vmem>>, vector<1x16xf32>,
      }
      %scan3A_32 = arith.constant 8 : i32
      "tpu.region"() ({
        %run_scoped3A = tpu.sem_alloc : memref<!tpu.dma_semaphore, #tpu.memory_space<semaphore_mem>>
        %dma_start3A_33 = arith.constant 0 : i32
        %dma_start3A_34 = tpu.memref_slice %arg9[%scan3A_16, %dma_start3A_33] : memref<79x128xi32, #tpu.memory_space<vmem>> -> memref<1x128xi32, #tpu.memory_space<vmem>>
        %dma_start3A_35 = tpu.memref_squeeze %dma_start3A_34 : memref<1x128xi32, #tpu.memory_space<vmem>> -> memref<128xi32, #tpu.memory_space<vmem>>
        %dma_start3A_36 = arith.constant 0 : i32
        %dma_start3A_37 = arith.constant 0 : i32
        %dma_start3A_38 = tpu.memref_slice %arg12[%dma_start3A_36, %dma_start3A_37] : memref<10240x128xf32, #tpu.memory_space<vmem_shared>> -> memref<10240x128xf32, #tpu.memory_space<vmem_shared>>
        tpu.enqueue_indirect_dma source(%arg11 : memref<128x128xf32, #tpu.memory_space<vmem>>) target(%dma_start3A_38 : memref<10240x128xf32, #tpu.memory_space<vmem_shared>>) offsets(%dma_start3A_35 : memref<128xi32, #tpu.memory_space<vmem>>) semaphore(%run_scoped3A : memref<!tpu.dma_semaphore, #tpu.memory_space<semaphore_mem>>) {add = true}
        %dma_wait3A_39 = arith.constant 0 : i32
        %dma_wait3A_40 = tpu.memref_slice %arg9[%scan3A_16, %dma_wait3A_39] : memref<79x128xi32, #tpu.memory_space<vmem>> -> memref<1x128xi32, #tpu.memory_space<vmem>>
        %dma_wait3A_41 = tpu.memref_squeeze %dma_wait3A_40 : memref<1x128xi32, #tpu.memory_space<vmem>> -> memref<128xi32, #tpu.memory_space<vmem>>
        %dma_wait3A_42 = arith.constant 0 : i32
        %dma_wait3A_43 = arith.constant 0 : i32
        %dma_wait3A_44 = tpu.memref_slice %arg12[%dma_wait3A_42, %dma_wait3A_43] : memref<10240x128xf32, #tpu.memory_space<vmem_shared>> -> memref<10240x128xf32, #tpu.memory_space<vmem_shared>>
        tpu.wait_indirect_dma semaphore(%run_scoped3A : memref<!tpu.dma_semaphore, #tpu.memory_space<semaphore_mem>>) src(%arg11 : memref<128x128xf32, #tpu.memory_space<vmem>>) dst(%dma_wait3A_44 : memref<10240x128xf32, #tpu.memory_space<vmem_shared>>)
        tpu.yield
      }) : () -> ()
    }
    %scan3A_14 = arith.constant 79 : i32
    %barrier3A_15 = arith.constant 0 : index
    tpu.barrier barrier_id(%barrier3A_15)
    "tpu.region"() ({
      %run_scoped3A = tpu.sem_alloc : memref<!tpu.dma_semaphore, #tpu.memory_space<semaphore_mem>>
      %dma_start3A = arith.constant 0 : i32
      %dma_start3A_16 = tpu.memref_slice %arg7[%arg0, %mul3A_2, %dma_start3A] : memref<2x10240x128xf32, #tpu.memory_space<hbm>> -> memref<1x640x128xf32, #tpu.memory_space<hbm>>
      %dma_start3A_17 = tpu.memref_squeeze %dma_start3A_16 : memref<1x640x128xf32, #tpu.memory_space<hbm>> -> memref<640x128xf32, #tpu.memory_space<hbm>>
      %dma_start3A_18 = arith.constant 0 : i32
      %dma_start3A_19 = tpu.memref_slice %arg12[%mul3A_2, %dma_start3A_18] : memref<10240x128xf32, #tpu.memory_space<vmem_shared>> -> memref<640x128xf32, #tpu.memory_space<vmem_shared>>
      tpu.enqueue_dma source(%dma_start3A_19 : memref<640x128xf32, #tpu.memory_space<vmem_shared>>) target(%dma_start3A_17 : memref<640x128xf32, #tpu.memory_space<hbm>>) target_semaphore(%run_scoped3A : memref<!tpu.dma_semaphore, #tpu.memory_space<semaphore_mem>>)
      %dma_wait3A = arith.constant 0 : i32
      %dma_wait3A_20 = tpu.memref_slice %arg7[%arg0, %mul3A_2, %dma_wait3A] : memref<2x10240x128xf32, #tpu.memory_space<hbm>> -> memref<1x640x128xf32, #tpu.memory_space<hbm>>
      %dma_wait3A_21 = tpu.memref_squeeze %dma_wait3A_20 : memref<1x640x128xf32, #tpu.memory_space<hbm>> -> memref<640x128xf32, #tpu.memory_space<hbm>>
      %dma_wait3A_22 = arith.constant 0 : i32
      %dma_wait3A_23 = tpu.memref_slice %arg12[%mul3A_2, %dma_wait3A_22] : memref<10240x128xf32, #tpu.memory_space<vmem_shared>> -> memref<640x128xf32, #tpu.memory_space<vmem_shared>>
      tpu.wait_dma2 semaphore(%run_scoped3A : memref<!tpu.dma_semaphore, #tpu.memory_space<semaphore_mem>>) src(%dma_wait3A_23 : memref<640x128xf32, #tpu.memory_space<vmem_shared>>) dst(%dma_wait3A_21 : memref<640x128xf32, #tpu.memory_space<hbm>>)
      tpu.yield
    }) : () -> ()
    return
  }
}

#map = affine_map<(d0, d1) -> (0, 0)>
#map1 = affine_map<(d0, d1) -> (0, 0, 0)>
module attributes {stable_mosaic.version = 14 : i64} {
  func.func @_edge_kernel(%arg0: i32, %arg1: i32, %arg2: memref<10240x128xf32, #tpu.memory_space<hbm>>, %arg3: memref<32x79x128xi32, #tpu.memory_space<hbm>>, %arg4: memref<32x79x128xi32, #tpu.memory_space<hbm>>, %arg5: memref<32x79x128xf32, #tpu.memory_space<hbm>>, %arg6: memref<10240x128xf32, #tpu.memory_space<hbm>>, %arg7: memref<2x10240x128xf32, #tpu.memory_space<hbm>>, %arg8: memref<79x128xi32, #tpu.memory_space<vmem>>, %arg9: memref<79x128xi32, #tpu.memory_space<vmem>>, %arg10: memref<79x128xf32, #tpu.memory_space<vmem>>, %arg11: memref<128x128xf32, #tpu.memory_space<vmem>>, %arg12: memref<10240x128xf32, #tpu.memory_space<vmem_shared>>, %arg13: memref<!tpu.dma_semaphore, #tpu.memory_space<semaphore_mem>>) attributes {dimension_semantics = [#tpu.dimension_semantics<core_parallel>, #tpu.dimension_semantics<subcore_parallel>], iteration_bounds = array<i64: 2, 16>, scalar_prefetch = 0 : i64, scratch_operands = 6 : i64, tpu.core_type = #tpu.core_type<sc_vector_subcore>, window_params = [{transform_indices = #map}, {transform_indices = #map1}, {transform_indices = #map1}, {transform_indices = #map1}, {transform_indices = #map}, {transform_indices = #map1}]} {
    %mul3A = arith.constant 2 : i32
    %mul3A_0 = arith.muli %arg1, %mul3A : i32
    %add3A = arith.addi %mul3A_0, %arg0 : i32
    %mul3A_1 = arith.constant 640 : i32
    %mul3A_2 = arith.muli %arg1, %mul3A_1 : i32
    %eq3A = arith.constant 0 : i32
    %eq3A_3 = arith.cmpi eq, %arg0, %eq3A : i32
    %convert_element_type3A = arith.extui %eq3A_3 : i1 to i32
    %cond3A = arith.constant 0 : i32
    %cond3A_4 = arith.cmpi ne, %convert_element_type3A, %cond3A : i32
    scf.if %cond3A_4 {
      "tpu.region"() ({
        %run_scoped3A = tpu.sem_alloc : memref<!tpu.dma_semaphore, #tpu.memory_space<semaphore_mem>>
        %dma_start3A = arith.constant 0 : i32
        %dma_start3A_16 = tpu.memref_slice %arg12[%mul3A_2, %dma_start3A] : memref<10240x128xf32, #tpu.memory_space<vmem_shared>> -> memref<640x128xf32, #tpu.memory_space<vmem_shared>>
        %dma_start3A_17 = arith.constant 0 : i32
        %dma_start3A_18 = tpu.memref_slice %arg2[%mul3A_2, %dma_start3A_17] : memref<10240x128xf32, #tpu.memory_space<hbm>> -> memref<640x128xf32, #tpu.memory_space<hbm>>
        tpu.enqueue_dma source(%dma_start3A_18 : memref<640x128xf32, #tpu.memory_space<hbm>>) target(%dma_start3A_16 : memref<640x128xf32, #tpu.memory_space<vmem_shared>>) target_semaphore(%run_scoped3A : memref<!tpu.dma_semaphore, #tpu.memory_space<semaphore_mem>>)
        %dma_wait3A = arith.constant 0 : i32
        %dma_wait3A_19 = tpu.memref_slice %arg12[%mul3A_2, %dma_wait3A] : memref<10240x128xf32, #tpu.memory_space<vmem_shared>> -> memref<640x128xf32, #tpu.memory_space<vmem_shared>>
        %dma_wait3A_20 = arith.constant 0 : i32
        %dma_wait3A_21 = tpu.memref_slice %arg2[%mul3A_2, %dma_wait3A_20] : memref<10240x128xf32, #tpu.memory_space<hbm>> -> memref<640x128xf32, #tpu.memory_space<hbm>>
        tpu.wait_dma2 semaphore(%run_scoped3A : memref<!tpu.dma_semaphore, #tpu.memory_space<semaphore_mem>>) src(%dma_wait3A_21 : memref<640x128xf32, #tpu.memory_space<hbm>>) dst(%dma_wait3A_19 : memref<640x128xf32, #tpu.memory_space<vmem_shared>>)
        tpu.yield
      }) : () -> ()
    } else {
    }
    %eq3A_5 = arith.constant 1 : i32
    %eq3A_6 = arith.cmpi eq, %arg0, %eq3A_5 : i32
    %convert_element_type3A_7 = arith.extui %eq3A_6 : i1 to i32
    %cond3A_8 = arith.constant 0 : i32
    %cond3A_9 = arith.cmpi ne, %convert_element_type3A_7, %cond3A_8 : i32
    scf.if %cond3A_9 {
      "tpu.region"() ({
        %run_scoped3A = tpu.sem_alloc : memref<!tpu.dma_semaphore, #tpu.memory_space<semaphore_mem>>
        %dma_start3A = arith.constant 0 : i32
        %dma_start3A_16 = tpu.memref_slice %arg12[%mul3A_2, %dma_start3A] : memref<10240x128xf32, #tpu.memory_space<vmem_shared>> -> memref<640x128xf32, #tpu.memory_space<vmem_shared>>
        %dma_start3A_17 = arith.constant 0 : i32
        %dma_start3A_18 = tpu.memref_slice %arg6[%mul3A_2, %dma_start3A_17] : memref<10240x128xf32, #tpu.memory_space<hbm>> -> memref<640x128xf32, #tpu.memory_space<hbm>>
        tpu.enqueue_dma source(%dma_start3A_18 : memref<640x128xf32, #tpu.memory_space<hbm>>) target(%dma_start3A_16 : memref<640x128xf32, #tpu.memory_space<vmem_shared>>) target_semaphore(%run_scoped3A : memref<!tpu.dma_semaphore, #tpu.memory_space<semaphore_mem>>)
        %dma_wait3A = arith.constant 0 : i32
        %dma_wait3A_19 = tpu.memref_slice %arg12[%mul3A_2, %dma_wait3A] : memref<10240x128xf32, #tpu.memory_space<vmem_shared>> -> memref<640x128xf32, #tpu.memory_space<vmem_shared>>
        %dma_wait3A_20 = arith.constant 0 : i32
        %dma_wait3A_21 = tpu.memref_slice %arg6[%mul3A_2, %dma_wait3A_20] : memref<10240x128xf32, #tpu.memory_space<hbm>> -> memref<640x128xf32, #tpu.memory_space<hbm>>
        tpu.wait_dma2 semaphore(%run_scoped3A : memref<!tpu.dma_semaphore, #tpu.memory_space<semaphore_mem>>) src(%dma_wait3A_21 : memref<640x128xf32, #tpu.memory_space<hbm>>) dst(%dma_wait3A_19 : memref<640x128xf32, #tpu.memory_space<vmem_shared>>)
        tpu.yield
      }) : () -> ()
    } else {
    }
    "tpu.region"() ({
      %run_scoped3A = tpu.sem_alloc : memref<!tpu.dma_semaphore, #tpu.memory_space<semaphore_mem>>
      %dma_start3A = arith.constant 0 : i32
      %dma_start3A_16 = arith.constant 0 : i32
      %dma_start3A_17 = tpu.memref_slice %arg3[%add3A, %dma_start3A, %dma_start3A_16] : memref<32x79x128xi32, #tpu.memory_space<hbm>> -> memref<1x79x128xi32, #tpu.memory_space<hbm>>
      %dma_start3A_18 = tpu.memref_squeeze %dma_start3A_17 : memref<1x79x128xi32, #tpu.memory_space<hbm>> -> memref<79x128xi32, #tpu.memory_space<hbm>>
      %dma_start3A_19 = arith.constant 0 : i32
      %dma_start3A_20 = arith.constant 0 : i32
      %dma_start3A_21 = tpu.memref_slice %arg3[%add3A, %dma_start3A_19, %dma_start3A_20] : memref<32x79x128xi32, #tpu.memory_space<hbm>> -> memref<1x79x128xi32, #tpu.memory_space<hbm>>
      %dma_start3A_22 = tpu.memref_squeeze %dma_start3A_21 : memref<1x79x128xi32, #tpu.memory_space<hbm>> -> memref<79x128xi32, #tpu.memory_space<hbm>>
      tpu.enqueue_dma source(%dma_start3A_22 : memref<79x128xi32, #tpu.memory_space<hbm>>) target(%arg8 : memref<79x128xi32, #tpu.memory_space<vmem>>) target_semaphore(%run_scoped3A : memref<!tpu.dma_semaphore, #tpu.memory_space<semaphore_mem>>)
      %dma_wait3A = arith.constant 0 : i32
      %dma_wait3A_23 = arith.constant 0 : i32
      %dma_wait3A_24 = tpu.memref_slice %arg3[%add3A, %dma_wait3A, %dma_wait3A_23] : memref<32x79x128xi32, #tpu.memory_space<hbm>> -> memref<1x79x128xi32, #tpu.memory_space<hbm>>
      %dma_wait3A_25 = tpu.memref_squeeze %dma_wait3A_24 : memref<1x79x128xi32, #tpu.memory_space<hbm>> -> memref<79x128xi32, #tpu.memory_space<hbm>>
      %dma_wait3A_26 = arith.constant 0 : i32
      %dma_wait3A_27 = arith.constant 0 : i32
      %dma_wait3A_28 = tpu.memref_slice %arg3[%add3A, %dma_wait3A_26, %dma_wait3A_27] : memref<32x79x128xi32, #tpu.memory_space<hbm>> -> memref<1x79x128xi32, #tpu.memory_space<hbm>>
      %dma_wait3A_29 = tpu.memref_squeeze %dma_wait3A_28 : memref<1x79x128xi32, #tpu.memory_space<hbm>> -> memref<79x128xi32, #tpu.memory_space<hbm>>
      tpu.wait_dma2 semaphore(%run_scoped3A : memref<!tpu.dma_semaphore, #tpu.memory_space<semaphore_mem>>) src(%dma_wait3A_29 : memref<79x128xi32, #tpu.memory_space<hbm>>) dst(%arg8 : memref<79x128xi32, #tpu.memory_space<vmem>>)
      tpu.yield
    }) : () -> ()
    "tpu.region"() ({
      %run_scoped3A = tpu.sem_alloc : memref<!tpu.dma_semaphore, #tpu.memory_space<semaphore_mem>>
      %dma_start3A = arith.constant 0 : i32
      %dma_start3A_16 = arith.constant 0 : i32
      %dma_start3A_17 = tpu.memref_slice %arg4[%add3A, %dma_start3A, %dma_start3A_16] : memref<32x79x128xi32, #tpu.memory_space<hbm>> -> memref<1x79x128xi32, #tpu.memory_space<hbm>>
      %dma_start3A_18 = tpu.memref_squeeze %dma_start3A_17 : memref<1x79x128xi32, #tpu.memory_space<hbm>> -> memref<79x128xi32, #tpu.memory_space<hbm>>
      %dma_start3A_19 = arith.constant 0 : i32
      %dma_start3A_20 = arith.constant 0 : i32
      %dma_start3A_21 = tpu.memref_slice %arg4[%add3A, %dma_start3A_19, %dma_start3A_20] : memref<32x79x128xi32, #tpu.memory_space<hbm>> -> memref<1x79x128xi32, #tpu.memory_space<hbm>>
      %dma_start3A_22 = tpu.memref_squeeze %dma_start3A_21 : memref<1x79x128xi32, #tpu.memory_space<hbm>> -> memref<79x128xi32, #tpu.memory_space<hbm>>
      tpu.enqueue_dma source(%dma_start3A_22 : memref<79x128xi32, #tpu.memory_space<hbm>>) target(%arg9 : memref<79x128xi32, #tpu.memory_space<vmem>>) target_semaphore(%run_scoped3A : memref<!tpu.dma_semaphore, #tpu.memory_space<semaphore_mem>>)
      %dma_wait3A = arith.constant 0 : i32
      %dma_wait3A_23 = arith.constant 0 : i32
      %dma_wait3A_24 = tpu.memref_slice %arg4[%add3A, %dma_wait3A, %dma_wait3A_23] : memref<32x79x128xi32, #tpu.memory_space<hbm>> -> memref<1x79x128xi32, #tpu.memory_space<hbm>>
      %dma_wait3A_25 = tpu.memref_squeeze %dma_wait3A_24 : memref<1x79x128xi32, #tpu.memory_space<hbm>> -> memref<79x128xi32, #tpu.memory_space<hbm>>
      %dma_wait3A_26 = arith.constant 0 : i32
      %dma_wait3A_27 = arith.constant 0 : i32
      %dma_wait3A_28 = tpu.memref_slice %arg4[%add3A, %dma_wait3A_26, %dma_wait3A_27] : memref<32x79x128xi32, #tpu.memory_space<hbm>> -> memref<1x79x128xi32, #tpu.memory_space<hbm>>
      %dma_wait3A_29 = tpu.memref_squeeze %dma_wait3A_28 : memref<1x79x128xi32, #tpu.memory_space<hbm>> -> memref<79x128xi32, #tpu.memory_space<hbm>>
      tpu.wait_dma2 semaphore(%run_scoped3A : memref<!tpu.dma_semaphore, #tpu.memory_space<semaphore_mem>>) src(%dma_wait3A_29 : memref<79x128xi32, #tpu.memory_space<hbm>>) dst(%arg9 : memref<79x128xi32, #tpu.memory_space<vmem>>)
      tpu.yield
    }) : () -> ()
    "tpu.region"() ({
      %run_scoped3A = tpu.sem_alloc : memref<!tpu.dma_semaphore, #tpu.memory_space<semaphore_mem>>
      %dma_start3A = arith.constant 0 : i32
      %dma_start3A_16 = arith.constant 0 : i32
      %dma_start3A_17 = tpu.memref_slice %arg5[%add3A, %dma_start3A, %dma_start3A_16] : memref<32x79x128xf32, #tpu.memory_space<hbm>> -> memref<1x79x128xf32, #tpu.memory_space<hbm>>
      %dma_start3A_18 = tpu.memref_squeeze %dma_start3A_17 : memref<1x79x128xf32, #tpu.memory_space<hbm>> -> memref<79x128xf32, #tpu.memory_space<hbm>>
      %dma_start3A_19 = arith.constant 0 : i32
      %dma_start3A_20 = arith.constant 0 : i32
      %dma_start3A_21 = tpu.memref_slice %arg5[%add3A, %dma_start3A_19, %dma_start3A_20] : memref<32x79x128xf32, #tpu.memory_space<hbm>> -> memref<1x79x128xf32, #tpu.memory_space<hbm>>
      %dma_start3A_22 = tpu.memref_squeeze %dma_start3A_21 : memref<1x79x128xf32, #tpu.memory_space<hbm>> -> memref<79x128xf32, #tpu.memory_space<hbm>>
      tpu.enqueue_dma source(%dma_start3A_22 : memref<79x128xf32, #tpu.memory_space<hbm>>) target(%arg10 : memref<79x128xf32, #tpu.memory_space<vmem>>) target_semaphore(%run_scoped3A : memref<!tpu.dma_semaphore, #tpu.memory_space<semaphore_mem>>)
      %dma_wait3A = arith.constant 0 : i32
      %dma_wait3A_23 = arith.constant 0 : i32
      %dma_wait3A_24 = tpu.memref_slice %arg5[%add3A, %dma_wait3A, %dma_wait3A_23] : memref<32x79x128xf32, #tpu.memory_space<hbm>> -> memref<1x79x128xf32, #tpu.memory_space<hbm>>
      %dma_wait3A_25 = tpu.memref_squeeze %dma_wait3A_24 : memref<1x79x128xf32, #tpu.memory_space<hbm>> -> memref<79x128xf32, #tpu.memory_space<hbm>>
      %dma_wait3A_26 = arith.constant 0 : i32
      %dma_wait3A_27 = arith.constant 0 : i32
      %dma_wait3A_28 = tpu.memref_slice %arg5[%add3A, %dma_wait3A_26, %dma_wait3A_27] : memref<32x79x128xf32, #tpu.memory_space<hbm>> -> memref<1x79x128xf32, #tpu.memory_space<hbm>>
      %dma_wait3A_29 = tpu.memref_squeeze %dma_wait3A_28 : memref<1x79x128xf32, #tpu.memory_space<hbm>> -> memref<79x128xf32, #tpu.memory_space<hbm>>
      tpu.wait_dma2 semaphore(%run_scoped3A : memref<!tpu.dma_semaphore, #tpu.memory_space<semaphore_mem>>) src(%dma_wait3A_29 : memref<79x128xf32, #tpu.memory_space<hbm>>) dst(%arg10 : memref<79x128xf32, #tpu.memory_space<vmem>>)
      tpu.yield
    }) : () -> ()
    %barrier3A = arith.constant 0 : index
    tpu.barrier barrier_id(%barrier3A)
    %scan3A = arith.constant 0 : i32
    %scan3A_10 = arith.constant 0 : i32
    %scan3A_11 = arith.constant 79 : i32
    %scan3A_12 = arith.addi %scan3A_10, %scan3A_11 : i32
    %scan3A_13 = arith.constant 1 : i32
    scf.for %scan3A_16 = %scan3A_10 to %scan3A_12 step %scan3A_13  : i32 {
      %dma_start3A = arith.constant 0 : i32
      %dma_start3A_17 = tpu.memref_slice %arg8[%scan3A_16, %dma_start3A] : memref<79x128xi32, #tpu.memory_space<vmem>> -> memref<1x128xi32, #tpu.memory_space<vmem>>
      %dma_start3A_18 = tpu.memref_squeeze %dma_start3A_17 : memref<1x128xi32, #tpu.memory_space<vmem>> -> memref<128xi32, #tpu.memory_space<vmem>>
      %dma_start3A_19 = arith.constant 0 : i32
      %dma_start3A_20 = arith.constant 0 : i32
      %dma_start3A_21 = tpu.memref_slice %arg2[%dma_start3A_19, %dma_start3A_20] : memref<10240x128xf32, #tpu.memory_space<hbm>> -> memref<10240x128xf32, #tpu.memory_space<hbm>>
      tpu.enqueue_indirect_dma source(%dma_start3A_21 : memref<10240x128xf32, #tpu.memory_space<hbm>>) target(%arg11 : memref<128x128xf32, #tpu.memory_space<vmem>>) offsets(%dma_start3A_18 : memref<128xi32, #tpu.memory_space<vmem>>) semaphore(%arg13 : memref<!tpu.dma_semaphore, #tpu.memory_space<semaphore_mem>>)
      %dma_wait3A = arith.constant 0 : i32
      %dma_wait3A_22 = tpu.memref_slice %arg8[%scan3A_16, %dma_wait3A] : memref<79x128xi32, #tpu.memory_space<vmem>> -> memref<1x128xi32, #tpu.memory_space<vmem>>
      %dma_wait3A_23 = tpu.memref_squeeze %dma_wait3A_22 : memref<1x128xi32, #tpu.memory_space<vmem>> -> memref<128xi32, #tpu.memory_space<vmem>>
      %dma_wait3A_24 = arith.constant 0 : i32
      %dma_wait3A_25 = arith.constant 0 : i32
      %dma_wait3A_26 = tpu.memref_slice %arg2[%dma_wait3A_24, %dma_wait3A_25] : memref<10240x128xf32, #tpu.memory_space<hbm>> -> memref<10240x128xf32, #tpu.memory_space<hbm>>
      tpu.wait_indirect_dma semaphore(%arg13 : memref<!tpu.dma_semaphore, #tpu.memory_space<semaphore_mem>>) src(%dma_wait3A_26 : memref<10240x128xf32, #tpu.memory_space<hbm>>) dst(%arg11 : memref<128x128xf32, #tpu.memory_space<vmem>>)
      %scan3A_27 = arith.constant 0 : i32
      %scan3A_28 = arith.constant 0 : i32
      %scan3A_29 = arith.constant 8 : i32
      %scan3A_30 = arith.addi %scan3A_28, %scan3A_29 : i32
      %scan3A_31 = arith.constant 1 : i32
      scf.for %scan3A_33 = %scan3A_28 to %scan3A_30 step %scan3A_31  : i32 {
        %mul3A_34 = arith.constant 16 : i32
        %mul3A_35 = arith.muli %scan3A_33, %mul3A_34 : i32
        %get3A = arith.index_cast %scan3A_16 : i32 to index
        %get3A_36 = arith.index_cast %mul3A_35 : i32 to index
        %get3A_37 = tpu.vector_load %arg10[%get3A, %get3A_36] {strides = array<i32>} : memref<79x128xf32, #tpu.memory_space<vmem>>, vector<1x16xf32>,
        %get3A_38 = vector.shape_cast %get3A_37 : vector<1x16xf32> to vector<16xf32>
        %mul3A_39 = arith.constant 16 : i32
        %mul3A_40 = arith.muli %scan3A_33, %mul3A_39 : i32
        %slice3A = vector.extract_strided_slice %get3A_38 {offsets = [0], sizes = [1], strides = [1]} : vector<16xf32> to vector<1xf32>
        %squeeze3A = vector.extract %slice3A[0] : f32 from vector<1xf32>
        %add3A_41 = arith.constant 0 : i32
        %add3A_42 = arith.addi %mul3A_40, %add3A_41 : i32
        %get3A_43 = arith.index_cast %add3A_42 : i32 to index
        %get3A_44 = arith.constant 0 : index
        %get3A_45 = tpu.vector_load %arg11[%get3A_43, %get3A_44] {strides = array<i32>} : memref<128x128xf32, #tpu.memory_space<vmem>>, vector<1x16xf32>,
        %get3A_46 = vector.shape_cast %get3A_45 : vector<1x16xf32> to vector<16xf32>
        %mul3A_47 = vector.broadcast %squeeze3A : f32 to vector<16xf32>
        %mul3A_48 = arith.mulf %get3A_46, %mul3A_47 : vector<16xf32>
        %swap3A = arith.index_cast %add3A_42 : i32 to index
        %swap3A_49 = arith.constant 0 : index
        %swap3A_50 = tpu.vector_load %arg11[%swap3A, %swap3A_49] {strides = array<i32>} : memref<128x128xf32, #tpu.memory_space<vmem>>, vector<1x16xf32>,
        %swap3A_51 = vector.shape_cast %swap3A_50 : vector<1x16xf32> to vector<16xf32>
        %swap3A_52 = vector.shape_cast %mul3A_48 : vector<16xf32> to vector<1x16xf32>
        tpu.vector_store %arg11[%swap3A, %swap3A_49], %swap3A_52 {strides = array<i32>} : memref<128x128xf32, #tpu.memory_space<vmem>>, vector<1x16xf32>,
        %get3A_53 = arith.index_cast %add3A_42 : i32 to index
        %get3A_54 = arith.constant 16 : index
        %get3A_55 = tpu.vector_load %arg11[%get3A_53, %get3A_54] {strides = array<i32>} : memref<128x128xf32, #tpu.memory_space<vmem>>, vector<1x16xf32>,
        %get3A_56 = vector.shape_cast %get3A_55 : vector<1x16xf32> to vector<16xf32>
        %mul3A_57 = vector.broadcast %squeeze3A : f32 to vector<16xf32>
        %mul3A_58 = arith.mulf %get3A_56, %mul3A_57 : vector<16xf32>
        %swap3A_59 = arith.index_cast %add3A_42 : i32 to index
        %swap3A_60 = arith.constant 16 : index
        %swap3A_61 = tpu.vector_load %arg11[%swap3A_59, %swap3A_60] {strides = array<i32>} : memref<128x128xf32, #tpu.memory_space<vmem>>, vector<1x16xf32>,
        %swap3A_62 = vector.shape_cast %swap3A_61 : vector<1x16xf32> to vector<16xf32>
        %swap3A_63 = vector.shape_cast %mul3A_58 : vector<16xf32> to vector<1x16xf32>
        tpu.vector_store %arg11[%swap3A_59, %swap3A_60], %swap3A_63 {strides = array<i32>} : memref<128x128xf32, #tpu.memory_space<vmem>>, vector<1x16xf32>,
        %get3A_64 = arith.index_cast %add3A_42 : i32 to index
        %get3A_65 = arith.constant 32 : index
        %get3A_66 = tpu.vector_load %arg11[%get3A_64, %get3A_65] {strides = array<i32>} : memref<128x128xf32, #tpu.memory_space<vmem>>, vector<1x16xf32>,
        %get3A_67 = vector.shape_cast %get3A_66 : vector<1x16xf32> to vector<16xf32>
        %mul3A_68 = vector.broadcast %squeeze3A : f32 to vector<16xf32>
        %mul3A_69 = arith.mulf %get3A_67, %mul3A_68 : vector<16xf32>
        %swap3A_70 = arith.index_cast %add3A_42 : i32 to index
        %swap3A_71 = arith.constant 32 : index
        %swap3A_72 = tpu.vector_load %arg11[%swap3A_70, %swap3A_71] {strides = array<i32>} : memref<128x128xf32, #tpu.memory_space<vmem>>, vector<1x16xf32>,
        %swap3A_73 = vector.shape_cast %swap3A_72 : vector<1x16xf32> to vector<16xf32>
        %swap3A_74 = vector.shape_cast %mul3A_69 : vector<16xf32> to vector<1x16xf32>
        tpu.vector_store %arg11[%swap3A_70, %swap3A_71], %swap3A_74 {strides = array<i32>} : memref<128x128xf32, #tpu.memory_space<vmem>>, vector<1x16xf32>,
        %get3A_75 = arith.index_cast %add3A_42 : i32 to index
        %get3A_76 = arith.constant 48 : index
        %get3A_77 = tpu.vector_load %arg11[%get3A_75, %get3A_76] {strides = array<i32>} : memref<128x128xf32, #tpu.memory_space<vmem>>, vector<1x16xf32>,
        %get3A_78 = vector.shape_cast %get3A_77 : vector<1x16xf32> to vector<16xf32>
        %mul3A_79 = vector.broadcast %squeeze3A : f32 to vector<16xf32>
        %mul3A_80 = arith.mulf %get3A_78, %mul3A_79 : vector<16xf32>
        %swap3A_81 = arith.index_cast %add3A_42 : i32 to index
        %swap3A_82 = arith.constant 48 : index
        %swap3A_83 = tpu.vector_load %arg11[%swap3A_81, %swap3A_82] {strides = array<i32>} : memref<128x128xf32, #tpu.memory_space<vmem>>, vector<1x16xf32>,
        %swap3A_84 = vector.shape_cast %swap3A_83 : vector<1x16xf32> to vector<16xf32>
        %swap3A_85 = vector.shape_cast %mul3A_80 : vector<16xf32> to vector<1x16xf32>
        tpu.vector_store %arg11[%swap3A_81, %swap3A_82], %swap3A_85 {strides = array<i32>} : memref<128x128xf32, #tpu.memory_space<vmem>>, vector<1x16xf32>,
        %get3A_86 = arith.index_cast %add3A_42 : i32 to index
        %get3A_87 = arith.constant 64 : index
        %get3A_88 = tpu.vector_load %arg11[%get3A_86, %get3A_87] {strides = array<i32>} : memref<128x128xf32, #tpu.memory_space<vmem>>, vector<1x16xf32>,
        %get3A_89 = vector.shape_cast %get3A_88 : vector<1x16xf32> to vector<16xf32>
        %mul3A_90 = vector.broadcast %squeeze3A : f32 to vector<16xf32>
        %mul3A_91 = arith.mulf %get3A_89, %mul3A_90 : vector<16xf32>
        %swap3A_92 = arith.index_cast %add3A_42 : i32 to index
        %swap3A_93 = arith.constant 64 : index
        %swap3A_94 = tpu.vector_load %arg11[%swap3A_92, %swap3A_93] {strides = array<i32>} : memref<128x128xf32, #tpu.memory_space<vmem>>, vector<1x16xf32>,
        %swap3A_95 = vector.shape_cast %swap3A_94 : vector<1x16xf32> to vector<16xf32>
        %swap3A_96 = vector.shape_cast %mul3A_91 : vector<16xf32> to vector<1x16xf32>
        tpu.vector_store %arg11[%swap3A_92, %swap3A_93], %swap3A_96 {strides = array<i32>} : memref<128x128xf32, #tpu.memory_space<vmem>>, vector<1x16xf32>,
        %get3A_97 = arith.index_cast %add3A_42 : i32 to index
        %get3A_98 = arith.constant 80 : index
        %get3A_99 = tpu.vector_load %arg11[%get3A_97, %get3A_98] {strides = array<i32>} : memref<128x128xf32, #tpu.memory_space<vmem>>, vector<1x16xf32>,
        %get3A_100 = vector.shape_cast %get3A_99 : vector<1x16xf32> to vector<16xf32>
        %mul3A_101 = vector.broadcast %squeeze3A : f32 to vector<16xf32>
        %mul3A_102 = arith.mulf %get3A_100, %mul3A_101 : vector<16xf32>
        %swap3A_103 = arith.index_cast %add3A_42 : i32 to index
        %swap3A_104 = arith.constant 80 : index
        %swap3A_105 = tpu.vector_load %arg11[%swap3A_103, %swap3A_104] {strides = array<i32>} : memref<128x128xf32, #tpu.memory_space<vmem>>, vector<1x16xf32>,
        %swap3A_106 = vector.shape_cast %swap3A_105 : vector<1x16xf32> to vector<16xf32>
        %swap3A_107 = vector.shape_cast %mul3A_102 : vector<16xf32> to vector<1x16xf32>
        tpu.vector_store %arg11[%swap3A_103, %swap3A_104], %swap3A_107 {strides = array<i32>} : memref<128x128xf32, #tpu.memory_space<vmem>>, vector<1x16xf32>,
        %get3A_108 = arith.index_cast %add3A_42 : i32 to index
        %get3A_109 = arith.constant 96 : index
        %get3A_110 = tpu.vector_load %arg11[%get3A_108, %get3A_109] {strides = array<i32>} : memref<128x128xf32, #tpu.memory_space<vmem>>, vector<1x16xf32>,
        %get3A_111 = vector.shape_cast %get3A_110 : vector<1x16xf32> to vector<16xf32>
        %mul3A_112 = vector.broadcast %squeeze3A : f32 to vector<16xf32>
        %mul3A_113 = arith.mulf %get3A_111, %mul3A_112 : vector<16xf32>
        %swap3A_114 = arith.index_cast %add3A_42 : i32 to index
        %swap3A_115 = arith.constant 96 : index
        %swap3A_116 = tpu.vector_load %arg11[%swap3A_114, %swap3A_115] {strides = array<i32>} : memref<128x128xf32, #tpu.memory_space<vmem>>, vector<1x16xf32>,
        %swap3A_117 = vector.shape_cast %swap3A_116 : vector<1x16xf32> to vector<16xf32>
        %swap3A_118 = vector.shape_cast %mul3A_113 : vector<16xf32> to vector<1x16xf32>
        tpu.vector_store %arg11[%swap3A_114, %swap3A_115], %swap3A_118 {strides = array<i32>} : memref<128x128xf32, #tpu.memory_space<vmem>>, vector<1x16xf32>,
        %get3A_119 = arith.index_cast %add3A_42 : i32 to index
        %get3A_120 = arith.constant 112 : index
        %get3A_121 = tpu.vector_load %arg11[%get3A_119, %get3A_120] {strides = array<i32>} : memref<128x128xf32, #tpu.memory_space<vmem>>, vector<1x16xf32>,
        %get3A_122 = vector.shape_cast %get3A_121 : vector<1x16xf32> to vector<16xf32>
        %mul3A_123 = vector.broadcast %squeeze3A : f32 to vector<16xf32>
        %mul3A_124 = arith.mulf %get3A_122, %mul3A_123 : vector<16xf32>
        %swap3A_125 = arith.index_cast %add3A_42 : i32 to index
        %swap3A_126 = arith.constant 112 : index
        %swap3A_127 = tpu.vector_load %arg11[%swap3A_125, %swap3A_126] {strides = array<i32>} : memref<128x128xf32, #tpu.memory_space<vmem>>, vector<1x16xf32>,
        %swap3A_128 = vector.shape_cast %swap3A_127 : vector<1x16xf32> to vector<16xf32>
        %swap3A_129 = vector.shape_cast %mul3A_124 : vector<16xf32> to vector<1x16xf32>
        tpu.vector_store %arg11[%swap3A_125, %swap3A_126], %swap3A_129 {strides = array<i32>} : memref<128x128xf32, #tpu.memory_space<vmem>>, vector<1x16xf32>,
        %slice3A_130 = vector.extract_strided_slice %get3A_38 {offsets = [1], sizes = [1], strides = [1]} : vector<16xf32> to vector<1xf32>
        %squeeze3A_131 = vector.extract %slice3A_130[0] : f32 from vector<1xf32>
        %add3A_132 = arith.constant 1 : i32
        %add3A_133 = arith.addi %mul3A_40, %add3A_132 : i32
        %get3A_134 = arith.index_cast %add3A_133 : i32 to index
        %get3A_135 = arith.constant 0 : index
        %get3A_136 = tpu.vector_load %arg11[%get3A_134, %get3A_135] {strides = array<i32>} : memref<128x128xf32, #tpu.memory_space<vmem>>, vector<1x16xf32>,
        %get3A_137 = vector.shape_cast %get3A_136 : vector<1x16xf32> to vector<16xf32>
        %mul3A_138 = vector.broadcast %squeeze3A_131 : f32 to vector<16xf32>
        %mul3A_139 = arith.mulf %get3A_137, %mul3A_138 : vector<16xf32>
        %swap3A_140 = arith.index_cast %add3A_133 : i32 to index
        %swap3A_141 = arith.constant 0 : index
        %swap3A_142 = tpu.vector_load %arg11[%swap3A_140, %swap3A_141] {strides = array<i32>} : memref<128x128xf32, #tpu.memory_space<vmem>>, vector<1x16xf32>,
        %swap3A_143 = vector.shape_cast %swap3A_142 : vector<1x16xf32> to vector<16xf32>
        %swap3A_144 = vector.shape_cast %mul3A_139 : vector<16xf32> to vector<1x16xf32>
        tpu.vector_store %arg11[%swap3A_140, %swap3A_141], %swap3A_144 {strides = array<i32>} : memref<128x128xf32, #tpu.memory_space<vmem>>, vector<1x16xf32>,
        %get3A_145 = arith.index_cast %add3A_133 : i32 to index
        %get3A_146 = arith.constant 16 : index
        %get3A_147 = tpu.vector_load %arg11[%get3A_145, %get3A_146] {strides = array<i32>} : memref<128x128xf32, #tpu.memory_space<vmem>>, vector<1x16xf32>,
        %get3A_148 = vector.shape_cast %get3A_147 : vector<1x16xf32> to vector<16xf32>
        %mul3A_149 = vector.broadcast %squeeze3A_131 : f32 to vector<16xf32>
        %mul3A_150 = arith.mulf %get3A_148, %mul3A_149 : vector<16xf32>
        %swap3A_151 = arith.index_cast %add3A_133 : i32 to index
        %swap3A_152 = arith.constant 16 : index
        %swap3A_153 = tpu.vector_load %arg11[%swap3A_151, %swap3A_152] {strides = array<i32>} : memref<128x128xf32, #tpu.memory_space<vmem>>, vector<1x16xf32>,
        %swap3A_154 = vector.shape_cast %swap3A_153 : vector<1x16xf32> to vector<16xf32>
        %swap3A_155 = vector.shape_cast %mul3A_150 : vector<16xf32> to vector<1x16xf32>
        tpu.vector_store %arg11[%swap3A_151, %swap3A_152], %swap3A_155 {strides = array<i32>} : memref<128x128xf32, #tpu.memory_space<vmem>>, vector<1x16xf32>,
        %get3A_156 = arith.index_cast %add3A_133 : i32 to index
        %get3A_157 = arith.constant 32 : index
        %get3A_158 = tpu.vector_load %arg11[%get3A_156, %get3A_157] {strides = array<i32>} : memref<128x128xf32, #tpu.memory_space<vmem>>, vector<1x16xf32>,
        %get3A_159 = vector.shape_cast %get3A_158 : vector<1x16xf32> to vector<16xf32>
        %mul3A_160 = vector.broadcast %squeeze3A_131 : f32 to vector<16xf32>
        %mul3A_161 = arith.mulf %get3A_159, %mul3A_160 : vector<16xf32>
        %swap3A_162 = arith.index_cast %add3A_133 : i32 to index
        %swap3A_163 = arith.constant 32 : index
        %swap3A_164 = tpu.vector_load %arg11[%swap3A_162, %swap3A_163] {strides = array<i32>} : memref<128x128xf32, #tpu.memory_space<vmem>>, vector<1x16xf32>,
        %swap3A_165 = vector.shape_cast %swap3A_164 : vector<1x16xf32> to vector<16xf32>
        %swap3A_166 = vector.shape_cast %mul3A_161 : vector<16xf32> to vector<1x16xf32>
        tpu.vector_store %arg11[%swap3A_162, %swap3A_163], %swap3A_166 {strides = array<i32>} : memref<128x128xf32, #tpu.memory_space<vmem>>, vector<1x16xf32>,
        %get3A_167 = arith.index_cast %add3A_133 : i32 to index
        %get3A_168 = arith.constant 48 : index
        %get3A_169 = tpu.vector_load %arg11[%get3A_167, %get3A_168] {strides = array<i32>} : memref<128x128xf32, #tpu.memory_space<vmem>>, vector<1x16xf32>,
        %get3A_170 = vector.shape_cast %get3A_169 : vector<1x16xf32> to vector<16xf32>
        %mul3A_171 = vector.broadcast %squeeze3A_131 : f32 to vector<16xf32>
        %mul3A_172 = arith.mulf %get3A_170, %mul3A_171 : vector<16xf32>
        %swap3A_173 = arith.index_cast %add3A_133 : i32 to index
        %swap3A_174 = arith.constant 48 : index
        %swap3A_175 = tpu.vector_load %arg11[%swap3A_173, %swap3A_174] {strides = array<i32>} : memref<128x128xf32, #tpu.memory_space<vmem>>, vector<1x16xf32>,
        %swap3A_176 = vector.shape_cast %swap3A_175 : vector<1x16xf32> to vector<16xf32>
        %swap3A_177 = vector.shape_cast %mul3A_172 : vector<16xf32> to vector<1x16xf32>
        tpu.vector_store %arg11[%swap3A_173, %swap3A_174], %swap3A_177 {strides = array<i32>} : memref<128x128xf32, #tpu.memory_space<vmem>>, vector<1x16xf32>,
        %get3A_178 = arith.index_cast %add3A_133 : i32 to index
        %get3A_179 = arith.constant 64 : index
        %get3A_180 = tpu.vector_load %arg11[%get3A_178, %get3A_179] {strides = array<i32>} : memref<128x128xf32, #tpu.memory_space<vmem>>, vector<1x16xf32>,
        %get3A_181 = vector.shape_cast %get3A_180 : vector<1x16xf32> to vector<16xf32>
        %mul3A_182 = vector.broadcast %squeeze3A_131 : f32 to vector<16xf32>
        %mul3A_183 = arith.mulf %get3A_181, %mul3A_182 : vector<16xf32>
        %swap3A_184 = arith.index_cast %add3A_133 : i32 to index
        %swap3A_185 = arith.constant 64 : index
        %swap3A_186 = tpu.vector_load %arg11[%swap3A_184, %swap3A_185] {strides = array<i32>} : memref<128x128xf32, #tpu.memory_space<vmem>>, vector<1x16xf32>,
        %swap3A_187 = vector.shape_cast %swap3A_186 : vector<1x16xf32> to vector<16xf32>
        %swap3A_188 = vector.shape_cast %mul3A_183 : vector<16xf32> to vector<1x16xf32>
        tpu.vector_store %arg11[%swap3A_184, %swap3A_185], %swap3A_188 {strides = array<i32>} : memref<128x128xf32, #tpu.memory_space<vmem>>, vector<1x16xf32>,
        %get3A_189 = arith.index_cast %add3A_133 : i32 to index
        %get3A_190 = arith.constant 80 : index
        %get3A_191 = tpu.vector_load %arg11[%get3A_189, %get3A_190] {strides = array<i32>} : memref<128x128xf32, #tpu.memory_space<vmem>>, vector<1x16xf32>,
        %get3A_192 = vector.shape_cast %get3A_191 : vector<1x16xf32> to vector<16xf32>
        %mul3A_193 = vector.broadcast %squeeze3A_131 : f32 to vector<16xf32>
        %mul3A_194 = arith.mulf %get3A_192, %mul3A_193 : vector<16xf32>
        %swap3A_195 = arith.index_cast %add3A_133 : i32 to index
        %swap3A_196 = arith.constant 80 : index
        %swap3A_197 = tpu.vector_load %arg11[%swap3A_195, %swap3A_196] {strides = array<i32>} : memref<128x128xf32, #tpu.memory_space<vmem>>, vector<1x16xf32>,
        %swap3A_198 = vector.shape_cast %swap3A_197 : vector<1x16xf32> to vector<16xf32>
        %swap3A_199 = vector.shape_cast %mul3A_194 : vector<16xf32> to vector<1x16xf32>
        tpu.vector_store %arg11[%swap3A_195, %swap3A_196], %swap3A_199 {strides = array<i32>} : memref<128x128xf32, #tpu.memory_space<vmem>>, vector<1x16xf32>,
        %get3A_200 = arith.index_cast %add3A_133 : i32 to index
        %get3A_201 = arith.constant 96 : index
        %get3A_202 = tpu.vector_load %arg11[%get3A_200, %get3A_201] {strides = array<i32>} : memref<128x128xf32, #tpu.memory_space<vmem>>, vector<1x16xf32>,
        %get3A_203 = vector.shape_cast %get3A_202 : vector<1x16xf32> to vector<16xf32>
        %mul3A_204 = vector.broadcast %squeeze3A_131 : f32 to vector<16xf32>
        %mul3A_205 = arith.mulf %get3A_203, %mul3A_204 : vector<16xf32>
        %swap3A_206 = arith.index_cast %add3A_133 : i32 to index
        %swap3A_207 = arith.constant 96 : index
        %swap3A_208 = tpu.vector_load %arg11[%swap3A_206, %swap3A_207] {strides = array<i32>} : memref<128x128xf32, #tpu.memory_space<vmem>>, vector<1x16xf32>,
        %swap3A_209 = vector.shape_cast %swap3A_208 : vector<1x16xf32> to vector<16xf32>
        %swap3A_210 = vector.shape_cast %mul3A_205 : vector<16xf32> to vector<1x16xf32>
        tpu.vector_store %arg11[%swap3A_206, %swap3A_207], %swap3A_210 {strides = array<i32>} : memref<128x128xf32, #tpu.memory_space<vmem>>, vector<1x16xf32>,
        %get3A_211 = arith.index_cast %add3A_133 : i32 to index
        %get3A_212 = arith.constant 112 : index
        %get3A_213 = tpu.vector_load %arg11[%get3A_211, %get3A_212] {strides = array<i32>} : memref<128x128xf32, #tpu.memory_space<vmem>>, vector<1x16xf32>,
        %get3A_214 = vector.shape_cast %get3A_213 : vector<1x16xf32> to vector<16xf32>
        %mul3A_215 = vector.broadcast %squeeze3A_131 : f32 to vector<16xf32>
        %mul3A_216 = arith.mulf %get3A_214, %mul3A_215 : vector<16xf32>
        %swap3A_217 = arith.index_cast %add3A_133 : i32 to index
        %swap3A_218 = arith.constant 112 : index
        %swap3A_219 = tpu.vector_load %arg11[%swap3A_217, %swap3A_218] {strides = array<i32>} : memref<128x128xf32, #tpu.memory_space<vmem>>, vector<1x16xf32>,
        %swap3A_220 = vector.shape_cast %swap3A_219 : vector<1x16xf32> to vector<16xf32>
        %swap3A_221 = vector.shape_cast %mul3A_216 : vector<16xf32> to vector<1x16xf32>
        tpu.vector_store %arg11[%swap3A_217, %swap3A_218], %swap3A_221 {strides = array<i32>} : memref<128x128xf32, #tpu.memory_space<vmem>>, vector<1x16xf32>,
        %slice3A_222 = vector.extract_strided_slice %get3A_38 {offsets = [2], sizes = [1], strides = [1]} : vector<16xf32> to vector<1xf32>
        %squeeze3A_223 = vector.extract %slice3A_222[0] : f32 from vector<1xf32>
        %add3A_224 = arith.constant 2 : i32
        %add3A_225 = arith.addi %mul3A_40, %add3A_224 : i32
        %get3A_226 = arith.index_cast %add3A_225 : i32 to index
        %get3A_227 = arith.constant 0 : index
        %get3A_228 = tpu.vector_load %arg11[%get3A_226, %get3A_227] {strides = array<i32>} : memref<128x128xf32, #tpu.memory_space<vmem>>, vector<1x16xf32>,
        %get3A_229 = vector.shape_cast %get3A_228 : vector<1x16xf32> to vector<16xf32>
        %mul3A_230 = vector.broadcast %squeeze3A_223 : f32 to vector<16xf32>
        %mul3A_231 = arith.mulf %get3A_229, %mul3A_230 : vector<16xf32>
        %swap3A_232 = arith.index_cast %add3A_225 : i32 to index
        %swap3A_233 = arith.constant 0 : index
        %swap3A_234 = tpu.vector_load %arg11[%swap3A_232, %swap3A_233] {strides = array<i32>} : memref<128x128xf32, #tpu.memory_space<vmem>>, vector<1x16xf32>,
        %swap3A_235 = vector.shape_cast %swap3A_234 : vector<1x16xf32> to vector<16xf32>
        %swap3A_236 = vector.shape_cast %mul3A_231 : vector<16xf32> to vector<1x16xf32>
        tpu.vector_store %arg11[%swap3A_232, %swap3A_233], %swap3A_236 {strides = array<i32>} : memref<128x128xf32, #tpu.memory_space<vmem>>, vector<1x16xf32>,
        %get3A_237 = arith.index_cast %add3A_225 : i32 to index
        %get3A_238 = arith.constant 16 : index
        %get3A_239 = tpu.vector_load %arg11[%get3A_237, %get3A_238] {strides = array<i32>} : memref<128x128xf32, #tpu.memory_space<vmem>>, vector<1x16xf32>,
        %get3A_240 = vector.shape_cast %get3A_239 : vector<1x16xf32> to vector<16xf32>
        %mul3A_241 = vector.broadcast %squeeze3A_223 : f32 to vector<16xf32>
        %mul3A_242 = arith.mulf %get3A_240, %mul3A_241 : vector<16xf32>
        %swap3A_243 = arith.index_cast %add3A_225 : i32 to index
        %swap3A_244 = arith.constant 16 : index
        %swap3A_245 = tpu.vector_load %arg11[%swap3A_243, %swap3A_244] {strides = array<i32>} : memref<128x128xf32, #tpu.memory_space<vmem>>, vector<1x16xf32>,
        %swap3A_246 = vector.shape_cast %swap3A_245 : vector<1x16xf32> to vector<16xf32>
        %swap3A_247 = vector.shape_cast %mul3A_242 : vector<16xf32> to vector<1x16xf32>
        tpu.vector_store %arg11[%swap3A_243, %swap3A_244], %swap3A_247 {strides = array<i32>} : memref<128x128xf32, #tpu.memory_space<vmem>>, vector<1x16xf32>,
        %get3A_248 = arith.index_cast %add3A_225 : i32 to index
        %get3A_249 = arith.constant 32 : index
        %get3A_250 = tpu.vector_load %arg11[%get3A_248, %get3A_249] {strides = array<i32>} : memref<128x128xf32, #tpu.memory_space<vmem>>, vector<1x16xf32>,
        %get3A_251 = vector.shape_cast %get3A_250 : vector<1x16xf32> to vector<16xf32>
        %mul3A_252 = vector.broadcast %squeeze3A_223 : f32 to vector<16xf32>
        %mul3A_253 = arith.mulf %get3A_251, %mul3A_252 : vector<16xf32>
        %swap3A_254 = arith.index_cast %add3A_225 : i32 to index
        %swap3A_255 = arith.constant 32 : index
        %swap3A_256 = tpu.vector_load %arg11[%swap3A_254, %swap3A_255] {strides = array<i32>} : memref<128x128xf32, #tpu.memory_space<vmem>>, vector<1x16xf32>,
        %swap3A_257 = vector.shape_cast %swap3A_256 : vector<1x16xf32> to vector<16xf32>
        %swap3A_258 = vector.shape_cast %mul3A_253 : vector<16xf32> to vector<1x16xf32>
        tpu.vector_store %arg11[%swap3A_254, %swap3A_255], %swap3A_258 {strides = array<i32>} : memref<128x128xf32, #tpu.memory_space<vmem>>, vector<1x16xf32>,
        %get3A_259 = arith.index_cast %add3A_225 : i32 to index
        %get3A_260 = arith.constant 48 : index
        %get3A_261 = tpu.vector_load %arg11[%get3A_259, %get3A_260] {strides = array<i32>} : memref<128x128xf32, #tpu.memory_space<vmem>>, vector<1x16xf32>,
        %get3A_262 = vector.shape_cast %get3A_261 : vector<1x16xf32> to vector<16xf32>
        %mul3A_263 = vector.broadcast %squeeze3A_223 : f32 to vector<16xf32>
        %mul3A_264 = arith.mulf %get3A_262, %mul3A_263 : vector<16xf32>
        %swap3A_265 = arith.index_cast %add3A_225 : i32 to index
        %swap3A_266 = arith.constant 48 : index
        %swap3A_267 = tpu.vector_load %arg11[%swap3A_265, %swap3A_266] {strides = array<i32>} : memref<128x128xf32, #tpu.memory_space<vmem>>, vector<1x16xf32>,
        %swap3A_268 = vector.shape_cast %swap3A_267 : vector<1x16xf32> to vector<16xf32>
        %swap3A_269 = vector.shape_cast %mul3A_264 : vector<16xf32> to vector<1x16xf32>
        tpu.vector_store %arg11[%swap3A_265, %swap3A_266], %swap3A_269 {strides = array<i32>} : memref<128x128xf32, #tpu.memory_space<vmem>>, vector<1x16xf32>,
        %get3A_270 = arith.index_cast %add3A_225 : i32 to index
        %get3A_271 = arith.constant 64 : index
        %get3A_272 = tpu.vector_load %arg11[%get3A_270, %get3A_271] {strides = array<i32>} : memref<128x128xf32, #tpu.memory_space<vmem>>, vector<1x16xf32>,
        %get3A_273 = vector.shape_cast %get3A_272 : vector<1x16xf32> to vector<16xf32>
        %mul3A_274 = vector.broadcast %squeeze3A_223 : f32 to vector<16xf32>
        %mul3A_275 = arith.mulf %get3A_273, %mul3A_274 : vector<16xf32>
        %swap3A_276 = arith.index_cast %add3A_225 : i32 to index
        %swap3A_277 = arith.constant 64 : index
        %swap3A_278 = tpu.vector_load %arg11[%swap3A_276, %swap3A_277] {strides = array<i32>} : memref<128x128xf32, #tpu.memory_space<vmem>>, vector<1x16xf32>,
        %swap3A_279 = vector.shape_cast %swap3A_278 : vector<1x16xf32> to vector<16xf32>
        %swap3A_280 = vector.shape_cast %mul3A_275 : vector<16xf32> to vector<1x16xf32>
        tpu.vector_store %arg11[%swap3A_276, %swap3A_277], %swap3A_280 {strides = array<i32>} : memref<128x128xf32, #tpu.memory_space<vmem>>, vector<1x16xf32>,
        %get3A_281 = arith.index_cast %add3A_225 : i32 to index
        %get3A_282 = arith.constant 80 : index
        %get3A_283 = tpu.vector_load %arg11[%get3A_281, %get3A_282] {strides = array<i32>} : memref<128x128xf32, #tpu.memory_space<vmem>>, vector<1x16xf32>,
        %get3A_284 = vector.shape_cast %get3A_283 : vector<1x16xf32> to vector<16xf32>
        %mul3A_285 = vector.broadcast %squeeze3A_223 : f32 to vector<16xf32>
        %mul3A_286 = arith.mulf %get3A_284, %mul3A_285 : vector<16xf32>
        %swap3A_287 = arith.index_cast %add3A_225 : i32 to index
        %swap3A_288 = arith.constant 80 : index
        %swap3A_289 = tpu.vector_load %arg11[%swap3A_287, %swap3A_288] {strides = array<i32>} : memref<128x128xf32, #tpu.memory_space<vmem>>, vector<1x16xf32>,
        %swap3A_290 = vector.shape_cast %swap3A_289 : vector<1x16xf32> to vector<16xf32>
        %swap3A_291 = vector.shape_cast %mul3A_286 : vector<16xf32> to vector<1x16xf32>
        tpu.vector_store %arg11[%swap3A_287, %swap3A_288], %swap3A_291 {strides = array<i32>} : memref<128x128xf32, #tpu.memory_space<vmem>>, vector<1x16xf32>,
        %get3A_292 = arith.index_cast %add3A_225 : i32 to index
        %get3A_293 = arith.constant 96 : index
        %get3A_294 = tpu.vector_load %arg11[%get3A_292, %get3A_293] {strides = array<i32>} : memref<128x128xf32, #tpu.memory_space<vmem>>, vector<1x16xf32>,
        %get3A_295 = vector.shape_cast %get3A_294 : vector<1x16xf32> to vector<16xf32>
        %mul3A_296 = vector.broadcast %squeeze3A_223 : f32 to vector<16xf32>
        %mul3A_297 = arith.mulf %get3A_295, %mul3A_296 : vector<16xf32>
        %swap3A_298 = arith.index_cast %add3A_225 : i32 to index
        %swap3A_299 = arith.constant 96 : index
        %swap3A_300 = tpu.vector_load %arg11[%swap3A_298, %swap3A_299] {strides = array<i32>} : memref<128x128xf32, #tpu.memory_space<vmem>>, vector<1x16xf32>,
        %swap3A_301 = vector.shape_cast %swap3A_300 : vector<1x16xf32> to vector<16xf32>
        %swap3A_302 = vector.shape_cast %mul3A_297 : vector<16xf32> to vector<1x16xf32>
        tpu.vector_store %arg11[%swap3A_298, %swap3A_299], %swap3A_302 {strides = array<i32>} : memref<128x128xf32, #tpu.memory_space<vmem>>, vector<1x16xf32>,
        %get3A_303 = arith.index_cast %add3A_225 : i32 to index
        %get3A_304 = arith.constant 112 : index
        %get3A_305 = tpu.vector_load %arg11[%get3A_303, %get3A_304] {strides = array<i32>} : memref<128x128xf32, #tpu.memory_space<vmem>>, vector<1x16xf32>,
        %get3A_306 = vector.shape_cast %get3A_305 : vector<1x16xf32> to vector<16xf32>
        %mul3A_307 = vector.broadcast %squeeze3A_223 : f32 to vector<16xf32>
        %mul3A_308 = arith.mulf %get3A_306, %mul3A_307 : vector<16xf32>
        %swap3A_309 = arith.index_cast %add3A_225 : i32 to index
        %swap3A_310 = arith.constant 112 : index
        %swap3A_311 = tpu.vector_load %arg11[%swap3A_309, %swap3A_310] {strides = array<i32>} : memref<128x128xf32, #tpu.memory_space<vmem>>, vector<1x16xf32>,
        %swap3A_312 = vector.shape_cast %swap3A_311 : vector<1x16xf32> to vector<16xf32>
        %swap3A_313 = vector.shape_cast %mul3A_308 : vector<16xf32> to vector<1x16xf32>
        tpu.vector_store %arg11[%swap3A_309, %swap3A_310], %swap3A_313 {strides = array<i32>} : memref<128x128xf32, #tpu.memory_space<vmem>>, vector<1x16xf32>,
        %slice3A_314 = vector.extract_strided_slice %get3A_38 {offsets = [3], sizes = [1], strides = [1]} : vector<16xf32> to vector<1xf32>
        %squeeze3A_315 = vector.extract %slice3A_314[0] : f32 from vector<1xf32>
        %add3A_316 = arith.constant 3 : i32
        %add3A_317 = arith.addi %mul3A_40, %add3A_316 : i32
        %get3A_318 = arith.index_cast %add3A_317 : i32 to index
        %get3A_319 = arith.constant 0 : index
        %get3A_320 = tpu.vector_load %arg11[%get3A_318, %get3A_319] {strides = array<i32>} : memref<128x128xf32, #tpu.memory_space<vmem>>, vector<1x16xf32>,
        %get3A_321 = vector.shape_cast %get3A_320 : vector<1x16xf32> to vector<16xf32>
        %mul3A_322 = vector.broadcast %squeeze3A_315 : f32 to vector<16xf32>
        %mul3A_323 = arith.mulf %get3A_321, %mul3A_322 : vector<16xf32>
        %swap3A_324 = arith.index_cast %add3A_317 : i32 to index
        %swap3A_325 = arith.constant 0 : index
        %swap3A_326 = tpu.vector_load %arg11[%swap3A_324, %swap3A_325] {strides = array<i32>} : memref<128x128xf32, #tpu.memory_space<vmem>>, vector<1x16xf32>,
        %swap3A_327 = vector.shape_cast %swap3A_326 : vector<1x16xf32> to vector<16xf32>
        %swap3A_328 = vector.shape_cast %mul3A_323 : vector<16xf32> to vector<1x16xf32>
        tpu.vector_store %arg11[%swap3A_324, %swap3A_325], %swap3A_328 {strides = array<i32>} : memref<128x128xf32, #tpu.memory_space<vmem>>, vector<1x16xf32>,
        %get3A_329 = arith.index_cast %add3A_317 : i32 to index
        %get3A_330 = arith.constant 16 : index
        %get3A_331 = tpu.vector_load %arg11[%get3A_329, %get3A_330] {strides = array<i32>} : memref<128x128xf32, #tpu.memory_space<vmem>>, vector<1x16xf32>,
        %get3A_332 = vector.shape_cast %get3A_331 : vector<1x16xf32> to vector<16xf32>
        %mul3A_333 = vector.broadcast %squeeze3A_315 : f32 to vector<16xf32>
        %mul3A_334 = arith.mulf %get3A_332, %mul3A_333 : vector<16xf32>
        %swap3A_335 = arith.index_cast %add3A_317 : i32 to index
        %swap3A_336 = arith.constant 16 : index
        %swap3A_337 = tpu.vector_load %arg11[%swap3A_335, %swap3A_336] {strides = array<i32>} : memref<128x128xf32, #tpu.memory_space<vmem>>, vector<1x16xf32>,
        %swap3A_338 = vector.shape_cast %swap3A_337 : vector<1x16xf32> to vector<16xf32>
        %swap3A_339 = vector.shape_cast %mul3A_334 : vector<16xf32> to vector<1x16xf32>
        tpu.vector_store %arg11[%swap3A_335, %swap3A_336], %swap3A_339 {strides = array<i32>} : memref<128x128xf32, #tpu.memory_space<vmem>>, vector<1x16xf32>,
        %get3A_340 = arith.index_cast %add3A_317 : i32 to index
        %get3A_341 = arith.constant 32 : index
        %get3A_342 = tpu.vector_load %arg11[%get3A_340, %get3A_341] {strides = array<i32>} : memref<128x128xf32, #tpu.memory_space<vmem>>, vector<1x16xf32>,
        %get3A_343 = vector.shape_cast %get3A_342 : vector<1x16xf32> to vector<16xf32>
        %mul3A_344 = vector.broadcast %squeeze3A_315 : f32 to vector<16xf32>
        %mul3A_345 = arith.mulf %get3A_343, %mul3A_344 : vector<16xf32>
        %swap3A_346 = arith.index_cast %add3A_317 : i32 to index
        %swap3A_347 = arith.constant 32 : index
        %swap3A_348 = tpu.vector_load %arg11[%swap3A_346, %swap3A_347] {strides = array<i32>} : memref<128x128xf32, #tpu.memory_space<vmem>>, vector<1x16xf32>,
        %swap3A_349 = vector.shape_cast %swap3A_348 : vector<1x16xf32> to vector<16xf32>
        %swap3A_350 = vector.shape_cast %mul3A_345 : vector<16xf32> to vector<1x16xf32>
        tpu.vector_store %arg11[%swap3A_346, %swap3A_347], %swap3A_350 {strides = array<i32>} : memref<128x128xf32, #tpu.memory_space<vmem>>, vector<1x16xf32>,
        %get3A_351 = arith.index_cast %add3A_317 : i32 to index
        %get3A_352 = arith.constant 48 : index
        %get3A_353 = tpu.vector_load %arg11[%get3A_351, %get3A_352] {strides = array<i32>} : memref<128x128xf32, #tpu.memory_space<vmem>>, vector<1x16xf32>,
        %get3A_354 = vector.shape_cast %get3A_353 : vector<1x16xf32> to vector<16xf32>
        %mul3A_355 = vector.broadcast %squeeze3A_315 : f32 to vector<16xf32>
        %mul3A_356 = arith.mulf %get3A_354, %mul3A_355 : vector<16xf32>
        %swap3A_357 = arith.index_cast %add3A_317 : i32 to index
        %swap3A_358 = arith.constant 48 : index
        %swap3A_359 = tpu.vector_load %arg11[%swap3A_357, %swap3A_358] {strides = array<i32>} : memref<128x128xf32, #tpu.memory_space<vmem>>, vector<1x16xf32>,
        %swap3A_360 = vector.shape_cast %swap3A_359 : vector<1x16xf32> to vector<16xf32>
        %swap3A_361 = vector.shape_cast %mul3A_356 : vector<16xf32> to vector<1x16xf32>
        tpu.vector_store %arg11[%swap3A_357, %swap3A_358], %swap3A_361 {strides = array<i32>} : memref<128x128xf32, #tpu.memory_space<vmem>>, vector<1x16xf32>,
        %get3A_362 = arith.index_cast %add3A_317 : i32 to index
        %get3A_363 = arith.constant 64 : index
        %get3A_364 = tpu.vector_load %arg11[%get3A_362, %get3A_363] {strides = array<i32>} : memref<128x128xf32, #tpu.memory_space<vmem>>, vector<1x16xf32>,
        %get3A_365 = vector.shape_cast %get3A_364 : vector<1x16xf32> to vector<16xf32>
        %mul3A_366 = vector.broadcast %squeeze3A_315 : f32 to vector<16xf32>
        %mul3A_367 = arith.mulf %get3A_365, %mul3A_366 : vector<16xf32>
        %swap3A_368 = arith.index_cast %add3A_317 : i32 to index
        %swap3A_369 = arith.constant 64 : index
        %swap3A_370 = tpu.vector_load %arg11[%swap3A_368, %swap3A_369] {strides = array<i32>} : memref<128x128xf32, #tpu.memory_space<vmem>>, vector<1x16xf32>,
        %swap3A_371 = vector.shape_cast %swap3A_370 : vector<1x16xf32> to vector<16xf32>
        %swap3A_372 = vector.shape_cast %mul3A_367 : vector<16xf32> to vector<1x16xf32>
        tpu.vector_store %arg11[%swap3A_368, %swap3A_369], %swap3A_372 {strides = array<i32>} : memref<128x128xf32, #tpu.memory_space<vmem>>, vector<1x16xf32>,
        %get3A_373 = arith.index_cast %add3A_317 : i32 to index
        %get3A_374 = arith.constant 80 : index
        %get3A_375 = tpu.vector_load %arg11[%get3A_373, %get3A_374] {strides = array<i32>} : memref<128x128xf32, #tpu.memory_space<vmem>>, vector<1x16xf32>,
        %get3A_376 = vector.shape_cast %get3A_375 : vector<1x16xf32> to vector<16xf32>
        %mul3A_377 = vector.broadcast %squeeze3A_315 : f32 to vector<16xf32>
        %mul3A_378 = arith.mulf %get3A_376, %mul3A_377 : vector<16xf32>
        %swap3A_379 = arith.index_cast %add3A_317 : i32 to index
        %swap3A_380 = arith.constant 80 : index
        %swap3A_381 = tpu.vector_load %arg11[%swap3A_379, %swap3A_380] {strides = array<i32>} : memref<128x128xf32, #tpu.memory_space<vmem>>, vector<1x16xf32>,
        %swap3A_382 = vector.shape_cast %swap3A_381 : vector<1x16xf32> to vector<16xf32>
        %swap3A_383 = vector.shape_cast %mul3A_378 : vector<16xf32> to vector<1x16xf32>
        tpu.vector_store %arg11[%swap3A_379, %swap3A_380], %swap3A_383 {strides = array<i32>} : memref<128x128xf32, #tpu.memory_space<vmem>>, vector<1x16xf32>,
        %get3A_384 = arith.index_cast %add3A_317 : i32 to index
        %get3A_385 = arith.constant 96 : index
        %get3A_386 = tpu.vector_load %arg11[%get3A_384, %get3A_385] {strides = array<i32>} : memref<128x128xf32, #tpu.memory_space<vmem>>, vector<1x16xf32>,
        %get3A_387 = vector.shape_cast %get3A_386 : vector<1x16xf32> to vector<16xf32>
        %mul3A_388 = vector.broadcast %squeeze3A_315 : f32 to vector<16xf32>
        %mul3A_389 = arith.mulf %get3A_387, %mul3A_388 : vector<16xf32>
        %swap3A_390 = arith.index_cast %add3A_317 : i32 to index
        %swap3A_391 = arith.constant 96 : index
        %swap3A_392 = tpu.vector_load %arg11[%swap3A_390, %swap3A_391] {strides = array<i32>} : memref<128x128xf32, #tpu.memory_space<vmem>>, vector<1x16xf32>,
        %swap3A_393 = vector.shape_cast %swap3A_392 : vector<1x16xf32> to vector<16xf32>
        %swap3A_394 = vector.shape_cast %mul3A_389 : vector<16xf32> to vector<1x16xf32>
        tpu.vector_store %arg11[%swap3A_390, %swap3A_391], %swap3A_394 {strides = array<i32>} : memref<128x128xf32, #tpu.memory_space<vmem>>, vector<1x16xf32>,
        %get3A_395 = arith.index_cast %add3A_317 : i32 to index
        %get3A_396 = arith.constant 112 : index
        %get3A_397 = tpu.vector_load %arg11[%get3A_395, %get3A_396] {strides = array<i32>} : memref<128x128xf32, #tpu.memory_space<vmem>>, vector<1x16xf32>,
        %get3A_398 = vector.shape_cast %get3A_397 : vector<1x16xf32> to vector<16xf32>
        %mul3A_399 = vector.broadcast %squeeze3A_315 : f32 to vector<16xf32>
        %mul3A_400 = arith.mulf %get3A_398, %mul3A_399 : vector<16xf32>
        %swap3A_401 = arith.index_cast %add3A_317 : i32 to index
        %swap3A_402 = arith.constant 112 : index
        %swap3A_403 = tpu.vector_load %arg11[%swap3A_401, %swap3A_402] {strides = array<i32>} : memref<128x128xf32, #tpu.memory_space<vmem>>, vector<1x16xf32>,
        %swap3A_404 = vector.shape_cast %swap3A_403 : vector<1x16xf32> to vector<16xf32>
        %swap3A_405 = vector.shape_cast %mul3A_400 : vector<16xf32> to vector<1x16xf32>
        tpu.vector_store %arg11[%swap3A_401, %swap3A_402], %swap3A_405 {strides = array<i32>} : memref<128x128xf32, #tpu.memory_space<vmem>>, vector<1x16xf32>,
        %slice3A_406 = vector.extract_strided_slice %get3A_38 {offsets = [4], sizes = [1], strides = [1]} : vector<16xf32> to vector<1xf32>
        %squeeze3A_407 = vector.extract %slice3A_406[0] : f32 from vector<1xf32>
        %add3A_408 = arith.constant 4 : i32
        %add3A_409 = arith.addi %mul3A_40, %add3A_408 : i32
        %get3A_410 = arith.index_cast %add3A_409 : i32 to index
        %get3A_411 = arith.constant 0 : index
        %get3A_412 = tpu.vector_load %arg11[%get3A_410, %get3A_411] {strides = array<i32>} : memref<128x128xf32, #tpu.memory_space<vmem>>, vector<1x16xf32>,
        %get3A_413 = vector.shape_cast %get3A_412 : vector<1x16xf32> to vector<16xf32>
        %mul3A_414 = vector.broadcast %squeeze3A_407 : f32 to vector<16xf32>
        %mul3A_415 = arith.mulf %get3A_413, %mul3A_414 : vector<16xf32>
        %swap3A_416 = arith.index_cast %add3A_409 : i32 to index
        %swap3A_417 = arith.constant 0 : index
        %swap3A_418 = tpu.vector_load %arg11[%swap3A_416, %swap3A_417] {strides = array<i32>} : memref<128x128xf32, #tpu.memory_space<vmem>>, vector<1x16xf32>,
        %swap3A_419 = vector.shape_cast %swap3A_418 : vector<1x16xf32> to vector<16xf32>
        %swap3A_420 = vector.shape_cast %mul3A_415 : vector<16xf32> to vector<1x16xf32>
        tpu.vector_store %arg11[%swap3A_416, %swap3A_417], %swap3A_420 {strides = array<i32>} : memref<128x128xf32, #tpu.memory_space<vmem>>, vector<1x16xf32>,
        %get3A_421 = arith.index_cast %add3A_409 : i32 to index
        %get3A_422 = arith.constant 16 : index
        %get3A_423 = tpu.vector_load %arg11[%get3A_421, %get3A_422] {strides = array<i32>} : memref<128x128xf32, #tpu.memory_space<vmem>>, vector<1x16xf32>,
        %get3A_424 = vector.shape_cast %get3A_423 : vector<1x16xf32> to vector<16xf32>
        %mul3A_425 = vector.broadcast %squeeze3A_407 : f32 to vector<16xf32>
        %mul3A_426 = arith.mulf %get3A_424, %mul3A_425 : vector<16xf32>
        %swap3A_427 = arith.index_cast %add3A_409 : i32 to index
        %swap3A_428 = arith.constant 16 : index
        %swap3A_429 = tpu.vector_load %arg11[%swap3A_427, %swap3A_428] {strides = array<i32>} : memref<128x128xf32, #tpu.memory_space<vmem>>, vector<1x16xf32>,
        %swap3A_430 = vector.shape_cast %swap3A_429 : vector<1x16xf32> to vector<16xf32>
        %swap3A_431 = vector.shape_cast %mul3A_426 : vector<16xf32> to vector<1x16xf32>
        tpu.vector_store %arg11[%swap3A_427, %swap3A_428], %swap3A_431 {strides = array<i32>} : memref<128x128xf32, #tpu.memory_space<vmem>>, vector<1x16xf32>,
        %get3A_432 = arith.index_cast %add3A_409 : i32 to index
        %get3A_433 = arith.constant 32 : index
        %get3A_434 = tpu.vector_load %arg11[%get3A_432, %get3A_433] {strides = array<i32>} : memref<128x128xf32, #tpu.memory_space<vmem>>, vector<1x16xf32>,
        %get3A_435 = vector.shape_cast %get3A_434 : vector<1x16xf32> to vector<16xf32>
        %mul3A_436 = vector.broadcast %squeeze3A_407 : f32 to vector<16xf32>
        %mul3A_437 = arith.mulf %get3A_435, %mul3A_436 : vector<16xf32>
        %swap3A_438 = arith.index_cast %add3A_409 : i32 to index
        %swap3A_439 = arith.constant 32 : index
        %swap3A_440 = tpu.vector_load %arg11[%swap3A_438, %swap3A_439] {strides = array<i32>} : memref<128x128xf32, #tpu.memory_space<vmem>>, vector<1x16xf32>,
        %swap3A_441 = vector.shape_cast %swap3A_440 : vector<1x16xf32> to vector<16xf32>
        %swap3A_442 = vector.shape_cast %mul3A_437 : vector<16xf32> to vector<1x16xf32>
        tpu.vector_store %arg11[%swap3A_438, %swap3A_439], %swap3A_442 {strides = array<i32>} : memref<128x128xf32, #tpu.memory_space<vmem>>, vector<1x16xf32>,
        %get3A_443 = arith.index_cast %add3A_409 : i32 to index
        %get3A_444 = arith.constant 48 : index
        %get3A_445 = tpu.vector_load %arg11[%get3A_443, %get3A_444] {strides = array<i32>} : memref<128x128xf32, #tpu.memory_space<vmem>>, vector<1x16xf32>,
        %get3A_446 = vector.shape_cast %get3A_445 : vector<1x16xf32> to vector<16xf32>
        %mul3A_447 = vector.broadcast %squeeze3A_407 : f32 to vector<16xf32>
        %mul3A_448 = arith.mulf %get3A_446, %mul3A_447 : vector<16xf32>
        %swap3A_449 = arith.index_cast %add3A_409 : i32 to index
        %swap3A_450 = arith.constant 48 : index
        %swap3A_451 = tpu.vector_load %arg11[%swap3A_449, %swap3A_450] {strides = array<i32>} : memref<128x128xf32, #tpu.memory_space<vmem>>, vector<1x16xf32>,
        %swap3A_452 = vector.shape_cast %swap3A_451 : vector<1x16xf32> to vector<16xf32>
        %swap3A_453 = vector.shape_cast %mul3A_448 : vector<16xf32> to vector<1x16xf32>
        tpu.vector_store %arg11[%swap3A_449, %swap3A_450], %swap3A_453 {strides = array<i32>} : memref<128x128xf32, #tpu.memory_space<vmem>>, vector<1x16xf32>,
        %get3A_454 = arith.index_cast %add3A_409 : i32 to index
        %get3A_455 = arith.constant 64 : index
        %get3A_456 = tpu.vector_load %arg11[%get3A_454, %get3A_455] {strides = array<i32>} : memref<128x128xf32, #tpu.memory_space<vmem>>, vector<1x16xf32>,
        %get3A_457 = vector.shape_cast %get3A_456 : vector<1x16xf32> to vector<16xf32>
        %mul3A_458 = vector.broadcast %squeeze3A_407 : f32 to vector<16xf32>
        %mul3A_459 = arith.mulf %get3A_457, %mul3A_458 : vector<16xf32>
        %swap3A_460 = arith.index_cast %add3A_409 : i32 to index
        %swap3A_461 = arith.constant 64 : index
        %swap3A_462 = tpu.vector_load %arg11[%swap3A_460, %swap3A_461] {strides = array<i32>} : memref<128x128xf32, #tpu.memory_space<vmem>>, vector<1x16xf32>,
        %swap3A_463 = vector.shape_cast %swap3A_462 : vector<1x16xf32> to vector<16xf32>
        %swap3A_464 = vector.shape_cast %mul3A_459 : vector<16xf32> to vector<1x16xf32>
        tpu.vector_store %arg11[%swap3A_460, %swap3A_461], %swap3A_464 {strides = array<i32>} : memref<128x128xf32, #tpu.memory_space<vmem>>, vector<1x16xf32>,
        %get3A_465 = arith.index_cast %add3A_409 : i32 to index
        %get3A_466 = arith.constant 80 : index
        %get3A_467 = tpu.vector_load %arg11[%get3A_465, %get3A_466] {strides = array<i32>} : memref<128x128xf32, #tpu.memory_space<vmem>>, vector<1x16xf32>,
        %get3A_468 = vector.shape_cast %get3A_467 : vector<1x16xf32> to vector<16xf32>
        %mul3A_469 = vector.broadcast %squeeze3A_407 : f32 to vector<16xf32>
        %mul3A_470 = arith.mulf %get3A_468, %mul3A_469 : vector<16xf32>
        %swap3A_471 = arith.index_cast %add3A_409 : i32 to index
        %swap3A_472 = arith.constant 80 : index
        %swap3A_473 = tpu.vector_load %arg11[%swap3A_471, %swap3A_472] {strides = array<i32>} : memref<128x128xf32, #tpu.memory_space<vmem>>, vector<1x16xf32>,
        %swap3A_474 = vector.shape_cast %swap3A_473 : vector<1x16xf32> to vector<16xf32>
        %swap3A_475 = vector.shape_cast %mul3A_470 : vector<16xf32> to vector<1x16xf32>
        tpu.vector_store %arg11[%swap3A_471, %swap3A_472], %swap3A_475 {strides = array<i32>} : memref<128x128xf32, #tpu.memory_space<vmem>>, vector<1x16xf32>,
        %get3A_476 = arith.index_cast %add3A_409 : i32 to index
        %get3A_477 = arith.constant 96 : index
        %get3A_478 = tpu.vector_load %arg11[%get3A_476, %get3A_477] {strides = array<i32>} : memref<128x128xf32, #tpu.memory_space<vmem>>, vector<1x16xf32>,
        %get3A_479 = vector.shape_cast %get3A_478 : vector<1x16xf32> to vector<16xf32>
        %mul3A_480 = vector.broadcast %squeeze3A_407 : f32 to vector<16xf32>
        %mul3A_481 = arith.mulf %get3A_479, %mul3A_480 : vector<16xf32>
        %swap3A_482 = arith.index_cast %add3A_409 : i32 to index
        %swap3A_483 = arith.constant 96 : index
        %swap3A_484 = tpu.vector_load %arg11[%swap3A_482, %swap3A_483] {strides = array<i32>} : memref<128x128xf32, #tpu.memory_space<vmem>>, vector<1x16xf32>,
        %swap3A_485 = vector.shape_cast %swap3A_484 : vector<1x16xf32> to vector<16xf32>
        %swap3A_486 = vector.shape_cast %mul3A_481 : vector<16xf32> to vector<1x16xf32>
        tpu.vector_store %arg11[%swap3A_482, %swap3A_483], %swap3A_486 {strides = array<i32>} : memref<128x128xf32, #tpu.memory_space<vmem>>, vector<1x16xf32>,
        %get3A_487 = arith.index_cast %add3A_409 : i32 to index
        %get3A_488 = arith.constant 112 : index
        %get3A_489 = tpu.vector_load %arg11[%get3A_487, %get3A_488] {strides = array<i32>} : memref<128x128xf32, #tpu.memory_space<vmem>>, vector<1x16xf32>,
        %get3A_490 = vector.shape_cast %get3A_489 : vector<1x16xf32> to vector<16xf32>
        %mul3A_491 = vector.broadcast %squeeze3A_407 : f32 to vector<16xf32>
        %mul3A_492 = arith.mulf %get3A_490, %mul3A_491 : vector<16xf32>
        %swap3A_493 = arith.index_cast %add3A_409 : i32 to index
        %swap3A_494 = arith.constant 112 : index
        %swap3A_495 = tpu.vector_load %arg11[%swap3A_493, %swap3A_494] {strides = array<i32>} : memref<128x128xf32, #tpu.memory_space<vmem>>, vector<1x16xf32>,
        %swap3A_496 = vector.shape_cast %swap3A_495 : vector<1x16xf32> to vector<16xf32>
        %swap3A_497 = vector.shape_cast %mul3A_492 : vector<16xf32> to vector<1x16xf32>
        tpu.vector_store %arg11[%swap3A_493, %swap3A_494], %swap3A_497 {strides = array<i32>} : memref<128x128xf32, #tpu.memory_space<vmem>>, vector<1x16xf32>,
        %slice3A_498 = vector.extract_strided_slice %get3A_38 {offsets = [5], sizes = [1], strides = [1]} : vector<16xf32> to vector<1xf32>
        %squeeze3A_499 = vector.extract %slice3A_498[0] : f32 from vector<1xf32>
        %add3A_500 = arith.constant 5 : i32
        %add3A_501 = arith.addi %mul3A_40, %add3A_500 : i32
        %get3A_502 = arith.index_cast %add3A_501 : i32 to index
        %get3A_503 = arith.constant 0 : index
        %get3A_504 = tpu.vector_load %arg11[%get3A_502, %get3A_503] {strides = array<i32>} : memref<128x128xf32, #tpu.memory_space<vmem>>, vector<1x16xf32>,
        %get3A_505 = vector.shape_cast %get3A_504 : vector<1x16xf32> to vector<16xf32>
        %mul3A_506 = vector.broadcast %squeeze3A_499 : f32 to vector<16xf32>
        %mul3A_507 = arith.mulf %get3A_505, %mul3A_506 : vector<16xf32>
        %swap3A_508 = arith.index_cast %add3A_501 : i32 to index
        %swap3A_509 = arith.constant 0 : index
        %swap3A_510 = tpu.vector_load %arg11[%swap3A_508, %swap3A_509] {strides = array<i32>} : memref<128x128xf32, #tpu.memory_space<vmem>>, vector<1x16xf32>,
        %swap3A_511 = vector.shape_cast %swap3A_510 : vector<1x16xf32> to vector<16xf32>
        %swap3A_512 = vector.shape_cast %mul3A_507 : vector<16xf32> to vector<1x16xf32>
        tpu.vector_store %arg11[%swap3A_508, %swap3A_509], %swap3A_512 {strides = array<i32>} : memref<128x128xf32, #tpu.memory_space<vmem>>, vector<1x16xf32>,
        %get3A_513 = arith.index_cast %add3A_501 : i32 to index
        %get3A_514 = arith.constant 16 : index
        %get3A_515 = tpu.vector_load %arg11[%get3A_513, %get3A_514] {strides = array<i32>} : memref<128x128xf32, #tpu.memory_space<vmem>>, vector<1x16xf32>,
        %get3A_516 = vector.shape_cast %get3A_515 : vector<1x16xf32> to vector<16xf32>
        %mul3A_517 = vector.broadcast %squeeze3A_499 : f32 to vector<16xf32>
        %mul3A_518 = arith.mulf %get3A_516, %mul3A_517 : vector<16xf32>
        %swap3A_519 = arith.index_cast %add3A_501 : i32 to index
        %swap3A_520 = arith.constant 16 : index
        %swap3A_521 = tpu.vector_load %arg11[%swap3A_519, %swap3A_520] {strides = array<i32>} : memref<128x128xf32, #tpu.memory_space<vmem>>, vector<1x16xf32>,
        %swap3A_522 = vector.shape_cast %swap3A_521 : vector<1x16xf32> to vector<16xf32>
        %swap3A_523 = vector.shape_cast %mul3A_518 : vector<16xf32> to vector<1x16xf32>
        tpu.vector_store %arg11[%swap3A_519, %swap3A_520], %swap3A_523 {strides = array<i32>} : memref<128x128xf32, #tpu.memory_space<vmem>>, vector<1x16xf32>,
        %get3A_524 = arith.index_cast %add3A_501 : i32 to index
        %get3A_525 = arith.constant 32 : index
        %get3A_526 = tpu.vector_load %arg11[%get3A_524, %get3A_525] {strides = array<i32>} : memref<128x128xf32, #tpu.memory_space<vmem>>, vector<1x16xf32>,
        %get3A_527 = vector.shape_cast %get3A_526 : vector<1x16xf32> to vector<16xf32>
        %mul3A_528 = vector.broadcast %squeeze3A_499 : f32 to vector<16xf32>
        %mul3A_529 = arith.mulf %get3A_527, %mul3A_528 : vector<16xf32>
        %swap3A_530 = arith.index_cast %add3A_501 : i32 to index
        %swap3A_531 = arith.constant 32 : index
        %swap3A_532 = tpu.vector_load %arg11[%swap3A_530, %swap3A_531] {strides = array<i32>} : memref<128x128xf32, #tpu.memory_space<vmem>>, vector<1x16xf32>,
        %swap3A_533 = vector.shape_cast %swap3A_532 : vector<1x16xf32> to vector<16xf32>
        %swap3A_534 = vector.shape_cast %mul3A_529 : vector<16xf32> to vector<1x16xf32>
        tpu.vector_store %arg11[%swap3A_530, %swap3A_531], %swap3A_534 {strides = array<i32>} : memref<128x128xf32, #tpu.memory_space<vmem>>, vector<1x16xf32>,
        %get3A_535 = arith.index_cast %add3A_501 : i32 to index
        %get3A_536 = arith.constant 48 : index
        %get3A_537 = tpu.vector_load %arg11[%get3A_535, %get3A_536] {strides = array<i32>} : memref<128x128xf32, #tpu.memory_space<vmem>>, vector<1x16xf32>,
        %get3A_538 = vector.shape_cast %get3A_537 : vector<1x16xf32> to vector<16xf32>
        %mul3A_539 = vector.broadcast %squeeze3A_499 : f32 to vector<16xf32>
        %mul3A_540 = arith.mulf %get3A_538, %mul3A_539 : vector<16xf32>
        %swap3A_541 = arith.index_cast %add3A_501 : i32 to index
        %swap3A_542 = arith.constant 48 : index
        %swap3A_543 = tpu.vector_load %arg11[%swap3A_541, %swap3A_542] {strides = array<i32>} : memref<128x128xf32, #tpu.memory_space<vmem>>, vector<1x16xf32>,
        %swap3A_544 = vector.shape_cast %swap3A_543 : vector<1x16xf32> to vector<16xf32>
        %swap3A_545 = vector.shape_cast %mul3A_540 : vector<16xf32> to vector<1x16xf32>
        tpu.vector_store %arg11[%swap3A_541, %swap3A_542], %swap3A_545 {strides = array<i32>} : memref<128x128xf32, #tpu.memory_space<vmem>>, vector<1x16xf32>,
        %get3A_546 = arith.index_cast %add3A_501 : i32 to index
        %get3A_547 = arith.constant 64 : index
        %get3A_548 = tpu.vector_load %arg11[%get3A_546, %get3A_547] {strides = array<i32>} : memref<128x128xf32, #tpu.memory_space<vmem>>, vector<1x16xf32>,
        %get3A_549 = vector.shape_cast %get3A_548 : vector<1x16xf32> to vector<16xf32>
        %mul3A_550 = vector.broadcast %squeeze3A_499 : f32 to vector<16xf32>
        %mul3A_551 = arith.mulf %get3A_549, %mul3A_550 : vector<16xf32>
        %swap3A_552 = arith.index_cast %add3A_501 : i32 to index
        %swap3A_553 = arith.constant 64 : index
        %swap3A_554 = tpu.vector_load %arg11[%swap3A_552, %swap3A_553] {strides = array<i32>} : memref<128x128xf32, #tpu.memory_space<vmem>>, vector<1x16xf32>,
        %swap3A_555 = vector.shape_cast %swap3A_554 : vector<1x16xf32> to vector<16xf32>
        %swap3A_556 = vector.shape_cast %mul3A_551 : vector<16xf32> to vector<1x16xf32>
        tpu.vector_store %arg11[%swap3A_552, %swap3A_553], %swap3A_556 {strides = array<i32>} : memref<128x128xf32, #tpu.memory_space<vmem>>, vector<1x16xf32>,
        %get3A_557 = arith.index_cast %add3A_501 : i32 to index
        %get3A_558 = arith.constant 80 : index
        %get3A_559 = tpu.vector_load %arg11[%get3A_557, %get3A_558] {strides = array<i32>} : memref<128x128xf32, #tpu.memory_space<vmem>>, vector<1x16xf32>,
        %get3A_560 = vector.shape_cast %get3A_559 : vector<1x16xf32> to vector<16xf32>
        %mul3A_561 = vector.broadcast %squeeze3A_499 : f32 to vector<16xf32>
        %mul3A_562 = arith.mulf %get3A_560, %mul3A_561 : vector<16xf32>
        %swap3A_563 = arith.index_cast %add3A_501 : i32 to index
        %swap3A_564 = arith.constant 80 : index
        %swap3A_565 = tpu.vector_load %arg11[%swap3A_563, %swap3A_564] {strides = array<i32>} : memref<128x128xf32, #tpu.memory_space<vmem>>, vector<1x16xf32>,
        %swap3A_566 = vector.shape_cast %swap3A_565 : vector<1x16xf32> to vector<16xf32>
        %swap3A_567 = vector.shape_cast %mul3A_562 : vector<16xf32> to vector<1x16xf32>
        tpu.vector_store %arg11[%swap3A_563, %swap3A_564], %swap3A_567 {strides = array<i32>} : memref<128x128xf32, #tpu.memory_space<vmem>>, vector<1x16xf32>,
        %get3A_568 = arith.index_cast %add3A_501 : i32 to index
        %get3A_569 = arith.constant 96 : index
        %get3A_570 = tpu.vector_load %arg11[%get3A_568, %get3A_569] {strides = array<i32>} : memref<128x128xf32, #tpu.memory_space<vmem>>, vector<1x16xf32>,
        %get3A_571 = vector.shape_cast %get3A_570 : vector<1x16xf32> to vector<16xf32>
        %mul3A_572 = vector.broadcast %squeeze3A_499 : f32 to vector<16xf32>
        %mul3A_573 = arith.mulf %get3A_571, %mul3A_572 : vector<16xf32>
        %swap3A_574 = arith.index_cast %add3A_501 : i32 to index
        %swap3A_575 = arith.constant 96 : index
        %swap3A_576 = tpu.vector_load %arg11[%swap3A_574, %swap3A_575] {strides = array<i32>} : memref<128x128xf32, #tpu.memory_space<vmem>>, vector<1x16xf32>,
        %swap3A_577 = vector.shape_cast %swap3A_576 : vector<1x16xf32> to vector<16xf32>
        %swap3A_578 = vector.shape_cast %mul3A_573 : vector<16xf32> to vector<1x16xf32>
        tpu.vector_store %arg11[%swap3A_574, %swap3A_575], %swap3A_578 {strides = array<i32>} : memref<128x128xf32, #tpu.memory_space<vmem>>, vector<1x16xf32>,
        %get3A_579 = arith.index_cast %add3A_501 : i32 to index
        %get3A_580 = arith.constant 112 : index
        %get3A_581 = tpu.vector_load %arg11[%get3A_579, %get3A_580] {strides = array<i32>} : memref<128x128xf32, #tpu.memory_space<vmem>>, vector<1x16xf32>,
        %get3A_582 = vector.shape_cast %get3A_581 : vector<1x16xf32> to vector<16xf32>
        %mul3A_583 = vector.broadcast %squeeze3A_499 : f32 to vector<16xf32>
        %mul3A_584 = arith.mulf %get3A_582, %mul3A_583 : vector<16xf32>
        %swap3A_585 = arith.index_cast %add3A_501 : i32 to index
        %swap3A_586 = arith.constant 112 : index
        %swap3A_587 = tpu.vector_load %arg11[%swap3A_585, %swap3A_586] {strides = array<i32>} : memref<128x128xf32, #tpu.memory_space<vmem>>, vector<1x16xf32>,
        %swap3A_588 = vector.shape_cast %swap3A_587 : vector<1x16xf32> to vector<16xf32>
        %swap3A_589 = vector.shape_cast %mul3A_584 : vector<16xf32> to vector<1x16xf32>
        tpu.vector_store %arg11[%swap3A_585, %swap3A_586], %swap3A_589 {strides = array<i32>} : memref<128x128xf32, #tpu.memory_space<vmem>>, vector<1x16xf32>,
        %slice3A_590 = vector.extract_strided_slice %get3A_38 {offsets = [6], sizes = [1], strides = [1]} : vector<16xf32> to vector<1xf32>
        %squeeze3A_591 = vector.extract %slice3A_590[0] : f32 from vector<1xf32>
        %add3A_592 = arith.constant 6 : i32
        %add3A_593 = arith.addi %mul3A_40, %add3A_592 : i32
        %get3A_594 = arith.index_cast %add3A_593 : i32 to index
        %get3A_595 = arith.constant 0 : index
        %get3A_596 = tpu.vector_load %arg11[%get3A_594, %get3A_595] {strides = array<i32>} : memref<128x128xf32, #tpu.memory_space<vmem>>, vector<1x16xf32>,
        %get3A_597 = vector.shape_cast %get3A_596 : vector<1x16xf32> to vector<16xf32>
        %mul3A_598 = vector.broadcast %squeeze3A_591 : f32 to vector<16xf32>
        %mul3A_599 = arith.mulf %get3A_597, %mul3A_598 : vector<16xf32>
        %swap3A_600 = arith.index_cast %add3A_593 : i32 to index
        %swap3A_601 = arith.constant 0 : index
        %swap3A_602 = tpu.vector_load %arg11[%swap3A_600, %swap3A_601] {strides = array<i32>} : memref<128x128xf32, #tpu.memory_space<vmem>>, vector<1x16xf32>,
        %swap3A_603 = vector.shape_cast %swap3A_602 : vector<1x16xf32> to vector<16xf32>
        %swap3A_604 = vector.shape_cast %mul3A_599 : vector<16xf32> to vector<1x16xf32>
        tpu.vector_store %arg11[%swap3A_600, %swap3A_601], %swap3A_604 {strides = array<i32>} : memref<128x128xf32, #tpu.memory_space<vmem>>, vector<1x16xf32>,
        %get3A_605 = arith.index_cast %add3A_593 : i32 to index
        %get3A_606 = arith.constant 16 : index
        %get3A_607 = tpu.vector_load %arg11[%get3A_605, %get3A_606] {strides = array<i32>} : memref<128x128xf32, #tpu.memory_space<vmem>>, vector<1x16xf32>,
        %get3A_608 = vector.shape_cast %get3A_607 : vector<1x16xf32> to vector<16xf32>
        %mul3A_609 = vector.broadcast %squeeze3A_591 : f32 to vector<16xf32>
        %mul3A_610 = arith.mulf %get3A_608, %mul3A_609 : vector<16xf32>
        %swap3A_611 = arith.index_cast %add3A_593 : i32 to index
        %swap3A_612 = arith.constant 16 : index
        %swap3A_613 = tpu.vector_load %arg11[%swap3A_611, %swap3A_612] {strides = array<i32>} : memref<128x128xf32, #tpu.memory_space<vmem>>, vector<1x16xf32>,
        %swap3A_614 = vector.shape_cast %swap3A_613 : vector<1x16xf32> to vector<16xf32>
        %swap3A_615 = vector.shape_cast %mul3A_610 : vector<16xf32> to vector<1x16xf32>
        tpu.vector_store %arg11[%swap3A_611, %swap3A_612], %swap3A_615 {strides = array<i32>} : memref<128x128xf32, #tpu.memory_space<vmem>>, vector<1x16xf32>,
        %get3A_616 = arith.index_cast %add3A_593 : i32 to index
        %get3A_617 = arith.constant 32 : index
        %get3A_618 = tpu.vector_load %arg11[%get3A_616, %get3A_617] {strides = array<i32>} : memref<128x128xf32, #tpu.memory_space<vmem>>, vector<1x16xf32>,
        %get3A_619 = vector.shape_cast %get3A_618 : vector<1x16xf32> to vector<16xf32>
        %mul3A_620 = vector.broadcast %squeeze3A_591 : f32 to vector<16xf32>
        %mul3A_621 = arith.mulf %get3A_619, %mul3A_620 : vector<16xf32>
        %swap3A_622 = arith.index_cast %add3A_593 : i32 to index
        %swap3A_623 = arith.constant 32 : index
        %swap3A_624 = tpu.vector_load %arg11[%swap3A_622, %swap3A_623] {strides = array<i32>} : memref<128x128xf32, #tpu.memory_space<vmem>>, vector<1x16xf32>,
        %swap3A_625 = vector.shape_cast %swap3A_624 : vector<1x16xf32> to vector<16xf32>
        %swap3A_626 = vector.shape_cast %mul3A_621 : vector<16xf32> to vector<1x16xf32>
        tpu.vector_store %arg11[%swap3A_622, %swap3A_623], %swap3A_626 {strides = array<i32>} : memref<128x128xf32, #tpu.memory_space<vmem>>, vector<1x16xf32>,
        %get3A_627 = arith.index_cast %add3A_593 : i32 to index
        %get3A_628 = arith.constant 48 : index
        %get3A_629 = tpu.vector_load %arg11[%get3A_627, %get3A_628] {strides = array<i32>} : memref<128x128xf32, #tpu.memory_space<vmem>>, vector<1x16xf32>,
        %get3A_630 = vector.shape_cast %get3A_629 : vector<1x16xf32> to vector<16xf32>
        %mul3A_631 = vector.broadcast %squeeze3A_591 : f32 to vector<16xf32>
        %mul3A_632 = arith.mulf %get3A_630, %mul3A_631 : vector<16xf32>
        %swap3A_633 = arith.index_cast %add3A_593 : i32 to index
        %swap3A_634 = arith.constant 48 : index
        %swap3A_635 = tpu.vector_load %arg11[%swap3A_633, %swap3A_634] {strides = array<i32>} : memref<128x128xf32, #tpu.memory_space<vmem>>, vector<1x16xf32>,
        %swap3A_636 = vector.shape_cast %swap3A_635 : vector<1x16xf32> to vector<16xf32>
        %swap3A_637 = vector.shape_cast %mul3A_632 : vector<16xf32> to vector<1x16xf32>
        tpu.vector_store %arg11[%swap3A_633, %swap3A_634], %swap3A_637 {strides = array<i32>} : memref<128x128xf32, #tpu.memory_space<vmem>>, vector<1x16xf32>,
        %get3A_638 = arith.index_cast %add3A_593 : i32 to index
        %get3A_639 = arith.constant 64 : index
        %get3A_640 = tpu.vector_load %arg11[%get3A_638, %get3A_639] {strides = array<i32>} : memref<128x128xf32, #tpu.memory_space<vmem>>, vector<1x16xf32>,
        %get3A_641 = vector.shape_cast %get3A_640 : vector<1x16xf32> to vector<16xf32>
        %mul3A_642 = vector.broadcast %squeeze3A_591 : f32 to vector<16xf32>
        %mul3A_643 = arith.mulf %get3A_641, %mul3A_642 : vector<16xf32>
        %swap3A_644 = arith.index_cast %add3A_593 : i32 to index
        %swap3A_645 = arith.constant 64 : index
        %swap3A_646 = tpu.vector_load %arg11[%swap3A_644, %swap3A_645] {strides = array<i32>} : memref<128x128xf32, #tpu.memory_space<vmem>>, vector<1x16xf32>,
        %swap3A_647 = vector.shape_cast %swap3A_646 : vector<1x16xf32> to vector<16xf32>
        %swap3A_648 = vector.shape_cast %mul3A_643 : vector<16xf32> to vector<1x16xf32>
        tpu.vector_store %arg11[%swap3A_644, %swap3A_645], %swap3A_648 {strides = array<i32>} : memref<128x128xf32, #tpu.memory_space<vmem>>, vector<1x16xf32>,
        %get3A_649 = arith.index_cast %add3A_593 : i32 to index
        %get3A_650 = arith.constant 80 : index
        %get3A_651 = tpu.vector_load %arg11[%get3A_649, %get3A_650] {strides = array<i32>} : memref<128x128xf32, #tpu.memory_space<vmem>>, vector<1x16xf32>,
        %get3A_652 = vector.shape_cast %get3A_651 : vector<1x16xf32> to vector<16xf32>
        %mul3A_653 = vector.broadcast %squeeze3A_591 : f32 to vector<16xf32>
        %mul3A_654 = arith.mulf %get3A_652, %mul3A_653 : vector<16xf32>
        %swap3A_655 = arith.index_cast %add3A_593 : i32 to index
        %swap3A_656 = arith.constant 80 : index
        %swap3A_657 = tpu.vector_load %arg11[%swap3A_655, %swap3A_656] {strides = array<i32>} : memref<128x128xf32, #tpu.memory_space<vmem>>, vector<1x16xf32>,
        %swap3A_658 = vector.shape_cast %swap3A_657 : vector<1x16xf32> to vector<16xf32>
        %swap3A_659 = vector.shape_cast %mul3A_654 : vector<16xf32> to vector<1x16xf32>
        tpu.vector_store %arg11[%swap3A_655, %swap3A_656], %swap3A_659 {strides = array<i32>} : memref<128x128xf32, #tpu.memory_space<vmem>>, vector<1x16xf32>,
        %get3A_660 = arith.index_cast %add3A_593 : i32 to index
        %get3A_661 = arith.constant 96 : index
        %get3A_662 = tpu.vector_load %arg11[%get3A_660, %get3A_661] {strides = array<i32>} : memref<128x128xf32, #tpu.memory_space<vmem>>, vector<1x16xf32>,
        %get3A_663 = vector.shape_cast %get3A_662 : vector<1x16xf32> to vector<16xf32>
        %mul3A_664 = vector.broadcast %squeeze3A_591 : f32 to vector<16xf32>
        %mul3A_665 = arith.mulf %get3A_663, %mul3A_664 : vector<16xf32>
        %swap3A_666 = arith.index_cast %add3A_593 : i32 to index
        %swap3A_667 = arith.constant 96 : index
        %swap3A_668 = tpu.vector_load %arg11[%swap3A_666, %swap3A_667] {strides = array<i32>} : memref<128x128xf32, #tpu.memory_space<vmem>>, vector<1x16xf32>,
        %swap3A_669 = vector.shape_cast %swap3A_668 : vector<1x16xf32> to vector<16xf32>
        %swap3A_670 = vector.shape_cast %mul3A_665 : vector<16xf32> to vector<1x16xf32>
        tpu.vector_store %arg11[%swap3A_666, %swap3A_667], %swap3A_670 {strides = array<i32>} : memref<128x128xf32, #tpu.memory_space<vmem>>, vector<1x16xf32>,
        %get3A_671 = arith.index_cast %add3A_593 : i32 to index
        %get3A_672 = arith.constant 112 : index
        %get3A_673 = tpu.vector_load %arg11[%get3A_671, %get3A_672] {strides = array<i32>} : memref<128x128xf32, #tpu.memory_space<vmem>>, vector<1x16xf32>,
        %get3A_674 = vector.shape_cast %get3A_673 : vector<1x16xf32> to vector<16xf32>
        %mul3A_675 = vector.broadcast %squeeze3A_591 : f32 to vector<16xf32>
        %mul3A_676 = arith.mulf %get3A_674, %mul3A_675 : vector<16xf32>
        %swap3A_677 = arith.index_cast %add3A_593 : i32 to index
        %swap3A_678 = arith.constant 112 : index
        %swap3A_679 = tpu.vector_load %arg11[%swap3A_677, %swap3A_678] {strides = array<i32>} : memref<128x128xf32, #tpu.memory_space<vmem>>, vector<1x16xf32>,
        %swap3A_680 = vector.shape_cast %swap3A_679 : vector<1x16xf32> to vector<16xf32>
        %swap3A_681 = vector.shape_cast %mul3A_676 : vector<16xf32> to vector<1x16xf32>
        tpu.vector_store %arg11[%swap3A_677, %swap3A_678], %swap3A_681 {strides = array<i32>} : memref<128x128xf32, #tpu.memory_space<vmem>>, vector<1x16xf32>,
        %slice3A_682 = vector.extract_strided_slice %get3A_38 {offsets = [7], sizes = [1], strides = [1]} : vector<16xf32> to vector<1xf32>
        %squeeze3A_683 = vector.extract %slice3A_682[0] : f32 from vector<1xf32>
        %add3A_684 = arith.constant 7 : i32
        %add3A_685 = arith.addi %mul3A_40, %add3A_684 : i32
        %get3A_686 = arith.index_cast %add3A_685 : i32 to index
        %get3A_687 = arith.constant 0 : index
        %get3A_688 = tpu.vector_load %arg11[%get3A_686, %get3A_687] {strides = array<i32>} : memref<128x128xf32, #tpu.memory_space<vmem>>, vector<1x16xf32>,
        %get3A_689 = vector.shape_cast %get3A_688 : vector<1x16xf32> to vector<16xf32>
        %mul3A_690 = vector.broadcast %squeeze3A_683 : f32 to vector<16xf32>
        %mul3A_691 = arith.mulf %get3A_689, %mul3A_690 : vector<16xf32>
        %swap3A_692 = arith.index_cast %add3A_685 : i32 to index
        %swap3A_693 = arith.constant 0 : index
        %swap3A_694 = tpu.vector_load %arg11[%swap3A_692, %swap3A_693] {strides = array<i32>} : memref<128x128xf32, #tpu.memory_space<vmem>>, vector<1x16xf32>,
        %swap3A_695 = vector.shape_cast %swap3A_694 : vector<1x16xf32> to vector<16xf32>
        %swap3A_696 = vector.shape_cast %mul3A_691 : vector<16xf32> to vector<1x16xf32>
        tpu.vector_store %arg11[%swap3A_692, %swap3A_693], %swap3A_696 {strides = array<i32>} : memref<128x128xf32, #tpu.memory_space<vmem>>, vector<1x16xf32>,
        %get3A_697 = arith.index_cast %add3A_685 : i32 to index
        %get3A_698 = arith.constant 16 : index
        %get3A_699 = tpu.vector_load %arg11[%get3A_697, %get3A_698] {strides = array<i32>} : memref<128x128xf32, #tpu.memory_space<vmem>>, vector<1x16xf32>,
        %get3A_700 = vector.shape_cast %get3A_699 : vector<1x16xf32> to vector<16xf32>
        %mul3A_701 = vector.broadcast %squeeze3A_683 : f32 to vector<16xf32>
        %mul3A_702 = arith.mulf %get3A_700, %mul3A_701 : vector<16xf32>
        %swap3A_703 = arith.index_cast %add3A_685 : i32 to index
        %swap3A_704 = arith.constant 16 : index
        %swap3A_705 = tpu.vector_load %arg11[%swap3A_703, %swap3A_704] {strides = array<i32>} : memref<128x128xf32, #tpu.memory_space<vmem>>, vector<1x16xf32>,
        %swap3A_706 = vector.shape_cast %swap3A_705 : vector<1x16xf32> to vector<16xf32>
        %swap3A_707 = vector.shape_cast %mul3A_702 : vector<16xf32> to vector<1x16xf32>
        tpu.vector_store %arg11[%swap3A_703, %swap3A_704], %swap3A_707 {strides = array<i32>} : memref<128x128xf32, #tpu.memory_space<vmem>>, vector<1x16xf32>,
        %get3A_708 = arith.index_cast %add3A_685 : i32 to index
        %get3A_709 = arith.constant 32 : index
        %get3A_710 = tpu.vector_load %arg11[%get3A_708, %get3A_709] {strides = array<i32>} : memref<128x128xf32, #tpu.memory_space<vmem>>, vector<1x16xf32>,
        %get3A_711 = vector.shape_cast %get3A_710 : vector<1x16xf32> to vector<16xf32>
        %mul3A_712 = vector.broadcast %squeeze3A_683 : f32 to vector<16xf32>
        %mul3A_713 = arith.mulf %get3A_711, %mul3A_712 : vector<16xf32>
        %swap3A_714 = arith.index_cast %add3A_685 : i32 to index
        %swap3A_715 = arith.constant 32 : index
        %swap3A_716 = tpu.vector_load %arg11[%swap3A_714, %swap3A_715] {strides = array<i32>} : memref<128x128xf32, #tpu.memory_space<vmem>>, vector<1x16xf32>,
        %swap3A_717 = vector.shape_cast %swap3A_716 : vector<1x16xf32> to vector<16xf32>
        %swap3A_718 = vector.shape_cast %mul3A_713 : vector<16xf32> to vector<1x16xf32>
        tpu.vector_store %arg11[%swap3A_714, %swap3A_715], %swap3A_718 {strides = array<i32>} : memref<128x128xf32, #tpu.memory_space<vmem>>, vector<1x16xf32>,
        %get3A_719 = arith.index_cast %add3A_685 : i32 to index
        %get3A_720 = arith.constant 48 : index
        %get3A_721 = tpu.vector_load %arg11[%get3A_719, %get3A_720] {strides = array<i32>} : memref<128x128xf32, #tpu.memory_space<vmem>>, vector<1x16xf32>,
        %get3A_722 = vector.shape_cast %get3A_721 : vector<1x16xf32> to vector<16xf32>
        %mul3A_723 = vector.broadcast %squeeze3A_683 : f32 to vector<16xf32>
        %mul3A_724 = arith.mulf %get3A_722, %mul3A_723 : vector<16xf32>
        %swap3A_725 = arith.index_cast %add3A_685 : i32 to index
        %swap3A_726 = arith.constant 48 : index
        %swap3A_727 = tpu.vector_load %arg11[%swap3A_725, %swap3A_726] {strides = array<i32>} : memref<128x128xf32, #tpu.memory_space<vmem>>, vector<1x16xf32>,
        %swap3A_728 = vector.shape_cast %swap3A_727 : vector<1x16xf32> to vector<16xf32>
        %swap3A_729 = vector.shape_cast %mul3A_724 : vector<16xf32> to vector<1x16xf32>
        tpu.vector_store %arg11[%swap3A_725, %swap3A_726], %swap3A_729 {strides = array<i32>} : memref<128x128xf32, #tpu.memory_space<vmem>>, vector<1x16xf32>,
        %get3A_730 = arith.index_cast %add3A_685 : i32 to index
        %get3A_731 = arith.constant 64 : index
        %get3A_732 = tpu.vector_load %arg11[%get3A_730, %get3A_731] {strides = array<i32>} : memref<128x128xf32, #tpu.memory_space<vmem>>, vector<1x16xf32>,
        %get3A_733 = vector.shape_cast %get3A_732 : vector<1x16xf32> to vector<16xf32>
        %mul3A_734 = vector.broadcast %squeeze3A_683 : f32 to vector<16xf32>
        %mul3A_735 = arith.mulf %get3A_733, %mul3A_734 : vector<16xf32>
        %swap3A_736 = arith.index_cast %add3A_685 : i32 to index
        %swap3A_737 = arith.constant 64 : index
        %swap3A_738 = tpu.vector_load %arg11[%swap3A_736, %swap3A_737] {strides = array<i32>} : memref<128x128xf32, #tpu.memory_space<vmem>>, vector<1x16xf32>,
        %swap3A_739 = vector.shape_cast %swap3A_738 : vector<1x16xf32> to vector<16xf32>
        %swap3A_740 = vector.shape_cast %mul3A_735 : vector<16xf32> to vector<1x16xf32>
        tpu.vector_store %arg11[%swap3A_736, %swap3A_737], %swap3A_740 {strides = array<i32>} : memref<128x128xf32, #tpu.memory_space<vmem>>, vector<1x16xf32>,
        %get3A_741 = arith.index_cast %add3A_685 : i32 to index
        %get3A_742 = arith.constant 80 : index
        %get3A_743 = tpu.vector_load %arg11[%get3A_741, %get3A_742] {strides = array<i32>} : memref<128x128xf32, #tpu.memory_space<vmem>>, vector<1x16xf32>,
        %get3A_744 = vector.shape_cast %get3A_743 : vector<1x16xf32> to vector<16xf32>
        %mul3A_745 = vector.broadcast %squeeze3A_683 : f32 to vector<16xf32>
        %mul3A_746 = arith.mulf %get3A_744, %mul3A_745 : vector<16xf32>
        %swap3A_747 = arith.index_cast %add3A_685 : i32 to index
        %swap3A_748 = arith.constant 80 : index
        %swap3A_749 = tpu.vector_load %arg11[%swap3A_747, %swap3A_748] {strides = array<i32>} : memref<128x128xf32, #tpu.memory_space<vmem>>, vector<1x16xf32>,
        %swap3A_750 = vector.shape_cast %swap3A_749 : vector<1x16xf32> to vector<16xf32>
        %swap3A_751 = vector.shape_cast %mul3A_746 : vector<16xf32> to vector<1x16xf32>
        tpu.vector_store %arg11[%swap3A_747, %swap3A_748], %swap3A_751 {strides = array<i32>} : memref<128x128xf32, #tpu.memory_space<vmem>>, vector<1x16xf32>,
        %get3A_752 = arith.index_cast %add3A_685 : i32 to index
        %get3A_753 = arith.constant 96 : index
        %get3A_754 = tpu.vector_load %arg11[%get3A_752, %get3A_753] {strides = array<i32>} : memref<128x128xf32, #tpu.memory_space<vmem>>, vector<1x16xf32>,
        %get3A_755 = vector.shape_cast %get3A_754 : vector<1x16xf32> to vector<16xf32>
        %mul3A_756 = vector.broadcast %squeeze3A_683 : f32 to vector<16xf32>
        %mul3A_757 = arith.mulf %get3A_755, %mul3A_756 : vector<16xf32>
        %swap3A_758 = arith.index_cast %add3A_685 : i32 to index
        %swap3A_759 = arith.constant 96 : index
        %swap3A_760 = tpu.vector_load %arg11[%swap3A_758, %swap3A_759] {strides = array<i32>} : memref<128x128xf32, #tpu.memory_space<vmem>>, vector<1x16xf32>,
        %swap3A_761 = vector.shape_cast %swap3A_760 : vector<1x16xf32> to vector<16xf32>
        %swap3A_762 = vector.shape_cast %mul3A_757 : vector<16xf32> to vector<1x16xf32>
        tpu.vector_store %arg11[%swap3A_758, %swap3A_759], %swap3A_762 {strides = array<i32>} : memref<128x128xf32, #tpu.memory_space<vmem>>, vector<1x16xf32>,
        %get3A_763 = arith.index_cast %add3A_685 : i32 to index
        %get3A_764 = arith.constant 112 : index
        %get3A_765 = tpu.vector_load %arg11[%get3A_763, %get3A_764] {strides = array<i32>} : memref<128x128xf32, #tpu.memory_space<vmem>>, vector<1x16xf32>,
        %get3A_766 = vector.shape_cast %get3A_765 : vector<1x16xf32> to vector<16xf32>
        %mul3A_767 = vector.broadcast %squeeze3A_683 : f32 to vector<16xf32>
        %mul3A_768 = arith.mulf %get3A_766, %mul3A_767 : vector<16xf32>
        %swap3A_769 = arith.index_cast %add3A_685 : i32 to index
        %swap3A_770 = arith.constant 112 : index
        %swap3A_771 = tpu.vector_load %arg11[%swap3A_769, %swap3A_770] {strides = array<i32>} : memref<128x128xf32, #tpu.memory_space<vmem>>, vector<1x16xf32>,
        %swap3A_772 = vector.shape_cast %swap3A_771 : vector<1x16xf32> to vector<16xf32>
        %swap3A_773 = vector.shape_cast %mul3A_768 : vector<16xf32> to vector<1x16xf32>
        tpu.vector_store %arg11[%swap3A_769, %swap3A_770], %swap3A_773 {strides = array<i32>} : memref<128x128xf32, #tpu.memory_space<vmem>>, vector<1x16xf32>,
        %slice3A_774 = vector.extract_strided_slice %get3A_38 {offsets = [8], sizes = [1], strides = [1]} : vector<16xf32> to vector<1xf32>
        %squeeze3A_775 = vector.extract %slice3A_774[0] : f32 from vector<1xf32>
        %add3A_776 = arith.constant 8 : i32
        %add3A_777 = arith.addi %mul3A_40, %add3A_776 : i32
        %get3A_778 = arith.index_cast %add3A_777 : i32 to index
        %get3A_779 = arith.constant 0 : index
        %get3A_780 = tpu.vector_load %arg11[%get3A_778, %get3A_779] {strides = array<i32>} : memref<128x128xf32, #tpu.memory_space<vmem>>, vector<1x16xf32>,
        %get3A_781 = vector.shape_cast %get3A_780 : vector<1x16xf32> to vector<16xf32>
        %mul3A_782 = vector.broadcast %squeeze3A_775 : f32 to vector<16xf32>
        %mul3A_783 = arith.mulf %get3A_781, %mul3A_782 : vector<16xf32>
        %swap3A_784 = arith.index_cast %add3A_777 : i32 to index
        %swap3A_785 = arith.constant 0 : index
        %swap3A_786 = tpu.vector_load %arg11[%swap3A_784, %swap3A_785] {strides = array<i32>} : memref<128x128xf32, #tpu.memory_space<vmem>>, vector<1x16xf32>,
        %swap3A_787 = vector.shape_cast %swap3A_786 : vector<1x16xf32> to vector<16xf32>
        %swap3A_788 = vector.shape_cast %mul3A_783 : vector<16xf32> to vector<1x16xf32>
        tpu.vector_store %arg11[%swap3A_784, %swap3A_785], %swap3A_788 {strides = array<i32>} : memref<128x128xf32, #tpu.memory_space<vmem>>, vector<1x16xf32>,
        %get3A_789 = arith.index_cast %add3A_777 : i32 to index
        %get3A_790 = arith.constant 16 : index
        %get3A_791 = tpu.vector_load %arg11[%get3A_789, %get3A_790] {strides = array<i32>} : memref<128x128xf32, #tpu.memory_space<vmem>>, vector<1x16xf32>,
        %get3A_792 = vector.shape_cast %get3A_791 : vector<1x16xf32> to vector<16xf32>
        %mul3A_793 = vector.broadcast %squeeze3A_775 : f32 to vector<16xf32>
        %mul3A_794 = arith.mulf %get3A_792, %mul3A_793 : vector<16xf32>
        %swap3A_795 = arith.index_cast %add3A_777 : i32 to index
        %swap3A_796 = arith.constant 16 : index
        %swap3A_797 = tpu.vector_load %arg11[%swap3A_795, %swap3A_796] {strides = array<i32>} : memref<128x128xf32, #tpu.memory_space<vmem>>, vector<1x16xf32>,
        %swap3A_798 = vector.shape_cast %swap3A_797 : vector<1x16xf32> to vector<16xf32>
        %swap3A_799 = vector.shape_cast %mul3A_794 : vector<16xf32> to vector<1x16xf32>
        tpu.vector_store %arg11[%swap3A_795, %swap3A_796], %swap3A_799 {strides = array<i32>} : memref<128x128xf32, #tpu.memory_space<vmem>>, vector<1x16xf32>,
        %get3A_800 = arith.index_cast %add3A_777 : i32 to index
        %get3A_801 = arith.constant 32 : index
        %get3A_802 = tpu.vector_load %arg11[%get3A_800, %get3A_801] {strides = array<i32>} : memref<128x128xf32, #tpu.memory_space<vmem>>, vector<1x16xf32>,
        %get3A_803 = vector.shape_cast %get3A_802 : vector<1x16xf32> to vector<16xf32>
        %mul3A_804 = vector.broadcast %squeeze3A_775 : f32 to vector<16xf32>
        %mul3A_805 = arith.mulf %get3A_803, %mul3A_804 : vector<16xf32>
        %swap3A_806 = arith.index_cast %add3A_777 : i32 to index
        %swap3A_807 = arith.constant 32 : index
        %swap3A_808 = tpu.vector_load %arg11[%swap3A_806, %swap3A_807] {strides = array<i32>} : memref<128x128xf32, #tpu.memory_space<vmem>>, vector<1x16xf32>,
        %swap3A_809 = vector.shape_cast %swap3A_808 : vector<1x16xf32> to vector<16xf32>
        %swap3A_810 = vector.shape_cast %mul3A_805 : vector<16xf32> to vector<1x16xf32>
        tpu.vector_store %arg11[%swap3A_806, %swap3A_807], %swap3A_810 {strides = array<i32>} : memref<128x128xf32, #tpu.memory_space<vmem>>, vector<1x16xf32>,
        %get3A_811 = arith.index_cast %add3A_777 : i32 to index
        %get3A_812 = arith.constant 48 : index
        %get3A_813 = tpu.vector_load %arg11[%get3A_811, %get3A_812] {strides = array<i32>} : memref<128x128xf32, #tpu.memory_space<vmem>>, vector<1x16xf32>,
        %get3A_814 = vector.shape_cast %get3A_813 : vector<1x16xf32> to vector<16xf32>
        %mul3A_815 = vector.broadcast %squeeze3A_775 : f32 to vector<16xf32>
        %mul3A_816 = arith.mulf %get3A_814, %mul3A_815 : vector<16xf32>
        %swap3A_817 = arith.index_cast %add3A_777 : i32 to index
        %swap3A_818 = arith.constant 48 : index
        %swap3A_819 = tpu.vector_load %arg11[%swap3A_817, %swap3A_818] {strides = array<i32>} : memref<128x128xf32, #tpu.memory_space<vmem>>, vector<1x16xf32>,
        %swap3A_820 = vector.shape_cast %swap3A_819 : vector<1x16xf32> to vector<16xf32>
        %swap3A_821 = vector.shape_cast %mul3A_816 : vector<16xf32> to vector<1x16xf32>
        tpu.vector_store %arg11[%swap3A_817, %swap3A_818], %swap3A_821 {strides = array<i32>} : memref<128x128xf32, #tpu.memory_space<vmem>>, vector<1x16xf32>,
        %get3A_822 = arith.index_cast %add3A_777 : i32 to index
        %get3A_823 = arith.constant 64 : index
        %get3A_824 = tpu.vector_load %arg11[%get3A_822, %get3A_823] {strides = array<i32>} : memref<128x128xf32, #tpu.memory_space<vmem>>, vector<1x16xf32>,
        %get3A_825 = vector.shape_cast %get3A_824 : vector<1x16xf32> to vector<16xf32>
        %mul3A_826 = vector.broadcast %squeeze3A_775 : f32 to vector<16xf32>
        %mul3A_827 = arith.mulf %get3A_825, %mul3A_826 : vector<16xf32>
        %swap3A_828 = arith.index_cast %add3A_777 : i32 to index
        %swap3A_829 = arith.constant 64 : index
        %swap3A_830 = tpu.vector_load %arg11[%swap3A_828, %swap3A_829] {strides = array<i32>} : memref<128x128xf32, #tpu.memory_space<vmem>>, vector<1x16xf32>,
        %swap3A_831 = vector.shape_cast %swap3A_830 : vector<1x16xf32> to vector<16xf32>
        %swap3A_832 = vector.shape_cast %mul3A_827 : vector<16xf32> to vector<1x16xf32>
        tpu.vector_store %arg11[%swap3A_828, %swap3A_829], %swap3A_832 {strides = array<i32>} : memref<128x128xf32, #tpu.memory_space<vmem>>, vector<1x16xf32>,
        %get3A_833 = arith.index_cast %add3A_777 : i32 to index
        %get3A_834 = arith.constant 80 : index
        %get3A_835 = tpu.vector_load %arg11[%get3A_833, %get3A_834] {strides = array<i32>} : memref<128x128xf32, #tpu.memory_space<vmem>>, vector<1x16xf32>,
        %get3A_836 = vector.shape_cast %get3A_835 : vector<1x16xf32> to vector<16xf32>
        %mul3A_837 = vector.broadcast %squeeze3A_775 : f32 to vector<16xf32>
        %mul3A_838 = arith.mulf %get3A_836, %mul3A_837 : vector<16xf32>
        %swap3A_839 = arith.index_cast %add3A_777 : i32 to index
        %swap3A_840 = arith.constant 80 : index
        %swap3A_841 = tpu.vector_load %arg11[%swap3A_839, %swap3A_840] {strides = array<i32>} : memref<128x128xf32, #tpu.memory_space<vmem>>, vector<1x16xf32>,
        %swap3A_842 = vector.shape_cast %swap3A_841 : vector<1x16xf32> to vector<16xf32>
        %swap3A_843 = vector.shape_cast %mul3A_838 : vector<16xf32> to vector<1x16xf32>
        tpu.vector_store %arg11[%swap3A_839, %swap3A_840], %swap3A_843 {strides = array<i32>} : memref<128x128xf32, #tpu.memory_space<vmem>>, vector<1x16xf32>,
        %get3A_844 = arith.index_cast %add3A_777 : i32 to index
        %get3A_845 = arith.constant 96 : index
        %get3A_846 = tpu.vector_load %arg11[%get3A_844, %get3A_845] {strides = array<i32>} : memref<128x128xf32, #tpu.memory_space<vmem>>, vector<1x16xf32>,
        %get3A_847 = vector.shape_cast %get3A_846 : vector<1x16xf32> to vector<16xf32>
        %mul3A_848 = vector.broadcast %squeeze3A_775 : f32 to vector<16xf32>
        %mul3A_849 = arith.mulf %get3A_847, %mul3A_848 : vector<16xf32>
        %swap3A_850 = arith.index_cast %add3A_777 : i32 to index
        %swap3A_851 = arith.constant 96 : index
        %swap3A_852 = tpu.vector_load %arg11[%swap3A_850, %swap3A_851] {strides = array<i32>} : memref<128x128xf32, #tpu.memory_space<vmem>>, vector<1x16xf32>,
        %swap3A_853 = vector.shape_cast %swap3A_852 : vector<1x16xf32> to vector<16xf32>
        %swap3A_854 = vector.shape_cast %mul3A_849 : vector<16xf32> to vector<1x16xf32>
        tpu.vector_store %arg11[%swap3A_850, %swap3A_851], %swap3A_854 {strides = array<i32>} : memref<128x128xf32, #tpu.memory_space<vmem>>, vector<1x16xf32>,
        %get3A_855 = arith.index_cast %add3A_777 : i32 to index
        %get3A_856 = arith.constant 112 : index
        %get3A_857 = tpu.vector_load %arg11[%get3A_855, %get3A_856] {strides = array<i32>} : memref<128x128xf32, #tpu.memory_space<vmem>>, vector<1x16xf32>,
        %get3A_858 = vector.shape_cast %get3A_857 : vector<1x16xf32> to vector<16xf32>
        %mul3A_859 = vector.broadcast %squeeze3A_775 : f32 to vector<16xf32>
        %mul3A_860 = arith.mulf %get3A_858, %mul3A_859 : vector<16xf32>
        %swap3A_861 = arith.index_cast %add3A_777 : i32 to index
        %swap3A_862 = arith.constant 112 : index
        %swap3A_863 = tpu.vector_load %arg11[%swap3A_861, %swap3A_862] {strides = array<i32>} : memref<128x128xf32, #tpu.memory_space<vmem>>, vector<1x16xf32>,
        %swap3A_864 = vector.shape_cast %swap3A_863 : vector<1x16xf32> to vector<16xf32>
        %swap3A_865 = vector.shape_cast %mul3A_860 : vector<16xf32> to vector<1x16xf32>
        tpu.vector_store %arg11[%swap3A_861, %swap3A_862], %swap3A_865 {strides = array<i32>} : memref<128x128xf32, #tpu.memory_space<vmem>>, vector<1x16xf32>,
        %slice3A_866 = vector.extract_strided_slice %get3A_38 {offsets = [9], sizes = [1], strides = [1]} : vector<16xf32> to vector<1xf32>
        %squeeze3A_867 = vector.extract %slice3A_866[0] : f32 from vector<1xf32>
        %add3A_868 = arith.constant 9 : i32
        %add3A_869 = arith.addi %mul3A_40, %add3A_868 : i32
        %get3A_870 = arith.index_cast %add3A_869 : i32 to index
        %get3A_871 = arith.constant 0 : index
        %get3A_872 = tpu.vector_load %arg11[%get3A_870, %get3A_871] {strides = array<i32>} : memref<128x128xf32, #tpu.memory_space<vmem>>, vector<1x16xf32>,
        %get3A_873 = vector.shape_cast %get3A_872 : vector<1x16xf32> to vector<16xf32>
        %mul3A_874 = vector.broadcast %squeeze3A_867 : f32 to vector<16xf32>
        %mul3A_875 = arith.mulf %get3A_873, %mul3A_874 : vector<16xf32>
        %swap3A_876 = arith.index_cast %add3A_869 : i32 to index
        %swap3A_877 = arith.constant 0 : index
        %swap3A_878 = tpu.vector_load %arg11[%swap3A_876, %swap3A_877] {strides = array<i32>} : memref<128x128xf32, #tpu.memory_space<vmem>>, vector<1x16xf32>,
        %swap3A_879 = vector.shape_cast %swap3A_878 : vector<1x16xf32> to vector<16xf32>
        %swap3A_880 = vector.shape_cast %mul3A_875 : vector<16xf32> to vector<1x16xf32>
        tpu.vector_store %arg11[%swap3A_876, %swap3A_877], %swap3A_880 {strides = array<i32>} : memref<128x128xf32, #tpu.memory_space<vmem>>, vector<1x16xf32>,
        %get3A_881 = arith.index_cast %add3A_869 : i32 to index
        %get3A_882 = arith.constant 16 : index
        %get3A_883 = tpu.vector_load %arg11[%get3A_881, %get3A_882] {strides = array<i32>} : memref<128x128xf32, #tpu.memory_space<vmem>>, vector<1x16xf32>,
        %get3A_884 = vector.shape_cast %get3A_883 : vector<1x16xf32> to vector<16xf32>
        %mul3A_885 = vector.broadcast %squeeze3A_867 : f32 to vector<16xf32>
        %mul3A_886 = arith.mulf %get3A_884, %mul3A_885 : vector<16xf32>
        %swap3A_887 = arith.index_cast %add3A_869 : i32 to index
        %swap3A_888 = arith.constant 16 : index
        %swap3A_889 = tpu.vector_load %arg11[%swap3A_887, %swap3A_888] {strides = array<i32>} : memref<128x128xf32, #tpu.memory_space<vmem>>, vector<1x16xf32>,
        %swap3A_890 = vector.shape_cast %swap3A_889 : vector<1x16xf32> to vector<16xf32>
        %swap3A_891 = vector.shape_cast %mul3A_886 : vector<16xf32> to vector<1x16xf32>
        tpu.vector_store %arg11[%swap3A_887, %swap3A_888], %swap3A_891 {strides = array<i32>} : memref<128x128xf32, #tpu.memory_space<vmem>>, vector<1x16xf32>,
        %get3A_892 = arith.index_cast %add3A_869 : i32 to index
        %get3A_893 = arith.constant 32 : index
        %get3A_894 = tpu.vector_load %arg11[%get3A_892, %get3A_893] {strides = array<i32>} : memref<128x128xf32, #tpu.memory_space<vmem>>, vector<1x16xf32>,
        %get3A_895 = vector.shape_cast %get3A_894 : vector<1x16xf32> to vector<16xf32>
        %mul3A_896 = vector.broadcast %squeeze3A_867 : f32 to vector<16xf32>
        %mul3A_897 = arith.mulf %get3A_895, %mul3A_896 : vector<16xf32>
        %swap3A_898 = arith.index_cast %add3A_869 : i32 to index
        %swap3A_899 = arith.constant 32 : index
        %swap3A_900 = tpu.vector_load %arg11[%swap3A_898, %swap3A_899] {strides = array<i32>} : memref<128x128xf32, #tpu.memory_space<vmem>>, vector<1x16xf32>,
        %swap3A_901 = vector.shape_cast %swap3A_900 : vector<1x16xf32> to vector<16xf32>
        %swap3A_902 = vector.shape_cast %mul3A_897 : vector<16xf32> to vector<1x16xf32>
        tpu.vector_store %arg11[%swap3A_898, %swap3A_899], %swap3A_902 {strides = array<i32>} : memref<128x128xf32, #tpu.memory_space<vmem>>, vector<1x16xf32>,
        %get3A_903 = arith.index_cast %add3A_869 : i32 to index
        %get3A_904 = arith.constant 48 : index
        %get3A_905 = tpu.vector_load %arg11[%get3A_903, %get3A_904] {strides = array<i32>} : memref<128x128xf32, #tpu.memory_space<vmem>>, vector<1x16xf32>,
        %get3A_906 = vector.shape_cast %get3A_905 : vector<1x16xf32> to vector<16xf32>
        %mul3A_907 = vector.broadcast %squeeze3A_867 : f32 to vector<16xf32>
        %mul3A_908 = arith.mulf %get3A_906, %mul3A_907 : vector<16xf32>
        %swap3A_909 = arith.index_cast %add3A_869 : i32 to index
        %swap3A_910 = arith.constant 48 : index
        %swap3A_911 = tpu.vector_load %arg11[%swap3A_909, %swap3A_910] {strides = array<i32>} : memref<128x128xf32, #tpu.memory_space<vmem>>, vector<1x16xf32>,
        %swap3A_912 = vector.shape_cast %swap3A_911 : vector<1x16xf32> to vector<16xf32>
        %swap3A_913 = vector.shape_cast %mul3A_908 : vector<16xf32> to vector<1x16xf32>
        tpu.vector_store %arg11[%swap3A_909, %swap3A_910], %swap3A_913 {strides = array<i32>} : memref<128x128xf32, #tpu.memory_space<vmem>>, vector<1x16xf32>,
        %get3A_914 = arith.index_cast %add3A_869 : i32 to index
        %get3A_915 = arith.constant 64 : index
        %get3A_916 = tpu.vector_load %arg11[%get3A_914, %get3A_915] {strides = array<i32>} : memref<128x128xf32, #tpu.memory_space<vmem>>, vector<1x16xf32>,
        %get3A_917 = vector.shape_cast %get3A_916 : vector<1x16xf32> to vector<16xf32>
        %mul3A_918 = vector.broadcast %squeeze3A_867 : f32 to vector<16xf32>
        %mul3A_919 = arith.mulf %get3A_917, %mul3A_918 : vector<16xf32>
        %swap3A_920 = arith.index_cast %add3A_869 : i32 to index
        %swap3A_921 = arith.constant 64 : index
        %swap3A_922 = tpu.vector_load %arg11[%swap3A_920, %swap3A_921] {strides = array<i32>} : memref<128x128xf32, #tpu.memory_space<vmem>>, vector<1x16xf32>,
        %swap3A_923 = vector.shape_cast %swap3A_922 : vector<1x16xf32> to vector<16xf32>
        %swap3A_924 = vector.shape_cast %mul3A_919 : vector<16xf32> to vector<1x16xf32>
        tpu.vector_store %arg11[%swap3A_920, %swap3A_921], %swap3A_924 {strides = array<i32>} : memref<128x128xf32, #tpu.memory_space<vmem>>, vector<1x16xf32>,
        %get3A_925 = arith.index_cast %add3A_869 : i32 to index
        %get3A_926 = arith.constant 80 : index
        %get3A_927 = tpu.vector_load %arg11[%get3A_925, %get3A_926] {strides = array<i32>} : memref<128x128xf32, #tpu.memory_space<vmem>>, vector<1x16xf32>,
        %get3A_928 = vector.shape_cast %get3A_927 : vector<1x16xf32> to vector<16xf32>
        %mul3A_929 = vector.broadcast %squeeze3A_867 : f32 to vector<16xf32>
        %mul3A_930 = arith.mulf %get3A_928, %mul3A_929 : vector<16xf32>
        %swap3A_931 = arith.index_cast %add3A_869 : i32 to index
        %swap3A_932 = arith.constant 80 : index
        %swap3A_933 = tpu.vector_load %arg11[%swap3A_931, %swap3A_932] {strides = array<i32>} : memref<128x128xf32, #tpu.memory_space<vmem>>, vector<1x16xf32>,
        %swap3A_934 = vector.shape_cast %swap3A_933 : vector<1x16xf32> to vector<16xf32>
        %swap3A_935 = vector.shape_cast %mul3A_930 : vector<16xf32> to vector<1x16xf32>
        tpu.vector_store %arg11[%swap3A_931, %swap3A_932], %swap3A_935 {strides = array<i32>} : memref<128x128xf32, #tpu.memory_space<vmem>>, vector<1x16xf32>,
        %get3A_936 = arith.index_cast %add3A_869 : i32 to index
        %get3A_937 = arith.constant 96 : index
        %get3A_938 = tpu.vector_load %arg11[%get3A_936, %get3A_937] {strides = array<i32>} : memref<128x128xf32, #tpu.memory_space<vmem>>, vector<1x16xf32>,
        %get3A_939 = vector.shape_cast %get3A_938 : vector<1x16xf32> to vector<16xf32>
        %mul3A_940 = vector.broadcast %squeeze3A_867 : f32 to vector<16xf32>
        %mul3A_941 = arith.mulf %get3A_939, %mul3A_940 : vector<16xf32>
        %swap3A_942 = arith.index_cast %add3A_869 : i32 to index
        %swap3A_943 = arith.constant 96 : index
        %swap3A_944 = tpu.vector_load %arg11[%swap3A_942, %swap3A_943] {strides = array<i32>} : memref<128x128xf32, #tpu.memory_space<vmem>>, vector<1x16xf32>,
        %swap3A_945 = vector.shape_cast %swap3A_944 : vector<1x16xf32> to vector<16xf32>
        %swap3A_946 = vector.shape_cast %mul3A_941 : vector<16xf32> to vector<1x16xf32>
        tpu.vector_store %arg11[%swap3A_942, %swap3A_943], %swap3A_946 {strides = array<i32>} : memref<128x128xf32, #tpu.memory_space<vmem>>, vector<1x16xf32>,
        %get3A_947 = arith.index_cast %add3A_869 : i32 to index
        %get3A_948 = arith.constant 112 : index
        %get3A_949 = tpu.vector_load %arg11[%get3A_947, %get3A_948] {strides = array<i32>} : memref<128x128xf32, #tpu.memory_space<vmem>>, vector<1x16xf32>,
        %get3A_950 = vector.shape_cast %get3A_949 : vector<1x16xf32> to vector<16xf32>
        %mul3A_951 = vector.broadcast %squeeze3A_867 : f32 to vector<16xf32>
        %mul3A_952 = arith.mulf %get3A_950, %mul3A_951 : vector<16xf32>
        %swap3A_953 = arith.index_cast %add3A_869 : i32 to index
        %swap3A_954 = arith.constant 112 : index
        %swap3A_955 = tpu.vector_load %arg11[%swap3A_953, %swap3A_954] {strides = array<i32>} : memref<128x128xf32, #tpu.memory_space<vmem>>, vector<1x16xf32>,
        %swap3A_956 = vector.shape_cast %swap3A_955 : vector<1x16xf32> to vector<16xf32>
        %swap3A_957 = vector.shape_cast %mul3A_952 : vector<16xf32> to vector<1x16xf32>
        tpu.vector_store %arg11[%swap3A_953, %swap3A_954], %swap3A_957 {strides = array<i32>} : memref<128x128xf32, #tpu.memory_space<vmem>>, vector<1x16xf32>,
        %slice3A_958 = vector.extract_strided_slice %get3A_38 {offsets = [10], sizes = [1], strides = [1]} : vector<16xf32> to vector<1xf32>
        %squeeze3A_959 = vector.extract %slice3A_958[0] : f32 from vector<1xf32>
        %add3A_960 = arith.constant 10 : i32
        %add3A_961 = arith.addi %mul3A_40, %add3A_960 : i32
        %get3A_962 = arith.index_cast %add3A_961 : i32 to index
        %get3A_963 = arith.constant 0 : index
        %get3A_964 = tpu.vector_load %arg11[%get3A_962, %get3A_963] {strides = array<i32>} : memref<128x128xf32, #tpu.memory_space<vmem>>, vector<1x16xf32>,
        %get3A_965 = vector.shape_cast %get3A_964 : vector<1x16xf32> to vector<16xf32>
        %mul3A_966 = vector.broadcast %squeeze3A_959 : f32 to vector<16xf32>
        %mul3A_967 = arith.mulf %get3A_965, %mul3A_966 : vector<16xf32>
        %swap3A_968 = arith.index_cast %add3A_961 : i32 to index
        %swap3A_969 = arith.constant 0 : index
        %swap3A_970 = tpu.vector_load %arg11[%swap3A_968, %swap3A_969] {strides = array<i32>} : memref<128x128xf32, #tpu.memory_space<vmem>>, vector<1x16xf32>,
        %swap3A_971 = vector.shape_cast %swap3A_970 : vector<1x16xf32> to vector<16xf32>
        %swap3A_972 = vector.shape_cast %mul3A_967 : vector<16xf32> to vector<1x16xf32>
        tpu.vector_store %arg11[%swap3A_968, %swap3A_969], %swap3A_972 {strides = array<i32>} : memref<128x128xf32, #tpu.memory_space<vmem>>, vector<1x16xf32>,
        %get3A_973 = arith.index_cast %add3A_961 : i32 to index
        %get3A_974 = arith.constant 16 : index
        %get3A_975 = tpu.vector_load %arg11[%get3A_973, %get3A_974] {strides = array<i32>} : memref<128x128xf32, #tpu.memory_space<vmem>>, vector<1x16xf32>,
        %get3A_976 = vector.shape_cast %get3A_975 : vector<1x16xf32> to vector<16xf32>
        %mul3A_977 = vector.broadcast %squeeze3A_959 : f32 to vector<16xf32>
        %mul3A_978 = arith.mulf %get3A_976, %mul3A_977 : vector<16xf32>
        %swap3A_979 = arith.index_cast %add3A_961 : i32 to index
        %swap3A_980 = arith.constant 16 : index
        %swap3A_981 = tpu.vector_load %arg11[%swap3A_979, %swap3A_980] {strides = array<i32>} : memref<128x128xf32, #tpu.memory_space<vmem>>, vector<1x16xf32>,
        %swap3A_982 = vector.shape_cast %swap3A_981 : vector<1x16xf32> to vector<16xf32>
        %swap3A_983 = vector.shape_cast %mul3A_978 : vector<16xf32> to vector<1x16xf32>
        tpu.vector_store %arg11[%swap3A_979, %swap3A_980], %swap3A_983 {strides = array<i32>} : memref<128x128xf32, #tpu.memory_space<vmem>>, vector<1x16xf32>,
        %get3A_984 = arith.index_cast %add3A_961 : i32 to index
        %get3A_985 = arith.constant 32 : index
        %get3A_986 = tpu.vector_load %arg11[%get3A_984, %get3A_985] {strides = array<i32>} : memref<128x128xf32, #tpu.memory_space<vmem>>, vector<1x16xf32>,
        %get3A_987 = vector.shape_cast %get3A_986 : vector<1x16xf32> to vector<16xf32>
        %mul3A_988 = vector.broadcast %squeeze3A_959 : f32 to vector<16xf32>
        %mul3A_989 = arith.mulf %get3A_987, %mul3A_988 : vector<16xf32>
        %swap3A_990 = arith.index_cast %add3A_961 : i32 to index
        %swap3A_991 = arith.constant 32 : index
        %swap3A_992 = tpu.vector_load %arg11[%swap3A_990, %swap3A_991] {strides = array<i32>} : memref<128x128xf32, #tpu.memory_space<vmem>>, vector<1x16xf32>,
        %swap3A_993 = vector.shape_cast %swap3A_992 : vector<1x16xf32> to vector<16xf32>
        %swap3A_994 = vector.shape_cast %mul3A_989 : vector<16xf32> to vector<1x16xf32>
        tpu.vector_store %arg11[%swap3A_990, %swap3A_991], %swap3A_994 {strides = array<i32>} : memref<128x128xf32, #tpu.memory_space<vmem>>, vector<1x16xf32>,
        %get3A_995 = arith.index_cast %add3A_961 : i32 to index
        %get3A_996 = arith.constant 48 : index
        %get3A_997 = tpu.vector_load %arg11[%get3A_995, %get3A_996] {strides = array<i32>} : memref<128x128xf32, #tpu.memory_space<vmem>>, vector<1x16xf32>,
        %get3A_998 = vector.shape_cast %get3A_997 : vector<1x16xf32> to vector<16xf32>
        %mul3A_999 = vector.broadcast %squeeze3A_959 : f32 to vector<16xf32>
        %mul3A_1000 = arith.mulf %get3A_998, %mul3A_999 : vector<16xf32>
        %swap3A_1001 = arith.index_cast %add3A_961 : i32 to index
        %swap3A_1002 = arith.constant 48 : index
        %swap3A_1003 = tpu.vector_load %arg11[%swap3A_1001, %swap3A_1002] {strides = array<i32>} : memref<128x128xf32, #tpu.memory_space<vmem>>, vector<1x16xf32>,
        %swap3A_1004 = vector.shape_cast %swap3A_1003 : vector<1x16xf32> to vector<16xf32>
        %swap3A_1005 = vector.shape_cast %mul3A_1000 : vector<16xf32> to vector<1x16xf32>
        tpu.vector_store %arg11[%swap3A_1001, %swap3A_1002], %swap3A_1005 {strides = array<i32>} : memref<128x128xf32, #tpu.memory_space<vmem>>, vector<1x16xf32>,
        %get3A_1006 = arith.index_cast %add3A_961 : i32 to index
        %get3A_1007 = arith.constant 64 : index
        %get3A_1008 = tpu.vector_load %arg11[%get3A_1006, %get3A_1007] {strides = array<i32>} : memref<128x128xf32, #tpu.memory_space<vmem>>, vector<1x16xf32>,
        %get3A_1009 = vector.shape_cast %get3A_1008 : vector<1x16xf32> to vector<16xf32>
        %mul3A_1010 = vector.broadcast %squeeze3A_959 : f32 to vector<16xf32>
        %mul3A_1011 = arith.mulf %get3A_1009, %mul3A_1010 : vector<16xf32>
        %swap3A_1012 = arith.index_cast %add3A_961 : i32 to index
        %swap3A_1013 = arith.constant 64 : index
        %swap3A_1014 = tpu.vector_load %arg11[%swap3A_1012, %swap3A_1013] {strides = array<i32>} : memref<128x128xf32, #tpu.memory_space<vmem>>, vector<1x16xf32>,
        %swap3A_1015 = vector.shape_cast %swap3A_1014 : vector<1x16xf32> to vector<16xf32>
        %swap3A_1016 = vector.shape_cast %mul3A_1011 : vector<16xf32> to vector<1x16xf32>
        tpu.vector_store %arg11[%swap3A_1012, %swap3A_1013], %swap3A_1016 {strides = array<i32>} : memref<128x128xf32, #tpu.memory_space<vmem>>, vector<1x16xf32>,
        %get3A_1017 = arith.index_cast %add3A_961 : i32 to index
        %get3A_1018 = arith.constant 80 : index
        %get3A_1019 = tpu.vector_load %arg11[%get3A_1017, %get3A_1018] {strides = array<i32>} : memref<128x128xf32, #tpu.memory_space<vmem>>, vector<1x16xf32>,
        %get3A_1020 = vector.shape_cast %get3A_1019 : vector<1x16xf32> to vector<16xf32>
        %mul3A_1021 = vector.broadcast %squeeze3A_959 : f32 to vector<16xf32>
        %mul3A_1022 = arith.mulf %get3A_1020, %mul3A_1021 : vector<16xf32>
        %swap3A_1023 = arith.index_cast %add3A_961 : i32 to index
        %swap3A_1024 = arith.constant 80 : index
        %swap3A_1025 = tpu.vector_load %arg11[%swap3A_1023, %swap3A_1024] {strides = array<i32>} : memref<128x128xf32, #tpu.memory_space<vmem>>, vector<1x16xf32>,
        %swap3A_1026 = vector.shape_cast %swap3A_1025 : vector<1x16xf32> to vector<16xf32>
        %swap3A_1027 = vector.shape_cast %mul3A_1022 : vector<16xf32> to vector<1x16xf32>
        tpu.vector_store %arg11[%swap3A_1023, %swap3A_1024], %swap3A_1027 {strides = array<i32>} : memref<128x128xf32, #tpu.memory_space<vmem>>, vector<1x16xf32>,
        %get3A_1028 = arith.index_cast %add3A_961 : i32 to index
        %get3A_1029 = arith.constant 96 : index
        %get3A_1030 = tpu.vector_load %arg11[%get3A_1028, %get3A_1029] {strides = array<i32>} : memref<128x128xf32, #tpu.memory_space<vmem>>, vector<1x16xf32>,
        %get3A_1031 = vector.shape_cast %get3A_1030 : vector<1x16xf32> to vector<16xf32>
        %mul3A_1032 = vector.broadcast %squeeze3A_959 : f32 to vector<16xf32>
        %mul3A_1033 = arith.mulf %get3A_1031, %mul3A_1032 : vector<16xf32>
        %swap3A_1034 = arith.index_cast %add3A_961 : i32 to index
        %swap3A_1035 = arith.constant 96 : index
        %swap3A_1036 = tpu.vector_load %arg11[%swap3A_1034, %swap3A_1035] {strides = array<i32>} : memref<128x128xf32, #tpu.memory_space<vmem>>, vector<1x16xf32>,
        %swap3A_1037 = vector.shape_cast %swap3A_1036 : vector<1x16xf32> to vector<16xf32>
        %swap3A_1038 = vector.shape_cast %mul3A_1033 : vector<16xf32> to vector<1x16xf32>
        tpu.vector_store %arg11[%swap3A_1034, %swap3A_1035], %swap3A_1038 {strides = array<i32>} : memref<128x128xf32, #tpu.memory_space<vmem>>, vector<1x16xf32>,
        %get3A_1039 = arith.index_cast %add3A_961 : i32 to index
        %get3A_1040 = arith.constant 112 : index
        %get3A_1041 = tpu.vector_load %arg11[%get3A_1039, %get3A_1040] {strides = array<i32>} : memref<128x128xf32, #tpu.memory_space<vmem>>, vector<1x16xf32>,
        %get3A_1042 = vector.shape_cast %get3A_1041 : vector<1x16xf32> to vector<16xf32>
        %mul3A_1043 = vector.broadcast %squeeze3A_959 : f32 to vector<16xf32>
        %mul3A_1044 = arith.mulf %get3A_1042, %mul3A_1043 : vector<16xf32>
        %swap3A_1045 = arith.index_cast %add3A_961 : i32 to index
        %swap3A_1046 = arith.constant 112 : index
        %swap3A_1047 = tpu.vector_load %arg11[%swap3A_1045, %swap3A_1046] {strides = array<i32>} : memref<128x128xf32, #tpu.memory_space<vmem>>, vector<1x16xf32>,
        %swap3A_1048 = vector.shape_cast %swap3A_1047 : vector<1x16xf32> to vector<16xf32>
        %swap3A_1049 = vector.shape_cast %mul3A_1044 : vector<16xf32> to vector<1x16xf32>
        tpu.vector_store %arg11[%swap3A_1045, %swap3A_1046], %swap3A_1049 {strides = array<i32>} : memref<128x128xf32, #tpu.memory_space<vmem>>, vector<1x16xf32>,
        %slice3A_1050 = vector.extract_strided_slice %get3A_38 {offsets = [11], sizes = [1], strides = [1]} : vector<16xf32> to vector<1xf32>
        %squeeze3A_1051 = vector.extract %slice3A_1050[0] : f32 from vector<1xf32>
        %add3A_1052 = arith.constant 11 : i32
        %add3A_1053 = arith.addi %mul3A_40, %add3A_1052 : i32
        %get3A_1054 = arith.index_cast %add3A_1053 : i32 to index
        %get3A_1055 = arith.constant 0 : index
        %get3A_1056 = tpu.vector_load %arg11[%get3A_1054, %get3A_1055] {strides = array<i32>} : memref<128x128xf32, #tpu.memory_space<vmem>>, vector<1x16xf32>,
        %get3A_1057 = vector.shape_cast %get3A_1056 : vector<1x16xf32> to vector<16xf32>
        %mul3A_1058 = vector.broadcast %squeeze3A_1051 : f32 to vector<16xf32>
        %mul3A_1059 = arith.mulf %get3A_1057, %mul3A_1058 : vector<16xf32>
        %swap3A_1060 = arith.index_cast %add3A_1053 : i32 to index
        %swap3A_1061 = arith.constant 0 : index
        %swap3A_1062 = tpu.vector_load %arg11[%swap3A_1060, %swap3A_1061] {strides = array<i32>} : memref<128x128xf32, #tpu.memory_space<vmem>>, vector<1x16xf32>,
        %swap3A_1063 = vector.shape_cast %swap3A_1062 : vector<1x16xf32> to vector<16xf32>
        %swap3A_1064 = vector.shape_cast %mul3A_1059 : vector<16xf32> to vector<1x16xf32>
        tpu.vector_store %arg11[%swap3A_1060, %swap3A_1061], %swap3A_1064 {strides = array<i32>} : memref<128x128xf32, #tpu.memory_space<vmem>>, vector<1x16xf32>,
        %get3A_1065 = arith.index_cast %add3A_1053 : i32 to index
        %get3A_1066 = arith.constant 16 : index
        %get3A_1067 = tpu.vector_load %arg11[%get3A_1065, %get3A_1066] {strides = array<i32>} : memref<128x128xf32, #tpu.memory_space<vmem>>, vector<1x16xf32>,
        %get3A_1068 = vector.shape_cast %get3A_1067 : vector<1x16xf32> to vector<16xf32>
        %mul3A_1069 = vector.broadcast %squeeze3A_1051 : f32 to vector<16xf32>
        %mul3A_1070 = arith.mulf %get3A_1068, %mul3A_1069 : vector<16xf32>
        %swap3A_1071 = arith.index_cast %add3A_1053 : i32 to index
        %swap3A_1072 = arith.constant 16 : index
        %swap3A_1073 = tpu.vector_load %arg11[%swap3A_1071, %swap3A_1072] {strides = array<i32>} : memref<128x128xf32, #tpu.memory_space<vmem>>, vector<1x16xf32>,
        %swap3A_1074 = vector.shape_cast %swap3A_1073 : vector<1x16xf32> to vector<16xf32>
        %swap3A_1075 = vector.shape_cast %mul3A_1070 : vector<16xf32> to vector<1x16xf32>
        tpu.vector_store %arg11[%swap3A_1071, %swap3A_1072], %swap3A_1075 {strides = array<i32>} : memref<128x128xf32, #tpu.memory_space<vmem>>, vector<1x16xf32>,
        %get3A_1076 = arith.index_cast %add3A_1053 : i32 to index
        %get3A_1077 = arith.constant 32 : index
        %get3A_1078 = tpu.vector_load %arg11[%get3A_1076, %get3A_1077] {strides = array<i32>} : memref<128x128xf32, #tpu.memory_space<vmem>>, vector<1x16xf32>,
        %get3A_1079 = vector.shape_cast %get3A_1078 : vector<1x16xf32> to vector<16xf32>
        %mul3A_1080 = vector.broadcast %squeeze3A_1051 : f32 to vector<16xf32>
        %mul3A_1081 = arith.mulf %get3A_1079, %mul3A_1080 : vector<16xf32>
        %swap3A_1082 = arith.index_cast %add3A_1053 : i32 to index
        %swap3A_1083 = arith.constant 32 : index
        %swap3A_1084 = tpu.vector_load %arg11[%swap3A_1082, %swap3A_1083] {strides = array<i32>} : memref<128x128xf32, #tpu.memory_space<vmem>>, vector<1x16xf32>,
        %swap3A_1085 = vector.shape_cast %swap3A_1084 : vector<1x16xf32> to vector<16xf32>
        %swap3A_1086 = vector.shape_cast %mul3A_1081 : vector<16xf32> to vector<1x16xf32>
        tpu.vector_store %arg11[%swap3A_1082, %swap3A_1083], %swap3A_1086 {strides = array<i32>} : memref<128x128xf32, #tpu.memory_space<vmem>>, vector<1x16xf32>,
        %get3A_1087 = arith.index_cast %add3A_1053 : i32 to index
        %get3A_1088 = arith.constant 48 : index
        %get3A_1089 = tpu.vector_load %arg11[%get3A_1087, %get3A_1088] {strides = array<i32>} : memref<128x128xf32, #tpu.memory_space<vmem>>, vector<1x16xf32>,
        %get3A_1090 = vector.shape_cast %get3A_1089 : vector<1x16xf32> to vector<16xf32>
        %mul3A_1091 = vector.broadcast %squeeze3A_1051 : f32 to vector<16xf32>
        %mul3A_1092 = arith.mulf %get3A_1090, %mul3A_1091 : vector<16xf32>
        %swap3A_1093 = arith.index_cast %add3A_1053 : i32 to index
        %swap3A_1094 = arith.constant 48 : index
        %swap3A_1095 = tpu.vector_load %arg11[%swap3A_1093, %swap3A_1094] {strides = array<i32>} : memref<128x128xf32, #tpu.memory_space<vmem>>, vector<1x16xf32>,
        %swap3A_1096 = vector.shape_cast %swap3A_1095 : vector<1x16xf32> to vector<16xf32>
        %swap3A_1097 = vector.shape_cast %mul3A_1092 : vector<16xf32> to vector<1x16xf32>
        tpu.vector_store %arg11[%swap3A_1093, %swap3A_1094], %swap3A_1097 {strides = array<i32>} : memref<128x128xf32, #tpu.memory_space<vmem>>, vector<1x16xf32>,
        %get3A_1098 = arith.index_cast %add3A_1053 : i32 to index
        %get3A_1099 = arith.constant 64 : index
        %get3A_1100 = tpu.vector_load %arg11[%get3A_1098, %get3A_1099] {strides = array<i32>} : memref<128x128xf32, #tpu.memory_space<vmem>>, vector<1x16xf32>,
        %get3A_1101 = vector.shape_cast %get3A_1100 : vector<1x16xf32> to vector<16xf32>
        %mul3A_1102 = vector.broadcast %squeeze3A_1051 : f32 to vector<16xf32>
        %mul3A_1103 = arith.mulf %get3A_1101, %mul3A_1102 : vector<16xf32>
        %swap3A_1104 = arith.index_cast %add3A_1053 : i32 to index
        %swap3A_1105 = arith.constant 64 : index
        %swap3A_1106 = tpu.vector_load %arg11[%swap3A_1104, %swap3A_1105] {strides = array<i32>} : memref<128x128xf32, #tpu.memory_space<vmem>>, vector<1x16xf32>,
        %swap3A_1107 = vector.shape_cast %swap3A_1106 : vector<1x16xf32> to vector<16xf32>
        %swap3A_1108 = vector.shape_cast %mul3A_1103 : vector<16xf32> to vector<1x16xf32>
        tpu.vector_store %arg11[%swap3A_1104, %swap3A_1105], %swap3A_1108 {strides = array<i32>} : memref<128x128xf32, #tpu.memory_space<vmem>>, vector<1x16xf32>,
        %get3A_1109 = arith.index_cast %add3A_1053 : i32 to index
        %get3A_1110 = arith.constant 80 : index
        %get3A_1111 = tpu.vector_load %arg11[%get3A_1109, %get3A_1110] {strides = array<i32>} : memref<128x128xf32, #tpu.memory_space<vmem>>, vector<1x16xf32>,
        %get3A_1112 = vector.shape_cast %get3A_1111 : vector<1x16xf32> to vector<16xf32>
        %mul3A_1113 = vector.broadcast %squeeze3A_1051 : f32 to vector<16xf32>
        %mul3A_1114 = arith.mulf %get3A_1112, %mul3A_1113 : vector<16xf32>
        %swap3A_1115 = arith.index_cast %add3A_1053 : i32 to index
        %swap3A_1116 = arith.constant 80 : index
        %swap3A_1117 = tpu.vector_load %arg11[%swap3A_1115, %swap3A_1116] {strides = array<i32>} : memref<128x128xf32, #tpu.memory_space<vmem>>, vector<1x16xf32>,
        %swap3A_1118 = vector.shape_cast %swap3A_1117 : vector<1x16xf32> to vector<16xf32>
        %swap3A_1119 = vector.shape_cast %mul3A_1114 : vector<16xf32> to vector<1x16xf32>
        tpu.vector_store %arg11[%swap3A_1115, %swap3A_1116], %swap3A_1119 {strides = array<i32>} : memref<128x128xf32, #tpu.memory_space<vmem>>, vector<1x16xf32>,
        %get3A_1120 = arith.index_cast %add3A_1053 : i32 to index
        %get3A_1121 = arith.constant 96 : index
        %get3A_1122 = tpu.vector_load %arg11[%get3A_1120, %get3A_1121] {strides = array<i32>} : memref<128x128xf32, #tpu.memory_space<vmem>>, vector<1x16xf32>,
        %get3A_1123 = vector.shape_cast %get3A_1122 : vector<1x16xf32> to vector<16xf32>
        %mul3A_1124 = vector.broadcast %squeeze3A_1051 : f32 to vector<16xf32>
        %mul3A_1125 = arith.mulf %get3A_1123, %mul3A_1124 : vector<16xf32>
        %swap3A_1126 = arith.index_cast %add3A_1053 : i32 to index
        %swap3A_1127 = arith.constant 96 : index
        %swap3A_1128 = tpu.vector_load %arg11[%swap3A_1126, %swap3A_1127] {strides = array<i32>} : memref<128x128xf32, #tpu.memory_space<vmem>>, vector<1x16xf32>,
        %swap3A_1129 = vector.shape_cast %swap3A_1128 : vector<1x16xf32> to vector<16xf32>
        %swap3A_1130 = vector.shape_cast %mul3A_1125 : vector<16xf32> to vector<1x16xf32>
        tpu.vector_store %arg11[%swap3A_1126, %swap3A_1127], %swap3A_1130 {strides = array<i32>} : memref<128x128xf32, #tpu.memory_space<vmem>>, vector<1x16xf32>,
        %get3A_1131 = arith.index_cast %add3A_1053 : i32 to index
        %get3A_1132 = arith.constant 112 : index
        %get3A_1133 = tpu.vector_load %arg11[%get3A_1131, %get3A_1132] {strides = array<i32>} : memref<128x128xf32, #tpu.memory_space<vmem>>, vector<1x16xf32>,
        %get3A_1134 = vector.shape_cast %get3A_1133 : vector<1x16xf32> to vector<16xf32>
        %mul3A_1135 = vector.broadcast %squeeze3A_1051 : f32 to vector<16xf32>
        %mul3A_1136 = arith.mulf %get3A_1134, %mul3A_1135 : vector<16xf32>
        %swap3A_1137 = arith.index_cast %add3A_1053 : i32 to index
        %swap3A_1138 = arith.constant 112 : index
        %swap3A_1139 = tpu.vector_load %arg11[%swap3A_1137, %swap3A_1138] {strides = array<i32>} : memref<128x128xf32, #tpu.memory_space<vmem>>, vector<1x16xf32>,
        %swap3A_1140 = vector.shape_cast %swap3A_1139 : vector<1x16xf32> to vector<16xf32>
        %swap3A_1141 = vector.shape_cast %mul3A_1136 : vector<16xf32> to vector<1x16xf32>
        tpu.vector_store %arg11[%swap3A_1137, %swap3A_1138], %swap3A_1141 {strides = array<i32>} : memref<128x128xf32, #tpu.memory_space<vmem>>, vector<1x16xf32>,
        %slice3A_1142 = vector.extract_strided_slice %get3A_38 {offsets = [12], sizes = [1], strides = [1]} : vector<16xf32> to vector<1xf32>
        %squeeze3A_1143 = vector.extract %slice3A_1142[0] : f32 from vector<1xf32>
        %add3A_1144 = arith.constant 12 : i32
        %add3A_1145 = arith.addi %mul3A_40, %add3A_1144 : i32
        %get3A_1146 = arith.index_cast %add3A_1145 : i32 to index
        %get3A_1147 = arith.constant 0 : index
        %get3A_1148 = tpu.vector_load %arg11[%get3A_1146, %get3A_1147] {strides = array<i32>} : memref<128x128xf32, #tpu.memory_space<vmem>>, vector<1x16xf32>,
        %get3A_1149 = vector.shape_cast %get3A_1148 : vector<1x16xf32> to vector<16xf32>
        %mul3A_1150 = vector.broadcast %squeeze3A_1143 : f32 to vector<16xf32>
        %mul3A_1151 = arith.mulf %get3A_1149, %mul3A_1150 : vector<16xf32>
        %swap3A_1152 = arith.index_cast %add3A_1145 : i32 to index
        %swap3A_1153 = arith.constant 0 : index
        %swap3A_1154 = tpu.vector_load %arg11[%swap3A_1152, %swap3A_1153] {strides = array<i32>} : memref<128x128xf32, #tpu.memory_space<vmem>>, vector<1x16xf32>,
        %swap3A_1155 = vector.shape_cast %swap3A_1154 : vector<1x16xf32> to vector<16xf32>
        %swap3A_1156 = vector.shape_cast %mul3A_1151 : vector<16xf32> to vector<1x16xf32>
        tpu.vector_store %arg11[%swap3A_1152, %swap3A_1153], %swap3A_1156 {strides = array<i32>} : memref<128x128xf32, #tpu.memory_space<vmem>>, vector<1x16xf32>,
        %get3A_1157 = arith.index_cast %add3A_1145 : i32 to index
        %get3A_1158 = arith.constant 16 : index
        %get3A_1159 = tpu.vector_load %arg11[%get3A_1157, %get3A_1158] {strides = array<i32>} : memref<128x128xf32, #tpu.memory_space<vmem>>, vector<1x16xf32>,
        %get3A_1160 = vector.shape_cast %get3A_1159 : vector<1x16xf32> to vector<16xf32>
        %mul3A_1161 = vector.broadcast %squeeze3A_1143 : f32 to vector<16xf32>
        %mul3A_1162 = arith.mulf %get3A_1160, %mul3A_1161 : vector<16xf32>
        %swap3A_1163 = arith.index_cast %add3A_1145 : i32 to index
        %swap3A_1164 = arith.constant 16 : index
        %swap3A_1165 = tpu.vector_load %arg11[%swap3A_1163, %swap3A_1164] {strides = array<i32>} : memref<128x128xf32, #tpu.memory_space<vmem>>, vector<1x16xf32>,
        %swap3A_1166 = vector.shape_cast %swap3A_1165 : vector<1x16xf32> to vector<16xf32>
        %swap3A_1167 = vector.shape_cast %mul3A_1162 : vector<16xf32> to vector<1x16xf32>
        tpu.vector_store %arg11[%swap3A_1163, %swap3A_1164], %swap3A_1167 {strides = array<i32>} : memref<128x128xf32, #tpu.memory_space<vmem>>, vector<1x16xf32>,
        %get3A_1168 = arith.index_cast %add3A_1145 : i32 to index
        %get3A_1169 = arith.constant 32 : index
        %get3A_1170 = tpu.vector_load %arg11[%get3A_1168, %get3A_1169] {strides = array<i32>} : memref<128x128xf32, #tpu.memory_space<vmem>>, vector<1x16xf32>,
        %get3A_1171 = vector.shape_cast %get3A_1170 : vector<1x16xf32> to vector<16xf32>
        %mul3A_1172 = vector.broadcast %squeeze3A_1143 : f32 to vector<16xf32>
        %mul3A_1173 = arith.mulf %get3A_1171, %mul3A_1172 : vector<16xf32>
        %swap3A_1174 = arith.index_cast %add3A_1145 : i32 to index
        %swap3A_1175 = arith.constant 32 : index
        %swap3A_1176 = tpu.vector_load %arg11[%swap3A_1174, %swap3A_1175] {strides = array<i32>} : memref<128x128xf32, #tpu.memory_space<vmem>>, vector<1x16xf32>,
        %swap3A_1177 = vector.shape_cast %swap3A_1176 : vector<1x16xf32> to vector<16xf32>
        %swap3A_1178 = vector.shape_cast %mul3A_1173 : vector<16xf32> to vector<1x16xf32>
        tpu.vector_store %arg11[%swap3A_1174, %swap3A_1175], %swap3A_1178 {strides = array<i32>} : memref<128x128xf32, #tpu.memory_space<vmem>>, vector<1x16xf32>,
        %get3A_1179 = arith.index_cast %add3A_1145 : i32 to index
        %get3A_1180 = arith.constant 48 : index
        %get3A_1181 = tpu.vector_load %arg11[%get3A_1179, %get3A_1180] {strides = array<i32>} : memref<128x128xf32, #tpu.memory_space<vmem>>, vector<1x16xf32>,
        %get3A_1182 = vector.shape_cast %get3A_1181 : vector<1x16xf32> to vector<16xf32>
        %mul3A_1183 = vector.broadcast %squeeze3A_1143 : f32 to vector<16xf32>
        %mul3A_1184 = arith.mulf %get3A_1182, %mul3A_1183 : vector<16xf32>
        %swap3A_1185 = arith.index_cast %add3A_1145 : i32 to index
        %swap3A_1186 = arith.constant 48 : index
        %swap3A_1187 = tpu.vector_load %arg11[%swap3A_1185, %swap3A_1186] {strides = array<i32>} : memref<128x128xf32, #tpu.memory_space<vmem>>, vector<1x16xf32>,
        %swap3A_1188 = vector.shape_cast %swap3A_1187 : vector<1x16xf32> to vector<16xf32>
        %swap3A_1189 = vector.shape_cast %mul3A_1184 : vector<16xf32> to vector<1x16xf32>
        tpu.vector_store %arg11[%swap3A_1185, %swap3A_1186], %swap3A_1189 {strides = array<i32>} : memref<128x128xf32, #tpu.memory_space<vmem>>, vector<1x16xf32>,
        %get3A_1190 = arith.index_cast %add3A_1145 : i32 to index
        %get3A_1191 = arith.constant 64 : index
        %get3A_1192 = tpu.vector_load %arg11[%get3A_1190, %get3A_1191] {strides = array<i32>} : memref<128x128xf32, #tpu.memory_space<vmem>>, vector<1x16xf32>,
        %get3A_1193 = vector.shape_cast %get3A_1192 : vector<1x16xf32> to vector<16xf32>
        %mul3A_1194 = vector.broadcast %squeeze3A_1143 : f32 to vector<16xf32>
        %mul3A_1195 = arith.mulf %get3A_1193, %mul3A_1194 : vector<16xf32>
        %swap3A_1196 = arith.index_cast %add3A_1145 : i32 to index
        %swap3A_1197 = arith.constant 64 : index
        %swap3A_1198 = tpu.vector_load %arg11[%swap3A_1196, %swap3A_1197] {strides = array<i32>} : memref<128x128xf32, #tpu.memory_space<vmem>>, vector<1x16xf32>,
        %swap3A_1199 = vector.shape_cast %swap3A_1198 : vector<1x16xf32> to vector<16xf32>
        %swap3A_1200 = vector.shape_cast %mul3A_1195 : vector<16xf32> to vector<1x16xf32>
        tpu.vector_store %arg11[%swap3A_1196, %swap3A_1197], %swap3A_1200 {strides = array<i32>} : memref<128x128xf32, #tpu.memory_space<vmem>>, vector<1x16xf32>,
        %get3A_1201 = arith.index_cast %add3A_1145 : i32 to index
        %get3A_1202 = arith.constant 80 : index
        %get3A_1203 = tpu.vector_load %arg11[%get3A_1201, %get3A_1202] {strides = array<i32>} : memref<128x128xf32, #tpu.memory_space<vmem>>, vector<1x16xf32>,
        %get3A_1204 = vector.shape_cast %get3A_1203 : vector<1x16xf32> to vector<16xf32>
        %mul3A_1205 = vector.broadcast %squeeze3A_1143 : f32 to vector<16xf32>
        %mul3A_1206 = arith.mulf %get3A_1204, %mul3A_1205 : vector<16xf32>
        %swap3A_1207 = arith.index_cast %add3A_1145 : i32 to index
        %swap3A_1208 = arith.constant 80 : index
        %swap3A_1209 = tpu.vector_load %arg11[%swap3A_1207, %swap3A_1208] {strides = array<i32>} : memref<128x128xf32, #tpu.memory_space<vmem>>, vector<1x16xf32>,
        %swap3A_1210 = vector.shape_cast %swap3A_1209 : vector<1x16xf32> to vector<16xf32>
        %swap3A_1211 = vector.shape_cast %mul3A_1206 : vector<16xf32> to vector<1x16xf32>
        tpu.vector_store %arg11[%swap3A_1207, %swap3A_1208], %swap3A_1211 {strides = array<i32>} : memref<128x128xf32, #tpu.memory_space<vmem>>, vector<1x16xf32>,
        %get3A_1212 = arith.index_cast %add3A_1145 : i32 to index
        %get3A_1213 = arith.constant 96 : index
        %get3A_1214 = tpu.vector_load %arg11[%get3A_1212, %get3A_1213] {strides = array<i32>} : memref<128x128xf32, #tpu.memory_space<vmem>>, vector<1x16xf32>,
        %get3A_1215 = vector.shape_cast %get3A_1214 : vector<1x16xf32> to vector<16xf32>
        %mul3A_1216 = vector.broadcast %squeeze3A_1143 : f32 to vector<16xf32>
        %mul3A_1217 = arith.mulf %get3A_1215, %mul3A_1216 : vector<16xf32>
        %swap3A_1218 = arith.index_cast %add3A_1145 : i32 to index
        %swap3A_1219 = arith.constant 96 : index
        %swap3A_1220 = tpu.vector_load %arg11[%swap3A_1218, %swap3A_1219] {strides = array<i32>} : memref<128x128xf32, #tpu.memory_space<vmem>>, vector<1x16xf32>,
        %swap3A_1221 = vector.shape_cast %swap3A_1220 : vector<1x16xf32> to vector<16xf32>
        %swap3A_1222 = vector.shape_cast %mul3A_1217 : vector<16xf32> to vector<1x16xf32>
        tpu.vector_store %arg11[%swap3A_1218, %swap3A_1219], %swap3A_1222 {strides = array<i32>} : memref<128x128xf32, #tpu.memory_space<vmem>>, vector<1x16xf32>,
        %get3A_1223 = arith.index_cast %add3A_1145 : i32 to index
        %get3A_1224 = arith.constant 112 : index
        %get3A_1225 = tpu.vector_load %arg11[%get3A_1223, %get3A_1224] {strides = array<i32>} : memref<128x128xf32, #tpu.memory_space<vmem>>, vector<1x16xf32>,
        %get3A_1226 = vector.shape_cast %get3A_1225 : vector<1x16xf32> to vector<16xf32>
        %mul3A_1227 = vector.broadcast %squeeze3A_1143 : f32 to vector<16xf32>
        %mul3A_1228 = arith.mulf %get3A_1226, %mul3A_1227 : vector<16xf32>
        %swap3A_1229 = arith.index_cast %add3A_1145 : i32 to index
        %swap3A_1230 = arith.constant 112 : index
        %swap3A_1231 = tpu.vector_load %arg11[%swap3A_1229, %swap3A_1230] {strides = array<i32>} : memref<128x128xf32, #tpu.memory_space<vmem>>, vector<1x16xf32>,
        %swap3A_1232 = vector.shape_cast %swap3A_1231 : vector<1x16xf32> to vector<16xf32>
        %swap3A_1233 = vector.shape_cast %mul3A_1228 : vector<16xf32> to vector<1x16xf32>
        tpu.vector_store %arg11[%swap3A_1229, %swap3A_1230], %swap3A_1233 {strides = array<i32>} : memref<128x128xf32, #tpu.memory_space<vmem>>, vector<1x16xf32>,
        %slice3A_1234 = vector.extract_strided_slice %get3A_38 {offsets = [13], sizes = [1], strides = [1]} : vector<16xf32> to vector<1xf32>
        %squeeze3A_1235 = vector.extract %slice3A_1234[0] : f32 from vector<1xf32>
        %add3A_1236 = arith.constant 13 : i32
        %add3A_1237 = arith.addi %mul3A_40, %add3A_1236 : i32
        %get3A_1238 = arith.index_cast %add3A_1237 : i32 to index
        %get3A_1239 = arith.constant 0 : index
        %get3A_1240 = tpu.vector_load %arg11[%get3A_1238, %get3A_1239] {strides = array<i32>} : memref<128x128xf32, #tpu.memory_space<vmem>>, vector<1x16xf32>,
        %get3A_1241 = vector.shape_cast %get3A_1240 : vector<1x16xf32> to vector<16xf32>
        %mul3A_1242 = vector.broadcast %squeeze3A_1235 : f32 to vector<16xf32>
        %mul3A_1243 = arith.mulf %get3A_1241, %mul3A_1242 : vector<16xf32>
        %swap3A_1244 = arith.index_cast %add3A_1237 : i32 to index
        %swap3A_1245 = arith.constant 0 : index
        %swap3A_1246 = tpu.vector_load %arg11[%swap3A_1244, %swap3A_1245] {strides = array<i32>} : memref<128x128xf32, #tpu.memory_space<vmem>>, vector<1x16xf32>,
        %swap3A_1247 = vector.shape_cast %swap3A_1246 : vector<1x16xf32> to vector<16xf32>
        %swap3A_1248 = vector.shape_cast %mul3A_1243 : vector<16xf32> to vector<1x16xf32>
        tpu.vector_store %arg11[%swap3A_1244, %swap3A_1245], %swap3A_1248 {strides = array<i32>} : memref<128x128xf32, #tpu.memory_space<vmem>>, vector<1x16xf32>,
        %get3A_1249 = arith.index_cast %add3A_1237 : i32 to index
        %get3A_1250 = arith.constant 16 : index
        %get3A_1251 = tpu.vector_load %arg11[%get3A_1249, %get3A_1250] {strides = array<i32>} : memref<128x128xf32, #tpu.memory_space<vmem>>, vector<1x16xf32>,
        %get3A_1252 = vector.shape_cast %get3A_1251 : vector<1x16xf32> to vector<16xf32>
        %mul3A_1253 = vector.broadcast %squeeze3A_1235 : f32 to vector<16xf32>
        %mul3A_1254 = arith.mulf %get3A_1252, %mul3A_1253 : vector<16xf32>
        %swap3A_1255 = arith.index_cast %add3A_1237 : i32 to index
        %swap3A_1256 = arith.constant 16 : index
        %swap3A_1257 = tpu.vector_load %arg11[%swap3A_1255, %swap3A_1256] {strides = array<i32>} : memref<128x128xf32, #tpu.memory_space<vmem>>, vector<1x16xf32>,
        %swap3A_1258 = vector.shape_cast %swap3A_1257 : vector<1x16xf32> to vector<16xf32>
        %swap3A_1259 = vector.shape_cast %mul3A_1254 : vector<16xf32> to vector<1x16xf32>
        tpu.vector_store %arg11[%swap3A_1255, %swap3A_1256], %swap3A_1259 {strides = array<i32>} : memref<128x128xf32, #tpu.memory_space<vmem>>, vector<1x16xf32>,
        %get3A_1260 = arith.index_cast %add3A_1237 : i32 to index
        %get3A_1261 = arith.constant 32 : index
        %get3A_1262 = tpu.vector_load %arg11[%get3A_1260, %get3A_1261] {strides = array<i32>} : memref<128x128xf32, #tpu.memory_space<vmem>>, vector<1x16xf32>,
        %get3A_1263 = vector.shape_cast %get3A_1262 : vector<1x16xf32> to vector<16xf32>
        %mul3A_1264 = vector.broadcast %squeeze3A_1235 : f32 to vector<16xf32>
        %mul3A_1265 = arith.mulf %get3A_1263, %mul3A_1264 : vector<16xf32>
        %swap3A_1266 = arith.index_cast %add3A_1237 : i32 to index
        %swap3A_1267 = arith.constant 32 : index
        %swap3A_1268 = tpu.vector_load %arg11[%swap3A_1266, %swap3A_1267] {strides = array<i32>} : memref<128x128xf32, #tpu.memory_space<vmem>>, vector<1x16xf32>,
        %swap3A_1269 = vector.shape_cast %swap3A_1268 : vector<1x16xf32> to vector<16xf32>
        %swap3A_1270 = vector.shape_cast %mul3A_1265 : vector<16xf32> to vector<1x16xf32>
        tpu.vector_store %arg11[%swap3A_1266, %swap3A_1267], %swap3A_1270 {strides = array<i32>} : memref<128x128xf32, #tpu.memory_space<vmem>>, vector<1x16xf32>,
        %get3A_1271 = arith.index_cast %add3A_1237 : i32 to index
        %get3A_1272 = arith.constant 48 : index
        %get3A_1273 = tpu.vector_load %arg11[%get3A_1271, %get3A_1272] {strides = array<i32>} : memref<128x128xf32, #tpu.memory_space<vmem>>, vector<1x16xf32>,
        %get3A_1274 = vector.shape_cast %get3A_1273 : vector<1x16xf32> to vector<16xf32>
        %mul3A_1275 = vector.broadcast %squeeze3A_1235 : f32 to vector<16xf32>
        %mul3A_1276 = arith.mulf %get3A_1274, %mul3A_1275 : vector<16xf32>
        %swap3A_1277 = arith.index_cast %add3A_1237 : i32 to index
        %swap3A_1278 = arith.constant 48 : index
        %swap3A_1279 = tpu.vector_load %arg11[%swap3A_1277, %swap3A_1278] {strides = array<i32>} : memref<128x128xf32, #tpu.memory_space<vmem>>, vector<1x16xf32>,
        %swap3A_1280 = vector.shape_cast %swap3A_1279 : vector<1x16xf32> to vector<16xf32>
        %swap3A_1281 = vector.shape_cast %mul3A_1276 : vector<16xf32> to vector<1x16xf32>
        tpu.vector_store %arg11[%swap3A_1277, %swap3A_1278], %swap3A_1281 {strides = array<i32>} : memref<128x128xf32, #tpu.memory_space<vmem>>, vector<1x16xf32>,
        %get3A_1282 = arith.index_cast %add3A_1237 : i32 to index
        %get3A_1283 = arith.constant 64 : index
        %get3A_1284 = tpu.vector_load %arg11[%get3A_1282, %get3A_1283] {strides = array<i32>} : memref<128x128xf32, #tpu.memory_space<vmem>>, vector<1x16xf32>,
        %get3A_1285 = vector.shape_cast %get3A_1284 : vector<1x16xf32> to vector<16xf32>
        %mul3A_1286 = vector.broadcast %squeeze3A_1235 : f32 to vector<16xf32>
        %mul3A_1287 = arith.mulf %get3A_1285, %mul3A_1286 : vector<16xf32>
        %swap3A_1288 = arith.index_cast %add3A_1237 : i32 to index
        %swap3A_1289 = arith.constant 64 : index
        %swap3A_1290 = tpu.vector_load %arg11[%swap3A_1288, %swap3A_1289] {strides = array<i32>} : memref<128x128xf32, #tpu.memory_space<vmem>>, vector<1x16xf32>,
        %swap3A_1291 = vector.shape_cast %swap3A_1290 : vector<1x16xf32> to vector<16xf32>
        %swap3A_1292 = vector.shape_cast %mul3A_1287 : vector<16xf32> to vector<1x16xf32>
        tpu.vector_store %arg11[%swap3A_1288, %swap3A_1289], %swap3A_1292 {strides = array<i32>} : memref<128x128xf32, #tpu.memory_space<vmem>>, vector<1x16xf32>,
        %get3A_1293 = arith.index_cast %add3A_1237 : i32 to index
        %get3A_1294 = arith.constant 80 : index
        %get3A_1295 = tpu.vector_load %arg11[%get3A_1293, %get3A_1294] {strides = array<i32>} : memref<128x128xf32, #tpu.memory_space<vmem>>, vector<1x16xf32>,
        %get3A_1296 = vector.shape_cast %get3A_1295 : vector<1x16xf32> to vector<16xf32>
        %mul3A_1297 = vector.broadcast %squeeze3A_1235 : f32 to vector<16xf32>
        %mul3A_1298 = arith.mulf %get3A_1296, %mul3A_1297 : vector<16xf32>
        %swap3A_1299 = arith.index_cast %add3A_1237 : i32 to index
        %swap3A_1300 = arith.constant 80 : index
        %swap3A_1301 = tpu.vector_load %arg11[%swap3A_1299, %swap3A_1300] {strides = array<i32>} : memref<128x128xf32, #tpu.memory_space<vmem>>, vector<1x16xf32>,
        %swap3A_1302 = vector.shape_cast %swap3A_1301 : vector<1x16xf32> to vector<16xf32>
        %swap3A_1303 = vector.shape_cast %mul3A_1298 : vector<16xf32> to vector<1x16xf32>
        tpu.vector_store %arg11[%swap3A_1299, %swap3A_1300], %swap3A_1303 {strides = array<i32>} : memref<128x128xf32, #tpu.memory_space<vmem>>, vector<1x16xf32>,
        %get3A_1304 = arith.index_cast %add3A_1237 : i32 to index
        %get3A_1305 = arith.constant 96 : index
        %get3A_1306 = tpu.vector_load %arg11[%get3A_1304, %get3A_1305] {strides = array<i32>} : memref<128x128xf32, #tpu.memory_space<vmem>>, vector<1x16xf32>,
        %get3A_1307 = vector.shape_cast %get3A_1306 : vector<1x16xf32> to vector<16xf32>
        %mul3A_1308 = vector.broadcast %squeeze3A_1235 : f32 to vector<16xf32>
        %mul3A_1309 = arith.mulf %get3A_1307, %mul3A_1308 : vector<16xf32>
        %swap3A_1310 = arith.index_cast %add3A_1237 : i32 to index
        %swap3A_1311 = arith.constant 96 : index
        %swap3A_1312 = tpu.vector_load %arg11[%swap3A_1310, %swap3A_1311] {strides = array<i32>} : memref<128x128xf32, #tpu.memory_space<vmem>>, vector<1x16xf32>,
        %swap3A_1313 = vector.shape_cast %swap3A_1312 : vector<1x16xf32> to vector<16xf32>
        %swap3A_1314 = vector.shape_cast %mul3A_1309 : vector<16xf32> to vector<1x16xf32>
        tpu.vector_store %arg11[%swap3A_1310, %swap3A_1311], %swap3A_1314 {strides = array<i32>} : memref<128x128xf32, #tpu.memory_space<vmem>>, vector<1x16xf32>,
        %get3A_1315 = arith.index_cast %add3A_1237 : i32 to index
        %get3A_1316 = arith.constant 112 : index
        %get3A_1317 = tpu.vector_load %arg11[%get3A_1315, %get3A_1316] {strides = array<i32>} : memref<128x128xf32, #tpu.memory_space<vmem>>, vector<1x16xf32>,
        %get3A_1318 = vector.shape_cast %get3A_1317 : vector<1x16xf32> to vector<16xf32>
        %mul3A_1319 = vector.broadcast %squeeze3A_1235 : f32 to vector<16xf32>
        %mul3A_1320 = arith.mulf %get3A_1318, %mul3A_1319 : vector<16xf32>
        %swap3A_1321 = arith.index_cast %add3A_1237 : i32 to index
        %swap3A_1322 = arith.constant 112 : index
        %swap3A_1323 = tpu.vector_load %arg11[%swap3A_1321, %swap3A_1322] {strides = array<i32>} : memref<128x128xf32, #tpu.memory_space<vmem>>, vector<1x16xf32>,
        %swap3A_1324 = vector.shape_cast %swap3A_1323 : vector<1x16xf32> to vector<16xf32>
        %swap3A_1325 = vector.shape_cast %mul3A_1320 : vector<16xf32> to vector<1x16xf32>
        tpu.vector_store %arg11[%swap3A_1321, %swap3A_1322], %swap3A_1325 {strides = array<i32>} : memref<128x128xf32, #tpu.memory_space<vmem>>, vector<1x16xf32>,
        %slice3A_1326 = vector.extract_strided_slice %get3A_38 {offsets = [14], sizes = [1], strides = [1]} : vector<16xf32> to vector<1xf32>
        %squeeze3A_1327 = vector.extract %slice3A_1326[0] : f32 from vector<1xf32>
        %add3A_1328 = arith.constant 14 : i32
        %add3A_1329 = arith.addi %mul3A_40, %add3A_1328 : i32
        %get3A_1330 = arith.index_cast %add3A_1329 : i32 to index
        %get3A_1331 = arith.constant 0 : index
        %get3A_1332 = tpu.vector_load %arg11[%get3A_1330, %get3A_1331] {strides = array<i32>} : memref<128x128xf32, #tpu.memory_space<vmem>>, vector<1x16xf32>,
        %get3A_1333 = vector.shape_cast %get3A_1332 : vector<1x16xf32> to vector<16xf32>
        %mul3A_1334 = vector.broadcast %squeeze3A_1327 : f32 to vector<16xf32>
        %mul3A_1335 = arith.mulf %get3A_1333, %mul3A_1334 : vector<16xf32>
        %swap3A_1336 = arith.index_cast %add3A_1329 : i32 to index
        %swap3A_1337 = arith.constant 0 : index
        %swap3A_1338 = tpu.vector_load %arg11[%swap3A_1336, %swap3A_1337] {strides = array<i32>} : memref<128x128xf32, #tpu.memory_space<vmem>>, vector<1x16xf32>,
        %swap3A_1339 = vector.shape_cast %swap3A_1338 : vector<1x16xf32> to vector<16xf32>
        %swap3A_1340 = vector.shape_cast %mul3A_1335 : vector<16xf32> to vector<1x16xf32>
        tpu.vector_store %arg11[%swap3A_1336, %swap3A_1337], %swap3A_1340 {strides = array<i32>} : memref<128x128xf32, #tpu.memory_space<vmem>>, vector<1x16xf32>,
        %get3A_1341 = arith.index_cast %add3A_1329 : i32 to index
        %get3A_1342 = arith.constant 16 : index
        %get3A_1343 = tpu.vector_load %arg11[%get3A_1341, %get3A_1342] {strides = array<i32>} : memref<128x128xf32, #tpu.memory_space<vmem>>, vector<1x16xf32>,
        %get3A_1344 = vector.shape_cast %get3A_1343 : vector<1x16xf32> to vector<16xf32>
        %mul3A_1345 = vector.broadcast %squeeze3A_1327 : f32 to vector<16xf32>
        %mul3A_1346 = arith.mulf %get3A_1344, %mul3A_1345 : vector<16xf32>
        %swap3A_1347 = arith.index_cast %add3A_1329 : i32 to index
        %swap3A_1348 = arith.constant 16 : index
        %swap3A_1349 = tpu.vector_load %arg11[%swap3A_1347, %swap3A_1348] {strides = array<i32>} : memref<128x128xf32, #tpu.memory_space<vmem>>, vector<1x16xf32>,
        %swap3A_1350 = vector.shape_cast %swap3A_1349 : vector<1x16xf32> to vector<16xf32>
        %swap3A_1351 = vector.shape_cast %mul3A_1346 : vector<16xf32> to vector<1x16xf32>
        tpu.vector_store %arg11[%swap3A_1347, %swap3A_1348], %swap3A_1351 {strides = array<i32>} : memref<128x128xf32, #tpu.memory_space<vmem>>, vector<1x16xf32>,
        %get3A_1352 = arith.index_cast %add3A_1329 : i32 to index
        %get3A_1353 = arith.constant 32 : index
        %get3A_1354 = tpu.vector_load %arg11[%get3A_1352, %get3A_1353] {strides = array<i32>} : memref<128x128xf32, #tpu.memory_space<vmem>>, vector<1x16xf32>,
        %get3A_1355 = vector.shape_cast %get3A_1354 : vector<1x16xf32> to vector<16xf32>
        %mul3A_1356 = vector.broadcast %squeeze3A_1327 : f32 to vector<16xf32>
        %mul3A_1357 = arith.mulf %get3A_1355, %mul3A_1356 : vector<16xf32>
        %swap3A_1358 = arith.index_cast %add3A_1329 : i32 to index
        %swap3A_1359 = arith.constant 32 : index
        %swap3A_1360 = tpu.vector_load %arg11[%swap3A_1358, %swap3A_1359] {strides = array<i32>} : memref<128x128xf32, #tpu.memory_space<vmem>>, vector<1x16xf32>,
        %swap3A_1361 = vector.shape_cast %swap3A_1360 : vector<1x16xf32> to vector<16xf32>
        %swap3A_1362 = vector.shape_cast %mul3A_1357 : vector<16xf32> to vector<1x16xf32>
        tpu.vector_store %arg11[%swap3A_1358, %swap3A_1359], %swap3A_1362 {strides = array<i32>} : memref<128x128xf32, #tpu.memory_space<vmem>>, vector<1x16xf32>,
        %get3A_1363 = arith.index_cast %add3A_1329 : i32 to index
        %get3A_1364 = arith.constant 48 : index
        %get3A_1365 = tpu.vector_load %arg11[%get3A_1363, %get3A_1364] {strides = array<i32>} : memref<128x128xf32, #tpu.memory_space<vmem>>, vector<1x16xf32>,
        %get3A_1366 = vector.shape_cast %get3A_1365 : vector<1x16xf32> to vector<16xf32>
        %mul3A_1367 = vector.broadcast %squeeze3A_1327 : f32 to vector<16xf32>
        %mul3A_1368 = arith.mulf %get3A_1366, %mul3A_1367 : vector<16xf32>
        %swap3A_1369 = arith.index_cast %add3A_1329 : i32 to index
        %swap3A_1370 = arith.constant 48 : index
        %swap3A_1371 = tpu.vector_load %arg11[%swap3A_1369, %swap3A_1370] {strides = array<i32>} : memref<128x128xf32, #tpu.memory_space<vmem>>, vector<1x16xf32>,
        %swap3A_1372 = vector.shape_cast %swap3A_1371 : vector<1x16xf32> to vector<16xf32>
        %swap3A_1373 = vector.shape_cast %mul3A_1368 : vector<16xf32> to vector<1x16xf32>
        tpu.vector_store %arg11[%swap3A_1369, %swap3A_1370], %swap3A_1373 {strides = array<i32>} : memref<128x128xf32, #tpu.memory_space<vmem>>, vector<1x16xf32>,
        %get3A_1374 = arith.index_cast %add3A_1329 : i32 to index
        %get3A_1375 = arith.constant 64 : index
        %get3A_1376 = tpu.vector_load %arg11[%get3A_1374, %get3A_1375] {strides = array<i32>} : memref<128x128xf32, #tpu.memory_space<vmem>>, vector<1x16xf32>,
        %get3A_1377 = vector.shape_cast %get3A_1376 : vector<1x16xf32> to vector<16xf32>
        %mul3A_1378 = vector.broadcast %squeeze3A_1327 : f32 to vector<16xf32>
        %mul3A_1379 = arith.mulf %get3A_1377, %mul3A_1378 : vector<16xf32>
        %swap3A_1380 = arith.index_cast %add3A_1329 : i32 to index
        %swap3A_1381 = arith.constant 64 : index
        %swap3A_1382 = tpu.vector_load %arg11[%swap3A_1380, %swap3A_1381] {strides = array<i32>} : memref<128x128xf32, #tpu.memory_space<vmem>>, vector<1x16xf32>,
        %swap3A_1383 = vector.shape_cast %swap3A_1382 : vector<1x16xf32> to vector<16xf32>
        %swap3A_1384 = vector.shape_cast %mul3A_1379 : vector<16xf32> to vector<1x16xf32>
        tpu.vector_store %arg11[%swap3A_1380, %swap3A_1381], %swap3A_1384 {strides = array<i32>} : memref<128x128xf32, #tpu.memory_space<vmem>>, vector<1x16xf32>,
        %get3A_1385 = arith.index_cast %add3A_1329 : i32 to index
        %get3A_1386 = arith.constant 80 : index
        %get3A_1387 = tpu.vector_load %arg11[%get3A_1385, %get3A_1386] {strides = array<i32>} : memref<128x128xf32, #tpu.memory_space<vmem>>, vector<1x16xf32>,
        %get3A_1388 = vector.shape_cast %get3A_1387 : vector<1x16xf32> to vector<16xf32>
        %mul3A_1389 = vector.broadcast %squeeze3A_1327 : f32 to vector<16xf32>
        %mul3A_1390 = arith.mulf %get3A_1388, %mul3A_1389 : vector<16xf32>
        %swap3A_1391 = arith.index_cast %add3A_1329 : i32 to index
        %swap3A_1392 = arith.constant 80 : index
        %swap3A_1393 = tpu.vector_load %arg11[%swap3A_1391, %swap3A_1392] {strides = array<i32>} : memref<128x128xf32, #tpu.memory_space<vmem>>, vector<1x16xf32>,
        %swap3A_1394 = vector.shape_cast %swap3A_1393 : vector<1x16xf32> to vector<16xf32>
        %swap3A_1395 = vector.shape_cast %mul3A_1390 : vector<16xf32> to vector<1x16xf32>
        tpu.vector_store %arg11[%swap3A_1391, %swap3A_1392], %swap3A_1395 {strides = array<i32>} : memref<128x128xf32, #tpu.memory_space<vmem>>, vector<1x16xf32>,
        %get3A_1396 = arith.index_cast %add3A_1329 : i32 to index
        %get3A_1397 = arith.constant 96 : index
        %get3A_1398 = tpu.vector_load %arg11[%get3A_1396, %get3A_1397] {strides = array<i32>} : memref<128x128xf32, #tpu.memory_space<vmem>>, vector<1x16xf32>,
        %get3A_1399 = vector.shape_cast %get3A_1398 : vector<1x16xf32> to vector<16xf32>
        %mul3A_1400 = vector.broadcast %squeeze3A_1327 : f32 to vector<16xf32>
        %mul3A_1401 = arith.mulf %get3A_1399, %mul3A_1400 : vector<16xf32>
        %swap3A_1402 = arith.index_cast %add3A_1329 : i32 to index
        %swap3A_1403 = arith.constant 96 : index
        %swap3A_1404 = tpu.vector_load %arg11[%swap3A_1402, %swap3A_1403] {strides = array<i32>} : memref<128x128xf32, #tpu.memory_space<vmem>>, vector<1x16xf32>,
        %swap3A_1405 = vector.shape_cast %swap3A_1404 : vector<1x16xf32> to vector<16xf32>
        %swap3A_1406 = vector.shape_cast %mul3A_1401 : vector<16xf32> to vector<1x16xf32>
        tpu.vector_store %arg11[%swap3A_1402, %swap3A_1403], %swap3A_1406 {strides = array<i32>} : memref<128x128xf32, #tpu.memory_space<vmem>>, vector<1x16xf32>,
        %get3A_1407 = arith.index_cast %add3A_1329 : i32 to index
        %get3A_1408 = arith.constant 112 : index
        %get3A_1409 = tpu.vector_load %arg11[%get3A_1407, %get3A_1408] {strides = array<i32>} : memref<128x128xf32, #tpu.memory_space<vmem>>, vector<1x16xf32>,
        %get3A_1410 = vector.shape_cast %get3A_1409 : vector<1x16xf32> to vector<16xf32>
        %mul3A_1411 = vector.broadcast %squeeze3A_1327 : f32 to vector<16xf32>
        %mul3A_1412 = arith.mulf %get3A_1410, %mul3A_1411 : vector<16xf32>
        %swap3A_1413 = arith.index_cast %add3A_1329 : i32 to index
        %swap3A_1414 = arith.constant 112 : index
        %swap3A_1415 = tpu.vector_load %arg11[%swap3A_1413, %swap3A_1414] {strides = array<i32>} : memref<128x128xf32, #tpu.memory_space<vmem>>, vector<1x16xf32>,
        %swap3A_1416 = vector.shape_cast %swap3A_1415 : vector<1x16xf32> to vector<16xf32>
        %swap3A_1417 = vector.shape_cast %mul3A_1412 : vector<16xf32> to vector<1x16xf32>
        tpu.vector_store %arg11[%swap3A_1413, %swap3A_1414], %swap3A_1417 {strides = array<i32>} : memref<128x128xf32, #tpu.memory_space<vmem>>, vector<1x16xf32>,
        %slice3A_1418 = vector.extract_strided_slice %get3A_38 {offsets = [15], sizes = [1], strides = [1]} : vector<16xf32> to vector<1xf32>
        %squeeze3A_1419 = vector.extract %slice3A_1418[0] : f32 from vector<1xf32>
        %add3A_1420 = arith.constant 15 : i32
        %add3A_1421 = arith.addi %mul3A_40, %add3A_1420 : i32
        %get3A_1422 = arith.index_cast %add3A_1421 : i32 to index
        %get3A_1423 = arith.constant 0 : index
        %get3A_1424 = tpu.vector_load %arg11[%get3A_1422, %get3A_1423] {strides = array<i32>} : memref<128x128xf32, #tpu.memory_space<vmem>>, vector<1x16xf32>,
        %get3A_1425 = vector.shape_cast %get3A_1424 : vector<1x16xf32> to vector<16xf32>
        %mul3A_1426 = vector.broadcast %squeeze3A_1419 : f32 to vector<16xf32>
        %mul3A_1427 = arith.mulf %get3A_1425, %mul3A_1426 : vector<16xf32>
        %swap3A_1428 = arith.index_cast %add3A_1421 : i32 to index
        %swap3A_1429 = arith.constant 0 : index
        %swap3A_1430 = tpu.vector_load %arg11[%swap3A_1428, %swap3A_1429] {strides = array<i32>} : memref<128x128xf32, #tpu.memory_space<vmem>>, vector<1x16xf32>,
        %swap3A_1431 = vector.shape_cast %swap3A_1430 : vector<1x16xf32> to vector<16xf32>
        %swap3A_1432 = vector.shape_cast %mul3A_1427 : vector<16xf32> to vector<1x16xf32>
        tpu.vector_store %arg11[%swap3A_1428, %swap3A_1429], %swap3A_1432 {strides = array<i32>} : memref<128x128xf32, #tpu.memory_space<vmem>>, vector<1x16xf32>,
        %get3A_1433 = arith.index_cast %add3A_1421 : i32 to index
        %get3A_1434 = arith.constant 16 : index
        %get3A_1435 = tpu.vector_load %arg11[%get3A_1433, %get3A_1434] {strides = array<i32>} : memref<128x128xf32, #tpu.memory_space<vmem>>, vector<1x16xf32>,
        %get3A_1436 = vector.shape_cast %get3A_1435 : vector<1x16xf32> to vector<16xf32>
        %mul3A_1437 = vector.broadcast %squeeze3A_1419 : f32 to vector<16xf32>
        %mul3A_1438 = arith.mulf %get3A_1436, %mul3A_1437 : vector<16xf32>
        %swap3A_1439 = arith.index_cast %add3A_1421 : i32 to index
        %swap3A_1440 = arith.constant 16 : index
        %swap3A_1441 = tpu.vector_load %arg11[%swap3A_1439, %swap3A_1440] {strides = array<i32>} : memref<128x128xf32, #tpu.memory_space<vmem>>, vector<1x16xf32>,
        %swap3A_1442 = vector.shape_cast %swap3A_1441 : vector<1x16xf32> to vector<16xf32>
        %swap3A_1443 = vector.shape_cast %mul3A_1438 : vector<16xf32> to vector<1x16xf32>
        tpu.vector_store %arg11[%swap3A_1439, %swap3A_1440], %swap3A_1443 {strides = array<i32>} : memref<128x128xf32, #tpu.memory_space<vmem>>, vector<1x16xf32>,
        %get3A_1444 = arith.index_cast %add3A_1421 : i32 to index
        %get3A_1445 = arith.constant 32 : index
        %get3A_1446 = tpu.vector_load %arg11[%get3A_1444, %get3A_1445] {strides = array<i32>} : memref<128x128xf32, #tpu.memory_space<vmem>>, vector<1x16xf32>,
        %get3A_1447 = vector.shape_cast %get3A_1446 : vector<1x16xf32> to vector<16xf32>
        %mul3A_1448 = vector.broadcast %squeeze3A_1419 : f32 to vector<16xf32>
        %mul3A_1449 = arith.mulf %get3A_1447, %mul3A_1448 : vector<16xf32>
        %swap3A_1450 = arith.index_cast %add3A_1421 : i32 to index
        %swap3A_1451 = arith.constant 32 : index
        %swap3A_1452 = tpu.vector_load %arg11[%swap3A_1450, %swap3A_1451] {strides = array<i32>} : memref<128x128xf32, #tpu.memory_space<vmem>>, vector<1x16xf32>,
        %swap3A_1453 = vector.shape_cast %swap3A_1452 : vector<1x16xf32> to vector<16xf32>
        %swap3A_1454 = vector.shape_cast %mul3A_1449 : vector<16xf32> to vector<1x16xf32>
        tpu.vector_store %arg11[%swap3A_1450, %swap3A_1451], %swap3A_1454 {strides = array<i32>} : memref<128x128xf32, #tpu.memory_space<vmem>>, vector<1x16xf32>,
        %get3A_1455 = arith.index_cast %add3A_1421 : i32 to index
        %get3A_1456 = arith.constant 48 : index
        %get3A_1457 = tpu.vector_load %arg11[%get3A_1455, %get3A_1456] {strides = array<i32>} : memref<128x128xf32, #tpu.memory_space<vmem>>, vector<1x16xf32>,
        %get3A_1458 = vector.shape_cast %get3A_1457 : vector<1x16xf32> to vector<16xf32>
        %mul3A_1459 = vector.broadcast %squeeze3A_1419 : f32 to vector<16xf32>
        %mul3A_1460 = arith.mulf %get3A_1458, %mul3A_1459 : vector<16xf32>
        %swap3A_1461 = arith.index_cast %add3A_1421 : i32 to index
        %swap3A_1462 = arith.constant 48 : index
        %swap3A_1463 = tpu.vector_load %arg11[%swap3A_1461, %swap3A_1462] {strides = array<i32>} : memref<128x128xf32, #tpu.memory_space<vmem>>, vector<1x16xf32>,
        %swap3A_1464 = vector.shape_cast %swap3A_1463 : vector<1x16xf32> to vector<16xf32>
        %swap3A_1465 = vector.shape_cast %mul3A_1460 : vector<16xf32> to vector<1x16xf32>
        tpu.vector_store %arg11[%swap3A_1461, %swap3A_1462], %swap3A_1465 {strides = array<i32>} : memref<128x128xf32, #tpu.memory_space<vmem>>, vector<1x16xf32>,
        %get3A_1466 = arith.index_cast %add3A_1421 : i32 to index
        %get3A_1467 = arith.constant 64 : index
        %get3A_1468 = tpu.vector_load %arg11[%get3A_1466, %get3A_1467] {strides = array<i32>} : memref<128x128xf32, #tpu.memory_space<vmem>>, vector<1x16xf32>,
        %get3A_1469 = vector.shape_cast %get3A_1468 : vector<1x16xf32> to vector<16xf32>
        %mul3A_1470 = vector.broadcast %squeeze3A_1419 : f32 to vector<16xf32>
        %mul3A_1471 = arith.mulf %get3A_1469, %mul3A_1470 : vector<16xf32>
        %swap3A_1472 = arith.index_cast %add3A_1421 : i32 to index
        %swap3A_1473 = arith.constant 64 : index
        %swap3A_1474 = tpu.vector_load %arg11[%swap3A_1472, %swap3A_1473] {strides = array<i32>} : memref<128x128xf32, #tpu.memory_space<vmem>>, vector<1x16xf32>,
        %swap3A_1475 = vector.shape_cast %swap3A_1474 : vector<1x16xf32> to vector<16xf32>
        %swap3A_1476 = vector.shape_cast %mul3A_1471 : vector<16xf32> to vector<1x16xf32>
        tpu.vector_store %arg11[%swap3A_1472, %swap3A_1473], %swap3A_1476 {strides = array<i32>} : memref<128x128xf32, #tpu.memory_space<vmem>>, vector<1x16xf32>,
        %get3A_1477 = arith.index_cast %add3A_1421 : i32 to index
        %get3A_1478 = arith.constant 80 : index
        %get3A_1479 = tpu.vector_load %arg11[%get3A_1477, %get3A_1478] {strides = array<i32>} : memref<128x128xf32, #tpu.memory_space<vmem>>, vector<1x16xf32>,
        %get3A_1480 = vector.shape_cast %get3A_1479 : vector<1x16xf32> to vector<16xf32>
        %mul3A_1481 = vector.broadcast %squeeze3A_1419 : f32 to vector<16xf32>
        %mul3A_1482 = arith.mulf %get3A_1480, %mul3A_1481 : vector<16xf32>
        %swap3A_1483 = arith.index_cast %add3A_1421 : i32 to index
        %swap3A_1484 = arith.constant 80 : index
        %swap3A_1485 = tpu.vector_load %arg11[%swap3A_1483, %swap3A_1484] {strides = array<i32>} : memref<128x128xf32, #tpu.memory_space<vmem>>, vector<1x16xf32>,
        %swap3A_1486 = vector.shape_cast %swap3A_1485 : vector<1x16xf32> to vector<16xf32>
        %swap3A_1487 = vector.shape_cast %mul3A_1482 : vector<16xf32> to vector<1x16xf32>
        tpu.vector_store %arg11[%swap3A_1483, %swap3A_1484], %swap3A_1487 {strides = array<i32>} : memref<128x128xf32, #tpu.memory_space<vmem>>, vector<1x16xf32>,
        %get3A_1488 = arith.index_cast %add3A_1421 : i32 to index
        %get3A_1489 = arith.constant 96 : index
        %get3A_1490 = tpu.vector_load %arg11[%get3A_1488, %get3A_1489] {strides = array<i32>} : memref<128x128xf32, #tpu.memory_space<vmem>>, vector<1x16xf32>,
        %get3A_1491 = vector.shape_cast %get3A_1490 : vector<1x16xf32> to vector<16xf32>
        %mul3A_1492 = vector.broadcast %squeeze3A_1419 : f32 to vector<16xf32>
        %mul3A_1493 = arith.mulf %get3A_1491, %mul3A_1492 : vector<16xf32>
        %swap3A_1494 = arith.index_cast %add3A_1421 : i32 to index
        %swap3A_1495 = arith.constant 96 : index
        %swap3A_1496 = tpu.vector_load %arg11[%swap3A_1494, %swap3A_1495] {strides = array<i32>} : memref<128x128xf32, #tpu.memory_space<vmem>>, vector<1x16xf32>,
        %swap3A_1497 = vector.shape_cast %swap3A_1496 : vector<1x16xf32> to vector<16xf32>
        %swap3A_1498 = vector.shape_cast %mul3A_1493 : vector<16xf32> to vector<1x16xf32>
        tpu.vector_store %arg11[%swap3A_1494, %swap3A_1495], %swap3A_1498 {strides = array<i32>} : memref<128x128xf32, #tpu.memory_space<vmem>>, vector<1x16xf32>,
        %get3A_1499 = arith.index_cast %add3A_1421 : i32 to index
        %get3A_1500 = arith.constant 112 : index
        %get3A_1501 = tpu.vector_load %arg11[%get3A_1499, %get3A_1500] {strides = array<i32>} : memref<128x128xf32, #tpu.memory_space<vmem>>, vector<1x16xf32>,
        %get3A_1502 = vector.shape_cast %get3A_1501 : vector<1x16xf32> to vector<16xf32>
        %mul3A_1503 = vector.broadcast %squeeze3A_1419 : f32 to vector<16xf32>
        %mul3A_1504 = arith.mulf %get3A_1502, %mul3A_1503 : vector<16xf32>
        %swap3A_1505 = arith.index_cast %add3A_1421 : i32 to index
        %swap3A_1506 = arith.constant 112 : index
        %swap3A_1507 = tpu.vector_load %arg11[%swap3A_1505, %swap3A_1506] {strides = array<i32>} : memref<128x128xf32, #tpu.memory_space<vmem>>, vector<1x16xf32>,
        %swap3A_1508 = vector.shape_cast %swap3A_1507 : vector<1x16xf32> to vector<16xf32>
        %swap3A_1509 = vector.shape_cast %mul3A_1504 : vector<16xf32> to vector<1x16xf32>
        tpu.vector_store %arg11[%swap3A_1505, %swap3A_1506], %swap3A_1509 {strides = array<i32>} : memref<128x128xf32, #tpu.memory_space<vmem>>, vector<1x16xf32>,
      }
      %scan3A_32 = arith.constant 8 : i32
      "tpu.region"() ({
        %run_scoped3A = tpu.sem_alloc : memref<!tpu.dma_semaphore, #tpu.memory_space<semaphore_mem>>
        %dma_start3A_33 = arith.constant 0 : i32
        %dma_start3A_34 = tpu.memref_slice %arg9[%scan3A_16, %dma_start3A_33] : memref<79x128xi32, #tpu.memory_space<vmem>> -> memref<1x128xi32, #tpu.memory_space<vmem>>
        %dma_start3A_35 = tpu.memref_squeeze %dma_start3A_34 : memref<1x128xi32, #tpu.memory_space<vmem>> -> memref<128xi32, #tpu.memory_space<vmem>>
        %dma_start3A_36 = arith.constant 0 : i32
        %dma_start3A_37 = arith.constant 0 : i32
        %dma_start3A_38 = tpu.memref_slice %arg12[%dma_start3A_36, %dma_start3A_37] : memref<10240x128xf32, #tpu.memory_space<vmem_shared>> -> memref<10240x128xf32, #tpu.memory_space<vmem_shared>>
        tpu.enqueue_indirect_dma source(%arg11 : memref<128x128xf32, #tpu.memory_space<vmem>>) target(%dma_start3A_38 : memref<10240x128xf32, #tpu.memory_space<vmem_shared>>) offsets(%dma_start3A_35 : memref<128xi32, #tpu.memory_space<vmem>>) semaphore(%run_scoped3A : memref<!tpu.dma_semaphore, #tpu.memory_space<semaphore_mem>>) {add = true}
        %dma_wait3A_39 = arith.constant 0 : i32
        %dma_wait3A_40 = tpu.memref_slice %arg9[%scan3A_16, %dma_wait3A_39] : memref<79x128xi32, #tpu.memory_space<vmem>> -> memref<1x128xi32, #tpu.memory_space<vmem>>
        %dma_wait3A_41 = tpu.memref_squeeze %dma_wait3A_40 : memref<1x128xi32, #tpu.memory_space<vmem>> -> memref<128xi32, #tpu.memory_space<vmem>>
        %dma_wait3A_42 = arith.constant 0 : i32
        %dma_wait3A_43 = arith.constant 0 : i32
        %dma_wait3A_44 = tpu.memref_slice %arg12[%dma_wait3A_42, %dma_wait3A_43] : memref<10240x128xf32, #tpu.memory_space<vmem_shared>> -> memref<10240x128xf32, #tpu.memory_space<vmem_shared>>
        tpu.wait_indirect_dma semaphore(%run_scoped3A : memref<!tpu.dma_semaphore, #tpu.memory_space<semaphore_mem>>) src(%arg11 : memref<128x128xf32, #tpu.memory_space<vmem>>) dst(%dma_wait3A_44 : memref<10240x128xf32, #tpu.memory_space<vmem_shared>>)
        tpu.yield
      }) : () -> ()
    }
    %scan3A_14 = arith.constant 79 : i32
    %barrier3A_15 = arith.constant 0 : index
    tpu.barrier barrier_id(%barrier3A_15)
    "tpu.region"() ({
      %run_scoped3A = tpu.sem_alloc : memref<!tpu.dma_semaphore, #tpu.memory_space<semaphore_mem>>
      %dma_start3A = arith.constant 0 : i32
      %dma_start3A_16 = tpu.memref_slice %arg7[%arg0, %mul3A_2, %dma_start3A] : memref<2x10240x128xf32, #tpu.memory_space<hbm>> -> memref<1x640x128xf32, #tpu.memory_space<hbm>>
      %dma_start3A_17 = tpu.memref_squeeze %dma_start3A_16 : memref<1x640x128xf32, #tpu.memory_space<hbm>> -> memref<640x128xf32, #tpu.memory_space<hbm>>
      %dma_start3A_18 = arith.constant 0 : i32
      %dma_start3A_19 = tpu.memref_slice %arg12[%mul3A_2, %dma_start3A_18] : memref<10240x128xf32, #tpu.memory_space<vmem_shared>> -> memref<640x128xf32, #tpu.memory_space<vmem_shared>>
      tpu.enqueue_dma source(%dma_start3A_19 : memref<640x128xf32, #tpu.memory_space<vmem_shared>>) target(%dma_start3A_17 : memref<640x128xf32, #tpu.memory_space<hbm>>) target_semaphore(%run_scoped3A : memref<!tpu.dma_semaphore, #tpu.memory_space<semaphore_mem>>)
      %dma_wait3A = arith.constant 0 : i32
      %dma_wait3A_20 = tpu.memref_slice %arg7[%arg0, %mul3A_2, %dma_wait3A] : memref<2x10240x128xf32, #tpu.memory_space<hbm>> -> memref<1x640x128xf32, #tpu.memory_space<hbm>>
      %dma_wait3A_21 = tpu.memref_squeeze %dma_wait3A_20 : memref<1x640x128xf32, #tpu.memory_space<hbm>> -> memref<640x128xf32, #tpu.memory_space<hbm>>
      %dma_wait3A_22 = arith.constant 0 : i32
      %dma_wait3A_23 = tpu.memref_slice %arg12[%mul3A_2, %dma_wait3A_22] : memref<10240x128xf32, #tpu.memory_space<vmem_shared>> -> memref<640x128xf32, #tpu.memory_space<vmem_shared>>
      tpu.wait_dma2 semaphore(%run_scoped3A : memref<!tpu.dma_semaphore, #tpu.memory_space<semaphore_mem>>) src(%dma_wait3A_23 : memref<640x128xf32, #tpu.memory_space<vmem_shared>>) dst(%dma_wait3A_21 : memref<640x128xf32, #tpu.memory_space<hbm>>)
      tpu.yield
    }) : () -> ()
    return
  }
}

module attributes {stable_mosaic.version = 14 : i64} {
  func.func @_hp1_body(%arg0: i32, %arg1: memref<640x128xf32, #tpu.memory_space<vmem>>, %arg2: memref<128x128xf32, #tpu.memory_space<vmem>>, %arg3: memref<640x1xf32, #tpu.memory_space<vmem>>, %arg4: memref<640x1xf32, #tpu.memory_space<vmem>>, %arg5: memref<640x1xf32, #tpu.memory_space<vmem>>, %arg6: memref<640x128xf32, #tpu.memory_space<vmem>>) attributes {dimension_semantics = [#tpu.dimension_semantics<arbitrary>], iteration_bounds = array<i64: 16>, scalar_prefetch = 0 : i64, scratch_operands = 0 : i64, tpu.core_type = #tpu.core_type<tc>, window_params = [{transform_indices = @transform_0, window_bounds = array<i64: 640, 128>}, {pipeline_mode = #tpu.pipeline_mode<synchronous>, transform_indices = @transform_1, window_bounds = array<i64: 128, 128>}, {transform_indices = @transform_2, window_bounds = array<i64: 640, 1>}, {transform_indices = @transform_3, window_bounds = array<i64: 640, 1>}, {transform_indices = @transform_4, window_bounds = array<i64: 640, 1>}, {transform_indices = @transform_5, window_bounds = array<i64: 640, 128>}]} {
    %get3A = arith.constant 0 : index
    %get3A_0 = arith.constant 0 : index
    %get3A_1 = vector.load %arg3[%get3A, %get3A_0] : memref<640x1xf32, #tpu.memory_space<vmem>>, vector<640x1xf32>
    %add3A = arith.constant 1.000000e+00 : f32
    %add3A_2 = vector.broadcast %add3A : f32 to vector<640x1xf32>
    %add3A_3 = arith.addf %add3A_2, %get3A_1 : vector<640x1xf32>
    %get3A_4 = arith.constant 0 : index
    %get3A_5 = arith.constant 0 : index
    %get3A_6 = vector.load %arg4[%get3A_4, %get3A_5] : memref<640x1xf32, #tpu.memory_space<vmem>>, vector<640x1xf32>
    %add3A_7 = arith.addf %add3A_3, %get3A_6 : vector<640x1xf32>
    %rsqrt3A = math.rsqrt %add3A_7 : vector<640x1xf32>
    %swap3A = arith.constant 0 : index
    %swap3A_8 = arith.constant 0 : index
    %swap3A_9 = vector.load %arg5[%swap3A, %swap3A_8] : memref<640x1xf32, #tpu.memory_space<vmem>>, vector<640x1xf32>
    tpu.vector_store %arg5[%swap3A, %swap3A_8], %rsqrt3A {strides = array<i32>} : memref<640x1xf32, #tpu.memory_space<vmem>>, vector<640x1xf32>,
    %get3A_10 = arith.constant 0 : index
    %get3A_11 = arith.constant 0 : index
    %get3A_12 = vector.load %arg1[%get3A_10, %get3A_11] : memref<640x128xf32, #tpu.memory_space<vmem>>, vector<640x128xf32>
    %get3A_13 = arith.constant 0 : index
    %get3A_14 = arith.constant 0 : index
    %get3A_15 = vector.load %arg2[%get3A_13, %get3A_14] : memref<128x128xf32, #tpu.memory_space<vmem>>, vector<128x128xf32>
    %dot_general3A = arith.constant dense<0.000000e+00> : vector<640x128xf32>
    %dot_general3A_16 = tpu.matmul %get3A_12, %get3A_15, %dot_general3A {dimension_numbers = #tpu.dot_dimension_numbers<[1], [0], [0], [1], [0, 0, 1, 1], [], []>, transpose_lhs_hint = false} : vector<640x128xf32>, vector<128x128xf32>, vector<640x128xf32> -> vector<640x128xf32>
    %mul3A = vector.broadcast %rsqrt3A : vector<640x1xf32> to vector<640x128xf32>
    %mul3A_17 = arith.mulf %mul3A, %dot_general3A_16 : vector<640x128xf32>
    %swap3A_18 = arith.constant 0 : index
    %swap3A_19 = arith.constant 0 : index
    %swap3A_20 = vector.load %arg6[%swap3A_18, %swap3A_19] : memref<640x128xf32, #tpu.memory_space<vmem>>, vector<640x128xf32>
    tpu.vector_store %arg6[%swap3A_18, %swap3A_19], %mul3A_17 {strides = array<i32>} : memref<640x128xf32, #tpu.memory_space<vmem>>, vector<640x128xf32>,
    return
  }
  func.func @transform_0(%arg0: i32) -> (i32, i32) {
    %c0_i32 = arith.constant 0 : i32
    %c0_i32_0 = arith.constant 0 : i32
    return %arg0, %c0_i32 : i32, i32
  }
  func.func @transform_1(%arg0: i32) -> (i32, i32) {
    %c0_i32 = arith.constant 0 : i32
    %c0_i32_0 = arith.constant 0 : i32
    %c0_i32_1 = arith.constant 0 : i32
    return %c0_i32, %c0_i32_0 : i32, i32
  }
  func.func @transform_2(%arg0: i32) -> (i32, i32) {
    %c0_i32 = arith.constant 0 : i32
    %c0_i32_0 = arith.constant 0 : i32
    return %arg0, %c0_i32 : i32, i32
  }
  func.func @transform_3(%arg0: i32) -> (i32, i32) {
    %c0_i32 = arith.constant 0 : i32
    %c0_i32_0 = arith.constant 0 : i32
    return %arg0, %c0_i32 : i32, i32
  }
  func.func @transform_4(%arg0: i32) -> (i32, i32) {
    %c0_i32 = arith.constant 0 : i32
    %c0_i32_0 = arith.constant 0 : i32
    return %arg0, %c0_i32 : i32, i32
  }
  func.func @transform_5(%arg0: i32) -> (i32, i32) {
    %c0_i32 = arith.constant 0 : i32
    %c0_i32_0 = arith.constant 0 : i32
    return %arg0, %c0_i32 : i32, i32
  }
}

module attributes {stable_mosaic.version = 14 : i64} {
  func.func @_mid_body(%arg0: i32, %arg1: memref<640x128xf32, #tpu.memory_space<vmem>>, %arg2: memref<640x128xf32, #tpu.memory_space<vmem>>, %arg3: memref<640x1xf32, #tpu.memory_space<vmem>>, %arg4: memref<1x128xf32, #tpu.memory_space<vmem>>, %arg5: memref<128x128xf32, #tpu.memory_space<vmem>>, %arg6: memref<640x128xf32, #tpu.memory_space<vmem>>) attributes {dimension_semantics = [#tpu.dimension_semantics<arbitrary>], iteration_bounds = array<i64: 16>, scalar_prefetch = 0 : i64, scratch_operands = 0 : i64, tpu.core_type = #tpu.core_type<tc>, window_params = [{transform_indices = @transform_0, window_bounds = array<i64: 640, 128>}, {transform_indices = @transform_1, window_bounds = array<i64: 640, 128>}, {transform_indices = @transform_2, window_bounds = array<i64: 640, 1>}, {pipeline_mode = #tpu.pipeline_mode<synchronous>, transform_indices = @transform_3, window_bounds = array<i64: 1, 128>}, {pipeline_mode = #tpu.pipeline_mode<synchronous>, transform_indices = @transform_4, window_bounds = array<i64: 128, 128>}, {transform_indices = @transform_5, window_bounds = array<i64: 640, 128>}]} {
    %get3A = arith.constant 0 : index
    %get3A_0 = arith.constant 0 : index
    %get3A_1 = vector.load %arg3[%get3A, %get3A_0] : memref<640x1xf32, #tpu.memory_space<vmem>>, vector<640x1xf32>
    %get3A_2 = arith.constant 0 : index
    %get3A_3 = arith.constant 0 : index
    %get3A_4 = vector.load %arg1[%get3A_2, %get3A_3] : memref<640x128xf32, #tpu.memory_space<vmem>>, vector<640x128xf32>
    %get3A_5 = arith.constant 0 : index
    %get3A_6 = arith.constant 0 : index
    %get3A_7 = vector.load %arg2[%get3A_5, %get3A_6] : memref<640x128xf32, #tpu.memory_space<vmem>>, vector<640x128xf32>
    %add3A = arith.addf %get3A_4, %get3A_7 : vector<640x128xf32>
    %mul3A = vector.broadcast %get3A_1 : vector<640x1xf32> to vector<640x128xf32>
    %mul3A_8 = arith.mulf %mul3A, %add3A : vector<640x128xf32>
    %get3A_9 = arith.constant 0 : index
    %get3A_10 = arith.constant 0 : index
    %get3A_11 = vector.load %arg4[%get3A_9, %get3A_10] : memref<1x128xf32, #tpu.memory_space<vmem>>, vector<1x128xf32>
    %add3A_12 = vector.broadcast %get3A_11 : vector<1x128xf32> to vector<640x128xf32>
    %add3A_13 = arith.addf %mul3A_8, %add3A_12 : vector<640x128xf32>
    %max3A = arith.constant 0.000000e+00 : f32
    %max3A_14 = vector.broadcast %max3A : f32 to vector<640x128xf32>
    %max3A_15 = arith.maximumf %add3A_13, %max3A_14 : vector<640x128xf32>
    %get3A_16 = arith.constant 0 : index
    %get3A_17 = arith.constant 0 : index
    %get3A_18 = vector.load %arg3[%get3A_16, %get3A_17] : memref<640x1xf32, #tpu.memory_space<vmem>>, vector<640x1xf32>
    %get3A_19 = arith.constant 0 : index
    %get3A_20 = arith.constant 0 : index
    %get3A_21 = vector.load %arg5[%get3A_19, %get3A_20] : memref<128x128xf32, #tpu.memory_space<vmem>>, vector<128x128xf32>
    %dot_general3A = arith.constant dense<0.000000e+00> : vector<640x128xf32>
    %dot_general3A_22 = tpu.matmul %max3A_15, %get3A_21, %dot_general3A {dimension_numbers = #tpu.dot_dimension_numbers<[1], [0], [0], [1], [0, 0, 1, 1], [], []>, transpose_lhs_hint = false} : vector<640x128xf32>, vector<128x128xf32>, vector<640x128xf32> -> vector<640x128xf32>
    %mul3A_23 = vector.broadcast %get3A_18 : vector<640x1xf32> to vector<640x128xf32>
    %mul3A_24 = arith.mulf %mul3A_23, %dot_general3A_22 : vector<640x128xf32>
    %swap3A = arith.constant 0 : index
    %swap3A_25 = arith.constant 0 : index
    %swap3A_26 = vector.load %arg6[%swap3A, %swap3A_25] : memref<640x128xf32, #tpu.memory_space<vmem>>, vector<640x128xf32>
    tpu.vector_store %arg6[%swap3A, %swap3A_25], %mul3A_24 {strides = array<i32>} : memref<640x128xf32, #tpu.memory_space<vmem>>, vector<640x128xf32>,
    return
  }
  func.func @transform_0(%arg0: i32) -> (i32, i32) {
    %c0_i32 = arith.constant 0 : i32
    %c0_i32_0 = arith.constant 0 : i32
    return %arg0, %c0_i32 : i32, i32
  }
  func.func @transform_1(%arg0: i32) -> (i32, i32) {
    %c0_i32 = arith.constant 0 : i32
    %c0_i32_0 = arith.constant 0 : i32
    return %arg0, %c0_i32 : i32, i32
  }
  func.func @transform_2(%arg0: i32) -> (i32, i32) {
    %c0_i32 = arith.constant 0 : i32
    %c0_i32_0 = arith.constant 0 : i32
    return %arg0, %c0_i32 : i32, i32
  }
  func.func @transform_3(%arg0: i32) -> (i32, i32) {
    %c0_i32 = arith.constant 0 : i32
    %c0_i32_0 = arith.constant 0 : i32
    %c0_i32_1 = arith.constant 0 : i32
    return %c0_i32, %c0_i32_0 : i32, i32
  }
  func.func @transform_4(%arg0: i32) -> (i32, i32) {
    %c0_i32 = arith.constant 0 : i32
    %c0_i32_0 = arith.constant 0 : i32
    %c0_i32_1 = arith.constant 0 : i32
    return %c0_i32, %c0_i32_0 : i32, i32
  }
  func.func @transform_5(%arg0: i32) -> (i32, i32) {
    %c0_i32 = arith.constant 0 : i32
    %c0_i32_0 = arith.constant 0 : i32
    return %arg0, %c0_i32 : i32, i32
  }
}

module attributes {stable_mosaic.version = 14 : i64} {
  func.func @_fin_body(%arg0: i32, %arg1: memref<640x128xf32, #tpu.memory_space<vmem>>, %arg2: memref<640x128xf32, #tpu.memory_space<vmem>>, %arg3: memref<640x1xf32, #tpu.memory_space<vmem>>, %arg4: memref<1x128xf32, #tpu.memory_space<vmem>>, %arg5: memref<640x128xf32, #tpu.memory_space<vmem>>) attributes {dimension_semantics = [#tpu.dimension_semantics<arbitrary>], iteration_bounds = array<i64: 16>, scalar_prefetch = 0 : i64, scratch_operands = 0 : i64, tpu.core_type = #tpu.core_type<tc>, window_params = [{transform_indices = @transform_0, window_bounds = array<i64: 640, 128>}, {transform_indices = @transform_1, window_bounds = array<i64: 640, 128>}, {transform_indices = @transform_2, window_bounds = array<i64: 640, 1>}, {pipeline_mode = #tpu.pipeline_mode<synchronous>, transform_indices = @transform_3, window_bounds = array<i64: 1, 128>}, {transform_indices = @transform_4, window_bounds = array<i64: 640, 128>}]} {
    %get3A = arith.constant 0 : index
    %get3A_0 = arith.constant 0 : index
    %get3A_1 = vector.load %arg3[%get3A, %get3A_0] : memref<640x1xf32, #tpu.memory_space<vmem>>, vector<640x1xf32>
    %get3A_2 = arith.constant 0 : index
    %get3A_3 = arith.constant 0 : index
    %get3A_4 = vector.load %arg1[%get3A_2, %get3A_3] : memref<640x128xf32, #tpu.memory_space<vmem>>, vector<640x128xf32>
    %get3A_5 = arith.constant 0 : index
    %get3A_6 = arith.constant 0 : index
    %get3A_7 = vector.load %arg2[%get3A_5, %get3A_6] : memref<640x128xf32, #tpu.memory_space<vmem>>, vector<640x128xf32>
    %add3A = arith.addf %get3A_4, %get3A_7 : vector<640x128xf32>
    %mul3A = vector.broadcast %get3A_1 : vector<640x1xf32> to vector<640x128xf32>
    %mul3A_8 = arith.mulf %mul3A, %add3A : vector<640x128xf32>
    %get3A_9 = arith.constant 0 : index
    %get3A_10 = arith.constant 0 : index
    %get3A_11 = vector.load %arg4[%get3A_9, %get3A_10] : memref<1x128xf32, #tpu.memory_space<vmem>>, vector<1x128xf32>
    %add3A_12 = vector.broadcast %get3A_11 : vector<1x128xf32> to vector<640x128xf32>
    %add3A_13 = arith.addf %mul3A_8, %add3A_12 : vector<640x128xf32>
    %max3A = arith.constant 0.000000e+00 : f32
    %max3A_14 = vector.broadcast %max3A : f32 to vector<640x128xf32>
    %max3A_15 = arith.maximumf %add3A_13, %max3A_14 : vector<640x128xf32>
    %swap3A = arith.constant 0 : index
    %swap3A_16 = arith.constant 0 : index
    %swap3A_17 = vector.load %arg5[%swap3A, %swap3A_16] : memref<640x128xf32, #tpu.memory_space<vmem>>, vector<640x128xf32>
    tpu.vector_store %arg5[%swap3A, %swap3A_16], %max3A_15 {strides = array<i32>} : memref<640x128xf32, #tpu.memory_space<vmem>>, vector<640x128xf32>,
    return
  }
  func.func @transform_0(%arg0: i32) -> (i32, i32) {
    %c0_i32 = arith.constant 0 : i32
    %c0_i32_0 = arith.constant 0 : i32
    return %arg0, %c0_i32 : i32, i32
  }
  func.func @transform_1(%arg0: i32) -> (i32, i32) {
    %c0_i32 = arith.constant 0 : i32
    %c0_i32_0 = arith.constant 0 : i32
    return %arg0, %c0_i32 : i32, i32
  }
  func.func @transform_2(%arg0: i32) -> (i32, i32) {
    %c0_i32 = arith.constant 0 : i32
    %c0_i32_0 = arith.constant 0 : i32
    return %arg0, %c0_i32 : i32, i32
  }
  func.func @transform_3(%arg0: i32) -> (i32, i32) {
    %c0_i32 = arith.constant 0 : i32
    %c0_i32_0 = arith.constant 0 : i32
    %c0_i32_1 = arith.constant 0 : i32
    return %c0_i32, %c0_i32_0 : i32, i32
  }
  func.func @transform_4(%arg0: i32) -> (i32, i32) {
    %c0_i32 = arith.constant 0 : i32
    %c0_i32_0 = arith.constant 0 : i32
    return %arg0, %c0_i32 : i32, i32
  }
}

</mosaic_0001>

<sc_bundles>
// kernel: kernel.11.cloned.1.call-start
scs
__scs_entry_jumppad:
0x0: {  	(pc) =	sbr.rel $0x88, $3  }
0x1: {  	(tag) =	ssettag $0x0;
	lr =	simm.s32 $0x1  }
0x2: {  	[smem:$0x3F9A] =	sst lr;
	_ =	strace $0xD0000000  }
0x3: {  	_ = 	snop  }
0x4: {  	_ = 	snop  }
0x5: {  	_ = 	snop  }
0x6: {  	_ = 	snop  }
0x7: {  	_ = 	snop  }
__scs_overlays_trampoline_lowered:
0x8: {  	[smem:$0x3FA9] =	sst s0  }
0x9: {  	[smem:$0x3FAA] =	sst s1  }
0xa: {  	[smem:$0x3FAB] =	sst s2  }
0xb: {  	[smem:$0x3FAC] =	sst s3  }
0xc: {  	[smem:$0x3FAD] =	sst s4  }
0xd: {  	[smem:$0x3FAE] =	sst s5  }
0xe: {  	[smem:$0x3FAF] =	sst s6  }
0xf: {  	[smem:$0x3FB0] =	sst s7  }
0x10: {  	[smem:$0x3FB1] =	sst s8  }
0x11: {  	[smem:$0x3FB2] =	sst s9;
	s0 =	simm.s32 @!p0 $0x0  }
0x12: {  	s1 =	sld [smem:$0x3F98];
	s0 =	simm.s32 @p0 $0x1  }
0x13: {  	[smem:$0x3FB3] =	sst s0;
	s0 =	simm.s32 @!p1 $0x0  }
0x14: {  	s2 =	sld [smem:$0x3F97];
	s0 =	simm.s32 @p1 $0x1  }
0x15: {  	[smem:$0x3FB4] =	sst s0;
	s0 =	simm.s32 @!p2 $0x0  }
0x16: {  	s3 =	sld [smem:$0x3FDB];
	s0 =	simm.s32 @p2 $0x1  }
0x17: {  	s4 =	simm.s32 $0x1BF5;
	[smem:$0x3FB6] =	sst s0  }
0x18: {  	s0 =	sld [smem:$0x3F99];
	_ =	swait.ge [sflag:s4], $0x0  }
0x19: {  	s7 =	sld [smem:$0x3F9A]  }
0x1a: {  	s8 =	sadd.s32 $0xFFFFE003, lr  }
0x1b: {  	s9 =	sadd.s32 $0xFFFFFEF7, lr;
	s5 =	simm.s32 $0xFFFFFFFF;
	p2 =	slt.u32 s8, $0xFFFFF086  }
0x1c: {  	p1 =	slt.u32 s9, $0xF7A;
	s5 =	simm.s32 @!p2 $0x0  }
0x1d: {  	s5 =	simm.s32 @p1 $0x1;
	p0 =	seq.s32 s7, s2  }
0x1e: {  	s7 =	smul.u32 @!p0 $0xF7A, s2;
	p2 =	seq.s32 @!p0 s5, $0x0  }
0x1f: {  	s9 =	smul.u32 $0xF7A, s1;
	s8 =	simm.s32 @!p0 $0x1BF5;
	p2 =	por !p2, p0  }
0x20: {  	[sflag:s8] =	ssyncset.s32 @!p0 $0xFFFFF086;
	s6 =	sadd.s32 @!p0 s3, s7;
	s7 =	simm.s32 @!p0 $0x108  }
0x21: {  	s3 =	sadd.s32 s3, s9;
	s6 =	sadd.s32 @!p0 $0x88, s6;
	s7 =	simm.s32 @p2 $0x1082  }
0x22: {  	[simem:s7], [sflag:s8] =	dma.local @!p0 [hbm:s6], $0xF7A  }
0x23: {  	s9 =	sor.u32 $0xD0000000, s2;
	s6 =	simm.s32 $0x108;
	_ =	swait.ge @!p0 [sflag:s8], $0x0  }
0x24: {  	s3 =	sadd.s32 $0x88, s3;
	s6 =	simm.s32 @!p1 $0x1082;
	[sflag:s4] =	ssyncset.s32 $0xFFFFF086  }
0x25: {  	[simem:s6], [sflag:s4] =	dma.local [hbm:s3], $0xF7A  }
0x26: {  	[smem:$0x3F9A] =	sst s1;
	(tag) =	ssettag s2;
	_ =	strace s9  }
0x27: {  	s1 =	sld [smem:$0x3FAA]  }
0x28: {  	s2 =	sld [smem:$0x3FAB]  }
0x29: {  	s4 =	sld [smem:$0x3FAD]  }
0x2a: {  	p0 =	seq.s32 s5, $0x0;
	s5 =	sld [smem:$0x3FAE]  }
0x2b: {  	s6 =	sld [smem:$0x3FAF]  }
0x2c: {  	s7 =	sld [smem:$0x3FB0]  }
0x2d: {  	s3 =	simm.s32 $0x108;
	s8 =	sld [smem:$0x3FB1]  }
0x2e: {  	s3 =	simm.s32 @!p0 $0x1082;
	s9 =	sld [smem:$0x3FB2]  }
0x2f: {  	lr =	sadd.s32 s0, s3;
	s0 =	sld [smem:$0x3FA9]  }
0x30: {  	s3 =	sld [smem:$0x3FAC]  }
0x31: {  	[smem:$0x3FB5] =	sst s10  }
0x32: {  	s10 =	sld [smem:$0x3FB3];
	_ =	sdelay $0x3  }
0x33: {  	p0 =	seq.s32 s10, $0x1;
	s10 =	sld [smem:$0x3FB5];
	_ =	sdelay $0x3  }
0x34: {  	[smem:$0x3FB5] =	sst s10  }
0x35: {  	s10 =	sld [smem:$0x3FB4];
	_ =	sdelay $0x3  }
0x36: {  	p1 =	seq.s32 s10, $0x1;
	s10 =	sld [smem:$0x3FB5];
	_ =	sdelay $0x3  }
0x37: {  	[smem:$0x3FB5] =	sst s10  }
0x38: {  	s10 =	sld [smem:$0x3FB6]  }
0x39: {  	_ = 	snop;
	(pc) =	sbr.ind lr, $3  }
0x3a: {  	_ = 	snop  }
0x3b: {  	_ = 	snop  }
0x3c: {  	p2 =	seq.s32 s10, $0x1;
	s10 =	sld [smem:$0x3FB5]  }
0x3d: {  	_ =	shalt  }
0x3e: {  	_ =	shalt  }
0x3f: {  	_ =	shalt  }
0x40: {  	_ =	shalt  }
0x41: {  	_ =	shalt  }
0x42: {  	_ =	shalt  }
0x43: {  	_ =	shalt  }
0x44: {  	_ =	shalt  }
0x45: {  	_ =	shalt  }
0x46: {  	_ =	shalt  }
0x47: {  	_ =	shalt  }
0x48: {  	_ =	shalt  }
0x49: {  	_ =	shalt  }
0x4a: {  	_ =	shalt  }
0x4b: {  	_ =	shalt  }
0x4c: {  	_ =	shalt  }
0x4d: {  	_ =	shalt  }
0x4e: {  	_ =	shalt  }
0x4f: {  	_ =	shalt  }
0x50: {  	_ =	shalt  }
0x51: {  	_ =	shalt  }
0x52: {  	_ =	shalt  }
0x53: {  	_ =	shalt  }
0x54: {  	_ =	shalt  }
0x55: {  	_ =	shalt  }
0x56: {  	_ =	shalt  }
0x57: {  	_ =	shalt  }
0x58: {  	_ =	shalt  }
0x59: {  	_ =	shalt  }
0x5a: {  	_ =	shalt  }
0x5b: {  	_ =	shalt  }
0x5c: {  	_ =	shalt  }
0x5d: {  	_ =	shalt  }
0x5e: {  	_ =	shalt  }
0x5f: {  	_ =	shalt  }
0x60: {  	_ =	shalt  }
0x61: {  	_ =	shalt  }
0x62: {  	_ =	shalt  }
0x63: {  	_ =	shalt  }
0x64: {  	_ =	shalt  }
0x65: {  	_ =	shalt  }
0x66: {  	_ =	shalt  }
0x67: {  	_ =	shalt  }
0x68: {  	_ =	shalt  }
0x69: {  	_ =	shalt  }
0x6a: {  	_ =	shalt  }
0x6b: {  	_ =	shalt  }
0x6c: {  	_ =	shalt  }
0x6d: {  	_ =	shalt  }
0x6e: {  	_ =	shalt  }
0x6f: {  	_ =	shalt  }
0x70: {  	_ =	shalt  }
0x71: {  	_ =	shalt  }
0x72: {  	_ =	shalt  }
0x73: {  	_ =	shalt  }
0x74: {  	_ =	shalt  }
0x75: {  	_ =	shalt  }
0x76: {  	_ =	shalt  }
0x77: {  	_ =	shalt  }
0x78: {  	_ =	shalt  }
0x79: {  	_ =	shalt  }
0x7a: {  	_ =	shalt  }
0x7b: {  	_ =	shalt  }
0x7c: {  	_ =	shalt  }
0x7d: {  	_ =	shalt  }
0x7e: {  	_ =	shalt  }
0x7f: {  	_ =	shalt  }
0x80: {  	_ =	shalt  }
0x81: {  	_ =	shalt  }
0x82: {  	_ =	shalt  }
0x83: {  	_ =	shalt  }
0x84: {  	_ =	shalt  }
0x85: {  	_ =	shalt  }
0x86: {  	_ =	shalt  }
0x87: {  	_ =	shalt  }
.Lfunc_end0:
.L_simem_size_0:
called_computation.1_lowered:
.L_overlay_start_0:
0x88: {  	s2 =	sld [smem:$0x3FD9]  }
0x89: {  	s3 =	sld [smem:$0x3FFE];
	_ =	sdelay $0x1  }
0x8a: {  	s1 =	srdreg.scid  }
0x8b: {  	s0 =	sand.u32 $0x1, s1  }
0x8c: {  	s17 =	sshll.u32 s0, $0xA;
	s2 =	sadd.s32 s3, s2  }
0x8d: {  	s2 =	sadd.s32 s2, s17  }
0x8e: {  	[smem:$0x3FC1] =	sst s2  }
0x8f: {  	_ = 	snop  }
0x90: {  	s2 =	sld [smem:$0x3FD0];
	(tm) =	ssettm $0x1  }
0x91: {  	s18 =	sld [smem:$0x3FFB];
	_ =	sdelay $0x3  }
0x92: {  	_ =	strace s18  }
0x93: {  	s3 =	sld [smem:$0x3FFC];
	_ =	sdelay $0x3  }
0x94: {  	_ =	strace s3  }
0x95: {  	s3 =	sld [smem:$0x3FFD];
	_ =	sdelay $0x3  }
0x96: {  	_ =	strace s3  }
0x97: {  	_ =	strace $0x8FFFFFFF  }
0x98: {  	s19 =	sld [smem:$0x3FDB];
	_ =	sdelay $0x1  }
0x99: {  	s4 =	simm.s32 $_scs_section_size  }
0x9a: {  	s5 =	simm.s32 $_size__tile_overlayer_lowered;
	s6 =	simm.s32 $_tile_overlayer_lowered  }
0x9b: {  	s22 =	simm.s32 $0x1BFF;
	s21 =	sshll.u32 s6, $0x1;
	s3 =	sadd.s32 s4, s19  }
0x9c: {  	s7 =	simm.s32 $0x0;
	s20 =	sshll.u32 s5, $0x1;
	s5 =	sadd.s32 s21, s3  }
0x9d: {  	[timem:s7], [sflag:s22] =	dma.local [hbm:s5], s20  }
0x9e: {  	_ =	swait.ge [sflag:s22], s20  }
0x9f: {  	s4 =	ssub.s32 $0x0, s20;
	[sflag:s22] =	ssyncset.done $0x0  }
0xa0: {  	[sflag:s22] =	ssyncadd.s32 s4;
	_ =	sdelay $0x1  }
0xa1: {  	s23 =	simm.s32 $0x1B8B  }
0xa2: {  	_ =	swait.ge [sflag:s23], $0x1  }
0xa3: {  	[sflag:s23] =	ssyncset.done $0x0  }
0xa4: {  	s25 =	simm.s32 $0x1B8E;
	s24 =	sld [smem:$0x3FFE];
	[sflag:s23] =	ssyncadd.s32 $0xFFFFFFFF  }
0xa5: {  	s26 =	simm.s32 $execute0_lowered;
	[smem:$0x3FD2] =	sst s25  }
0xa6: {  	s5 =	sshll.u32 s26, $0x1;
	_ =	strace $0x80000049;
	[dreg:$0x1] =	wrdreg $0xFFFFFFFF  }
0xa7: {  	s28 =	simm.s32 $_size_execute0_lowered;
	s3 =	sadd.s32 s3, s5;
	[dreg:$0x0] =	wrdreg $0x0  }
0xa8: {  	s5 =	sshll.u32 s28, $0x1;
	[dreg:$0x2] =	wrdreg s3  }
0xa9: {  	[dreg:$0x3] =	wrdreg s5  }
0xaa: {  	[dreg:$0x4] =	wrdreg $0xC0  }
0xab: {  	_ =	task [dreg:s7], $0x5FFFF  }
0xac: {  	[dreg:$0x1] =	wrdreg $0xFFFFFFFF  }
0xad: {  	[dreg:$0x0] =	wrdreg $0x60  }
0xae: {  	[dreg:$0x2] =	wrdreg s24  }
0xaf: {  	[dreg:$0x3] =	wrdreg s2  }
0xb0: {  	[dreg:$0x4] =	wrdreg $0xB8000  }
0xb1: {  	[dreg:$0x5] =	wrdreg $0x9  }
0xb2: {  	_ =	task.clear_ibuf [dreg:s7], $0x6FFFF;
	_ =	strace $0x90000049  }
0xb3: {  	s29 =	simm.s32 $0x9;
	_ =	strace $0x8000004B  }
0xb4: {  	_ =	swait.ge [sflag:s29], $0x1  }
0xb5: {  	[sflag:s29] =	ssyncadd.s32 $0xFFFFFFFF  }
0xb6: {  	_ =	strace $0x9000004B  }
0xb7: {  	_ =	sfence  }
0xb8: {  	s30 =	sld [smem:$0x0];
	_ =	sdelay $0x2  }
0xb9: {  	s31 =	sshll.u32 s1, $0xD;
	s1 =	sshrl.u32 s1, $0x2  }
0xba: {  	s3 =	sand.u32 $0x4000, s31;
	s1 =	sadd.s32 s1, s30  }
0xbb: {  	s0 =	sor.u32 s3, s0;
	s1 =	sshll.u32 s1, $0x11  }
0xbc: {  	s0 =	sor.u32 s1, s0  }
0xbd: {  	s0 =	sadd.s32 $0x8F2B, s0  }
0xbe: {  	[sflag:s0] =	ssyncadd.remote.s32 $0x1  }
0xbf: {  	_ =	sfence.sel $0xFFFF  }
0xc0: {  	[dreg:$0x0] =	wrdreg $0xFFFFFFFF;
	(pc) =	sbr.abs _section_cstart, $3  }
0xc1: {  	[dreg:$0x1] =	wrdreg $0xFFFFFFFF  }
0xc2: {  	_ =	task.clear_ibuf [dreg:s7], $0x2FFFF;
	_ =	strace $0x9FFFFFFF  }
0xc3: {  	(tm) =	ssettm $0x7FFFFFFF  }
tec
execute0_lowered:
.L_overlay_start_1:
0x0: {  	(tag) =	ssettag $0x1  }
0x1: {  	s5 =	rddreg [dreg:$0x0]  }
0x2: {  	s1 =	srdreg.scid;
	s7 =	rddreg [dreg:$0x1]  }
0x3: {  	s0 =	stileid.u32;
	s2 =	rddreg [dreg:$0x2]  }
0x4: {  	s3 =	simm.s32 $0x0;
	s16 =	simm.s32 $0x80;
	s17 =	simm.s32 $0x7800  }
0x5: {  	s18 =	simm.s32 $0x1;
	s19 =	simm.s32 $0x0;
	s6 =	sand.u32 $0x1, s1  }
0x6: {  	s26 =	sshll.u32 s0, $0x1;
	[smem:$0x7FF] =	sst s3;
	s10 =	smul.u32 $0x14000, s0  }
0x7: {  	s4 =	sadd.s32 $0x17200, s5;
	s28 =	smul.u32 $0x50000, s0;
	s12 =	sadd.s32 $0x3F200, s5  }
0x8: {  	s30 =	smul.u32 $0x2800, s0;
	s31 =	sshll.u32 s0, $0x6;
	s1 =	sor.u32 s6, s26  }
0x9: {  	s9 =	smul.u32 $0x140000, s6;
	s13 =	ssub.s32 $0x2, s6;
	p0 =	seq.s32 s6, $0x1  }
0xa: {  	s15 =	smov.u32 s4;
	s8 =	smul.u32 $0x500, s1;
	s1 =	rddreg [dreg:$0x3]  }
0xb: {  	_ =	strace $0x8000004A;
	s29 =	sshrl.u32 s13, $0x1;
	s15 =	smov.u32 @p0 s12  }
0xc: {  	s9 =	sadd.s32 s10, s9;
	s10 =	sshrl.u32 s28, $0x2;
	s13 =	ssub.s32 s13, s29  }
0xd: {  	s11 =	sadd.s32 s8, s5;
	s9 =	sshrl.u32 s9, $0x3;
	s14 =	sadd.s32 s10, s2  }
0xe: {  	s6 =	sadd.s32 s7, s8;
	s10 =	sadd.s32 s15, s30;
	s15 =	simm.s32 $0x5000  }
0xf: {  	s9 =	sadd.s32 s9, s5;
	s5 =	sadd.s32 $0xD200, s11;
	s7 =	sadd.s32 $0x2200, s11  }
0x10: {  	s11 =	sor.u32 $0x1C02, s31;
	s12 =	sshrl.u32 s14, $0x3;
	s14 =	simm.s32 $0x2800  }
0x11: {  	s8 =	sadd.s32 $0x67200, s9;
	s9 =	smax.u32 s13, $0x1;
	s13 =	simm.s32 $0x2  }
.LBB2_1:
0x12: {  	[spmem:s12], [sflag:s11] =	dma.local [hbm:s10], $0x2800  }
0x13: {  	_ =	swait.ge [sflag:s13], $0x2800  }
0x14: {  	[sflag:s13] =	ssyncset.done $0x0  }
0x15: {  	[sflag:s13] =	ssyncadd.s32 $0xFFFFD800  }
0x16: {  	[tilespmem:s3], [sflag:$0x2] =	stream.linear.gather [hbm4b:s5+s3], $0x2780, $0x38;
	[tilespmem:$0x1F800] =	vst v63  }
0x17: {  	_ =	swait.ge [sflag:s13], $0x2780  }
0x18: {  	[sflag:s13] =	ssyncset.done $0x0  }
0x19: {  	[sflag:s13] =	ssyncadd.s32 $0xFFFFD880  }
0x1a: {  	[tilespmem:s14], [sflag:$0x2] =	stream.linear.gather [hbm4b:s6+s3], $0x2780, $0x38;
	[tilespmem:$0x1F800] =	vst v63  }
0x1b: {  	_ =	swait.ge [sflag:s13], $0x2780  }
0x1c: {  	[sflag:s13] =	ssyncset.done $0x0  }
0x1d: {  	[sflag:s13] =	ssyncadd.s32 $0xFFFFD880  }
0x1e: {  	[tilespmem:s15], [sflag:$0x2] =	stream.linear.gather [hbm4b:s7+s3], $0x2780, $0x38;
	[tilespmem:$0x1F800] =	vst v63  }
0x1f: {  	_ =	swait.ge [sflag:s13], $0x2780  }
0x20: {  	[sflag:s13] =	ssyncset.done $0x0  }
0x21: {  	[sflag:s13] =	ssyncadd.s32 $0xFFFFD880  }
0x22: {  	s20 =	simm.s32 $0x0;
	[bflag:$0x0] =	sbarrier.arrive $0xFFFF  }
.LBB2_2:
0x23: {  	s21 =	sshll.u32 s20, $0x7  }
0x24: {  	s22 =	sadd.s32 $0x5000, s21  }
0x25: {  	v0 =	vmov s22  }
0x26: {  	[tilespmem:s17], [sflag:$0x1] =	stream.indirect.gather [hbm4b:s4+s16], $0x80, s21, s16, $0xb8;
	[tilespmem:$0x1F800] =	vst v63  }
0x27: {  	_ =	swait.ge [sflag:s18], $0x4000  }
0x28: {  	s31 =	simm.s32 $0x0;
	[sflag:s18] =	ssyncset.done $0x0  }
0x29: {  	s22 =	sand.u32 $0x3FFFFFF0, s31;
	[sflag:s18] =	ssyncadd.s32 $0xFFFFC000  }
0x2a: {  	s23 =	simm.s32 $0x0;
	v1 =	vld.idx.msk [tilespmem:v0+s22+$0x0 ss:$0x1], $0xffff  }
0x2b: {  	s22 =	sand.u32 $0x3FFFF800, s23  }
0x2c: {  	v3 =	vld [tilespmem:s22+$0x7820]  }
0x2d: {  	v4 =	vld [tilespmem:s22+$0x7830]  }
0x2e: {  	v10 =	vld [tilespmem:s22+$0x7860]  }
0x2f: {  	v11 =	vld [tilespmem:s22+$0x7870];
	v2 =	vbroadcast v1, $0x0  }
0x30: {  	v12 =	vld [tilespmem:s22+$0x7880]  }
0x31: {  	v13 =	vld [tilespmem:s22+$0x7890];
	v3 =	vmul.f32 v3, v2  }
0x32: {  	v14 =	vld [tilespmem:s22+$0x78A0];
	v4 =	vmul.f32 v4, v2  }
0x33: {  	v9 =	vld [tilespmem:s22+$0x78B0];
	v23 =	vbroadcast v1, $0x1;
	v22 =	vmul.f32 v10, v2;
	[tilespmem:s22+$0x7820] =	vst v3  }
0x34: {  	v7 =	vld [tilespmem:s22+$0x78C0];
	v11 =	vmul.f32 v11, v2;
	[tilespmem:s22+$0x7830] =	vst v4  }
0x35: {  	v8 =	vld [tilespmem:s22+$0x78D0];
	v12 =	vmul.f32 v12, v23;
	[tilespmem:s22+$0x7860] =	vst v22  }
0x36: {  	v25 =	vld [tilespmem:s22+$0x78F0];
	v13 =	vmul.f32 v13, v23;
	[tilespmem:s22+$0x7870] =	vst v11  }
0x37: {  	v26 =	vld [tilespmem:s22+$0x7900];
	v14 =	vmul.f32 v14, v23;
	[tilespmem:s22+$0x7880] =	vst v12  }
0x38: {  	v27 =	vld [tilespmem:s22+$0x7910];
	v9 =	vmul.f32 v9, v23;
	[tilespmem:s22+$0x7890] =	vst v13  }
0x39: {  	v6 =	vld [tilespmem:s22+$0x7D70];
	v7 =	vmul.f32 v7, v23;
	[tilespmem:s22+$0x78A0] =	vst v14  }
0x3a: {  	v24 =	vld [tilespmem:s22+$0x78E0];
	v15 =	vbroadcast v1, $0x2;
	v8 =	vmul.f32 v8, v23;
	[tilespmem:s22+$0x78B0] =	vst v9  }
0x3b: {  	v28 =	vld [tilespmem:s22+$0x7920];
	v10 =	vmul.f32 v25, v23;
	[tilespmem:s22+$0x78C0] =	vst v7  }
0x3c: {  	v29 =	vld [tilespmem:s22+$0x7930];
	v5 =	vbroadcast v1, $0xA;
	v32 =	vmul.f32 v26, v15;
	[tilespmem:s22+$0x78D0] =	vst v8  }
0x3d: {  	v30 =	vld [tilespmem:s22+$0x7940];
	v34 =	vmul.f32 v27, v15;
	[tilespmem:s22+$0x78F0] =	vst v10  }
0x3e: {  	v33 =	vld [tilespmem:s22+$0x7960];
	v3 =	vmul.f32 v6, v5;
	[tilespmem:s22+$0x7900] =	vst v32  }
0x3f: {  	v35 =	vld [tilespmem:s22+$0x7970];
	v11 =	vmul.f32 v24, v23;
	[tilespmem:s22+$0x7910] =	vst v34  }
0x40: {  	v36 =	vld [tilespmem:s22+$0x7980];
	v9 =	vmul.f32 v28, v15;
	[tilespmem:s22+$0x7D70] =	vst v3  }
0x41: {  	v31 =	vld [tilespmem:s22+$0x7950];
	v7 =	vmul.f32 v29, v15;
	[tilespmem:s22+$0x78E0] =	vst v11  }
0x42: {  	v37 =	vld [tilespmem:s22+$0x7990];
	v8 =	vmul.f32 v30, v15;
	[tilespmem:s22+$0x7920] =	vst v9  }
0x43: {  	v38 =	vld [tilespmem:s22+$0x79A0];
	v41 =	vbroadcast v1, $0x3;
	v10 =	vmul.f32 v33, v15;
	[tilespmem:s22+$0x7930] =	vst v7  }
0x44: {  	v39 =	vld [tilespmem:s22+$0x79B0];
	v12 =	vmul.f32 v35, v15;
	[tilespmem:s22+$0x7940] =	vst v8  }
0x45: {  	v42 =	vld [tilespmem:s22+$0x79D0];
	v13 =	vmul.f32 v36, v41;
	[tilespmem:s22+$0x7960] =	vst v10  }
0x46: {  	v43 =	vld [tilespmem:s22+$0x79E0];
	v11 =	vmul.f32 v31, v15;
	[tilespmem:s22+$0x7970] =	vst v12  }
0x47: {  	v44 =	vld [tilespmem:s22+$0x79F0];
	v9 =	vmul.f32 v37, v41;
	[tilespmem:s22+$0x7980] =	vst v13  }
0x48: {  	v40 =	vld [tilespmem:s22+$0x79C0];
	v7 =	vmul.f32 v38, v41;
	[tilespmem:s22+$0x7950] =	vst v11  }
0x49: {  	v45 =	vld [tilespmem:s22+$0x7A00];
	v8 =	vmul.f32 v39, v41;
	[tilespmem:s22+$0x7990] =	vst v9  }
0x4a: {  	v46 =	vld [tilespmem:s22+$0x7A10];
	v10 =	vmul.f32 v42, v41;
	[tilespmem:s22+$0x79A0] =	vst v7  }
0x4b: {  	v47 =	vld [tilespmem:s22+$0x7A20];
	v12 =	vmul.f32 v43, v41;
	[tilespmem:s22+$0x79B0] =	vst v8  }
0x4c: {  	v49 =	vld [tilespmem:s22+$0x7A40];
	v50 =	vbroadcast v1, $0x4;
	v13 =	vmul.f32 v44, v41;
	[tilespmem:s22+$0x79D0] =	vst v10  }
0x4d: {  	v51 =	vld [tilespmem:s22+$0x7A50];
	v11 =	vmul.f32 v40, v41;
	[tilespmem:s22+$0x79E0] =	vst v12  }
0x4e: {  	v52 =	vld [tilespmem:s22+$0x7A60];
	v9 =	vmul.f32 v45, v50;
	[tilespmem:s22+$0x79F0] =	vst v13  }
0x4f: {  	v48 =	vld [tilespmem:s22+$0x7A30];
	v7 =	vmul.f32 v46, v50;
	[tilespmem:s22+$0x79C0] =	vst v11  }
0x50: {  	v53 =	vld [tilespmem:s22+$0x7A70];
	v8 =	vmul.f32 v47, v50;
	[tilespmem:s22+$0x7A00] =	vst v9  }
0x51: {  	v54 =	vld [tilespmem:s22+$0x7A80];
	v10 =	vmul.f32 v49, v50;
	[tilespmem:s22+$0x7A10] =	vst v7  }
0x52: {  	v55 =	vld [tilespmem:s22+$0x7A90];
	v12 =	vmul.f32 v51, v50;
	[tilespmem:s22+$0x7A20] =	vst v8  }
0x53: {  	v57 =	vld [tilespmem:s22+$0x7AB0];
	v13 =	vmul.f32 v52, v50;
	[tilespmem:s22+$0x7A40] =	vst v10  }
0x54: {  	v58 =	vld [tilespmem:s22+$0x7AC0];
	v59 =	vbroadcast v1, $0x5;
	v11 =	vmul.f32 v48, v50;
	[tilespmem:s22+$0x7A50] =	vst v12  }
0x55: {  	v60 =	vld [tilespmem:s22+$0x7AD0];
	v9 =	vmul.f32 v53, v50;
	[tilespmem:s22+$0x7A60] =	vst v13  }
0x56: {  	v56 =	vld [tilespmem:s22+$0x7AA0];
	v7 =	vmul.f32 v54, v59;
	[tilespmem:s22+$0x7A30] =	vst v11  }
0x57: {  	v61 =	vld [tilespmem:s22+$0x7AE0];
	v8 =	vmul.f32 v55, v59;
	[tilespmem:s22+$0x7A70] =	vst v9  }
0x58: {  	v62 =	vld [tilespmem:s22+$0x7AF0];
	v10 =	vmul.f32 v57, v59;
	[tilespmem:s22+$0x7A80] =	vst v7  }
0x59: {  	v63 =	vld [tilespmem:s22+$0x7B00];
	v12 =	vmul.f32 v58, v59;
	[tilespmem:s22+$0x7A90] =	vst v8  }
0x5a: {  	v19 =	vld [tilespmem:s22+$0x7B20];
	v13 =	vmul.f32 v60, v59;
	[tilespmem:s22+$0x7AB0] =	vst v10  }
0x5b: {  	v20 =	vld [tilespmem:s22+$0x7B30];
	v11 =	vmul.f32 v56, v59;
	[tilespmem:s22+$0x7AC0] =	vst v12  }
0x5c: {  	v21 =	vld [tilespmem:s22+$0x7B40];
	v22 =	vbroadcast v1, $0x6;
	v9 =	vmul.f32 v61, v59;
	[tilespmem:s22+$0x7AD0] =	vst v13  }
0x5d: {  	v18 =	vld [tilespmem:s22+$0x7B10];
	v7 =	vmul.f32 v62, v59;
	[tilespmem:s22+$0x7AA0] =	vst v11  }
0x5e: {  	v23 =	vld [tilespmem:s22+$0x7B50];
	v8 =	vmul.f32 v63, v22;
	[tilespmem:s22+$0x7AE0] =	vst v9  }
0x5f: {  	v24 =	vld [tilespmem:s22+$0x7B60];
	v10 =	vmul.f32 v19, v22;
	[tilespmem:s22+$0x7AF0] =	vst v7  }
0x60: {  	v25 =	vld [tilespmem:s22+$0x7B70];
	v12 =	vmul.f32 v20, v22;
	[tilespmem:s22+$0x7B00] =	vst v8  }
0x61: {  	v27 =	vld [tilespmem:s22+$0x7B90];
	v13 =	vmul.f32 v21, v22;
	[tilespmem:s22+$0x7B20] =	vst v10  }
0x62: {  	v28 =	vld [tilespmem:s22+$0x7BA0];
	v11 =	vmul.f32 v18, v22;
	[tilespmem:s22+$0x7B30] =	vst v12  }
0x63: {  	v29 =	vld [tilespmem:s22+$0x7BB0];
	v9 =	vmul.f32 v23, v22;
	[tilespmem:s22+$0x7B40] =	vst v13  }
0x64: {  	v31 =	vbroadcast v1, $0x7;
	v53 =	vld [tilespmem:s22+$0x7D00];
	v7 =	vmul.f32 v24, v22;
	[tilespmem:s22+$0x7B10] =	vst v11  }
0x65: {  	v57 =	vld [tilespmem:s22+$0x7D40];
	v8 =	vmul.f32 v25, v22;
	[tilespmem:s22+$0x7B50] =	vst v9  }
0x66: {  	v58 =	vld [tilespmem:s22+$0x7D50];
	v10 =	vmul.f32 v27, v31;
	[tilespmem:s22+$0x7B60] =	vst v7  }
0x67: {  	v26 =	vld [tilespmem:s22+$0x7B80];
	v12 =	vmul.f32 v28, v31;
	[tilespmem:s22+$0x7B70] =	vst v8  }
0x68: {  	v30 =	vld [tilespmem:s22+$0x7BC0];
	v13 =	vmul.f32 v29, v31;
	[tilespmem:s22+$0x7B90] =	vst v10  }
0x69: {  	v32 =	vld [tilespmem:s22+$0x7BD0];
	v59 =	vmul.f32 v53, v5;
	[tilespmem:s22+$0x7BA0] =	vst v12  }
0x6a: {  	v33 =	vld [tilespmem:s22+$0x7BE0];
	v18 =	vmul.f32 v57, v5;
	[tilespmem:s22+$0x7BB0] =	vst v13  }
0x6b: {  	v35 =	vld [tilespmem:s22+$0x7C00];
	v20 =	vmul.f32 v58, v5;
	[tilespmem:s22+$0x7D00] =	vst v59  }
0x6c: {  	v36 =	vld [tilespmem:s22+$0x7C10];
	v11 =	vmul.f32 v26, v31;
	[tilespmem:s22+$0x7D40] =	vst v18  }
0x6d: {  	v37 =	vld [tilespmem:s22+$0x7C20];
	v9 =	vmul.f32 v30, v31;
	[tilespmem:s22+$0x7D50] =	vst v20  }
0x6e: {  	v4 =	vld [tilespmem:s22+$0x7D80];
	v40 =	vbroadcast v1, $0x8;
	v7 =	vmul.f32 v32, v31;
	[tilespmem:s22+$0x7B80] =	vst v11  }
0x6f: {  	v6 =	vld [tilespmem:s22+$0x7D90];
	v8 =	vmul.f32 v33, v31;
	[tilespmem:s22+$0x7BC0] =	vst v9  }
0x70: {  	v3 =	vld [tilespmem:s22+$0x7FD0];
	v10 =	vmul.f32 v35, v40;
	[tilespmem:s22+$0x7BD0] =	vst v7  }
0x71: {  	v61 =	vld [tilespmem:s22+$0x7800];
	v23 =	vbroadcast v1, $0xB;
	v12 =	vmul.f32 v36, v40;
	[tilespmem:s22+$0x7BE0] =	vst v8  }
0x72: {  	v34 =	vld [tilespmem:s22+$0x7BF0];
	v13 =	vmul.f32 v37, v40;
	[tilespmem:s22+$0x7C00] =	vst v10  }
0x73: {  	v38 =	vld [tilespmem:s22+$0x7C30];
	v27 =	vbroadcast v1, $0xF;
	v4 =	vmul.f32 v4, v23;
	[tilespmem:s22+$0x7C10] =	vst v12  }
0x74: {  	v39 =	vld [tilespmem:s22+$0x7C40];
	v6 =	vmul.f32 v6, v23;
	[tilespmem:s22+$0x7C20] =	vst v13  }
0x75: {  	v41 =	vld [tilespmem:s22+$0x7C50];
	v3 =	vmul.f32 v3, v27;
	[tilespmem:s22+$0x7D80] =	vst v4  }
0x76: {  	v43 =	vld [tilespmem:s22+$0x7C70];
	v24 =	vmul.f32 v2, v61;
	[tilespmem:s22+$0x7D90] =	vst v6  }
0x77: {  	v44 =	vld [tilespmem:s22+$0x7C80];
	v11 =	vmul.f32 v34, v31;
	[tilespmem:s22+$0x7FD0] =	vst v3  }
0x78: {  	v45 =	vld [tilespmem:s22+$0x7C90];
	v9 =	vmul.f32 v38, v40;
	[tilespmem:s22+$0x7800] =	vst v24  }
0x79: {  	v63 =	vld [tilespmem:s22+$0x7840];
	v7 =	vmul.f32 v39, v40;
	[tilespmem:s22+$0x7BF0] =	vst v11  }
0x7a: {  	v49 =	vbroadcast v1, $0x9;
	v29 =	vld [tilespmem:s22+$0x7DF0];
	v8 =	vmul.f32 v41, v40;
	[tilespmem:s22+$0x7C30] =	vst v9  }
0x7b: {  	v42 =	vld [tilespmem:s22+$0x7C60];
	v10 =	vmul.f32 v43, v40;
	[tilespmem:s22+$0x7C40] =	vst v7  }
0x7c: {  	v46 =	vld [tilespmem:s22+$0x7CA0];
	v12 =	vmul.f32 v44, v49;
	[tilespmem:s22+$0x7C50] =	vst v8  }
0x7d: {  	v47 =	vld [tilespmem:s22+$0x7CB0];
	v13 =	vmul.f32 v45, v49;
	[tilespmem:s22+$0x7C70] =	vst v10  }
0x7e: {  	v48 =	vld [tilespmem:s22+$0x7CC0];
	v3 =	vmul.f32 v63, v2;
	[tilespmem:s22+$0x7C80] =	vst v12  }
0x7f: {  	v51 =	vld [tilespmem:s22+$0x7CE0];
	v6 =	vmul.f32 v29, v23;
	[tilespmem:s22+$0x7C90] =	vst v13  }
0x80: {  	v52 =	vld [tilespmem:s22+$0x7CF0];
	v11 =	vmul.f32 v42, v40;
	[tilespmem:s22+$0x7840] =	vst v3  }
0x81: {  	v28 =	vld [tilespmem:s22+$0x7DE0];
	v9 =	vmul.f32 v46, v49;
	[tilespmem:s22+$0x7DF0] =	vst v6  }
0x82: {  	v26 =	vld [tilespmem:s22+$0x7DD0];
	v7 =	vmul.f32 v47, v49;
	[tilespmem:s22+$0x7C60] =	vst v11  }
0x83: {  	v30 =	vld [tilespmem:s22+$0x7E00];
	v8 =	vmul.f32 v48, v49;
	[tilespmem:s22+$0x7CA0] =	vst v9  }
0x84: {  	v50 =	vld [tilespmem:s22+$0x7CD0];
	v10 =	vmul.f32 v51, v49;
	[tilespmem:s22+$0x7CB0] =	vst v7  }
0x85: {  	v54 =	vld [tilespmem:s22+$0x7D10];
	v12 =	vmul.f32 v52, v49;
	[tilespmem:s22+$0x7CC0] =	vst v8  }
0x86: {  	v55 =	vld [tilespmem:s22+$0x7D20];
	v35 =	vbroadcast v1, $0xC;
	v40 =	vmul.f32 v28, v23;
	[tilespmem:s22+$0x7CE0] =	vst v10  }
0x87: {  	v56 =	vld [tilespmem:s22+$0x7D30];
	v32 =	vmul.f32 v26, v23;
	[tilespmem:s22+$0x7CF0] =	vst v12  }
0x88: {  	v60 =	vld [tilespmem:s22+$0x7D60];
	v15 =	vmul.f32 v30, v35;
	[tilespmem:s22+$0x7DE0] =	vst v40  }
0x89: {  	v62 =	vld [tilespmem:s22+$0x7810];
	v11 =	vmul.f32 v50, v49;
	[tilespmem:s22+$0x7DD0] =	vst v32  }
0x8a: {  	v19 =	vld [tilespmem:s22+$0x7850];
	v9 =	vmul.f32 v54, v5;
	[tilespmem:s22+$0x7E00] =	vst v15  }
0x8b: {  	v33 =	vld [tilespmem:s22+$0x7E30];
	v7 =	vmul.f32 v55, v5;
	[tilespmem:s22+$0x7CD0] =	vst v11  }
0x8c: {  	v61 =	vld [tilespmem:s22+$0x7FF0];
	v8 =	vmul.f32 v56, v5;
	[tilespmem:s22+$0x7D10] =	vst v9  }
0x8d: {  	v38 =	vld [tilespmem:s22+$0x7E70];
	v5 =	vmul.f32 v60, v5;
	[tilespmem:s22+$0x7D20] =	vst v7  }
0x8e: {  	v21 =	vld [tilespmem:s22+$0x7DA0];
	v12 =	vmul.f32 v62, v2;
	[tilespmem:s22+$0x7D30] =	vst v8  }
0x8f: {  	v22 =	vld [tilespmem:s22+$0x7DB0];
	v2 =	vmul.f32 v19, v2;
	[tilespmem:s22+$0x7D60] =	vst v5  }
0x90: {  	v25 =	vld [tilespmem:s22+$0x7DC0];
	v62 =	vmul.f32 v33, v35;
	[tilespmem:s22+$0x7810] =	vst v12  }
0x91: {  	v31 =	vld [tilespmem:s22+$0x7E10];
	v63 =	vmul.f32 v61, v27;
	[tilespmem:s22+$0x7850] =	vst v2  }
0x92: {  	v34 =	vld [tilespmem:s22+$0x7E40];
	v15 =	vmul.f32 v38, v35;
	[tilespmem:s22+$0x7E30] =	vst v62  }
0x93: {  	v41 =	vld [tilespmem:s22+$0x7EA0];
	v7 =	vmul.f32 v21, v23;
	[tilespmem:s22+$0x7FF0] =	vst v63  }
0x94: {  	v46 =	vld [tilespmem:s22+$0x7EE0];
	v8 =	vmul.f32 v22, v23;
	[tilespmem:s22+$0x7E70] =	vst v15  }
0x95: {  	v36 =	vld [tilespmem:s22+$0x7E50];
	v5 =	vmul.f32 v25, v23;
	[tilespmem:s22+$0x7DA0] =	vst v7  }
0x96: {  	v44 =	vbroadcast v1, $0xD;
	v9 =	vmul.f32 v31, v35;
	v2 =	vld [tilespmem:s22+$0x7E90];
	[tilespmem:s22+$0x7DB0] =	vst v8  }
0x97: {  	v37 =	vld [tilespmem:s22+$0x7E60];
	v12 =	vmul.f32 v34, v35;
	[tilespmem:s22+$0x7DC0] =	vst v5  }
0x98: {  	v39 =	vld [tilespmem:s22+$0x7E80];
	v11 =	vmul.f32 v41, v44;
	[tilespmem:s22+$0x7E10] =	vst v9  }
0x99: {  	v42 =	vld [tilespmem:s22+$0x7EB0];
	v51 =	vmul.f32 v46, v44;
	[tilespmem:s22+$0x7E40] =	vst v12  }
0x9a: {  	v48 =	vld [tilespmem:s22+$0x7F10];
	v8 =	vmul.f32 v36, v35;
	[tilespmem:s22+$0x7EA0] =	vst v11  }
0x9b: {  	v49 =	vld [tilespmem:s22+$0x7F20];
	[tilespmem:s22+$0x7EE0] =	vst v51;
	v2 =	vmul.f32 v2, v44  }
0x9c: {  	v50 =	vld [tilespmem:s22+$0x7F30];
	v5 =	vmul.f32 v37, v35;
	[tilespmem:s22+$0x7E50] =	vst v8  }
0x9d: {  	v1 =	vbroadcast v1, $0xE;
	v9 =	vmul.f32 v39, v44;
	[tilespmem:s22+$0x7E90] =	vst v2;
	v2 =	vld [tilespmem:s22+$0x7F00]  }
0x9e: {  	v60 =	vld [tilespmem:s22+$0x7FE0];
	v12 =	vmul.f32 v42, v44;
	[tilespmem:s22+$0x7E60] =	vst v5  }
0x9f: {  	v45 =	vld [tilespmem:s22+$0x7ED0];
	v11 =	vmul.f32 v48, v1;
	[tilespmem:s22+$0x7E80] =	vst v9  }
0xa0: {  	v47 =	vld [tilespmem:s22+$0x7EF0];
	v10 =	vmul.f32 v49, v1;
	[tilespmem:s22+$0x7EB0] =	vst v12  }
0xa1: {  	v43 =	vld [tilespmem:s22+$0x7EC0];
	v6 =	vmul.f32 v50, v1;
	[tilespmem:s22+$0x7F10] =	vst v11  }
0xa2: {  	v55 =	vld [tilespmem:s22+$0x7F80];
	[tilespmem:s22+$0x7F20] =	vst v10;
	v2 =	vmul.f32 v2, v1  }
0xa3: {  	v57 =	vld [tilespmem:s22+$0x7FA0];
	v4 =	vmul.f32 v60, v27;
	[tilespmem:s22+$0x7F30] =	vst v6  }
0xa4: {  	v5 =	vmul.f32 v45, v44;
	[tilespmem:s22+$0x7F00] =	vst v2;
	v2 =	vld [tilespmem:s22+$0x7F70]  }
0xa5: {  	v52 =	vld [tilespmem:s22+$0x7F40];
	v9 =	vmul.f32 v47, v44;
	[tilespmem:s22+$0x7FE0] =	vst v4  }
0xa6: {  	v56 =	vld [tilespmem:s22+$0x7F90];
	v8 =	vmul.f32 v43, v44;
	[tilespmem:s22+$0x7ED0] =	vst v5  }
0xa7: {  	v54 =	vld [tilespmem:s22+$0x7F60];
	v11 =	vmul.f32 v55, v27;
	[tilespmem:s22+$0x7EF0] =	vst v9  }
0xa8: {  	v58 =	vld [tilespmem:s22+$0x7FB0];
	v6 =	vmul.f32 v57, v27;
	[tilespmem:s22+$0x7EC0] =	vst v8  }
0xa9: {  	v53 =	vld [tilespmem:s22+$0x7F50];
	[tilespmem:s22+$0x7F80] =	vst v11;
	v2 =	vmul.f32 v2, v1  }
0xaa: {  	v59 =	vld [tilespmem:s22+$0x7FC0];
	v5 =	vmul.f32 v52, v1;
	[tilespmem:s22+$0x7FA0] =	vst v6  }
0xab: {  	[tilespmem:s22+$0x7F70] =	vst v2;
	v2 =	vmul.f32 v56, v27  }
0xac: {  	v3 =	vld [tilespmem:s22+$0x7E20];
	v9 =	vmul.f32 v54, v1;
	[tilespmem:s22+$0x7F40] =	vst v5  }
0xad: {  	[tilespmem:s22+$0x7F90] =	vst v2;
	v2 =	vmul.f32 v58, v27  }
0xae: {  	[tilespmem:s22+$0x7F60] =	vst v9;
	v1 =	vmul.f32 v53, v1  }
0xaf: {  	[tilespmem:s22+$0x7FB0] =	vst v2;
	v2 =	vmul.f32 v59, v27  }
0xb0: {  	[tilespmem:s22+$0x7F50] =	vst v1  }
0xb1: {  	s23 =	simm.s32 $0x1;
	[tilespmem:s22+$0x7FC0] =	vst v2;
	v2 =	vmul.f32 v3, v35  }
.LBB2_3:
0xb2: {  	s24 =	sshll.u32 s23, $0x4  }
0xb3: {  	p0 =	sne.s32 s23, $0x7;
	[tilespmem:s22+$0x7E20] =	vst v2;
	s22 =	smov.u32 s23;
	s23 =	sadd.s32 $0x1, s23  }
0xb4: {  	s24 =	sand.u32 $0x3FFFFFF0, s24  }
0xb5: {  	v1 =	vld.idx.msk [tilespmem:v0+s24+$0x0 ss:$0x1], $0xffff  }
0xb6: {  	s22 =	sshll.u32 s22, $0xB  }
0xb7: {  	s22 =	sand.u32 $0x3FFFF800, s22  }
0xb8: {  	v8 =	vld [tilespmem:s22+$0x78C0]  }
0xb9: {  	v9 =	vld [tilespmem:s22+$0x78D0]  }
0xba: {  	v10 =	vld [tilespmem:s22+$0x78B0]  }
0xbb: {  	v2 =	vbroadcast v1, $0x0;
	v7 =	vbroadcast v1, $0x4;
	v3 =	vld [tilespmem:s22+$0x7820]  }
0xbc: {  	v5 =	vld [tilespmem:s22+$0x7830]  }
0xbd: {  	v6 =	vld [tilespmem:s22+$0x7D70]  }
0xbe: {  	v11 =	vld [tilespmem:s22+$0x7860]  }
0xbf: {  	v12 =	vld [tilespmem:s22+$0x7870]  }
0xc0: {  	v4 =	vbroadcast v1, $0xA;
	v3 =	vmul.f32 v3, v2;
	v13 =	vld [tilespmem:s22+$0x7880]  }
0xc1: {  	v5 =	vmul.f32 v5, v2;
	v14 =	vld [tilespmem:s22+$0x7890]  }
0xc2: {  	[tilespmem:s22+$0x7820] =	vst v3;
	v15 =	vld [tilespmem:s22+$0x78A0];
	v3 =	vmul.f32 v6, v4  }
0xc3: {  	[tilespmem:s22+$0x7830] =	vst v5;
	v6 =	vmul.f32 v11, v2;
	v11 =	vbroadcast v1, $0x1;
	v5 =	vld [tilespmem:s22+$0x7D80]  }
0xc4: {  	v12 =	vmul.f32 v12, v2;
	[tilespmem:s22+$0x7D70] =	vst v3;
	v3 =	vld [tilespmem:s22+$0x7FD0]  }
0xc5: {  	[tilespmem:s22+$0x7860] =	vst v6;
	v13 =	vmul.f32 v13, v11;
	v6 =	vld [tilespmem:s22+$0x7D90]  }
0xc6: {  	[tilespmem:s22+$0x7870] =	vst v12;
	v12 =	vmul.f32 v14, v11;
	v14 =	vld [tilespmem:s22+$0x78E0]  }
0xc7: {  	[tilespmem:s22+$0x7880] =	vst v13;
	v13 =	vmul.f32 v15, v11;
	v15 =	vld [tilespmem:s22+$0x78F0]  }
0xc8: {  	v10 =	vmul.f32 v10, v11;
	[tilespmem:s22+$0x7890] =	vst v12;
	v12 =	vld [tilespmem:s22+$0x7900]  }
0xc9: {  	v8 =	vmul.f32 v8, v11;
	[tilespmem:s22+$0x78A0] =	vst v13;
	v13 =	vld [tilespmem:s22+$0x7910]  }
0xca: {  	v9 =	vmul.f32 v9, v11;
	[tilespmem:s22+$0x78B0] =	vst v10;
	v10 =	vld [tilespmem:s22+$0x7920]  }
0xcb: {  	[tilespmem:s22+$0x78C0] =	vst v8;
	v8 =	vmul.f32 v14, v11;
	v14 =	vbroadcast v1, $0x2;
	v16 =	vld [tilespmem:s22+$0x7930]  }
0xcc: {  	[tilespmem:s22+$0x78D0] =	vst v9;
	v9 =	vmul.f32 v15, v11;
	v11 =	vld [tilespmem:s22+$0x7940]  }
0xcd: {  	[tilespmem:s22+$0x78E0] =	vst v8;
	v8 =	vmul.f32 v12, v14;
	v12 =	vld [tilespmem:s22+$0x7950]  }
0xce: {  	[tilespmem:s22+$0x78F0] =	vst v9;
	v9 =	vmul.f32 v13, v14;
	v13 =	vld [tilespmem:s22+$0x7960]  }
0xcf: {  	[tilespmem:s22+$0x7900] =	vst v8;
	v8 =	vmul.f32 v10, v14;
	v10 =	vld [tilespmem:s22+$0x7970]  }
0xd0: {  	[tilespmem:s22+$0x7910] =	vst v9;
	v9 =	vmul.f32 v16, v14;
	v15 =	vld [tilespmem:s22+$0x7980]  }
0xd1: {  	[tilespmem:s22+$0x7920] =	vst v8;
	v8 =	vmul.f32 v11, v14;
	v11 =	vld [tilespmem:s22+$0x7990]  }
0xd2: {  	[tilespmem:s22+$0x7930] =	vst v9;
	v9 =	vmul.f32 v12, v14;
	v12 =	vld [tilespmem:s22+$0x79A0]  }
0xd3: {  	[tilespmem:s22+$0x7940] =	vst v8;
	v8 =	vmul.f32 v13, v14;
	v13 =	vbroadcast v1, $0x3;
	v16 =	vld [tilespmem:s22+$0x79B0]  }
0xd4: {  	[tilespmem:s22+$0x7950] =	vst v9;
	v9 =	vmul.f32 v10, v14;
	v10 =	vld [tilespmem:s22+$0x79C0]  }
0xd5: {  	[tilespmem:s22+$0x7960] =	vst v8;
	v8 =	vmul.f32 v15, v13;
	v14 =	vld [tilespmem:s22+$0x79D0]  }
0xd6: {  	[tilespmem:s22+$0x7970] =	vst v9;
	v9 =	vmul.f32 v11, v13;
	v11 =	vld [tilespmem:s22+$0x79E0]  }
0xd7: {  	[tilespmem:s22+$0x7980] =	vst v8;
	v8 =	vmul.f32 v12, v13;
	v12 =	vld [tilespmem:s22+$0x79F0]  }
0xd8: {  	[tilespmem:s22+$0x7990] =	vst v9;
	v9 =	vmul.f32 v16, v13;
	v15 =	vld [tilespmem:s22+$0x7A00]  }
0xd9: {  	[tilespmem:s22+$0x79A0] =	vst v8;
	v8 =	vmul.f32 v10, v13;
	v10 =	vld [tilespmem:s22+$0x7A10]  }
0xda: {  	[tilespmem:s22+$0x79B0] =	vst v9;
	v9 =	vmul.f32 v14, v13;
	v14 =	vld [tilespmem:s22+$0x7A20]  }
0xdb: {  	[tilespmem:s22+$0x79C0] =	vst v8;
	v8 =	vmul.f32 v11, v13;
	v11 =	vld [tilespmem:s22+$0x7A30]  }
0xdc: {  	[tilespmem:s22+$0x79D0] =	vst v9;
	v9 =	vmul.f32 v12, v13;
	v12 =	vld [tilespmem:s22+$0x7A40]  }
0xdd: {  	[tilespmem:s22+$0x79E0] =	vst v8;
	v8 =	vmul.f32 v15, v7;
	v13 =	vld [tilespmem:s22+$0x7A50]  }
0xde: {  	[tilespmem:s22+$0x79F0] =	vst v9;
	v9 =	vmul.f32 v10, v7;
	v10 =	vld [tilespmem:s22+$0x7A60]  }
0xdf: {  	[tilespmem:s22+$0x7A00] =	vst v8;
	v8 =	vmul.f32 v14, v7;
	v14 =	vld [tilespmem:s22+$0x7A70]  }
0xe0: {  	[tilespmem:s22+$0x7A10] =	vst v9;
	v9 =	vmul.f32 v11, v7;
	v11 =	vld [tilespmem:s22+$0x7A80]  }
0xe1: {  	[tilespmem:s22+$0x7A20] =	vst v8;
	v8 =	vmul.f32 v12, v7;
	v12 =	vld [tilespmem:s22+$0x7A90]  }
0xe2: {  	[tilespmem:s22+$0x7A30] =	vst v9;
	v9 =	vmul.f32 v13, v7;
	v13 =	vld [tilespmem:s22+$0x7AA0]  }
0xe3: {  	[tilespmem:s22+$0x7A40] =	vst v8;
	v8 =	vmul.f32 v10, v7;
	v10 =	vbroadcast v1, $0x5;
	v15 =	vld [tilespmem:s22+$0x7AB0]  }
0xe4: {  	[tilespmem:s22+$0x7A50] =	vst v9;
	v7 =	vmul.f32 v14, v7;
	v9 =	vld [tilespmem:s22+$0x7AC0]  }
0xe5: {  	[tilespmem:s22+$0x7A60] =	vst v8;
	v8 =	vmul.f32 v11, v10;
	v11 =	vld [tilespmem:s22+$0x7AD0]  }
0xe6: {  	[tilespmem:s22+$0x7A70] =	vst v7;
	v7 =	vmul.f32 v12, v10;
	v12 =	vld [tilespmem:s22+$0x7AE0]  }
0xe7: {  	[tilespmem:s22+$0x7A80] =	vst v8;
	v8 =	vmul.f32 v13, v10;
	v13 =	vld [tilespmem:s22+$0x7AF0]  }
0xe8: {  	[tilespmem:s22+$0x7A90] =	vst v7;
	v7 =	vmul.f32 v15, v10;
	v14 =	vld [tilespmem:s22+$0x7B00]  }
0xe9: {  	[tilespmem:s22+$0x7AA0] =	vst v8;
	v8 =	vmul.f32 v9, v10;
	v9 =	vld [tilespmem:s22+$0x7B10]  }
0xea: {  	[tilespmem:s22+$0x7AB0] =	vst v7;
	v7 =	vmul.f32 v11, v10;
	v11 =	vld [tilespmem:s22+$0x7B20]  }
0xeb: {  	[tilespmem:s22+$0x7AC0] =	vst v8;
	v8 =	vmul.f32 v12, v10;
	v12 =	vbroadcast v1, $0x6;
	v15 =	vld [tilespmem:s22+$0x7B30]  }
0xec: {  	[tilespmem:s22+$0x7AD0] =	vst v7;
	v7 =	vmul.f32 v13, v10;
	v10 =	vld [tilespmem:s22+$0x7B40]  }
0xed: {  	[tilespmem:s22+$0x7AE0] =	vst v8;
	v8 =	vmul.f32 v14, v12;
	v13 =	vld [tilespmem:s22+$0x7B50]  }
0xee: {  	[tilespmem:s22+$0x7AF0] =	vst v7;
	v7 =	vmul.f32 v9, v12;
	v9 =	vld [tilespmem:s22+$0x7B60]  }
0xef: {  	[tilespmem:s22+$0x7B00] =	vst v8;
	v8 =	vmul.f32 v11, v12;
	v11 =	vld [tilespmem:s22+$0x7B70]  }
0xf0: {  	[tilespmem:s22+$0x7B10] =	vst v7;
	v7 =	vmul.f32 v15, v12;
	v14 =	vld [tilespmem:s22+$0x7B80]  }
0xf1: {  	[tilespmem:s22+$0x7B20] =	vst v8;
	v8 =	vmul.f32 v10, v12;
	v10 =	vld [tilespmem:s22+$0x7B90]  }
0xf2: {  	[tilespmem:s22+$0x7B30] =	vst v7;
	v7 =	vmul.f32 v13, v12;
	v13 =	vld [tilespmem:s22+$0x7BA0]  }
0xf3: {  	[tilespmem:s22+$0x7B40] =	vst v8;
	v8 =	vmul.f32 v9, v12;
	v9 =	vbroadcast v1, $0x7;
	v15 =	vld [tilespmem:s22+$0x7BB0]  }
0xf4: {  	[tilespmem:s22+$0x7B50] =	vst v7;
	v7 =	vmul.f32 v11, v12;
	v11 =	vld [tilespmem:s22+$0x7BC0]  }
0xf5: {  	[tilespmem:s22+$0x7B60] =	vst v8;
	v8 =	vmul.f32 v14, v9;
	v12 =	vld [tilespmem:s22+$0x7BD0]  }
0xf6: {  	[tilespmem:s22+$0x7B70] =	vst v7;
	v7 =	vmul.f32 v10, v9;
	v10 =	vld [tilespmem:s22+$0x7BE0]  }
0xf7: {  	[tilespmem:s22+$0x7B80] =	vst v8;
	v8 =	vmul.f32 v13, v9;
	v13 =	vld [tilespmem:s22+$0x7BF0]  }
0xf8: {  	[tilespmem:s22+$0x7B90] =	vst v7;
	v7 =	vmul.f32 v15, v9;
	v14 =	vld [tilespmem:s22+$0x7C00]  }
0xf9: {  	[tilespmem:s22+$0x7BA0] =	vst v8;
	v8 =	vmul.f32 v11, v9;
	v11 =	vld [tilespmem:s22+$0x7C10]  }
0xfa: {  	[tilespmem:s22+$0x7BB0] =	vst v7;
	v7 =	vmul.f32 v12, v9;
	v12 =	vld [tilespmem:s22+$0x7C20]  }
0xfb: {  	[tilespmem:s22+$0x7BC0] =	vst v8;
	v8 =	vmul.f32 v10, v9;
	v10 =	vbroadcast v1, $0x8;
	v15 =	vld [tilespmem:s22+$0x7C30]  }
0xfc: {  	[tilespmem:s22+$0x7BD0] =	vst v7;
	v7 =	vmul.f32 v13, v9;
	v9 =	vld [tilespmem:s22+$0x7C40]  }
0xfd: {  	[tilespmem:s22+$0x7BE0] =	vst v8;
	v8 =	vmul.f32 v14, v10;
	v13 =	vld [tilespmem:s22+$0x7C50]  }
0xfe: {  	[tilespmem:s22+$0x7BF0] =	vst v7;
	v7 =	vmul.f32 v11, v10;
	v11 =	vld [tilespmem:s22+$0x7C60]  }
0xff: {  	[tilespmem:s22+$0x7C00] =	vst v8;
	v8 =	vmul.f32 v12, v10;
	v12 =	vld [tilespmem:s22+$0x7C70]  }
0x100: {  	[tilespmem:s22+$0x7C10] =	vst v7;
	v7 =	vmul.f32 v15, v10;
	v14 =	vld [tilespmem:s22+$0x7C80]  }
0x101: {  	[tilespmem:s22+$0x7C20] =	vst v8;
	v8 =	vmul.f32 v9, v10;
	v9 =	vld [tilespmem:s22+$0x7C90]  }
0x102: {  	[tilespmem:s22+$0x7C30] =	vst v7;
	v7 =	vmul.f32 v13, v10;
	v13 =	vld [tilespmem:s22+$0x7CA0]  }
0x103: {  	[tilespmem:s22+$0x7C40] =	vst v8;
	v8 =	vmul.f32 v11, v10;
	v11 =	vbroadcast v1, $0x9;
	v15 =	vld [tilespmem:s22+$0x7CB0]  }
0x104: {  	[tilespmem:s22+$0x7C50] =	vst v7;
	v7 =	vmul.f32 v12, v10;
	v10 =	vld [tilespmem:s22+$0x7CC0]  }
0x105: {  	[tilespmem:s22+$0x7C60] =	vst v8;
	v8 =	vmul.f32 v14, v11;
	v12 =	vld [tilespmem:s22+$0x7CD0]  }
0x106: {  	[tilespmem:s22+$0x7C70] =	vst v7;
	v7 =	vmul.f32 v9, v11;
	v9 =	vld [tilespmem:s22+$0x7CE0]  }
0x107: {  	[tilespmem:s22+$0x7C80] =	vst v8;
	v8 =	vmul.f32 v13, v11;
	v13 =	vld [tilespmem:s22+$0x7CF0]  }
0x108: {  	[tilespmem:s22+$0x7C90] =	vst v7;
	v7 =	vmul.f32 v15, v11;
	v14 =	vld [tilespmem:s22+$0x7D00]  }
0x109: {  	[tilespmem:s22+$0x7CA0] =	vst v8;
	v8 =	vmul.f32 v10, v11;
	v10 =	vld [tilespmem:s22+$0x7D10]  }
0x10a: {  	[tilespmem:s22+$0x7CB0] =	vst v7;
	v7 =	vmul.f32 v12, v11;
	v12 =	vld [tilespmem:s22+$0x7D20]  }
0x10b: {  	[tilespmem:s22+$0x7CC0] =	vst v8;
	v8 =	vmul.f32 v9, v11;
	v9 =	vld [tilespmem:s22+$0x7D30]  }
0x10c: {  	[tilespmem:s22+$0x7CD0] =	vst v7;
	v7 =	vmul.f32 v13, v11;
	v11 =	vld [tilespmem:s22+$0x7D40]  }
0x10d: {  	[tilespmem:s22+$0x7CE0] =	vst v8;
	v8 =	vmul.f32 v14, v4;
	v13 =	vld [tilespmem:s22+$0x7D50]  }
0x10e: {  	[tilespmem:s22+$0x7CF0] =	vst v7;
	v7 =	vmul.f32 v10, v4;
	v10 =	vld [tilespmem:s22+$0x7D60]  }
0x10f: {  	v14 =	vld [tilespmem:s22+$0x7800];
	[tilespmem:s22+$0x7D00] =	vst v8;
	v8 =	vmul.f32 v12, v4  }
0x110: {  	v12 =	vld [tilespmem:s22+$0x7810];
	[tilespmem:s22+$0x7D10] =	vst v7;
	v7 =	vmul.f32 v9, v4  }
0x111: {  	v9 =	vld [tilespmem:s22+$0x7840];
	[tilespmem:s22+$0x7D20] =	vst v8;
	v8 =	vmul.f32 v11, v4  }
0x112: {  	v11 =	vld [tilespmem:s22+$0x7850];
	[tilespmem:s22+$0x7D30] =	vst v7;
	v7 =	vmul.f32 v13, v4  }
0x113: {  	[tilespmem:s22+$0x7D40] =	vst v8;
	v8 =	vmul.f32 v10, v4;
	v10 =	vbroadcast v1, $0xB;
	v13 =	vld [tilespmem:s22+$0x7DA0]  }
0x114: {  	v4 =	vbroadcast v1, $0xF;
	v14 =	vmul.f32 v2, v14;
	[tilespmem:s22+$0x7D50] =	vst v7;
	v7 =	vld [tilespmem:s22+$0x7DB0]  }
0x115: {  	v12 =	vmul.f32 v12, v2;
	[tilespmem:s22+$0x7D60] =	vst v8;
	v5 =	vmul.f32 v5, v10;
	v8 =	vld [tilespmem:s22+$0x7DC0]  }
0x116: {  	v6 =	vmul.f32 v6, v10;
	[tilespmem:s22+$0x7800] =	vst v14;
	v9 =	vmul.f32 v9, v2;
	v14 =	vld [tilespmem:s22+$0x7DD0]  }
0x117: {  	v3 =	vmul.f32 v3, v4;
	v11 =	vmul.f32 v11, v2;
	[tilespmem:s22+$0x7D80] =	vst v5;
	v2 =	vld [tilespmem:s22+$0x7DE0]  }
0x118: {  	[tilespmem:s22+$0x7D90] =	vst v6;
	v5 =	vmul.f32 v13, v10;
	v6 =	vld [tilespmem:s22+$0x7DF0]  }
0x119: {  	v7 =	vmul.f32 v7, v10;
	v13 =	vld [tilespmem:s22+$0x7E00];
	[tilespmem:s22+$0x7FD0] =	vst v3  }
0x11a: {  	[tilespmem:s22+$0x7810] =	vst v12;
	v3 =	vmul.f32 v8, v10;
	v8 =	vld [tilespmem:s22+$0x7E10]  }
0x11b: {  	[tilespmem:s22+$0x7840] =	vst v9;
	v9 =	vmul.f32 v14, v10;
	v12 =	vld [tilespmem:s22+$0x7E20]  }
0x11c: {  	v14 =	vbroadcast v1, $0xC;
	[tilespmem:s22+$0x7DA0] =	vst v5;
	v5 =	vmul.f32 v2, v10;
	v15 =	vld [tilespmem:s22+$0x7E30]  }
0x11d: {  	[tilespmem:s22+$0x7DD0] =	vst v9;
	v6 =	vmul.f32 v6, v10;
	v9 =	vld [tilespmem:s22+$0x7E40]  }
0x11e: {  	[tilespmem:s22+$0x7DB0] =	vst v7;
	v2 =	vmul.f32 v13, v14;
	v7 =	vld [tilespmem:s22+$0x7E50]  }
0x11f: {  	[tilespmem:s22+$0x7DC0] =	vst v3;
	v3 =	vmul.f32 v8, v14;
	v8 =	vld [tilespmem:s22+$0x7E60]  }
0x120: {  	[tilespmem:s22+$0x7E00] =	vst v2;
	v2 =	vmul.f32 v12, v14;
	v10 =	vld [tilespmem:s22+$0x7E70]  }
0x121: {  	[tilespmem:s22+$0x7E10] =	vst v3;
	v3 =	vld [tilespmem:s22+$0x7E80]  }
0x122: {  	[tilespmem:s22+$0x7850] =	vst v11;
	v9 =	vmul.f32 v9, v14;
	v11 =	vld [tilespmem:s22+$0x7E90]  }
0x123: {  	[tilespmem:s22+$0x7DE0] =	vst v5;
	v5 =	vmul.f32 v7, v14;
	v7 =	vld [tilespmem:s22+$0x7EA0]  }
0x124: {  	[tilespmem:s22+$0x7E40] =	vst v9;
	v8 =	vmul.f32 v8, v14;
	v9 =	vbroadcast v1, $0xD;
	v12 =	vld [tilespmem:s22+$0x7EB0]  }
0x125: {  	[tilespmem:s22+$0x7E50] =	vst v5;
	v5 =	vmul.f32 v10, v14;
	v10 =	vld [tilespmem:s22+$0x7EC0]  }
0x126: {  	[tilespmem:s22+$0x7E60] =	vst v8;
	v3 =	vmul.f32 v3, v9;
	v8 =	vld [tilespmem:s22+$0x7ED0]  }
0x127: {  	[tilespmem:s22+$0x7E70] =	vst v5;
	v5 =	vmul.f32 v11, v9;
	v11 =	vld [tilespmem:s22+$0x7EE0]  }
0x128: {  	[tilespmem:s22+$0x7E80] =	vst v3;
	v3 =	vmul.f32 v7, v9;
	v7 =	vld [tilespmem:s22+$0x7EF0]  }
0x129: {  	[tilespmem:s22+$0x7E90] =	vst v5;
	v5 =	vmul.f32 v12, v9;
	v12 =	vld [tilespmem:s22+$0x7F00]  }
0x12a: {  	[tilespmem:s22+$0x7EA0] =	vst v3;
	v3 =	vmul.f32 v10, v9;
	v10 =	vld [tilespmem:s22+$0x7F10]  }
0x12b: {  	[tilespmem:s22+$0x7EB0] =	vst v5;
	v5 =	vmul.f32 v8, v9;
	v8 =	vld [tilespmem:s22+$0x7F20]  }
0x12c: {  	v1 =	vbroadcast v1, $0xE;
	[tilespmem:s22+$0x7DF0] =	vst v6;
	v6 =	vmul.f32 v11, v9;
	v11 =	vld [tilespmem:s22+$0x7F30]  }
0x12d: {  	[tilespmem:s22+$0x7ED0] =	vst v5;
	v5 =	vmul.f32 v7, v9;
	v7 =	vld [tilespmem:s22+$0x7F40]  }
0x12e: {  	[tilespmem:s22+$0x7EE0] =	vst v6;
	v6 =	vmul.f32 v12, v1;
	v9 =	vld [tilespmem:s22+$0x7F50]  }
0x12f: {  	[tilespmem:s22+$0x7EF0] =	vst v5;
	v5 =	vmul.f32 v10, v1;
	v10 =	vld [tilespmem:s22+$0x7F60]  }
0x130: {  	[tilespmem:s22+$0x7F00] =	vst v6;
	v6 =	vmul.f32 v8, v1;
	v8 =	vld [tilespmem:s22+$0x7F70]  }
0x131: {  	[tilespmem:s22+$0x7F10] =	vst v5;
	v5 =	vmul.f32 v11, v1;
	v11 =	vld [tilespmem:s22+$0x7F80]  }
0x132: {  	[tilespmem:s22+$0x7F20] =	vst v6;
	v6 =	vmul.f32 v7, v1;
	v7 =	vld [tilespmem:s22+$0x7F90]  }
0x133: {  	[tilespmem:s22+$0x7F30] =	vst v5;
	v5 =	vmul.f32 v9, v1;
	v9 =	vld [tilespmem:s22+$0x7FA0]  }
0x134: {  	[tilespmem:s22+$0x7F40] =	vst v6;
	v6 =	vmul.f32 v10, v1;
	v10 =	vld [tilespmem:s22+$0x7FB0]  }
0x135: {  	[tilespmem:s22+$0x7EC0] =	vst v3;
	v1 =	vmul.f32 v8, v1;
	v3 =	vld [tilespmem:s22+$0x7FC0]  }
0x136: {  	[tilespmem:s22+$0x7F60] =	vst v6;
	v6 =	vmul.f32 v11, v4;
	v8 =	vld [tilespmem:s22+$0x7FE0]  }
0x137: {  	[tilespmem:s22+$0x7F70] =	vst v1;
	v1 =	vmul.f32 v7, v4;
	v7 =	vld [tilespmem:s22+$0x7FF0]  }
0x138: {  	[tilespmem:s22+$0x7F80] =	vst v6;
	v6 =	vmul.f32 v9, v4  }
0x139: {  	[tilespmem:s22+$0x7F90] =	vst v1;
	v1 =	vmul.f32 v10, v4  }
0x13a: {  	v9 =	vmul.f32 v15, v14;
	[tilespmem:s22+$0x7FA0] =	vst v6  }
0x13b: {  	[tilespmem:s22+$0x7FB0] =	vst v1;
	v1 =	vmul.f32 v3, v4  }
.Ltmp0:
0x13c: {  	[tilespmem:s22+$0x7E30] =	vst v9;
	v3 =	vmul.f32 v7, v4;
	(pc) =	sbr.rel @p0 .LBB2_3-.Ltmp0, $4  }
0x13d: {  	[tilespmem:s22+$0x7FC0] =	vst v1  }
0x13e: {  	v1 =	vmul.f32 v8, v4;
	[tilespmem:s22+$0x7FF0] =	vst v3  }
0x13f: {  	[tilespmem:s22+$0x7F50] =	vst v5  }
0x140: {  	[tilespmem:s22+$0x7FE0] =	vst v1  }
0x141: {  	s20 =	sadd.s32 $0x1, s20  }
0x142: {  	p0 =	sne.s32 s20, $0x4F  }
.Ltmp1:
0x143: {  	[tilespmem:s22+$0x7E20] =	vst v2;
	s21 =	sadd.s32 $0x2800, s21;
	(pc) =	sbr.rel @p0 .LBB2_2-.Ltmp1, $4  }
0x144: {  	[spmem:s2] =	stream.indirect.scatter.add.f32 [tilespmem:s17], [sflag:$0x2], $0x80, s21, s16, $0xb8;
	[tilespmem:$0x1F800] =	vst v63  }
0x145: {  	_ =	swait.ge [sflag:s13], $0x4000  }
0x146: {  	[sflag:s13] =	ssyncset.done $0x0  }
0x147: {  	[sflag:s13] =	ssyncadd.s32 $0xFFFFC000  }
0x148: {  	s19 =	sadd.s32 $0x1, s19  }
0x149: {  	p0 =	sne.s32 s19, s9  }
.Ltmp2:
0x14a: {  	[bflag:$0x0] =	sbarrier.arrive $0xFFFF;
	(pc) =	sbr.rel @p0 .LBB2_1-.Ltmp2, $4  }
0x14b: {  	[hbm:s8], [sflag:s11] =	dma.local [spmem:s12], $0x2800  }
0x14c: {  	_ =	swait.ge [sflag:s13], $0x2800  }
0x14d: {  	[sflag:s13] =	ssyncset.done $0x0  }
0x14e: {  	[sflag:s13] =	ssyncadd.s32 $0xFFFFD800  }
0x14f: {  	_ =	sfence.sel $0x180000  }
0x150: {  	[bflag:$0x0] =	sbarrier.arrive $0xFFFF  }
0x151: {  	p0 =	sne.s32 s0, $0x0;
	_ =	strace $0x9000004A  }
0x152: {  	s0 =	sadd.s32 @!p0 $0x100000, s1;
	[bflag:$0x2] =	sbarrier.arrive $0xFFFF  }
0x153: {  	[sflag:s0] =	ssyncadd.tile.s32 @!p0 $0x1;
	_ =	shalt  }
.Lfunc_end2:
_tile_overlayer_lowered:
.L_overlay_start_2:
0x154: {  	(tag) =	ssettag $0x2  }
0x155: {  	s0 =	rddreg [dreg:$0x0];
	s2 =	stileid.u32  }
0x156: {  	s1 =	rddreg [dreg:$0x1];
	p0 =	sne.s32 s2, $0x0  }
0x157: {  	s3 =	rddreg [dreg:$0x2];
	[bflag:$0x3] =	sbarrier.arrive $0xFFFF;
	s2 =	simm.s32 @!p0 $0x1C02  }
0x158: {  	[timem:s3], [sflag:s2] =	dma.local @!p0 [hbm:s0], s1  }
0x159: {  	s0 =	simm.s32 @!p0 $0x2  }
0x15a: {  	_ =	swait.ge @!p0 [sflag:s0], s1  }
0x15b: {  	s1 =	ssub.s32 @!p0 $0x0, s1;
	[sflag:s0] =	ssyncset.done @!p0 $0x0  }
0x15c: {  	[sflag:s0] =	ssyncadd.s32 @!p0 s1  }
0x15d: {  	[bflag:$0x3] =	sbarrier.arrive $0xFFFF  }
0x15e: {  	_ =	shalt  }

// kernel: kernel.14.cloned.1.call-start
scs
__scs_entry_jumppad:
0x0: {  	(pc) =	sbr.rel $0x88, $3  }
0x1: {  	(tag) =	ssettag $0x0;
	lr =	simm.s32 $0x1  }
0x2: {  	[smem:$0x3F9A] =	sst lr;
	_ =	strace $0xD0000000  }
0x3: {  	_ = 	snop  }
0x4: {  	_ = 	snop  }
0x5: {  	_ = 	snop  }
0x6: {  	_ = 	snop  }
0x7: {  	_ = 	snop  }
__scs_overlays_trampoline_lowered:
0x8: {  	[smem:$0x3FA9] =	sst s0  }
0x9: {  	[smem:$0x3FAA] =	sst s1  }
0xa: {  	[smem:$0x3FAB] =	sst s2  }
0xb: {  	[smem:$0x3FAC] =	sst s3  }
0xc: {  	[smem:$0x3FAD] =	sst s4  }
0xd: {  	[smem:$0x3FAE] =	sst s5  }
0xe: {  	[smem:$0x3FAF] =	sst s6  }
0xf: {  	[smem:$0x3FB0] =	sst s7  }
0x10: {  	[smem:$0x3FB1] =	sst s8  }
0x11: {  	[smem:$0x3FB2] =	sst s9;
	s0 =	simm.s32 @!p0 $0x0  }
0x12: {  	s1 =	sld [smem:$0x3F98];
	s0 =	simm.s32 @p0 $0x1  }
0x13: {  	[smem:$0x3FB3] =	sst s0;
	s0 =	simm.s32 @!p1 $0x0  }
0x14: {  	s2 =	sld [smem:$0x3F97];
	s0 =	simm.s32 @p1 $0x1  }
0x15: {  	[smem:$0x3FB4] =	sst s0;
	s0 =	simm.s32 @!p2 $0x0  }
0x16: {  	s3 =	sld [smem:$0x3FDB];
	s0 =	simm.s32 @p2 $0x1  }
0x17: {  	s4 =	simm.s32 $0x1BF5;
	[smem:$0x3FB6] =	sst s0  }
0x18: {  	s0 =	sld [smem:$0x3F99];
	_ =	swait.ge [sflag:s4], $0x0  }
0x19: {  	s7 =	sld [smem:$0x3F9A]  }
0x1a: {  	s8 =	sadd.s32 $0xFFFFE003, lr  }
0x1b: {  	s9 =	sadd.s32 $0xFFFFFEF7, lr;
	s5 =	simm.s32 $0xFFFFFFFF;
	p2 =	slt.u32 s8, $0xFFFFF086  }
0x1c: {  	p1 =	slt.u32 s9, $0xF7A;
	s5 =	simm.s32 @!p2 $0x0  }
0x1d: {  	s5 =	simm.s32 @p1 $0x1;
	p0 =	seq.s32 s7, s2  }
0x1e: {  	s7 =	smul.u32 @!p0 $0xF7A, s2;
	p2 =	seq.s32 @!p0 s5, $0x0  }
0x1f: {  	s9 =	smul.u32 $0xF7A, s1;
	s8 =	simm.s32 @!p0 $0x1BF5;
	p2 =	por !p2, p0  }
0x20: {  	[sflag:s8] =	ssyncset.s32 @!p0 $0xFFFFF086;
	s6 =	sadd.s32 @!p0 s3, s7;
	s7 =	simm.s32 @!p0 $0x108  }
0x21: {  	s3 =	sadd.s32 s3, s9;
	s6 =	sadd.s32 @!p0 $0x88, s6;
	s7 =	simm.s32 @p2 $0x1082  }
0x22: {  	[simem:s7], [sflag:s8] =	dma.local @!p0 [hbm:s6], $0xF7A  }
0x23: {  	s9 =	sor.u32 $0xD0000000, s2;
	s6 =	simm.s32 $0x108;
	_ =	swait.ge @!p0 [sflag:s8], $0x0  }
0x24: {  	s3 =	sadd.s32 $0x88, s3;
	s6 =	simm.s32 @!p1 $0x1082;
	[sflag:s4] =	ssyncset.s32 $0xFFFFF086  }
0x25: {  	[simem:s6], [sflag:s4] =	dma.local [hbm:s3], $0xF7A  }
0x26: {  	[smem:$0x3F9A] =	sst s1;
	(tag) =	ssettag s2;
	_ =	strace s9  }
0x27: {  	s1 =	sld [smem:$0x3FAA]  }
0x28: {  	s2 =	sld [smem:$0x3FAB]  }
0x29: {  	s4 =	sld [smem:$0x3FAD]  }
0x2a: {  	p0 =	seq.s32 s5, $0x0;
	s5 =	sld [smem:$0x3FAE]  }
0x2b: {  	s6 =	sld [smem:$0x3FAF]  }
0x2c: {  	s7 =	sld [smem:$0x3FB0]  }
0x2d: {  	s3 =	simm.s32 $0x108;
	s8 =	sld [smem:$0x3FB1]  }
0x2e: {  	s3 =	simm.s32 @!p0 $0x1082;
	s9 =	sld [smem:$0x3FB2]  }
0x2f: {  	lr =	sadd.s32 s0, s3;
	s0 =	sld [smem:$0x3FA9]  }
0x30: {  	s3 =	sld [smem:$0x3FAC]  }
0x31: {  	[smem:$0x3FB5] =	sst s10  }
0x32: {  	s10 =	sld [smem:$0x3FB3];
	_ =	sdelay $0x3  }
0x33: {  	p0 =	seq.s32 s10, $0x1;
	s10 =	sld [smem:$0x3FB5];
	_ =	sdelay $0x3  }
0x34: {  	[smem:$0x3FB5] =	sst s10  }
0x35: {  	s10 =	sld [smem:$0x3FB4];
	_ =	sdelay $0x3  }
0x36: {  	p1 =	seq.s32 s10, $0x1;
	s10 =	sld [smem:$0x3FB5];
	_ =	sdelay $0x3  }
0x37: {  	[smem:$0x3FB5] =	sst s10  }
0x38: {  	s10 =	sld [smem:$0x3FB6]  }
0x39: {  	_ = 	snop;
	(pc) =	sbr.ind lr, $3  }
0x3a: {  	_ = 	snop  }
0x3b: {  	_ = 	snop  }
0x3c: {  	p2 =	seq.s32 s10, $0x1;
	s10 =	sld [smem:$0x3FB5]  }
0x3d: {  	_ =	shalt  }
0x3e: {  	_ =	shalt  }
0x3f: {  	_ =	shalt  }
0x40: {  	_ =	shalt  }
0x41: {  	_ =	shalt  }
0x42: {  	_ =	shalt  }
0x43: {  	_ =	shalt  }
0x44: {  	_ =	shalt  }
0x45: {  	_ =	shalt  }
0x46: {  	_ =	shalt  }
0x47: {  	_ =	shalt  }
0x48: {  	_ =	shalt  }
0x49: {  	_ =	shalt  }
0x4a: {  	_ =	shalt  }
0x4b: {  	_ =	shalt  }
0x4c: {  	_ =	shalt  }
0x4d: {  	_ =	shalt  }
0x4e: {  	_ =	shalt  }
0x4f: {  	_ =	shalt  }
0x50: {  	_ =	shalt  }
0x51: {  	_ =	shalt  }
0x52: {  	_ =	shalt  }
0x53: {  	_ =	shalt  }
0x54: {  	_ =	shalt  }
0x55: {  	_ =	shalt  }
0x56: {  	_ =	shalt  }
0x57: {  	_ =	shalt  }
0x58: {  	_ =	shalt  }
0x59: {  	_ =	shalt  }
0x5a: {  	_ =	shalt  }
0x5b: {  	_ =	shalt  }
0x5c: {  	_ =	shalt  }
0x5d: {  	_ =	shalt  }
0x5e: {  	_ =	shalt  }
0x5f: {  	_ =	shalt  }
0x60: {  	_ =	shalt  }
0x61: {  	_ =	shalt  }
0x62: {  	_ =	shalt  }
0x63: {  	_ =	shalt  }
0x64: {  	_ =	shalt  }
0x65: {  	_ =	shalt  }
0x66: {  	_ =	shalt  }
0x67: {  	_ =	shalt  }
0x68: {  	_ =	shalt  }
0x69: {  	_ =	shalt  }
0x6a: {  	_ =	shalt  }
0x6b: {  	_ =	shalt  }
0x6c: {  	_ =	shalt  }
0x6d: {  	_ =	shalt  }
0x6e: {  	_ =	shalt  }
0x6f: {  	_ =	shalt  }
0x70: {  	_ =	shalt  }
0x71: {  	_ =	shalt  }
0x72: {  	_ =	shalt  }
0x73: {  	_ =	shalt  }
0x74: {  	_ =	shalt  }
0x75: {  	_ =	shalt  }
0x76: {  	_ =	shalt  }
0x77: {  	_ =	shalt  }
0x78: {  	_ =	shalt  }
0x79: {  	_ =	shalt  }
0x7a: {  	_ =	shalt  }
0x7b: {  	_ =	shalt  }
0x7c: {  	_ =	shalt  }
0x7d: {  	_ =	shalt  }
0x7e: {  	_ =	shalt  }
0x7f: {  	_ =	shalt  }
0x80: {  	_ =	shalt  }
0x81: {  	_ =	shalt  }
0x82: {  	_ =	shalt  }
0x83: {  	_ =	shalt  }
0x84: {  	_ =	shalt  }
0x85: {  	_ =	shalt  }
0x86: {  	_ =	shalt  }
0x87: {  	_ =	shalt  }
.Lfunc_end0:
.L_simem_size_0:
called_computation.2_lowered:
.L_overlay_start_0:
0x88: {  	s2 =	sld [smem:$0x3FD9]  }
0x89: {  	s3 =	sld [smem:$0x3FFE];
	_ =	sdelay $0x1  }
0x8a: {  	s1 =	srdreg.scid  }
0x8b: {  	s0 =	sand.u32 $0x1, s1  }
0x8c: {  	s17 =	sshll.u32 s0, $0xA;
	s2 =	sadd.s32 s3, s2  }
0x8d: {  	s2 =	sadd.s32 s2, s17  }
0x8e: {  	[smem:$0x3FC1] =	sst s2  }
0x8f: {  	_ = 	snop  }
0x90: {  	s2 =	sld [smem:$0x3FD0];
	(tm) =	ssettm $0x1  }
0x91: {  	s18 =	sld [smem:$0x3FFB];
	_ =	sdelay $0x3  }
0x92: {  	_ =	strace s18  }
0x93: {  	s3 =	sld [smem:$0x3FFC];
	_ =	sdelay $0x3  }
0x94: {  	_ =	strace s3  }
0x95: {  	s3 =	sld [smem:$0x3FFD];
	_ =	sdelay $0x3  }
0x96: {  	_ =	strace s3  }
0x97: {  	_ =	strace $0x8FFFFFFF  }
0x98: {  	s19 =	sld [smem:$0x3FDB];
	_ =	sdelay $0x1  }
0x99: {  	s4 =	simm.s32 $_scs_section_size  }
0x9a: {  	s5 =	simm.s32 $_size__tile_overlayer_lowered;
	s6 =	simm.s32 $_tile_overlayer_lowered  }
0x9b: {  	s22 =	simm.s32 $0x1BFF;
	s21 =	sshll.u32 s6, $0x1;
	s3 =	sadd.s32 s4, s19  }
0x9c: {  	s7 =	simm.s32 $0x0;
	s20 =	sshll.u32 s5, $0x1;
	s5 =	sadd.s32 s21, s3  }
0x9d: {  	[timem:s7], [sflag:s22] =	dma.local [hbm:s5], s20  }
0x9e: {  	_ =	swait.ge [sflag:s22], s20  }
0x9f: {  	s4 =	ssub.s32 $0x0, s20;
	[sflag:s22] =	ssyncset.done $0x0  }
0xa0: {  	[sflag:s22] =	ssyncadd.s32 s4;
	_ =	sdelay $0x1  }
0xa1: {  	s23 =	simm.s32 $0x1B8B  }
0xa2: {  	_ =	swait.ge [sflag:s23], $0x1  }
0xa3: {  	[sflag:s23] =	ssyncset.done $0x0  }
0xa4: {  	s25 =	simm.s32 $0x1B8E;
	s24 =	sld [smem:$0x3FFE];
	[sflag:s23] =	ssyncadd.s32 $0xFFFFFFFF  }
0xa5: {  	s26 =	simm.s32 $execute0_lowered;
	[smem:$0x3FD2] =	sst s25  }
0xa6: {  	s5 =	sshll.u32 s26, $0x1;
	_ =	strace $0x8000004C;
	[dreg:$0x1] =	wrdreg $0xFFFFFFFF  }
0xa7: {  	s28 =	simm.s32 $_size_execute0_lowered;
	s3 =	sadd.s32 s3, s5;
	[dreg:$0x0] =	wrdreg $0x0  }
0xa8: {  	s5 =	sshll.u32 s28, $0x1;
	[dreg:$0x2] =	wrdreg s3  }
0xa9: {  	[dreg:$0x3] =	wrdreg s5  }
0xaa: {  	[dreg:$0x4] =	wrdreg $0xC0  }
0xab: {  	_ =	task [dreg:s7], $0x5FFFF  }
0xac: {  	[dreg:$0x1] =	wrdreg $0xFFFFFFFF  }
0xad: {  	[dreg:$0x0] =	wrdreg $0x60  }
0xae: {  	[dreg:$0x2] =	wrdreg s24  }
0xaf: {  	[dreg:$0x3] =	wrdreg s2  }
0xb0: {  	[dreg:$0x4] =	wrdreg $0xB8000  }
0xb1: {  	[dreg:$0x5] =	wrdreg $0x9  }
0xb2: {  	_ =	task.clear_ibuf [dreg:s7], $0x6FFFF;
	_ =	strace $0x9000004C  }
0xb3: {  	s29 =	simm.s32 $0x9;
	_ =	strace $0x8000004E  }
0xb4: {  	_ =	swait.ge [sflag:s29], $0x1  }
0xb5: {  	[sflag:s29] =	ssyncadd.s32 $0xFFFFFFFF  }
0xb6: {  	_ =	strace $0x9000004E  }
0xb7: {  	_ =	sfence  }
0xb8: {  	s30 =	sld [smem:$0x0];
	_ =	sdelay $0x2  }
0xb9: {  	s31 =	sshll.u32 s1, $0xD;
	s1 =	sshrl.u32 s1, $0x2  }
0xba: {  	s3 =	sand.u32 $0x4000, s31;
	s1 =	sadd.s32 s1, s30  }
0xbb: {  	s0 =	sor.u32 s3, s0;
	s1 =	sshll.u32 s1, $0x11  }
0xbc: {  	s0 =	sor.u32 s1, s0  }
0xbd: {  	s0 =	sadd.s32 $0x8F2B, s0  }
0xbe: {  	[sflag:s0] =	ssyncadd.remote.s32 $0x1  }
0xbf: {  	_ =	sfence.sel $0xFFFF  }
0xc0: {  	[dreg:$0x0] =	wrdreg $0xFFFFFFFF;
	(pc) =	sbr.abs _section_cstart, $3  }
0xc1: {  	[dreg:$0x1] =	wrdreg $0xFFFFFFFF  }
0xc2: {  	_ =	task.clear_ibuf [dreg:s7], $0x2FFFF;
	_ =	strace $0x9FFFFFFF  }
0xc3: {  	(tm) =	ssettm $0x7FFFFFFF  }
tec
execute0_lowered:
.L_overlay_start_1:
0x0: {  	(tag) =	ssettag $0x1  }
0x1: {  	s5 =	rddreg [dreg:$0x0]  }
0x2: {  	s1 =	srdreg.scid;
	s7 =	rddreg [dreg:$0x1]  }
0x3: {  	s0 =	stileid.u32;
	s2 =	rddreg [dreg:$0x2]  }
0x4: {  	s3 =	simm.s32 $0x0;
	s16 =	simm.s32 $0x80;
	s17 =	simm.s32 $0x7800  }
0x5: {  	s18 =	simm.s32 $0x1;
	s19 =	simm.s32 $0x0;
	s6 =	sand.u32 $0x1, s1  }
0x6: {  	s26 =	sshll.u32 s0, $0x1;
	[smem:$0x7FF] =	sst s3;
	s10 =	smul.u32 $0x14000, s0  }
0x7: {  	s4 =	sadd.s32 $0x17200, s5;
	s28 =	smul.u32 $0x50000, s0;
	s12 =	sadd.s32 $0x3F200, s5  }
0x8: {  	s30 =	smul.u32 $0x2800, s0;
	s31 =	sshll.u32 s0, $0x6;
	s1 =	sor.u32 s6, s26  }
0x9: {  	s9 =	smul.u32 $0x140000, s6;
	s13 =	ssub.s32 $0x2, s6;
	p0 =	seq.s32 s6, $0x1  }
0xa: {  	s15 =	smov.u32 s4;
	s8 =	smul.u32 $0x500, s1;
	s1 =	rddreg [dreg:$0x3]  }
0xb: {  	_ =	strace $0x8000004D;
	s29 =	sshrl.u32 s13, $0x1;
	s15 =	smov.u32 @p0 s12  }
0xc: {  	s9 =	sadd.s32 s10, s9;
	s10 =	sshrl.u32 s28, $0x2;
	s13 =	ssub.s32 s13, s29  }
0xd: {  	s11 =	sadd.s32 s8, s5;
	s9 =	sshrl.u32 s9, $0x3;
	s14 =	sadd.s32 s10, s2  }
0xe: {  	s6 =	sadd.s32 s7, s8;
	s10 =	sadd.s32 s15, s30;
	s15 =	simm.s32 $0x5000  }
0xf: {  	s9 =	sadd.s32 s9, s5;
	s5 =	sadd.s32 $0xD200, s11;
	s7 =	sadd.s32 $0x2200, s11  }
0x10: {  	s11 =	sor.u32 $0x1C02, s31;
	s12 =	sshrl.u32 s14, $0x3;
	s14 =	simm.s32 $0x2800  }
0x11: {  	s8 =	sadd.s32 $0x67200, s9;
	s9 =	smax.u32 s13, $0x1;
	s13 =	simm.s32 $0x2  }
.LBB2_1:
0x12: {  	[spmem:s12], [sflag:s11] =	dma.local [hbm:s10], $0x2800  }
0x13: {  	_ =	swait.ge [sflag:s13], $0x2800  }
0x14: {  	[sflag:s13] =	ssyncset.done $0x0  }
0x15: {  	[sflag:s13] =	ssyncadd.s32 $0xFFFFD800  }
0x16: {  	[tilespmem:s3], [sflag:$0x2] =	stream.linear.gather [hbm4b:s5+s3], $0x2780, $0x38;
	[tilespmem:$0x1F800] =	vst v63  }
0x17: {  	_ =	swait.ge [sflag:s13], $0x2780  }
0x18: {  	[sflag:s13] =	ssyncset.done $0x0  }
0x19: {  	[sflag:s13] =	ssyncadd.s32 $0xFFFFD880  }
0x1a: {  	[tilespmem:s14], [sflag:$0x2] =	stream.linear.gather [hbm4b:s6+s3], $0x2780, $0x38;
	[tilespmem:$0x1F800] =	vst v63  }
0x1b: {  	_ =	swait.ge [sflag:s13], $0x2780  }
0x1c: {  	[sflag:s13] =	ssyncset.done $0x0  }
0x1d: {  	[sflag:s13] =	ssyncadd.s32 $0xFFFFD880  }
0x1e: {  	[tilespmem:s15], [sflag:$0x2] =	stream.linear.gather [hbm4b:s7+s3], $0x2780, $0x38;
	[tilespmem:$0x1F800] =	vst v63  }
0x1f: {  	_ =	swait.ge [sflag:s13], $0x2780  }
0x20: {  	[sflag:s13] =	ssyncset.done $0x0  }
0x21: {  	[sflag:s13] =	ssyncadd.s32 $0xFFFFD880  }
0x22: {  	s20 =	simm.s32 $0x0;
	[bflag:$0x0] =	sbarrier.arrive $0xFFFF  }
.LBB2_2:
0x23: {  	s21 =	sshll.u32 s20, $0x7  }
0x24: {  	s22 =	sadd.s32 $0x5000, s21  }
0x25: {  	v0 =	vmov s22  }
0x26: {  	[tilespmem:s17], [sflag:$0x1] =	stream.indirect.gather [hbm4b:s4+s16], $0x80, s21, s16, $0xb8;
	[tilespmem:$0x1F800] =	vst v63  }
0x27: {  	_ =	swait.ge [sflag:s18], $0x4000  }
0x28: {  	s31 =	simm.s32 $0x0;
	[sflag:s18] =	ssyncset.done $0x0  }
0x29: {  	s22 =	sand.u32 $0x3FFFFFF0, s31;
	[sflag:s18] =	ssyncadd.s32 $0xFFFFC000  }
0x2a: {  	s23 =	simm.s32 $0x0;
	v1 =	vld.idx.msk [tilespmem:v0+s22+$0x0 ss:$0x1], $0xffff  }
0x2b: {  	s22 =	sand.u32 $0x3FFFF800, s23  }
0x2c: {  	v3 =	vld [tilespmem:s22+$0x7820]  }
0x2d: {  	v4 =	vld [tilespmem:s22+$0x7830]  }
0x2e: {  	v10 =	vld [tilespmem:s22+$0x7860]  }
0x2f: {  	v11 =	vld [tilespmem:s22+$0x7870];
	v2 =	vbroadcast v1, $0x0  }
0x30: {  	v12 =	vld [tilespmem:s22+$0x7880]  }
0x31: {  	v13 =	vld [tilespmem:s22+$0x7890];
	v3 =	vmul.f32 v3, v2  }
0x32: {  	v14 =	vld [tilespmem:s22+$0x78A0];
	v4 =	vmul.f32 v4, v2  }
0x33: {  	v9 =	vld [tilespmem:s22+$0x78B0];
	v23 =	vbroadcast v1, $0x1;
	v22 =	vmul.f32 v10, v2;
	[tilespmem:s22+$0x7820] =	vst v3  }
0x34: {  	v7 =	vld [tilespmem:s22+$0x78C0];
	v11 =	vmul.f32 v11, v2;
	[tilespmem:s22+$0x7830] =	vst v4  }
0x35: {  	v8 =	vld [tilespmem:s22+$0x78D0];
	v12 =	vmul.f32 v12, v23;
	[tilespmem:s22+$0x7860] =	vst v22  }
0x36: {  	v25 =	vld [tilespmem:s22+$0x78F0];
	v13 =	vmul.f32 v13, v23;
	[tilespmem:s22+$0x7870] =	vst v11  }
0x37: {  	v26 =	vld [tilespmem:s22+$0x7900];
	v14 =	vmul.f32 v14, v23;
	[tilespmem:s22+$0x7880] =	vst v12  }
0x38: {  	v27 =	vld [tilespmem:s22+$0x7910];
	v9 =	vmul.f32 v9, v23;
	[tilespmem:s22+$0x7890] =	vst v13  }
0x39: {  	v6 =	vld [tilespmem:s22+$0x7D70];
	v7 =	vmul.f32 v7, v23;
	[tilespmem:s22+$0x78A0] =	vst v14  }
0x3a: {  	v24 =	vld [tilespmem:s22+$0x78E0];
	v15 =	vbroadcast v1, $0x2;
	v8 =	vmul.f32 v8, v23;
	[tilespmem:s22+$0x78B0] =	vst v9  }
0x3b: {  	v28 =	vld [tilespmem:s22+$0x7920];
	v10 =	vmul.f32 v25, v23;
	[tilespmem:s22+$0x78C0] =	vst v7  }
0x3c: {  	v29 =	vld [tilespmem:s22+$0x7930];
	v5 =	vbroadcast v1, $0xA;
	v32 =	vmul.f32 v26, v15;
	[tilespmem:s22+$0x78D0] =	vst v8  }
0x3d: {  	v30 =	vld [tilespmem:s22+$0x7940];
	v34 =	vmul.f32 v27, v15;
	[tilespmem:s22+$0x78F0] =	vst v10  }
0x3e: {  	v33 =	vld [tilespmem:s22+$0x7960];
	v3 =	vmul.f32 v6, v5;
	[tilespmem:s22+$0x7900] =	vst v32  }
0x3f: {  	v35 =	vld [tilespmem:s22+$0x7970];
	v11 =	vmul.f32 v24, v23;
	[tilespmem:s22+$0x7910] =	vst v34  }
0x40: {  	v36 =	vld [tilespmem:s22+$0x7980];
	v9 =	vmul.f32 v28, v15;
	[tilespmem:s22+$0x7D70] =	vst v3  }
0x41: {  	v31 =	vld [tilespmem:s22+$0x7950];
	v7 =	vmul.f32 v29, v15;
	[tilespmem:s22+$0x78E0] =	vst v11  }
0x42: {  	v37 =	vld [tilespmem:s22+$0x7990];
	v8 =	vmul.f32 v30, v15;
	[tilespmem:s22+$0x7920] =	vst v9  }
0x43: {  	v38 =	vld [tilespmem:s22+$0x79A0];
	v41 =	vbroadcast v1, $0x3;
	v10 =	vmul.f32 v33, v15;
	[tilespmem:s22+$0x7930] =	vst v7  }
0x44: {  	v39 =	vld [tilespmem:s22+$0x79B0];
	v12 =	vmul.f32 v35, v15;
	[tilespmem:s22+$0x7940] =	vst v8  }
0x45: {  	v42 =	vld [tilespmem:s22+$0x79D0];
	v13 =	vmul.f32 v36, v41;
	[tilespmem:s22+$0x7960] =	vst v10  }
0x46: {  	v43 =	vld [tilespmem:s22+$0x79E0];
	v11 =	vmul.f32 v31, v15;
	[tilespmem:s22+$0x7970] =	vst v12  }
0x47: {  	v44 =	vld [tilespmem:s22+$0x79F0];
	v9 =	vmul.f32 v37, v41;
	[tilespmem:s22+$0x7980] =	vst v13  }
0x48: {  	v40 =	vld [tilespmem:s22+$0x79C0];
	v7 =	vmul.f32 v38, v41;
	[tilespmem:s22+$0x7950] =	vst v11  }
0x49: {  	v45 =	vld [tilespmem:s22+$0x7A00];
	v8 =	vmul.f32 v39, v41;
	[tilespmem:s22+$0x7990] =	vst v9  }
0x4a: {  	v46 =	vld [tilespmem:s22+$0x7A10];
	v10 =	vmul.f32 v42, v41;
	[tilespmem:s22+$0x79A0] =	vst v7  }
0x4b: {  	v47 =	vld [tilespmem:s22+$0x7A20];
	v12 =	vmul.f32 v43, v41;
	[tilespmem:s22+$0x79B0] =	vst v8  }
0x4c: {  	v49 =	vld [tilespmem:s22+$0x7A40];
	v50 =	vbroadcast v1, $0x4;
	v13 =	vmul.f32 v44, v41;
	[tilespmem:s22+$0x79D0] =	vst v10  }
0x4d: {  	v51 =	vld [tilespmem:s22+$0x7A50];
	v11 =	vmul.f32 v40, v41;
	[tilespmem:s22+$0x79E0] =	vst v12  }
0x4e: {  	v52 =	vld [tilespmem:s22+$0x7A60];
	v9 =	vmul.f32 v45, v50;
	[tilespmem:s22+$0x79F0] =	vst v13  }
0x4f: {  	v48 =	vld [tilespmem:s22+$0x7A30];
	v7 =	vmul.f32 v46, v50;
	[tilespmem:s22+$0x79C0] =	vst v11  }
0x50: {  	v53 =	vld [tilespmem:s22+$0x7A70];
	v8 =	vmul.f32 v47, v50;
	[tilespmem:s22+$0x7A00] =	vst v9  }
0x51: {  	v54 =	vld [tilespmem:s22+$0x7A80];
	v10 =	vmul.f32 v49, v50;
	[tilespmem:s22+$0x7A10] =	vst v7  }
0x52: {  	v55 =	vld [tilespmem:s22+$0x7A90];
	v12 =	vmul.f32 v51, v50;
	[tilespmem:s22+$0x7A20] =	vst v8  }
0x53: {  	v57 =	vld [tilespmem:s22+$0x7AB0];
	v13 =	vmul.f32 v52, v50;
	[tilespmem:s22+$0x7A40] =	vst v10  }
0x54: {  	v58 =	vld [tilespmem:s22+$0x7AC0];
	v59 =	vbroadcast v1, $0x5;
	v11 =	vmul.f32 v48, v50;
	[tilespmem:s22+$0x7A50] =	vst v12  }
0x55: {  	v60 =	vld [tilespmem:s22+$0x7AD0];
	v9 =	vmul.f32 v53, v50;
	[tilespmem:s22+$0x7A60] =	vst v13  }
0x56: {  	v56 =	vld [tilespmem:s22+$0x7AA0];
	v7 =	vmul.f32 v54, v59;
	[tilespmem:s22+$0x7A30] =	vst v11  }
0x57: {  	v61 =	vld [tilespmem:s22+$0x7AE0];
	v8 =	vmul.f32 v55, v59;
	[tilespmem:s22+$0x7A70] =	vst v9  }
0x58: {  	v62 =	vld [tilespmem:s22+$0x7AF0];
	v10 =	vmul.f32 v57, v59;
	[tilespmem:s22+$0x7A80] =	vst v7  }
0x59: {  	v63 =	vld [tilespmem:s22+$0x7B00];
	v12 =	vmul.f32 v58, v59;
	[tilespmem:s22+$0x7A90] =	vst v8  }
0x5a: {  	v19 =	vld [tilespmem:s22+$0x7B20];
	v13 =	vmul.f32 v60, v59;
	[tilespmem:s22+$0x7AB0] =	vst v10  }
0x5b: {  	v20 =	vld [tilespmem:s22+$0x7B30];
	v11 =	vmul.f32 v56, v59;
	[tilespmem:s22+$0x7AC0] =	vst v12  }
0x5c: {  	v21 =	vld [tilespmem:s22+$0x7B40];
	v22 =	vbroadcast v1, $0x6;
	v9 =	vmul.f32 v61, v59;
	[tilespmem:s22+$0x7AD0] =	vst v13  }
0x5d: {  	v18 =	vld [tilespmem:s22+$0x7B10];
	v7 =	vmul.f32 v62, v59;
	[tilespmem:s22+$0x7AA0] =	vst v11  }
0x5e: {  	v23 =	vld [tilespmem:s22+$0x7B50];
	v8 =	vmul.f32 v63, v22;
	[tilespmem:s22+$0x7AE0] =	vst v9  }
0x5f: {  	v24 =	vld [tilespmem:s22+$0x7B60];
	v10 =	vmul.f32 v19, v22;
	[tilespmem:s22+$0x7AF0] =	vst v7  }
0x60: {  	v25 =	vld [tilespmem:s22+$0x7B70];
	v12 =	vmul.f32 v20, v22;
	[tilespmem:s22+$0x7B00] =	vst v8  }
0x61: {  	v27 =	vld [tilespmem:s22+$0x7B90];
	v13 =	vmul.f32 v21, v22;
	[tilespmem:s22+$0x7B20] =	vst v10  }
0x62: {  	v28 =	vld [tilespmem:s22+$0x7BA0];
	v11 =	vmul.f32 v18, v22;
	[tilespmem:s22+$0x7B30] =	vst v12  }
0x63: {  	v29 =	vld [tilespmem:s22+$0x7BB0];
	v9 =	vmul.f32 v23, v22;
	[tilespmem:s22+$0x7B40] =	vst v13  }
0x64: {  	v31 =	vbroadcast v1, $0x7;
	v53 =	vld [tilespmem:s22+$0x7D00];
	v7 =	vmul.f32 v24, v22;
	[tilespmem:s22+$0x7B10] =	vst v11  }
0x65: {  	v57 =	vld [tilespmem:s22+$0x7D40];
	v8 =	vmul.f32 v25, v22;
	[tilespmem:s22+$0x7B50] =	vst v9  }
0x66: {  	v58 =	vld [tilespmem:s22+$0x7D50];
	v10 =	vmul.f32 v27, v31;
	[tilespmem:s22+$0x7B60] =	vst v7  }
0x67: {  	v26 =	vld [tilespmem:s22+$0x7B80];
	v12 =	vmul.f32 v28, v31;
	[tilespmem:s22+$0x7B70] =	vst v8  }
0x68: {  	v30 =	vld [tilespmem:s22+$0x7BC0];
	v13 =	vmul.f32 v29, v31;
	[tilespmem:s22+$0x7B90] =	vst v10  }
0x69: {  	v32 =	vld [tilespmem:s22+$0x7BD0];
	v59 =	vmul.f32 v53, v5;
	[tilespmem:s22+$0x7BA0] =	vst v12  }
0x6a: {  	v33 =	vld [tilespmem:s22+$0x7BE0];
	v18 =	vmul.f32 v57, v5;
	[tilespmem:s22+$0x7BB0] =	vst v13  }
0x6b: {  	v35 =	vld [tilespmem:s22+$0x7C00];
	v20 =	vmul.f32 v58, v5;
	[tilespmem:s22+$0x7D00] =	vst v59  }
0x6c: {  	v36 =	vld [tilespmem:s22+$0x7C10];
	v11 =	vmul.f32 v26, v31;
	[tilespmem:s22+$0x7D40] =	vst v18  }
0x6d: {  	v37 =	vld [tilespmem:s22+$0x7C20];
	v9 =	vmul.f32 v30, v31;
	[tilespmem:s22+$0x7D50] =	vst v20  }
0x6e: {  	v4 =	vld [tilespmem:s22+$0x7D80];
	v40 =	vbroadcast v1, $0x8;
	v7 =	vmul.f32 v32, v31;
	[tilespmem:s22+$0x7B80] =	vst v11  }
0x6f: {  	v6 =	vld [tilespmem:s22+$0x7D90];
	v8 =	vmul.f32 v33, v31;
	[tilespmem:s22+$0x7BC0] =	vst v9  }
0x70: {  	v3 =	vld [tilespmem:s22+$0x7FD0];
	v10 =	vmul.f32 v35, v40;
	[tilespmem:s22+$0x7BD0] =	vst v7  }
0x71: {  	v61 =	vld [tilespmem:s22+$0x7800];
	v23 =	vbroadcast v1, $0xB;
	v12 =	vmul.f32 v36, v40;
	[tilespmem:s22+$0x7BE0] =	vst v8  }
0x72: {  	v34 =	vld [tilespmem:s22+$0x7BF0];
	v13 =	vmul.f32 v37, v40;
	[tilespmem:s22+$0x7C00] =	vst v10  }
0x73: {  	v38 =	vld [tilespmem:s22+$0x7C30];
	v27 =	vbroadcast v1, $0xF;
	v4 =	vmul.f32 v4, v23;
	[tilespmem:s22+$0x7C10] =	vst v12  }
0x74: {  	v39 =	vld [tilespmem:s22+$0x7C40];
	v6 =	vmul.f32 v6, v23;
	[tilespmem:s22+$0x7C20] =	vst v13  }
0x75: {  	v41 =	vld [tilespmem:s22+$0x7C50];
	v3 =	vmul.f32 v3, v27;
	[tilespmem:s22+$0x7D80] =	vst v4  }
0x76: {  	v43 =	vld [tilespmem:s22+$0x7C70];
	v24 =	vmul.f32 v2, v61;
	[tilespmem:s22+$0x7D90] =	vst v6  }
0x77: {  	v44 =	vld [tilespmem:s22+$0x7C80];
	v11 =	vmul.f32 v34, v31;
	[tilespmem:s22+$0x7FD0] =	vst v3  }
0x78: {  	v45 =	vld [tilespmem:s22+$0x7C90];
	v9 =	vmul.f32 v38, v40;
	[tilespmem:s22+$0x7800] =	vst v24  }
0x79: {  	v63 =	vld [tilespmem:s22+$0x7840];
	v7 =	vmul.f32 v39, v40;
	[tilespmem:s22+$0x7BF0] =	vst v11  }
0x7a: {  	v49 =	vbroadcast v1, $0x9;
	v29 =	vld [tilespmem:s22+$0x7DF0];
	v8 =	vmul.f32 v41, v40;
	[tilespmem:s22+$0x7C30] =	vst v9  }
0x7b: {  	v42 =	vld [tilespmem:s22+$0x7C60];
	v10 =	vmul.f32 v43, v40;
	[tilespmem:s22+$0x7C40] =	vst v7  }
0x7c: {  	v46 =	vld [tilespmem:s22+$0x7CA0];
	v12 =	vmul.f32 v44, v49;
	[tilespmem:s22+$0x7C50] =	vst v8  }
0x7d: {  	v47 =	vld [tilespmem:s22+$0x7CB0];
	v13 =	vmul.f32 v45, v49;
	[tilespmem:s22+$0x7C70] =	vst v10  }
0x7e: {  	v48 =	vld [tilespmem:s22+$0x7CC0];
	v3 =	vmul.f32 v63, v2;
	[tilespmem:s22+$0x7C80] =	vst v12  }
0x7f: {  	v51 =	vld [tilespmem:s22+$0x7CE0];
	v6 =	vmul.f32 v29, v23;
	[tilespmem:s22+$0x7C90] =	vst v13  }
0x80: {  	v52 =	vld [tilespmem:s22+$0x7CF0];
	v11 =	vmul.f32 v42, v40;
	[tilespmem:s22+$0x7840] =	vst v3  }
0x81: {  	v28 =	vld [tilespmem:s22+$0x7DE0];
	v9 =	vmul.f32 v46, v49;
	[tilespmem:s22+$0x7DF0] =	vst v6  }
0x82: {  	v26 =	vld [tilespmem:s22+$0x7DD0];
	v7 =	vmul.f32 v47, v49;
	[tilespmem:s22+$0x7C60] =	vst v11  }
0x83: {  	v30 =	vld [tilespmem:s22+$0x7E00];
	v8 =	vmul.f32 v48, v49;
	[tilespmem:s22+$0x7CA0] =	vst v9  }
0x84: {  	v50 =	vld [tilespmem:s22+$0x7CD0];
	v10 =	vmul.f32 v51, v49;
	[tilespmem:s22+$0x7CB0] =	vst v7  }
0x85: {  	v54 =	vld [tilespmem:s22+$0x7D10];
	v12 =	vmul.f32 v52, v49;
	[tilespmem:s22+$0x7CC0] =	vst v8  }
0x86: {  	v55 =	vld [tilespmem:s22+$0x7D20];
	v35 =	vbroadcast v1, $0xC;
	v40 =	vmul.f32 v28, v23;
	[tilespmem:s22+$0x7CE0] =	vst v10  }
0x87: {  	v56 =	vld [tilespmem:s22+$0x7D30];
	v32 =	vmul.f32 v26, v23;
	[tilespmem:s22+$0x7CF0] =	vst v12  }
0x88: {  	v60 =	vld [tilespmem:s22+$0x7D60];
	v15 =	vmul.f32 v30, v35;
	[tilespmem:s22+$0x7DE0] =	vst v40  }
0x89: {  	v62 =	vld [tilespmem:s22+$0x7810];
	v11 =	vmul.f32 v50, v49;
	[tilespmem:s22+$0x7DD0] =	vst v32  }
0x8a: {  	v19 =	vld [tilespmem:s22+$0x7850];
	v9 =	vmul.f32 v54, v5;
	[tilespmem:s22+$0x7E00] =	vst v15  }
0x8b: {  	v33 =	vld [tilespmem:s22+$0x7E30];
	v7 =	vmul.f32 v55, v5;
	[tilespmem:s22+$0x7CD0] =	vst v11  }
0x8c: {  	v61 =	vld [tilespmem:s22+$0x7FF0];
	v8 =	vmul.f32 v56, v5;
	[tilespmem:s22+$0x7D10] =	vst v9  }
0x8d: {  	v38 =	vld [tilespmem:s22+$0x7E70];
	v5 =	vmul.f32 v60, v5;
	[tilespmem:s22+$0x7D20] =	vst v7  }
0x8e: {  	v21 =	vld [tilespmem:s22+$0x7DA0];
	v12 =	vmul.f32 v62, v2;
	[tilespmem:s22+$0x7D30] =	vst v8  }
0x8f: {  	v22 =	vld [tilespmem:s22+$0x7DB0];
	v2 =	vmul.f32 v19, v2;
	[tilespmem:s22+$0x7D60] =	vst v5  }
0x90: {  	v25 =	vld [tilespmem:s22+$0x7DC0];
	v62 =	vmul.f32 v33, v35;
	[tilespmem:s22+$0x7810] =	vst v12  }
0x91: {  	v31 =	vld [tilespmem:s22+$0x7E10];
	v63 =	vmul.f32 v61, v27;
	[tilespmem:s22+$0x7850] =	vst v2  }
0x92: {  	v34 =	vld [tilespmem:s22+$0x7E40];
	v15 =	vmul.f32 v38, v35;
	[tilespmem:s22+$0x7E30] =	vst v62  }
0x93: {  	v41 =	vld [tilespmem:s22+$0x7EA0];
	v7 =	vmul.f32 v21, v23;
	[tilespmem:s22+$0x7FF0] =	vst v63  }
0x94: {  	v46 =	vld [tilespmem:s22+$0x7EE0];
	v8 =	vmul.f32 v22, v23;
	[tilespmem:s22+$0x7E70] =	vst v15  }
0x95: {  	v36 =	vld [tilespmem:s22+$0x7E50];
	v5 =	vmul.f32 v25, v23;
	[tilespmem:s22+$0x7DA0] =	vst v7  }
0x96: {  	v44 =	vbroadcast v1, $0xD;
	v9 =	vmul.f32 v31, v35;
	v2 =	vld [tilespmem:s22+$0x7E90];
	[tilespmem:s22+$0x7DB0] =	vst v8  }
0x97: {  	v37 =	vld [tilespmem:s22+$0x7E60];
	v12 =	vmul.f32 v34, v35;
	[tilespmem:s22+$0x7DC0] =	vst v5  }
0x98: {  	v39 =	vld [tilespmem:s22+$0x7E80];
	v11 =	vmul.f32 v41, v44;
	[tilespmem:s22+$0x7E10] =	vst v9  }
0x99: {  	v42 =	vld [tilespmem:s22+$0x7EB0];
	v51 =	vmul.f32 v46, v44;
	[tilespmem:s22+$0x7E40] =	vst v12  }
0x9a: {  	v48 =	vld [tilespmem:s22+$0x7F10];
	v8 =	vmul.f32 v36, v35;
	[tilespmem:s22+$0x7EA0] =	vst v11  }
0x9b: {  	v49 =	vld [tilespmem:s22+$0x7F20];
	[tilespmem:s22+$0x7EE0] =	vst v51;
	v2 =	vmul.f32 v2, v44  }
0x9c: {  	v50 =	vld [tilespmem:s22+$0x7F30];
	v5 =	vmul.f32 v37, v35;
	[tilespmem:s22+$0x7E50] =	vst v8  }
0x9d: {  	v1 =	vbroadcast v1, $0xE;
	v9 =	vmul.f32 v39, v44;
	[tilespmem:s22+$0x7E90] =	vst v2;
	v2 =	vld [tilespmem:s22+$0x7F00]  }
0x9e: {  	v60 =	vld [tilespmem:s22+$0x7FE0];
	v12 =	vmul.f32 v42, v44;
	[tilespmem:s22+$0x7E60] =	vst v5  }
0x9f: {  	v45 =	vld [tilespmem:s22+$0x7ED0];
	v11 =	vmul.f32 v48, v1;
	[tilespmem:s22+$0x7E80] =	vst v9  }
0xa0: {  	v47 =	vld [tilespmem:s22+$0x7EF0];
	v10 =	vmul.f32 v49, v1;
	[tilespmem:s22+$0x7EB0] =	vst v12  }
0xa1: {  	v43 =	vld [tilespmem:s22+$0x7EC0];
	v6 =	vmul.f32 v50, v1;
	[tilespmem:s22+$0x7F10] =	vst v11  }
0xa2: {  	v55 =	vld [tilespmem:s22+$0x7F80];
	[tilespmem:s22+$0x7F20] =	vst v10;
	v2 =	vmul.f32 v2, v1  }
0xa3: {  	v57 =	vld [tilespmem:s22+$0x7FA0];
	v4 =	vmul.f32 v60, v27;
	[tilespmem:s22+$0x7F30] =	vst v6  }
0xa4: {  	v5 =	vmul.f32 v45, v44;
	[tilespmem:s22+$0x7F00] =	vst v2;
	v2 =	vld [tilespmem:s22+$0x7F70]  }
0xa5: {  	v52 =	vld [tilespmem:s22+$0x7F40];
	v9 =	vmul.f32 v47, v44;
	[tilespmem:s22+$0x7FE0] =	vst v4  }
0xa6: {  	v56 =	vld [tilespmem:s22+$0x7F90];
	v8 =	vmul.f32 v43, v44;
	[tilespmem:s22+$0x7ED0] =	vst v5  }
0xa7: {  	v54 =	vld [tilespmem:s22+$0x7F60];
	v11 =	vmul.f32 v55, v27;
	[tilespmem:s22+$0x7EF0] =	vst v9  }
0xa8: {  	v58 =	vld [tilespmem:s22+$0x7FB0];
	v6 =	vmul.f32 v57, v27;
	[tilespmem:s22+$0x7EC0] =	vst v8  }
0xa9: {  	v53 =	vld [tilespmem:s22+$0x7F50];
	[tilespmem:s22+$0x7F80] =	vst v11;
	v2 =	vmul.f32 v2, v1  }
0xaa: {  	v59 =	vld [tilespmem:s22+$0x7FC0];
	v5 =	vmul.f32 v52, v1;
	[tilespmem:s22+$0x7FA0] =	vst v6  }
0xab: {  	[tilespmem:s22+$0x7F70] =	vst v2;
	v2 =	vmul.f32 v56, v27  }
0xac: {  	v3 =	vld [tilespmem:s22+$0x7E20];
	v9 =	vmul.f32 v54, v1;
	[tilespmem:s22+$0x7F40] =	vst v5  }
0xad: {  	[tilespmem:s22+$0x7F90] =	vst v2;
	v2 =	vmul.f32 v58, v27  }
0xae: {  	[tilespmem:s22+$0x7F60] =	vst v9;
	v1 =	vmul.f32 v53, v1  }
0xaf: {  	[tilespmem:s22+$0x7FB0] =	vst v2;
	v2 =	vmul.f32 v59, v27  }
0xb0: {  	[tilespmem:s22+$0x7F50] =	vst v1  }
0xb1: {  	s23 =	simm.s32 $0x1;
	[tilespmem:s22+$0x7FC0] =	vst v2;
	v2 =	vmul.f32 v3, v35  }
.LBB2_3:
0xb2: {  	s24 =	sshll.u32 s23, $0x4  }
0xb3: {  	p0 =	sne.s32 s23, $0x7;
	[tilespmem:s22+$0x7E20] =	vst v2;
	s22 =	smov.u32 s23;
	s23 =	sadd.s32 $0x1, s23  }
0xb4: {  	s24 =	sand.u32 $0x3FFFFFF0, s24  }
0xb5: {  	v1 =	vld.idx.msk [tilespmem:v0+s24+$0x0 ss:$0x1], $0xffff  }
0xb6: {  	s22 =	sshll.u32 s22, $0xB  }
0xb7: {  	s22 =	sand.u32 $0x3FFFF800, s22  }
0xb8: {  	v8 =	vld [tilespmem:s22+$0x78C0]  }
0xb9: {  	v9 =	vld [tilespmem:s22+$0x78D0]  }
0xba: {  	v10 =	vld [tilespmem:s22+$0x78B0]  }
0xbb: {  	v2 =	vbroadcast v1, $0x0;
	v7 =	vbroadcast v1, $0x4;
	v3 =	vld [tilespmem:s22+$0x7820]  }
0xbc: {  	v5 =	vld [tilespmem:s22+$0x7830]  }
0xbd: {  	v6 =	vld [tilespmem:s22+$0x7D70]  }
0xbe: {  	v11 =	vld [tilespmem:s22+$0x7860]  }
0xbf: {  	v12 =	vld [tilespmem:s22+$0x7870]  }
0xc0: {  	v4 =	vbroadcast v1, $0xA;
	v3 =	vmul.f32 v3, v2;
	v13 =	vld [tilespmem:s22+$0x7880]  }
0xc1: {  	v5 =	vmul.f32 v5, v2;
	v14 =	vld [tilespmem:s22+$0x7890]  }
0xc2: {  	[tilespmem:s22+$0x7820] =	vst v3;
	v15 =	vld [tilespmem:s22+$0x78A0];
	v3 =	vmul.f32 v6, v4  }
0xc3: {  	[tilespmem:s22+$0x7830] =	vst v5;
	v6 =	vmul.f32 v11, v2;
	v11 =	vbroadcast v1, $0x1;
	v5 =	vld [tilespmem:s22+$0x7D80]  }
0xc4: {  	v12 =	vmul.f32 v12, v2;
	[tilespmem:s22+$0x7D70] =	vst v3;
	v3 =	vld [tilespmem:s22+$0x7FD0]  }
0xc5: {  	[tilespmem:s22+$0x7860] =	vst v6;
	v13 =	vmul.f32 v13, v11;
	v6 =	vld [tilespmem:s22+$0x7D90]  }
0xc6: {  	[tilespmem:s22+$0x7870] =	vst v12;
	v12 =	vmul.f32 v14, v11;
	v14 =	vld [tilespmem:s22+$0x78E0]  }
0xc7: {  	[tilespmem:s22+$0x7880] =	vst v13;
	v13 =	vmul.f32 v15, v11;
	v15 =	vld [tilespmem:s22+$0x78F0]  }
0xc8: {  	v10 =	vmul.f32 v10, v11;
	[tilespmem:s22+$0x7890] =	vst v12;
	v12 =	vld [tilespmem:s22+$0x7900]  }
0xc9: {  	v8 =	vmul.f32 v8, v11;
	[tilespmem:s22+$0x78A0] =	vst v13;
	v13 =	vld [tilespmem:s22+$0x7910]  }
0xca: {  	v9 =	vmul.f32 v9, v11;
	[tilespmem:s22+$0x78B0] =	vst v10;
	v10 =	vld [tilespmem:s22+$0x7920]  }
0xcb: {  	[tilespmem:s22+$0x78C0] =	vst v8;
	v8 =	vmul.f32 v14, v11;
	v14 =	vbroadcast v1, $0x2;
	v16 =	vld [tilespmem:s22+$0x7930]  }
0xcc: {  	[tilespmem:s22+$0x78D0] =	vst v9;
	v9 =	vmul.f32 v15, v11;
	v11 =	vld [tilespmem:s22+$0x7940]  }
0xcd: {  	[tilespmem:s22+$0x78E0] =	vst v8;
	v8 =	vmul.f32 v12, v14;
	v12 =	vld [tilespmem:s22+$0x7950]  }
0xce: {  	[tilespmem:s22+$0x78F0] =	vst v9;
	v9 =	vmul.f32 v13, v14;
	v13 =	vld [tilespmem:s22+$0x7960]  }
0xcf: {  	[tilespmem:s22+$0x7900] =	vst v8;
	v8 =	vmul.f32 v10, v14;
	v10 =	vld [tilespmem:s22+$0x7970]  }
0xd0: {  	[tilespmem:s22+$0x7910] =	vst v9;
	v9 =	vmul.f32 v16, v14;
	v15 =	vld [tilespmem:s22+$0x7980]  }
0xd1: {  	[tilespmem:s22+$0x7920] =	vst v8;
	v8 =	vmul.f32 v11, v14;
	v11 =	vld [tilespmem:s22+$0x7990]  }
0xd2: {  	[tilespmem:s22+$0x7930] =	vst v9;
	v9 =	vmul.f32 v12, v14;
	v12 =	vld [tilespmem:s22+$0x79A0]  }
0xd3: {  	[tilespmem:s22+$0x7940] =	vst v8;
	v8 =	vmul.f32 v13, v14;
	v13 =	vbroadcast v1, $0x3;
	v16 =	vld [tilespmem:s22+$0x79B0]  }
0xd4: {  	[tilespmem:s22+$0x7950] =	vst v9;
	v9 =	vmul.f32 v10, v14;
	v10 =	vld [tilespmem:s22+$0x79C0]  }
0xd5: {  	[tilespmem:s22+$0x7960] =	vst v8;
	v8 =	vmul.f32 v15, v13;
	v14 =	vld [tilespmem:s22+$0x79D0]  }
0xd6: {  	[tilespmem:s22+$0x7970] =	vst v9;
	v9 =	vmul.f32 v11, v13;
	v11 =	vld [tilespmem:s22+$0x79E0]  }
0xd7: {  	[tilespmem:s22+$0x7980] =	vst v8;
	v8 =	vmul.f32 v12, v13;
	v12 =	vld [tilespmem:s22+$0x79F0]  }
0xd8: {  	[tilespmem:s22+$0x7990] =	vst v9;
	v9 =	vmul.f32 v16, v13;
	v15 =	vld [tilespmem:s22+$0x7A00]  }
0xd9: {  	[tilespmem:s22+$0x79A0] =	vst v8;
	v8 =	vmul.f32 v10, v13;
	v10 =	vld [tilespmem:s22+$0x7A10]  }
0xda: {  	[tilespmem:s22+$0x79B0] =	vst v9;
	v9 =	vmul.f32 v14, v13;
	v14 =	vld [tilespmem:s22+$0x7A20]  }
0xdb: {  	[tilespmem:s22+$0x79C0] =	vst v8;
	v8 =	vmul.f32 v11, v13;
	v11 =	vld [tilespmem:s22+$0x7A30]  }
0xdc: {  	[tilespmem:s22+$0x79D0] =	vst v9;
	v9 =	vmul.f32 v12, v13;
	v12 =	vld [tilespmem:s22+$0x7A40]  }
0xdd: {  	[tilespmem:s22+$0x79E0] =	vst v8;
	v8 =	vmul.f32 v15, v7;
	v13 =	vld [tilespmem:s22+$0x7A50]  }
0xde: {  	[tilespmem:s22+$0x79F0] =	vst v9;
	v9 =	vmul.f32 v10, v7;
	v10 =	vld [tilespmem:s22+$0x7A60]  }
0xdf: {  	[tilespmem:s22+$0x7A00] =	vst v8;
	v8 =	vmul.f32 v14, v7;
	v14 =	vld [tilespmem:s22+$0x7A70]  }
0xe0: {  	[tilespmem:s22+$0x7A10] =	vst v9;
	v9 =	vmul.f32 v11, v7;
	v11 =	vld [tilespmem:s22+$0x7A80]  }
0xe1: {  	[tilespmem:s22+$0x7A20] =	vst v8;
	v8 =	vmul.f32 v12, v7;
	v12 =	vld [tilespmem:s22+$0x7A90]  }
0xe2: {  	[tilespmem:s22+$0x7A30] =	vst v9;
	v9 =	vmul.f32 v13, v7;
	v13 =	vld [tilespmem:s22+$0x7AA0]  }
0xe3: {  	[tilespmem:s22+$0x7A40] =	vst v8;
	v8 =	vmul.f32 v10, v7;
	v10 =	vbroadcast v1, $0x5;
	v15 =	vld [tilespmem:s22+$0x7AB0]  }
0xe4: {  	[tilespmem:s22+$0x7A50] =	vst v9;
	v7 =	vmul.f32 v14, v7;
	v9 =	vld [tilespmem:s22+$0x7AC0]  }
0xe5: {  	[tilespmem:s22+$0x7A60] =	vst v8;
	v8 =	vmul.f32 v11, v10;
	v11 =	vld [tilespmem:s22+$0x7AD0]  }
0xe6: {  	[tilespmem:s22+$0x7A70] =	vst v7;
	v7 =	vmul.f32 v12, v10;
	v12 =	vld [tilespmem:s22+$0x7AE0]  }
0xe7: {  	[tilespmem:s22+$0x7A80] =	vst v8;
	v8 =	vmul.f32 v13, v10;
	v13 =	vld [tilespmem:s22+$0x7AF0]  }
0xe8: {  	[tilespmem:s22+$0x7A90] =	vst v7;
	v7 =	vmul.f32 v15, v10;
	v14 =	vld [tilespmem:s22+$0x7B00]  }
0xe9: {  	[tilespmem:s22+$0x7AA0] =	vst v8;
	v8 =	vmul.f32 v9, v10;
	v9 =	vld [tilespmem:s22+$0x7B10]  }
0xea: {  	[tilespmem:s22+$0x7AB0] =	vst v7;
	v7 =	vmul.f32 v11, v10;
	v11 =	vld [tilespmem:s22+$0x7B20]  }
0xeb: {  	[tilespmem:s22+$0x7AC0] =	vst v8;
	v8 =	vmul.f32 v12, v10;
	v12 =	vbroadcast v1, $0x6;
	v15 =	vld [tilespmem:s22+$0x7B30]  }
0xec: {  	[tilespmem:s22+$0x7AD0] =	vst v7;
	v7 =	vmul.f32 v13, v10;
	v10 =	vld [tilespmem:s22+$0x7B40]  }
0xed: {  	[tilespmem:s22+$0x7AE0] =	vst v8;
	v8 =	vmul.f32 v14, v12;
	v13 =	vld [tilespmem:s22+$0x7B50]  }
0xee: {  	[tilespmem:s22+$0x7AF0] =	vst v7;
	v7 =	vmul.f32 v9, v12;
	v9 =	vld [tilespmem:s22+$0x7B60]  }
0xef: {  	[tilespmem:s22+$0x7B00] =	vst v8;
	v8 =	vmul.f32 v11, v12;
	v11 =	vld [tilespmem:s22+$0x7B70]  }
0xf0: {  	[tilespmem:s22+$0x7B10] =	vst v7;
	v7 =	vmul.f32 v15, v12;
	v14 =	vld [tilespmem:s22+$0x7B80]  }
0xf1: {  	[tilespmem:s22+$0x7B20] =	vst v8;
	v8 =	vmul.f32 v10, v12;
	v10 =	vld [tilespmem:s22+$0x7B90]  }
0xf2: {  	[tilespmem:s22+$0x7B30] =	vst v7;
	v7 =	vmul.f32 v13, v12;
	v13 =	vld [tilespmem:s22+$0x7BA0]  }
0xf3: {  	[tilespmem:s22+$0x7B40] =	vst v8;
	v8 =	vmul.f32 v9, v12;
	v9 =	vbroadcast v1, $0x7;
	v15 =	vld [tilespmem:s22+$0x7BB0]  }
0xf4: {  	[tilespmem:s22+$0x7B50] =	vst v7;
	v7 =	vmul.f32 v11, v12;
	v11 =	vld [tilespmem:s22+$0x7BC0]  }
0xf5: {  	[tilespmem:s22+$0x7B60] =	vst v8;
	v8 =	vmul.f32 v14, v9;
	v12 =	vld [tilespmem:s22+$0x7BD0]  }
0xf6: {  	[tilespmem:s22+$0x7B70] =	vst v7;
	v7 =	vmul.f32 v10, v9;
	v10 =	vld [tilespmem:s22+$0x7BE0]  }
0xf7: {  	[tilespmem:s22+$0x7B80] =	vst v8;
	v8 =	vmul.f32 v13, v9;
	v13 =	vld [tilespmem:s22+$0x7BF0]  }
0xf8: {  	[tilespmem:s22+$0x7B90] =	vst v7;
	v7 =	vmul.f32 v15, v9;
	v14 =	vld [tilespmem:s22+$0x7C00]  }
0xf9: {  	[tilespmem:s22+$0x7BA0] =	vst v8;
	v8 =	vmul.f32 v11, v9;
	v11 =	vld [tilespmem:s22+$0x7C10]  }
0xfa: {  	[tilespmem:s22+$0x7BB0] =	vst v7;
	v7 =	vmul.f32 v12, v9;
	v12 =	vld [tilespmem:s22+$0x7C20]  }
0xfb: {  	[tilespmem:s22+$0x7BC0] =	vst v8;
	v8 =	vmul.f32 v10, v9;
	v10 =	vbroadcast v1, $0x8;
	v15 =	vld [tilespmem:s22+$0x7C30]  }
0xfc: {  	[tilespmem:s22+$0x7BD0] =	vst v7;
	v7 =	vmul.f32 v13, v9;
	v9 =	vld [tilespmem:s22+$0x7C40]  }
0xfd: {  	[tilespmem:s22+$0x7BE0] =	vst v8;
	v8 =	vmul.f32 v14, v10;
	v13 =	vld [tilespmem:s22+$0x7C50]  }
0xfe: {  	[tilespmem:s22+$0x7BF0] =	vst v7;
	v7 =	vmul.f32 v11, v10;
	v11 =	vld [tilespmem:s22+$0x7C60]  }
0xff: {  	[tilespmem:s22+$0x7C00] =	vst v8;
	v8 =	vmul.f32 v12, v10;
	v12 =	vld [tilespmem:s22+$0x7C70]  }
0x100: {  	[tilespmem:s22+$0x7C10] =	vst v7;
	v7 =	vmul.f32 v15, v10;
	v14 =	vld [tilespmem:s22+$0x7C80]  }
0x101: {  	[tilespmem:s22+$0x7C20] =	vst v8;
	v8 =	vmul.f32 v9, v10;
	v9 =	vld [tilespmem:s22+$0x7C90]  }
0x102: {  	[tilespmem:s22+$0x7C30] =	vst v7;
	v7 =	vmul.f32 v13, v10;
	v13 =	vld [tilespmem:s22+$0x7CA0]  }
0x103: {  	[tilespmem:s22+$0x7C40] =	vst v8;
	v8 =	vmul.f32 v11, v10;
	v11 =	vbroadcast v1, $0x9;
	v15 =	vld [tilespmem:s22+$0x7CB0]  }
0x104: {  	[tilespmem:s22+$0x7C50] =	vst v7;
	v7 =	vmul.f32 v12, v10;
	v10 =	vld [tilespmem:s22+$0x7CC0]  }
0x105: {  	[tilespmem:s22+$0x7C60] =	vst v8;
	v8 =	vmul.f32 v14, v11;
	v12 =	vld [tilespmem:s22+$0x7CD0]  }
0x106: {  	[tilespmem:s22+$0x7C70] =	vst v7;
	v7 =	vmul.f32 v9, v11;
	v9 =	vld [tilespmem:s22+$0x7CE0]  }
0x107: {  	[tilespmem:s22+$0x7C80] =	vst v8;
	v8 =	vmul.f32 v13, v11;
	v13 =	vld [tilespmem:s22+$0x7CF0]  }
0x108: {  	[tilespmem:s22+$0x7C90] =	vst v7;
	v7 =	vmul.f32 v15, v11;
	v14 =	vld [tilespmem:s22+$0x7D00]  }
0x109: {  	[tilespmem:s22+$0x7CA0] =	vst v8;
	v8 =	vmul.f32 v10, v11;
	v10 =	vld [tilespmem:s22+$0x7D10]  }
0x10a: {  	[tilespmem:s22+$0x7CB0] =	vst v7;
	v7 =	vmul.f32 v12, v11;
	v12 =	vld [tilespmem:s22+$0x7D20]  }
0x10b: {  	[tilespmem:s22+$0x7CC0] =	vst v8;
	v8 =	vmul.f32 v9, v11;
	v9 =	vld [tilespmem:s22+$0x7D30]  }
0x10c: {  	[tilespmem:s22+$0x7CD0] =	vst v7;
	v7 =	vmul.f32 v13, v11;
	v11 =	vld [tilespmem:s22+$0x7D40]  }
0x10d: {  	[tilespmem:s22+$0x7CE0] =	vst v8;
	v8 =	vmul.f32 v14, v4;
	v13 =	vld [tilespmem:s22+$0x7D50]  }
0x10e: {  	[tilespmem:s22+$0x7CF0] =	vst v7;
	v7 =	vmul.f32 v10, v4;
	v10 =	vld [tilespmem:s22+$0x7D60]  }
0x10f: {  	v14 =	vld [tilespmem:s22+$0x7800];
	[tilespmem:s22+$0x7D00] =	vst v8;
	v8 =	vmul.f32 v12, v4  }
0x110: {  	v12 =	vld [tilespmem:s22+$0x7810];
	[tilespmem:s22+$0x7D10] =	vst v7;
	v7 =	vmul.f32 v9, v4  }
0x111: {  	v9 =	vld [tilespmem:s22+$0x7840];
	[tilespmem:s22+$0x7D20] =	vst v8;
	v8 =	vmul.f32 v11, v4  }
0x112: {  	v11 =	vld [tilespmem:s22+$0x7850];
	[tilespmem:s22+$0x7D30] =	vst v7;
	v7 =	vmul.f32 v13, v4  }
0x113: {  	[tilespmem:s22+$0x7D40] =	vst v8;
	v8 =	vmul.f32 v10, v4;
	v10 =	vbroadcast v1, $0xB;
	v13 =	vld [tilespmem:s22+$0x7DA0]  }
0x114: {  	v4 =	vbroadcast v1, $0xF;
	v14 =	vmul.f32 v2, v14;
	[tilespmem:s22+$0x7D50] =	vst v7;
	v7 =	vld [tilespmem:s22+$0x7DB0]  }
0x115: {  	v12 =	vmul.f32 v12, v2;
	[tilespmem:s22+$0x7D60] =	vst v8;
	v5 =	vmul.f32 v5, v10;
	v8 =	vld [tilespmem:s22+$0x7DC0]  }
0x116: {  	v6 =	vmul.f32 v6, v10;
	[tilespmem:s22+$0x7800] =	vst v14;
	v9 =	vmul.f32 v9, v2;
	v14 =	vld [tilespmem:s22+$0x7DD0]  }
0x117: {  	v3 =	vmul.f32 v3, v4;
	v11 =	vmul.f32 v11, v2;
	[tilespmem:s22+$0x7D80] =	vst v5;
	v2 =	vld [tilespmem:s22+$0x7DE0]  }
0x118: {  	[tilespmem:s22+$0x7D90] =	vst v6;
	v5 =	vmul.f32 v13, v10;
	v6 =	vld [tilespmem:s22+$0x7DF0]  }
0x119: {  	v7 =	vmul.f32 v7, v10;
	v13 =	vld [tilespmem:s22+$0x7E00];
	[tilespmem:s22+$0x7FD0] =	vst v3  }
0x11a: {  	[tilespmem:s22+$0x7810] =	vst v12;
	v3 =	vmul.f32 v8, v10;
	v8 =	vld [tilespmem:s22+$0x7E10]  }
0x11b: {  	[tilespmem:s22+$0x7840] =	vst v9;
	v9 =	vmul.f32 v14, v10;
	v12 =	vld [tilespmem:s22+$0x7E20]  }
0x11c: {  	v14 =	vbroadcast v1, $0xC;
	[tilespmem:s22+$0x7DA0] =	vst v5;
	v5 =	vmul.f32 v2, v10;
	v15 =	vld [tilespmem:s22+$0x7E30]  }
0x11d: {  	[tilespmem:s22+$0x7DD0] =	vst v9;
	v6 =	vmul.f32 v6, v10;
	v9 =	vld [tilespmem:s22+$0x7E40]  }
0x11e: {  	[tilespmem:s22+$0x7DB0] =	vst v7;
	v2 =	vmul.f32 v13, v14;
	v7 =	vld [tilespmem:s22+$0x7E50]  }
0x11f: {  	[tilespmem:s22+$0x7DC0] =	vst v3;
	v3 =	vmul.f32 v8, v14;
	v8 =	vld [tilespmem:s22+$0x7E60]  }
0x120: {  	[tilespmem:s22+$0x7E00] =	vst v2;
	v2 =	vmul.f32 v12, v14;
	v10 =	vld [tilespmem:s22+$0x7E70]  }
0x121: {  	[tilespmem:s22+$0x7E10] =	vst v3;
	v3 =	vld [tilespmem:s22+$0x7E80]  }
0x122: {  	[tilespmem:s22+$0x7850] =	vst v11;
	v9 =	vmul.f32 v9, v14;
	v11 =	vld [tilespmem:s22+$0x7E90]  }
0x123: {  	[tilespmem:s22+$0x7DE0] =	vst v5;
	v5 =	vmul.f32 v7, v14;
	v7 =	vld [tilespmem:s22+$0x7EA0]  }
0x124: {  	[tilespmem:s22+$0x7E40] =	vst v9;
	v8 =	vmul.f32 v8, v14;
	v9 =	vbroadcast v1, $0xD;
	v12 =	vld [tilespmem:s22+$0x7EB0]  }
0x125: {  	[tilespmem:s22+$0x7E50] =	vst v5;
	v5 =	vmul.f32 v10, v14;
	v10 =	vld [tilespmem:s22+$0x7EC0]  }
0x126: {  	[tilespmem:s22+$0x7E60] =	vst v8;
	v3 =	vmul.f32 v3, v9;
	v8 =	vld [tilespmem:s22+$0x7ED0]  }
0x127: {  	[tilespmem:s22+$0x7E70] =	vst v5;
	v5 =	vmul.f32 v11, v9;
	v11 =	vld [tilespmem:s22+$0x7EE0]  }
0x128: {  	[tilespmem:s22+$0x7E80] =	vst v3;
	v3 =	vmul.f32 v7, v9;
	v7 =	vld [tilespmem:s22+$0x7EF0]  }
0x129: {  	[tilespmem:s22+$0x7E90] =	vst v5;
	v5 =	vmul.f32 v12, v9;
	v12 =	vld [tilespmem:s22+$0x7F00]  }
0x12a: {  	[tilespmem:s22+$0x7EA0] =	vst v3;
	v3 =	vmul.f32 v10, v9;
	v10 =	vld [tilespmem:s22+$0x7F10]  }
0x12b: {  	[tilespmem:s22+$0x7EB0] =	vst v5;
	v5 =	vmul.f32 v8, v9;
	v8 =	vld [tilespmem:s22+$0x7F20]  }
0x12c: {  	v1 =	vbroadcast v1, $0xE;
	[tilespmem:s22+$0x7DF0] =	vst v6;
	v6 =	vmul.f32 v11, v9;
	v11 =	vld [tilespmem:s22+$0x7F30]  }
0x12d: {  	[tilespmem:s22+$0x7ED0] =	vst v5;
	v5 =	vmul.f32 v7, v9;
	v7 =	vld [tilespmem:s22+$0x7F40]  }
0x12e: {  	[tilespmem:s22+$0x7EE0] =	vst v6;
	v6 =	vmul.f32 v12, v1;
	v9 =	vld [tilespmem:s22+$0x7F50]  }
0x12f: {  	[tilespmem:s22+$0x7EF0] =	vst v5;
	v5 =	vmul.f32 v10, v1;
	v10 =	vld [tilespmem:s22+$0x7F60]  }
0x130: {  	[tilespmem:s22+$0x7F00] =	vst v6;
	v6 =	vmul.f32 v8, v1;
	v8 =	vld [tilespmem:s22+$0x7F70]  }
0x131: {  	[tilespmem:s22+$0x7F10] =	vst v5;
	v5 =	vmul.f32 v11, v1;
	v11 =	vld [tilespmem:s22+$0x7F80]  }
0x132: {  	[tilespmem:s22+$0x7F20] =	vst v6;
	v6 =	vmul.f32 v7, v1;
	v7 =	vld [tilespmem:s22+$0x7F90]  }
0x133: {  	[tilespmem:s22+$0x7F30] =	vst v5;
	v5 =	vmul.f32 v9, v1;
	v9 =	vld [tilespmem:s22+$0x7FA0]  }
0x134: {  	[tilespmem:s22+$0x7F40] =	vst v6;
	v6 =	vmul.f32 v10, v1;
	v10 =	vld [tilespmem:s22+$0x7FB0]  }
0x135: {  	[tilespmem:s22+$0x7EC0] =	vst v3;
	v1 =	vmul.f32 v8, v1;
	v3 =	vld [tilespmem:s22+$0x7FC0]  }
0x136: {  	[tilespmem:s22+$0x7F60] =	vst v6;
	v6 =	vmul.f32 v11, v4;
	v8 =	vld [tilespmem:s22+$0x7FE0]  }
0x137: {  	[tilespmem:s22+$0x7F70] =	vst v1;
	v1 =	vmul.f32 v7, v4;
	v7 =	vld [tilespmem:s22+$0x7FF0]  }
0x138: {  	[tilespmem:s22+$0x7F80] =	vst v6;
	v6 =	vmul.f32 v9, v4  }
0x139: {  	[tilespmem:s22+$0x7F90] =	vst v1;
	v1 =	vmul.f32 v10, v4  }
0x13a: {  	v9 =	vmul.f32 v15, v14;
	[tilespmem:s22+$0x7FA0] =	vst v6  }
0x13b: {  	[tilespmem:s22+$0x7FB0] =	vst v1;
	v1 =	vmul.f32 v3, v4  }
.Ltmp0:
0x13c: {  	[tilespmem:s22+$0x7E30] =	vst v9;
	v3 =	vmul.f32 v7, v4;
	(pc) =	sbr.rel @p0 .LBB2_3-.Ltmp0, $4  }
0x13d: {  	[tilespmem:s22+$0x7FC0] =	vst v1  }
0x13e: {  	v1 =	vmul.f32 v8, v4;
	[tilespmem:s22+$0x7FF0] =	vst v3  }
0x13f: {  	[tilespmem:s22+$0x7F50] =	vst v5  }
0x140: {  	[tilespmem:s22+$0x7FE0] =	vst v1  }
0x141: {  	s20 =	sadd.s32 $0x1, s20  }
0x142: {  	p0 =	sne.s32 s20, $0x4F  }
.Ltmp1:
0x143: {  	[tilespmem:s22+$0x7E20] =	vst v2;
	s21 =	sadd.s32 $0x2800, s21;
	(pc) =	sbr.rel @p0 .LBB2_2-.Ltmp1, $4  }
0x144: {  	[spmem:s2] =	stream.indirect.scatter.add.f32 [tilespmem:s17], [sflag:$0x2], $0x80, s21, s16, $0xb8;
	[tilespmem:$0x1F800] =	vst v63  }
0x145: {  	_ =	swait.ge [sflag:s13], $0x4000  }
0x146: {  	[sflag:s13] =	ssyncset.done $0x0  }
0x147: {  	[sflag:s13] =	ssyncadd.s32 $0xFFFFC000  }
0x148: {  	s19 =	sadd.s32 $0x1, s19  }
0x149: {  	p0 =	sne.s32 s19, s9  }
.Ltmp2:
0x14a: {  	[bflag:$0x0] =	sbarrier.arrive $0xFFFF;
	(pc) =	sbr.rel @p0 .LBB2_1-.Ltmp2, $4  }
0x14b: {  	[hbm:s8], [sflag:s11] =	dma.local [spmem:s12], $0x2800  }
0x14c: {  	_ =	swait.ge [sflag:s13], $0x2800  }
0x14d: {  	[sflag:s13] =	ssyncset.done $0x0  }
0x14e: {  	[sflag:s13] =	ssyncadd.s32 $0xFFFFD800  }
0x14f: {  	_ =	sfence.sel $0x180000  }
0x150: {  	[bflag:$0x0] =	sbarrier.arrive $0xFFFF  }
0x151: {  	p0 =	sne.s32 s0, $0x0;
	_ =	strace $0x9000004D  }
0x152: {  	s0 =	sadd.s32 @!p0 $0x100000, s1;
	[bflag:$0x2] =	sbarrier.arrive $0xFFFF  }
0x153: {  	[sflag:s0] =	ssyncadd.tile.s32 @!p0 $0x1;
	_ =	shalt  }
.Lfunc_end2:
_tile_overlayer_lowered:
.L_overlay_start_2:
0x154: {  	(tag) =	ssettag $0x2  }
0x155: {  	s0 =	rddreg [dreg:$0x0];
	s2 =	stileid.u32  }
0x156: {  	s1 =	rddreg [dreg:$0x1];
	p0 =	sne.s32 s2, $0x0  }
0x157: {  	s3 =	rddreg [dreg:$0x2];
	[bflag:$0x3] =	sbarrier.arrive $0xFFFF;
	s2 =	simm.s32 @!p0 $0x1C02  }
0x158: {  	[timem:s3], [sflag:s2] =	dma.local @!p0 [hbm:s0], s1  }
0x159: {  	s0 =	simm.s32 @!p0 $0x2  }
0x15a: {  	_ =	swait.ge @!p0 [sflag:s0], s1  }
0x15b: {  	s1 =	ssub.s32 @!p0 $0x0, s1;
	[sflag:s0] =	ssyncset.done @!p0 $0x0  }
0x15c: {  	[sflag:s0] =	ssyncadd.s32 @!p0 s1  }
0x15d: {  	[bflag:$0x3] =	sbarrier.arrive $0xFFFF  }
0x15e: {  	_ =	shalt  }

// kernel: kernel.8.cloned.1.call-start
scs
__scs_entry_jumppad:
0x0: {  	(pc) =	sbr.rel $0x88, $3  }
0x1: {  	(tag) =	ssettag $0x0;
	lr =	simm.s32 $0x1  }
0x2: {  	[smem:$0x3F9A] =	sst lr;
	_ =	strace $0xD0000000  }
0x3: {  	_ = 	snop  }
0x4: {  	_ = 	snop  }
0x5: {  	_ = 	snop  }
0x6: {  	_ = 	snop  }
0x7: {  	_ = 	snop  }
__scs_overlays_trampoline_lowered:
0x8: {  	[smem:$0x3FA9] =	sst s0  }
0x9: {  	[smem:$0x3FAA] =	sst s1  }
0xa: {  	[smem:$0x3FAB] =	sst s2  }
0xb: {  	[smem:$0x3FAC] =	sst s3  }
0xc: {  	[smem:$0x3FAD] =	sst s4  }
0xd: {  	[smem:$0x3FAE] =	sst s5  }
0xe: {  	[smem:$0x3FAF] =	sst s6  }
0xf: {  	[smem:$0x3FB0] =	sst s7  }
0x10: {  	[smem:$0x3FB1] =	sst s8  }
0x11: {  	[smem:$0x3FB2] =	sst s9;
	s0 =	simm.s32 @!p0 $0x0  }
0x12: {  	s1 =	sld [smem:$0x3F98];
	s0 =	simm.s32 @p0 $0x1  }
0x13: {  	[smem:$0x3FB3] =	sst s0;
	s0 =	simm.s32 @!p1 $0x0  }
0x14: {  	s2 =	sld [smem:$0x3F97];
	s0 =	simm.s32 @p1 $0x1  }
0x15: {  	[smem:$0x3FB4] =	sst s0;
	s0 =	simm.s32 @!p2 $0x0  }
0x16: {  	s3 =	sld [smem:$0x3FDB];
	s0 =	simm.s32 @p2 $0x1  }
0x17: {  	s4 =	simm.s32 $0x1BF5;
	[smem:$0x3FB6] =	sst s0  }
0x18: {  	s0 =	sld [smem:$0x3F99];
	_ =	swait.ge [sflag:s4], $0x0  }
0x19: {  	s7 =	sld [smem:$0x3F9A]  }
0x1a: {  	s8 =	sadd.s32 $0xFFFFE003, lr  }
0x1b: {  	s9 =	sadd.s32 $0xFFFFFEF7, lr;
	s5 =	simm.s32 $0xFFFFFFFF;
	p2 =	slt.u32 s8, $0xFFFFF086  }
0x1c: {  	p1 =	slt.u32 s9, $0xF7A;
	s5 =	simm.s32 @!p2 $0x0  }
0x1d: {  	s5 =	simm.s32 @p1 $0x1;
	p0 =	seq.s32 s7, s2  }
0x1e: {  	s7 =	smul.u32 @!p0 $0xF7A, s2;
	p2 =	seq.s32 @!p0 s5, $0x0  }
0x1f: {  	s9 =	smul.u32 $0xF7A, s1;
	s8 =	simm.s32 @!p0 $0x1BF5;
	p2 =	por !p2, p0  }
0x20: {  	[sflag:s8] =	ssyncset.s32 @!p0 $0xFFFFF086;
	s6 =	sadd.s32 @!p0 s3, s7;
	s7 =	simm.s32 @!p0 $0x108  }
0x21: {  	s3 =	sadd.s32 s3, s9;
	s6 =	sadd.s32 @!p0 $0x88, s6;
	s7 =	simm.s32 @p2 $0x1082  }
0x22: {  	[simem:s7], [sflag:s8] =	dma.local @!p0 [hbm:s6], $0xF7A  }
0x23: {  	s9 =	sor.u32 $0xD0000000, s2;
	s6 =	simm.s32 $0x108;
	_ =	swait.ge @!p0 [sflag:s8], $0x0  }
0x24: {  	s3 =	sadd.s32 $0x88, s3;
	s6 =	simm.s32 @!p1 $0x1082;
	[sflag:s4] =	ssyncset.s32 $0xFFFFF086  }
0x25: {  	[simem:s6], [sflag:s4] =	dma.local [hbm:s3], $0xF7A  }
0x26: {  	[smem:$0x3F9A] =	sst s1;
	(tag) =	ssettag s2;
	_ =	strace s9  }
0x27: {  	s1 =	sld [smem:$0x3FAA]  }
0x28: {  	s2 =	sld [smem:$0x3FAB]  }
0x29: {  	s4 =	sld [smem:$0x3FAD]  }
0x2a: {  	p0 =	seq.s32 s5, $0x0;
	s5 =	sld [smem:$0x3FAE]  }
0x2b: {  	s6 =	sld [smem:$0x3FAF]  }
0x2c: {  	s7 =	sld [smem:$0x3FB0]  }
0x2d: {  	s3 =	simm.s32 $0x108;
	s8 =	sld [smem:$0x3FB1]  }
0x2e: {  	s3 =	simm.s32 @!p0 $0x1082;
	s9 =	sld [smem:$0x3FB2]  }
0x2f: {  	lr =	sadd.s32 s0, s3;
	s0 =	sld [smem:$0x3FA9]  }
0x30: {  	s3 =	sld [smem:$0x3FAC]  }
0x31: {  	[smem:$0x3FB5] =	sst s10  }
0x32: {  	s10 =	sld [smem:$0x3FB3];
	_ =	sdelay $0x3  }
0x33: {  	p0 =	seq.s32 s10, $0x1;
	s10 =	sld [smem:$0x3FB5];
	_ =	sdelay $0x3  }
0x34: {  	[smem:$0x3FB5] =	sst s10  }
0x35: {  	s10 =	sld [smem:$0x3FB4];
	_ =	sdelay $0x3  }
0x36: {  	p1 =	seq.s32 s10, $0x1;
	s10 =	sld [smem:$0x3FB5];
	_ =	sdelay $0x3  }
0x37: {  	[smem:$0x3FB5] =	sst s10  }
0x38: {  	s10 =	sld [smem:$0x3FB6]  }
0x39: {  	_ = 	snop;
	(pc) =	sbr.ind lr, $3  }
0x3a: {  	_ = 	snop  }
0x3b: {  	_ = 	snop  }
0x3c: {  	p2 =	seq.s32 s10, $0x1;
	s10 =	sld [smem:$0x3FB5]  }
0x3d: {  	_ =	shalt  }
0x3e: {  	_ =	shalt  }
0x3f: {  	_ =	shalt  }
0x40: {  	_ =	shalt  }
0x41: {  	_ =	shalt  }
0x42: {  	_ =	shalt  }
0x43: {  	_ =	shalt  }
0x44: {  	_ =	shalt  }
0x45: {  	_ =	shalt  }
0x46: {  	_ =	shalt  }
0x47: {  	_ =	shalt  }
0x48: {  	_ =	shalt  }
0x49: {  	_ =	shalt  }
0x4a: {  	_ =	shalt  }
0x4b: {  	_ =	shalt  }
0x4c: {  	_ =	shalt  }
0x4d: {  	_ =	shalt  }
0x4e: {  	_ =	shalt  }
0x4f: {  	_ =	shalt  }
0x50: {  	_ =	shalt  }
0x51: {  	_ =	shalt  }
0x52: {  	_ =	shalt  }
0x53: {  	_ =	shalt  }
0x54: {  	_ =	shalt  }
0x55: {  	_ =	shalt  }
0x56: {  	_ =	shalt  }
0x57: {  	_ =	shalt  }
0x58: {  	_ =	shalt  }
0x59: {  	_ =	shalt  }
0x5a: {  	_ =	shalt  }
0x5b: {  	_ =	shalt  }
0x5c: {  	_ =	shalt  }
0x5d: {  	_ =	shalt  }
0x5e: {  	_ =	shalt  }
0x5f: {  	_ =	shalt  }
0x60: {  	_ =	shalt  }
0x61: {  	_ =	shalt  }
0x62: {  	_ =	shalt  }
0x63: {  	_ =	shalt  }
0x64: {  	_ =	shalt  }
0x65: {  	_ =	shalt  }
0x66: {  	_ =	shalt  }
0x67: {  	_ =	shalt  }
0x68: {  	_ =	shalt  }
0x69: {  	_ =	shalt  }
0x6a: {  	_ =	shalt  }
0x6b: {  	_ =	shalt  }
0x6c: {  	_ =	shalt  }
0x6d: {  	_ =	shalt  }
0x6e: {  	_ =	shalt  }
0x6f: {  	_ =	shalt  }
0x70: {  	_ =	shalt  }
0x71: {  	_ =	shalt  }
0x72: {  	_ =	shalt  }
0x73: {  	_ =	shalt  }
0x74: {  	_ =	shalt  }
0x75: {  	_ =	shalt  }
0x76: {  	_ =	shalt  }
0x77: {  	_ =	shalt  }
0x78: {  	_ =	shalt  }
0x79: {  	_ =	shalt  }
0x7a: {  	_ =	shalt  }
0x7b: {  	_ =	shalt  }
0x7c: {  	_ =	shalt  }
0x7d: {  	_ =	shalt  }
0x7e: {  	_ =	shalt  }
0x7f: {  	_ =	shalt  }
0x80: {  	_ =	shalt  }
0x81: {  	_ =	shalt  }
0x82: {  	_ =	shalt  }
0x83: {  	_ =	shalt  }
0x84: {  	_ =	shalt  }
0x85: {  	_ =	shalt  }
0x86: {  	_ =	shalt  }
0x87: {  	_ =	shalt  }
.Lfunc_end0:
.L_simem_size_0:
called_computation_lowered:
.L_overlay_start_0:
0x88: {  	s2 =	sld [smem:$0x3FD9]  }
0x89: {  	s3 =	sld [smem:$0x3FFE];
	_ =	sdelay $0x1  }
0x8a: {  	s1 =	srdreg.scid  }
0x8b: {  	s0 =	sand.u32 $0x1, s1  }
0x8c: {  	s17 =	sshll.u32 s0, $0xA;
	s2 =	sadd.s32 s3, s2  }
0x8d: {  	s2 =	sadd.s32 s2, s17  }
0x8e: {  	[smem:$0x3FC1] =	sst s2  }
0x8f: {  	_ = 	snop  }
0x90: {  	s2 =	sld [smem:$0x3FD0];
	(tm) =	ssettm $0x1  }
0x91: {  	s18 =	sld [smem:$0x3FFB];
	_ =	sdelay $0x3  }
0x92: {  	_ =	strace s18  }
0x93: {  	s3 =	sld [smem:$0x3FFC];
	_ =	sdelay $0x3  }
0x94: {  	_ =	strace s3  }
0x95: {  	s3 =	sld [smem:$0x3FFD];
	_ =	sdelay $0x3  }
0x96: {  	_ =	strace s3  }
0x97: {  	_ =	strace $0x8FFFFFFF  }
0x98: {  	s19 =	sld [smem:$0x3FDB];
	_ =	sdelay $0x1  }
0x99: {  	s4 =	simm.s32 $_scs_section_size  }
0x9a: {  	s5 =	simm.s32 $_size__tile_overlayer_lowered;
	s6 =	simm.s32 $_tile_overlayer_lowered  }
0x9b: {  	s22 =	simm.s32 $0x1BFF;
	s21 =	sshll.u32 s6, $0x1;
	s3 =	sadd.s32 s4, s19  }
0x9c: {  	s7 =	simm.s32 $0x0;
	s20 =	sshll.u32 s5, $0x1;
	s5 =	sadd.s32 s21, s3  }
0x9d: {  	[timem:s7], [sflag:s22] =	dma.local [hbm:s5], s20  }
0x9e: {  	_ =	swait.ge [sflag:s22], s20  }
0x9f: {  	s4 =	ssub.s32 $0x0, s20;
	[sflag:s22] =	ssyncset.done $0x0  }
0xa0: {  	[sflag:s22] =	ssyncadd.s32 s4;
	_ =	sdelay $0x1  }
0xa1: {  	s23 =	simm.s32 $0x1B8B  }
0xa2: {  	_ =	swait.ge [sflag:s23], $0x1  }
0xa3: {  	[sflag:s23] =	ssyncset.done $0x0  }
0xa4: {  	s25 =	simm.s32 $0x1B8E;
	s24 =	sld [smem:$0x3FFE];
	[sflag:s23] =	ssyncadd.s32 $0xFFFFFFFF  }
0xa5: {  	s26 =	simm.s32 $execute0_lowered;
	[smem:$0x3FD2] =	sst s25  }
0xa6: {  	s5 =	sshll.u32 s26, $0x1;
	_ =	strace $0x80000046;
	[dreg:$0x1] =	wrdreg $0xFFFFFFFF  }
0xa7: {  	s28 =	simm.s32 $_size_execute0_lowered;
	s3 =	sadd.s32 s3, s5;
	[dreg:$0x0] =	wrdreg $0x0  }
0xa8: {  	s5 =	sshll.u32 s28, $0x1;
	[dreg:$0x2] =	wrdreg s3  }
0xa9: {  	[dreg:$0x3] =	wrdreg s5  }
0xaa: {  	[dreg:$0x4] =	wrdreg $0xC0  }
0xab: {  	_ =	task [dreg:s7], $0x5FFFF  }
0xac: {  	[dreg:$0x1] =	wrdreg $0xFFFFFFFF  }
0xad: {  	[dreg:$0x0] =	wrdreg $0x60  }
0xae: {  	[dreg:$0x2] =	wrdreg s2  }
0xaf: {  	[dreg:$0x3] =	wrdreg s24  }
0xb0: {  	[dreg:$0x4] =	wrdreg $0x50000  }
0xb1: {  	[dreg:$0x5] =	wrdreg $0x9  }
0xb2: {  	_ =	task.clear_ibuf [dreg:s7], $0x6FFFF;
	_ =	strace $0x90000046  }
0xb3: {  	s29 =	simm.s32 $0x9;
	_ =	strace $0x80000048  }
0xb4: {  	_ =	swait.ge [sflag:s29], $0x1  }
0xb5: {  	[sflag:s29] =	ssyncadd.s32 $0xFFFFFFFF  }
0xb6: {  	_ =	strace $0x90000048  }
0xb7: {  	_ =	sfence  }
0xb8: {  	s30 =	sld [smem:$0x0];
	_ =	sdelay $0x2  }
0xb9: {  	s31 =	sshll.u32 s1, $0xD;
	s1 =	sshrl.u32 s1, $0x2  }
0xba: {  	s3 =	sand.u32 $0x4000, s31;
	s1 =	sadd.s32 s1, s30  }
0xbb: {  	s0 =	sor.u32 s3, s0;
	s1 =	sshll.u32 s1, $0x11  }
0xbc: {  	s0 =	sor.u32 s1, s0  }
0xbd: {  	s0 =	sadd.s32 $0x8F2B, s0  }
0xbe: {  	[sflag:s0] =	ssyncadd.remote.s32 $0x1  }
0xbf: {  	_ =	sfence.sel $0xFFFF  }
0xc0: {  	[dreg:$0x0] =	wrdreg $0xFFFFFFFF;
	(pc) =	sbr.abs _section_cstart, $3  }
0xc1: {  	[dreg:$0x1] =	wrdreg $0xFFFFFFFF  }
0xc2: {  	_ =	task.clear_ibuf [dreg:s7], $0x2FFFF;
	_ =	strace $0x9FFFFFFF  }
0xc3: {  	(tm) =	ssettm $0x7FFFFFFF  }
tec
execute0_lowered:
.L_overlay_start_1:
0x0: {  	(tag) =	ssettag $0x1  }
0x1: {  	s6 =	rddreg [dreg:$0x0];
	s1 =	srdreg.scid  }
0x2: {  	s0 =	stileid.u32;
	s4 =	rddreg [dreg:$0x1]  }
0x3: {  	s2 =	rddreg [dreg:$0x2];
	s3 =	simm.s32 $0x0;
	s14 =	simm.s32 $0x20  }
0x4: {  	s15 =	simm.s32 $0x10;
	s16 =	simm.s32 $0x0;
	s5 =	sand.u32 $0x1, s1  }
0x5: {  	s29 =	sshll.u32 s0, $0x1;
	s1 =	rddreg [dreg:$0x3];
	s8 =	smul.u32 $0x500, s0  }
0x6: {  	[smem:$0x7FF] =	sst s3;
	s9 =	smul.u32 $0x280, s0;
	s31 =	sshll.u32 s0, $0x6  }
0x7: {  	s7 =	sor.u32 s5, s29;
	_ =	strace $0x80000047;
	s10 =	sshll.u32 s5, $0x7  }
0x8: {  	s5 =	ssub.s32 $0x2, s5;
	s7 =	smul.u32 $0x500, s7;
	s8 =	sor.u32 s10, s8  }
0x9: {  	s30 =	sshrl.u32 s9, $0x3;
	s12 =	sshrl.u32 s5, $0x1;
	s13 =	sadd.s32 s9, s2  }
0xa: {  	s8 =	sshrl.u32 s8, $0x3;
	s10 =	sadd.s32 s30, s4;
	s12 =	ssub.s32 s5, s12  }
0xb: {  	s5 =	sor.u32 $0x1C01, s31;
	s11 =	sadd.s32 s7, s4;
	s8 =	sadd.s32 s8, s4  }
0xc: {  	s4 =	sadd.s32 $0xC200, s10;
	s6 =	sadd.s32 s6, s7;
	s9 =	smax.u32 s12, $0x1  }
0xd: {  	s10 =	sshrl.u32 s13, $0x3;
	s12 =	simm.s32 $0x2800;
	s13 =	simm.s32 $0x80  }
0xe: {  	s7 =	sadd.s32 $0x2200, s11;
	s8 =	sadd.s32 $0xC800, s8;
	s11 =	simm.s32 $0x1  }
.LBB2_1:
0xf: {  	[spmem:s10], [sflag:s5] =	dma.local [hbm:s4], $0x50  }
0x10: {  	_ =	swait.ge [sflag:s11], $0x50  }
0x11: {  	[sflag:s11] =	ssyncset.done $0x0  }
0x12: {  	[sflag:s11] =	ssyncadd.s32 $0xFFFFFFB0  }
0x13: {  	[tilespmem:s3], [sflag:$0x1] =	stream.linear.gather [hbm4b:s6+s3], $0x2780, $0x38;
	[tilespmem:$0x5280] =	vst v63  }
0x14: {  	_ =	swait.ge [sflag:s11], $0x2780  }
0x15: {  	[sflag:s11] =	ssyncset.done $0x0  }
0x16: {  	[sflag:s11] =	ssyncadd.s32 $0xFFFFD880  }
0x17: {  	[tilespmem:s12], [sflag:$0x1] =	stream.linear.gather [hbm4b:s7+s3], $0x2780, $0x38;
	[tilespmem:$0x5280] =	vst v63  }
0x18: {  	_ =	swait.ge [sflag:s11], $0x2780  }
0x19: {  	[sflag:s11] =	ssyncset.done $0x0  }
0x1a: {  	[sflag:s11] =	ssyncadd.s32 $0xFFFFD880  }
0x1b: {  	s17 =	simm.s32 $0x0;
	s18 =	simm.s32 $0x2800;
	[bflag:$0x0] =	sbarrier.arrive $0xFFFF  }
0x1c: {  	[spmem:s2] =	stream.indirect.scatter.add.f32 [tilespmem:s18], [sflag:$0x1], $0x1, s17, s13, $0xb8;
	[tilespmem:$0x5280] =	vst v63  }
0x1d: {  	s17 =	simm.s32 $0x200;
	_ =	swait.ge [sflag:s11], $0x80  }
.LBB2_2:
0x1e: {  	s18 =	sshra.s32 s17, $0x2;
	[sflag:s11] =	ssyncset.done $0x0;
	p0 =	sne.s32 s17, $0x9C00  }
.Ltmp0:
0x1f: {  	s19 =	sadd.s32 $0x2800, s18;
	[sflag:s11] =	ssyncadd.s32 $0xFFFFFF80;
	(pc) =	sbr.rel @p0 .LBB2_2-.Ltmp0, $3  }
0x20: {  	[spmem:s2] =	stream.indirect.scatter.add.f32 [tilespmem:s19], [sflag:$0x1], $0x1, s18, s13, $0xb8;
	[tilespmem:$0x5280] =	vst v63  }
0x21: {  	s17 =	sadd.s32 $0x200, s17;
	_ =	sdelay $0x1  }
0x22: {  	_ =	swait.ge [sflag:s11], $0x80  }
0x23: {  	[sflag:s11] =	ssyncset.done $0x0;
	s16 =	sadd.s32 $0x1, s16  }
0x24: {  	[sflag:s11] =	ssyncadd.s32 $0xFFFFFF80;
	p0 =	sne.s32 s16, s9  }
.Ltmp1:
0x25: {  	[bflag:$0x0] =	sbarrier.arrive $0xFFFF;
	(pc) =	sbr.rel @p0 .LBB2_1-.Ltmp1, $4  }
0x26: {  	[hbm:s8@s14], [sflag:s5] =	dma.strided [spmem:s10@s15], $0x50, s11, $0x10   }
0x27: {  	_ =	swait.ge [sflag:s11], $0x50  }
0x28: {  	[sflag:s11] =	ssyncset.done $0x0  }
0x29: {  	[sflag:s11] =	ssyncadd.s32 $0xFFFFFFB0  }
0x2a: {  	_ =	sfence.sel $0x180000  }
0x2b: {  	[bflag:$0x0] =	sbarrier.arrive $0xFFFF  }
0x2c: {  	p0 =	sne.s32 s0, $0x0;
	_ =	strace $0x90000047  }
0x2d: {  	s0 =	sadd.s32 @!p0 $0x100000, s1;
	[bflag:$0x2] =	sbarrier.arrive $0xFFFF  }
0x2e: {  	[sflag:s0] =	ssyncadd.tile.s32 @!p0 $0x1;
	_ =	shalt  }
.Lfunc_end2:
_tile_overlayer_lowered:
.L_overlay_start_2:
0x2f: {  	(tag) =	ssettag $0x2  }
0x30: {  	s0 =	rddreg [dreg:$0x0];
	s2 =	stileid.u32  }
0x31: {  	s1 =	rddreg [dreg:$0x1];
	p0 =	sne.s32 s2, $0x0  }
0x32: {  	s3 =	rddreg [dreg:$0x2];
	[bflag:$0x3] =	sbarrier.arrive $0xFFFF;
	s2 =	simm.s32 @!p0 $0x1C01  }
0x33: {  	[timem:s3], [sflag:s2] =	dma.local @!p0 [hbm:s0], s1  }
0x34: {  	s0 =	simm.s32 @!p0 $0x1  }
0x35: {  	_ =	swait.ge @!p0 [sflag:s0], s1  }
0x36: {  	s1 =	ssub.s32 @!p0 $0x0, s1;
	[sflag:s0] =	ssyncset.done @!p0 $0x0  }
0x37: {  	[sflag:s0] =	ssyncadd.s32 @!p0 s1  }
0x38: {  	[bflag:$0x3] =	sbarrier.arrive $0xFFFF  }
0x39: {  	_ =	shalt  }

</sc_bundles>
